<compile_context>
chip_gen: v7x
topology: tpu7x:2x2x1
jax: 0.10.2.dev20260603
libtpu: 0.0.44.dev20260713+nightly
codegen_flags: <defaults>
</compile_context>

<pallas_src>
import functools

import jax
import jax.numpy as jnp
from jax import lax
from jax.experimental import pallas as pl
from jax.experimental.pallas import tpu as pltpu
from jax.experimental.pallas import tpu_sc as plsc

F32 = jnp.float32
I32 = jnp.int32

NTILE = 16
NCORE = 2
K = 128


def _ceil_to(a, m):
    return (a + m - 1) // m * m


def _proj1_body(x_ref, w_ref, af_ref, df_ref, hp_ref, asad_ref):
    h = jnp.dot(x_ref[...], w_ref[...], preferred_element_type=F32)
    r = h.shape[0]
    hp_ref[0] = h[:, :128]
    hp_ref[1] = h[:, 128:]
    hs = (h * af_ref[...]).reshape(r, 4, 64).sum(-1)
    hd = (h * df_ref[...]).reshape(r, 4, 64).sum(-1)
    asad_ref[...] = jnp.concatenate([hs, hd], axis=1)


def _proj1(x, W1, af, df, n, r):
    grid = n // r
    return pl.pallas_call(
        _proj1_body,
        grid=(grid,),
        in_specs=[
            pl.BlockSpec((r, x.shape[1]), lambda i: (i, 0)),
            pl.BlockSpec(W1.shape, lambda i: (0, 0)),
            pl.BlockSpec((1, 256), lambda i: (0, 0)),
            pl.BlockSpec((1, 256), lambda i: (0, 0)),
        ],
        out_specs=[
            pl.BlockSpec((2, r, 128), lambda i: (0, i, 0)),
            pl.BlockSpec((r, 8), lambda i: (i, 0)),
        ],
        out_shape=[
            jax.ShapeDtypeStruct((2, n, 128), F32),
            jax.ShapeDtypeStruct((n + 1, 8), F32),
        ],
    )(x, W1, af, df)


def _make_sc_ex(n, e2p, NH):
    T32 = e2p // (NCORE * NTILE)
    nchunk = T32 // K
    mesh = plsc.VectorSubcoreMesh(core_axis_name="c", subcore_axis_name="s")

    def body(asad_hbm, srcp, dstp, ex_hbm, asad_v, exbuf, src_v, dst_v):
        core = lax.axis_index("c")
        s = lax.axis_index("s")
        w = core * NTILE + s
        pltpu.sync_copy(asad_hbm, asad_v)
        iot = lax.iota(I32, 16)

        def chunk(c, _):
            e0 = w * T32 + c * K
            pltpu.sync_copy(srcp.at[pl.ds(e0, K)], src_v)
            pltpu.sync_copy(dstp.at[pl.ds(e0, K)], dst_v)
            for v in range(K // 16):
                srcv = src_v[pl.ds(v * 16, 16)]
                dstv = dst_v[pl.ds(v * 16, 16)]
                rows = iot + v * 16
                for hg in range(NH):
                    sa = plsc.load_gather(asad_v, [srcv, jnp.full((16,), hg, I32)])
                    da = plsc.load_gather(asad_v, [dstv, jnp.full((16,), NH + hg, I32)])
                    t = sa + da
                    ex = jnp.exp(jnp.maximum(t, 0.2 * t))
                    plsc.store_scatter(exbuf, [jnp.full((16,), hg, I32), rows], ex)
            for hg in range(NH):
                pltpu.sync_copy(exbuf.at[hg, pl.ds(0, K)],
                                ex_hbm.at[hg, pl.ds(e0, K)])
            return 0

        lax.fori_loop(0, nchunk, chunk, 0)

    return pl.kernel(
        body,
        out_type=jax.ShapeDtypeStruct((NH, e2p), F32),
        mesh=mesh,
        scratch_types=[
            pltpu.VMEM((n + 1, 2 * NH), F32),
            pltpu.VMEM((NH, K), F32),
            pltpu.VMEM((K,), I32),
            pltpu.VMEM((K,), I32),
        ],
        compiler_params=pltpu.CompilerParams(
            needs_layout_passes=False, use_tc_tiling_on_sc=False),
    )


def _make_sc_msg(n, e2p, F, HPC, NH, COLS):
    n_acc = _ceil_to(n + 1, NTILE * 8)
    zrows = n_acc // NTILE
    T = e2p // NTILE
    nchunk = T // K
    NQ = F // 16
    mesh = plsc.VectorSubcoreMesh(core_axis_name="c", subcore_axis_name="s")

    def body(hflat, ex_hbm, srcp, dstp, msg_hbm,
             msg_acc, grows, comb, exh, src_v, dst_v, sadj_v, sem):
        core = lax.axis_index("c")
        s = lax.axis_index("s")

        zv = jnp.zeros((16,), F32)

        def zloop(i, _):
            for q in range(COLS // 16):
                comb[i, pl.ds(q * 16, 16)] = zv
            return 0

        lax.fori_loop(0, K, zloop, 0)
        z0 = s * zrows
        full, rem = zrows // K, zrows % K
        for kk in range(full):
            pltpu.sync_copy(comb, msg_acc.at[pl.ds(z0 + kk * K, K)])
        if rem:
            pltpu.sync_copy(comb.at[pl.ds(0, rem)],
                            msg_acc.at[pl.ds(z0 + full * K, rem)])
        plsc.subcore_barrier()

        iot = lax.iota(I32, 16)

        def _prep_gather(e0):
            pltpu.sync_copy(srcp.at[pl.ds(e0, K)], src_v)
            for v in range(K // 16):
                sadj_v[pl.ds(v * 16, 16)] = src_v[pl.ds(v * 16, 16)] + core * n
            pltpu.async_copy(hflat.at[sadj_v], grows, sem)

        _prep_gather(s * T)
        pltpu.sync_copy(dstp.at[pl.ds(s * T, K)], dst_v)

        def chunk(c, _):
            e0 = s * T + c * K
            for h in range(HPC):
                hg = core * HPC + h if NH == NCORE * HPC else h
                pltpu.sync_copy(ex_hbm.at[hg, pl.ds(e0, K)],
                                exh.at[h, pl.ds(0, K)])
            for v in range(K // 16):
                rows = iot + v * 16
                for h in range(HPC):
                    plsc.store_scatter(comb, [rows, jnp.full((16,), F + h, I32)],
                                       exh[h, pl.ds(v * 16, 16)])
            pltpu.make_async_copy(hflat.at[sadj_v], grows, sem).wait()

            def scale(e, _):
                exs = [exh[h, pl.ds(e, 16)][0] for h in range(HPC)]
                for q in range(NQ):
                    ex = exs[q // (NQ // HPC)]
                    comb[e, pl.ds(q * 16, 16)] = grows[e, pl.ds(q * 16, 16)] * ex
                return 0

            lax.fori_loop(0, K, scale, 0, unroll=4)

            @pl.when(c < nchunk - 1)
            def _():
                _prep_gather(e0 + K)

            pltpu.sync_copy(comb, msg_acc.at[dst_v], add=True)

            @pl.when(c < nchunk - 1)
            def _():
                pltpu.sync_copy(dstp.at[pl.ds(e0 + K, K)], dst_v)
            return 0

        lax.fori_loop(0, nchunk, chunk, 0)
        plsc.subcore_barrier()
        pltpu.sync_copy(msg_acc.at[pl.ds(z0, zrows)],
                        msg_hbm.at[core, pl.ds(z0, zrows)])

    return pl.kernel(
        body,
        out_type=jax.ShapeDtypeStruct((NCORE, n_acc, COLS), F32),
        mesh=mesh,
        scratch_types=[
            pltpu.VMEM_SHARED((n_acc, COLS), F32),
            pltpu.VMEM((K, F), F32),
            pltpu.VMEM((K, COLS), F32),
            pltpu.VMEM((HPC, K + 16), F32),
            pltpu.VMEM((K,), I32),
            pltpu.VMEM((K,), I32),
            pltpu.VMEM((K,), I32),
            pltpu.SemaphoreType.DMA,
        ],
        compiler_params=pltpu.CompilerParams(
            needs_layout_passes=False, use_tc_tiling_on_sc=False),
    )


def _mid_body(msg_ref, w2_ref, b1_ref, a2_ref, hp_ref, asad_ref):
    m0 = msg_ref[0]
    m1 = msg_ref[1]
    eps = jnp.float32(1e-16)
    h1 = jnp.concatenate([
        m0[:, 0:64] / (m0[:, 128:129] + eps),
        m0[:, 64:128] / (m0[:, 129:130] + eps),
        m1[:, 0:64] / (m1[:, 128:129] + eps),
        m1[:, 64:128] / (m1[:, 129:130] + eps),
    ], axis=1) + b1_ref[...]
    h1 = jnp.where(h1 > 0, h1, jnp.exp(h1) - 1.0)
    hc = jnp.dot(h1, w2_ref[...], preferred_element_type=F32)
    hp_ref[0] = hc[:, :32]
    hp_ref[1] = hc[:, 32:]
    asad_ref[...] = jnp.dot(hc, a2_ref[...], preferred_element_type=F32)


def _mid(msg1, W2, b1, a2, n, r):
    grid = n // r
    return pl.pallas_call(
        _mid_body,
        grid=(grid,),
        in_specs=[
            pl.BlockSpec((2, r, 144), lambda i: (0, i, 0)),
            pl.BlockSpec(W2.shape, lambda i: (0, 0)),
            pl.BlockSpec((1, 256), lambda i: (0, 0)),
            pl.BlockSpec((64, 2), lambda i: (0, 0)),
        ],
        out_specs=[
            pl.BlockSpec((2, r, 32), lambda i: (0, i, 0)),
            pl.BlockSpec((r, 2), lambda i: (i, 0)),
        ],
        out_shape=[
            jax.ShapeDtypeStruct((2, n, 32), F32),
            jax.ShapeDtypeStruct((n + 1, 2), F32),
        ],
    )(msg1, W2, b1, a2)


def _pool_body(msg_ref, b2_ref, batch_ref, out_ref, acc_ref):
    i = pl.program_id(0)
    m0 = msg_ref[0]
    m1 = msg_ref[1]
    eps = jnp.float32(1e-16)
    den = m0[:, 32:33] + eps
    h2 = jnp.concatenate([m0[:, :32] / den, m1[:, :32] / den], axis=1) \
        + b2_ref[...]
    h2 = jnp.where(h2 > 0, h2, jnp.exp(h2) - 1.0)
    r = h2.shape[0]
    hcat = jnp.concatenate([h2, jnp.ones((r, 1), F32)], axis=1)
    b = batch_ref[0, 0, :]
    onehot = (b[:, None] == lax.broadcasted_iota(I32, (1, 16), 1)).astype(F32)
    contrib = jnp.dot(onehot.T, hcat, preferred_element_type=F32)

    @pl.when(i == 0)
    def _():
        acc_ref[...] = contrib

    @pl.when(i > 0)
    def _():
        acc_ref[...] += contrib

    @pl.when(i == pl.num_programs(0) - 1)
    def _():
        a = acc_ref[...]
        out_ref[...] = a[:, :64] / jnp.maximum(a[:, 64:65], 1.0)


def _pool(msg2, b2, batch3, n, r):
    grid = n // r
    return pl.pallas_call(
        _pool_body,
        grid=(grid,),
        in_specs=[
            pl.BlockSpec((2, r, 48), lambda i: (0, i, 0)),
            pl.BlockSpec((1, 64), lambda i: (0, 0)),
            pl.BlockSpec((1, 1, r), lambda i: (i, 0, 0)),
        ],
        out_specs=pl.BlockSpec((16, 64), lambda i: (0, 0)),
        out_shape=jax.ShapeDtypeStruct((16, 64), F32),
        scratch_shapes=[pltpu.VMEM((16, 65), F32)],
    )(msg2, b2, batch3)


def kernel(x, edge_index, batch, W1, a_src1, a_dst1, b1, W2, a_src2, a_dst2, b2):
    n, d = x.shape
    e = edge_index.shape[1]
    r = 1000

    loop = jnp.arange(n, dtype=edge_index.dtype)
    e2 = e + n
    e2p = _ceil_to(e2, NTILE * K)
    pad = e2p - e2
    srcp = jnp.concatenate([edge_index[0], loop, jnp.zeros((pad,), I32)])
    dstp = jnp.concatenate([edge_index[1], loop, jnp.full((pad,), n, I32)])
    af = a_src1.reshape(1, 256)
    df = a_dst1.reshape(1, 256)
    a2 = jnp.stack([a_src2[0], a_dst2[0]], axis=1)
    batch3 = batch.astype(I32).reshape(n // r, 1, r)

    hpair, asad1 = _proj1(x, W1, af, df, n, r)
    ex1 = _make_sc_ex(n, e2p, 4)(asad1, srcp, dstp)
    msg1 = _make_sc_msg(n, e2p, 128, 2, 4, 144)(
        hpair.reshape(2 * n, 128), ex1, srcp, dstp)

    h2pair, asad2 = _mid(msg1, W2, b1.reshape(1, 256), a2, n, r)
    ex2 = _make_sc_ex(n, e2p, 1)(asad2, srcp, dstp)
    msg2 = _make_sc_msg(n, e2p, 32, 1, 1, 48)(
        h2pair.reshape(2 * n, 32), ex2, srcp, dstp)

    return _pool(msg2, b2.reshape(1, 64), batch3, n, r)

# --- scband reference (transcript-rebuilt; emitter-appended) ---
"""Pipeline reference for scband-gatgraph-embedding-11553462026424 (READ-ONLY COPY).

The authoritative reference and input builder live on the scoring server;
editing this copy changes nothing except your own understanding.
"""

import jax, jax.numpy as jnp
import numpy as np

N = 10000
E = 320000
D = 128
HID = 64
G = 16


def gat_conv(x, edge_index, W, a_src, a_dst, bias, heads, out_ch):
    n = x.shape[0]
    loop = jnp.arange(n, dtype=edge_index.dtype)
    src = jnp.concatenate([edge_index[0], loop])
    dst = jnp.concatenate([edge_index[1], loop])
    h = (x @ W).reshape(n, heads, out_ch)
    alpha_s = (h * a_src[None, :, :]).sum(-1)
    alpha_d = (h * a_dst[None, :, :]).sum(-1)
    e = jax.nn.leaky_relu(alpha_s[src] + alpha_d[dst], 0.2)
    m = jax.lax.stop_gradient(jax.ops.segment_max(e, dst, num_segments=n))
    m = jnp.where(jnp.isfinite(m), m, 0.0)
    ex = jnp.exp(e - m[dst])
    denom = jax.ops.segment_sum(ex, dst, num_segments=n)
    alpha = ex / (denom[dst] + 1e-16)
    msg = h[src] * alpha[:, :, None]
    out = jax.ops.segment_sum(msg, dst, num_segments=n)
    return out.reshape(n, heads * out_ch) + bias


def global_mean_pool(x, batch, num_graphs):
    s = jax.ops.segment_sum(x, batch, num_segments=num_graphs)
    cnt = jax.ops.segment_sum(jnp.ones((x.shape[0],), x.dtype), batch, num_segments=num_graphs)
    return s / jnp.maximum(cnt, 1.0)[:, None]


def setup_inputs(seed: int = 0) -> dict:
    key = jax.random.key(seed)
    ks = jax.random.split(key, 12)
    x = jax.random.normal(ks[0], (N, D), dtype=jnp.float32)
    edge_index = jax.random.randint(ks[1], (2, E), 0, N)
    batch = jnp.sort(jax.random.randint(ks[2], (N,), 0, G))
    W1 = jax.random.normal(ks[3], (D, 4 * HID), dtype=jnp.float32) * (1.0 / np.sqrt(D))
    a_src1 = jax.random.normal(ks[4], (4, HID), dtype=jnp.float32) * 0.1
    a_dst1 = jax.random.normal(ks[5], (4, HID), dtype=jnp.float32) * 0.1
    b1 = jnp.zeros((4 * HID,), dtype=jnp.float32)
    W2 = jax.random.normal(ks[6], (4 * HID, HID), dtype=jnp.float32) * (1.0 / np.sqrt(4 * HID))
    a_src2 = jax.random.normal(ks[7], (1, HID), dtype=jnp.float32) * 0.1
    a_dst2 = jax.random.normal(ks[8], (1, HID), dtype=jnp.float32) * 0.1
    b2 = jnp.zeros((HID,), dtype=jnp.float32)
    return {"x": x, "edge_index": edge_index, "batch": batch, "W1": W1, "a_src1": a_src1, "a_dst1": a_dst1, "b1": b1, "W2": W2, "a_src2": a_src2, "a_dst2": a_dst2, "b2": b2}


def reference(x, edge_index, batch, W1, a_src1, a_dst1, b1, W2, a_src2, a_dst2, b2):
    h1 = jax.nn.elu(gat_conv(x, edge_index, W1, a_src1, a_dst1, b1, 4, HID))
    h2 = jax.nn.elu(gat_conv(h1, edge_index, W2, a_src2, a_dst2, b2, 1, HID))
    return global_mean_pool(h2, batch, G)

if __name__ == "__main__":
    import jax
    _d = setup_inputs()
    print(jax.jit(kernel)(*tuple(_d.values())))

</pallas_src>

<mosaic_0001>
#map = affine_map<(d0, d1) -> (0, 0)>
#map1 = affine_map<(d0, d1) -> (0)>
#map2 = affine_map<(d0, d1) -> (0, 0, 0)>
module attributes {stable_mosaic.version = 14 : i64} {
  func.func @body(%arg0: i32, %arg1: i32, %arg2: memref<20000x128xf32, #tpu.memory_space<hbm>>, %arg3: memref<4x331776xf32, #tpu.memory_space<hbm>>, %arg4: memref<331776xi32, #tpu.memory_space<hbm>>, %arg5: memref<331776xi32, #tpu.memory_space<hbm>>, %arg6: memref<2x10112x144xf32, #tpu.memory_space<hbm>>, %arg7: memref<10112x144xf32, #tpu.memory_space<vmem_shared>>, %arg8: memref<128x128xf32, #tpu.memory_space<vmem>>, %arg9: memref<128x144xf32, #tpu.memory_space<vmem>>, %arg10: memref<2x144xf32, #tpu.memory_space<vmem>>, %arg11: memref<128xi32, #tpu.memory_space<vmem>>, %arg12: memref<128xi32, #tpu.memory_space<vmem>>, %arg13: memref<128xi32, #tpu.memory_space<vmem>>, %arg14: memref<!tpu.dma_semaphore, #tpu.memory_space<semaphore_mem>>) attributes {dimension_semantics = [#tpu.dimension_semantics<core_parallel>, #tpu.dimension_semantics<subcore_parallel>], iteration_bounds = array<i64: 2, 16>, scalar_prefetch = 0 : i64, scratch_operands = 8 : i64, tpu.core_type = #tpu.core_type<sc_vector_subcore>, window_params = [{transform_indices = #map}, {transform_indices = #map}, {transform_indices = #map1}, {transform_indices = #map1}, {transform_indices = #map2}]} {
    %broadcast_in_dim3A = arith.constant 0.000000e+00 : f32
    %broadcast_in_dim3A_0 = vector.broadcast %broadcast_in_dim3A : f32 to vector<16xf32>
    %scan3A = arith.constant 0 : i32
    %scan3A_1 = arith.constant 0 : i32
    %scan3A_2 = arith.constant 128 : i32
    %scan3A_3 = arith.addi %scan3A_1, %scan3A_2 : i32
    %scan3A_4 = arith.constant 1 : i32
    %scan3A_5 = scf.for %scan3A_93 = %scan3A_1 to %scan3A_3 step %scan3A_4 iter_args(%scan3A_94 = %scan3A) -> (i32)  : i32 {
      %swap3A_95 = arith.index_cast %scan3A_93 : i32 to index
      %swap3A_96 = arith.constant 0 : index
      %swap3A_97 = tpu.vector_load %arg9[%swap3A_95, %swap3A_96] {strides = array<i32>} : memref<128x144xf32, #tpu.memory_space<vmem>>, vector<16xf32>,
      tpu.vector_store %arg9[%swap3A_95, %swap3A_96], %broadcast_in_dim3A_0 {strides = array<i32>} : memref<128x144xf32, #tpu.memory_space<vmem>>, vector<16xf32>,
      %swap3A_98 = arith.index_cast %scan3A_93 : i32 to index
      %swap3A_99 = arith.constant 16 : index
      %swap3A_100 = tpu.vector_load %arg9[%swap3A_98, %swap3A_99] {strides = array<i32>} : memref<128x144xf32, #tpu.memory_space<vmem>>, vector<16xf32>,
      tpu.vector_store %arg9[%swap3A_98, %swap3A_99], %broadcast_in_dim3A_0 {strides = array<i32>} : memref<128x144xf32, #tpu.memory_space<vmem>>, vector<16xf32>,
      %swap3A_101 = arith.index_cast %scan3A_93 : i32 to index
      %swap3A_102 = arith.constant 32 : index
      %swap3A_103 = tpu.vector_load %arg9[%swap3A_101, %swap3A_102] {strides = array<i32>} : memref<128x144xf32, #tpu.memory_space<vmem>>, vector<16xf32>,
      tpu.vector_store %arg9[%swap3A_101, %swap3A_102], %broadcast_in_dim3A_0 {strides = array<i32>} : memref<128x144xf32, #tpu.memory_space<vmem>>, vector<16xf32>,
      %swap3A_104 = arith.index_cast %scan3A_93 : i32 to index
      %swap3A_105 = arith.constant 48 : index
      %swap3A_106 = tpu.vector_load %arg9[%swap3A_104, %swap3A_105] {strides = array<i32>} : memref<128x144xf32, #tpu.memory_space<vmem>>, vector<16xf32>,
      tpu.vector_store %arg9[%swap3A_104, %swap3A_105], %broadcast_in_dim3A_0 {strides = array<i32>} : memref<128x144xf32, #tpu.memory_space<vmem>>, vector<16xf32>,
      %swap3A_107 = arith.index_cast %scan3A_93 : i32 to index
      %swap3A_108 = arith.constant 64 : index
      %swap3A_109 = tpu.vector_load %arg9[%swap3A_107, %swap3A_108] {strides = array<i32>} : memref<128x144xf32, #tpu.memory_space<vmem>>, vector<16xf32>,
      tpu.vector_store %arg9[%swap3A_107, %swap3A_108], %broadcast_in_dim3A_0 {strides = array<i32>} : memref<128x144xf32, #tpu.memory_space<vmem>>, vector<16xf32>,
      %swap3A_110 = arith.index_cast %scan3A_93 : i32 to index
      %swap3A_111 = arith.constant 80 : index
      %swap3A_112 = tpu.vector_load %arg9[%swap3A_110, %swap3A_111] {strides = array<i32>} : memref<128x144xf32, #tpu.memory_space<vmem>>, vector<16xf32>,
      tpu.vector_store %arg9[%swap3A_110, %swap3A_111], %broadcast_in_dim3A_0 {strides = array<i32>} : memref<128x144xf32, #tpu.memory_space<vmem>>, vector<16xf32>,
      %swap3A_113 = arith.index_cast %scan3A_93 : i32 to index
      %swap3A_114 = arith.constant 96 : index
      %swap3A_115 = tpu.vector_load %arg9[%swap3A_113, %swap3A_114] {strides = array<i32>} : memref<128x144xf32, #tpu.memory_space<vmem>>, vector<16xf32>,
      tpu.vector_store %arg9[%swap3A_113, %swap3A_114], %broadcast_in_dim3A_0 {strides = array<i32>} : memref<128x144xf32, #tpu.memory_space<vmem>>, vector<16xf32>,
      %swap3A_116 = arith.index_cast %scan3A_93 : i32 to index
      %swap3A_117 = arith.constant 112 : index
      %swap3A_118 = tpu.vector_load %arg9[%swap3A_116, %swap3A_117] {strides = array<i32>} : memref<128x144xf32, #tpu.memory_space<vmem>>, vector<16xf32>,
      tpu.vector_store %arg9[%swap3A_116, %swap3A_117], %broadcast_in_dim3A_0 {strides = array<i32>} : memref<128x144xf32, #tpu.memory_space<vmem>>, vector<16xf32>,
      %swap3A_119 = arith.index_cast %scan3A_93 : i32 to index
      %swap3A_120 = arith.constant 128 : index
      %swap3A_121 = tpu.vector_load %arg9[%swap3A_119, %swap3A_120] {strides = array<i32>} : memref<128x144xf32, #tpu.memory_space<vmem>>, vector<16xf32>,
      tpu.vector_store %arg9[%swap3A_119, %swap3A_120], %broadcast_in_dim3A_0 {strides = array<i32>} : memref<128x144xf32, #tpu.memory_space<vmem>>, vector<16xf32>,
      %scan3A_122 = arith.constant 0 : i32
      scf.yield %scan3A_122 : i32
    }
    %scan3A_6 = arith.constant 128 : i32
    %mul3A = arith.constant 632 : i32
    %mul3A_7 = arith.muli %arg1, %mul3A : i32
    %add3A = arith.constant 0 : i32
    %add3A_8 = arith.addi %mul3A_7, %add3A : i32
    "tpu.region"() ({
      %run_scoped3A = tpu.sem_alloc : memref<!tpu.dma_semaphore, #tpu.memory_space<semaphore_mem>>
      %dma_start3A_93 = arith.constant 0 : i32
      %dma_start3A_94 = tpu.memref_slice %arg7[%add3A_8, %dma_start3A_93] : memref<10112x144xf32, #tpu.memory_space<vmem_shared>> -> memref<128x144xf32, #tpu.memory_space<vmem_shared>>
      %dma_start3A_95 = arith.constant 0 : i32
      %dma_start3A_96 = tpu.memref_slice %arg7[%add3A_8, %dma_start3A_95] : memref<10112x144xf32, #tpu.memory_space<vmem_shared>> -> memref<128x144xf32, #tpu.memory_space<vmem_shared>>
      tpu.enqueue_dma source(%arg9 : memref<128x144xf32, #tpu.memory_space<vmem>>) target(%dma_start3A_96 : memref<128x144xf32, #tpu.memory_space<vmem_shared>>) target_semaphore(%run_scoped3A : memref<!tpu.dma_semaphore, #tpu.memory_space<semaphore_mem>>)
      %dma_wait3A = arith.constant 0 : i32
      %dma_wait3A_97 = tpu.memref_slice %arg7[%add3A_8, %dma_wait3A] : memref<10112x144xf32, #tpu.memory_space<vmem_shared>> -> memref<128x144xf32, #tpu.memory_space<vmem_shared>>
      %dma_wait3A_98 = arith.constant 0 : i32
      %dma_wait3A_99 = tpu.memref_slice %arg7[%add3A_8, %dma_wait3A_98] : memref<10112x144xf32, #tpu.memory_space<vmem_shared>> -> memref<128x144xf32, #tpu.memory_space<vmem_shared>>
      tpu.wait_dma2 semaphore(%run_scoped3A : memref<!tpu.dma_semaphore, #tpu.memory_space<semaphore_mem>>) src(%arg9 : memref<128x144xf32, #tpu.memory_space<vmem>>) dst(%dma_wait3A_99 : memref<128x144xf32, #tpu.memory_space<vmem_shared>>)
      tpu.yield
    }) : () -> ()
    %add3A_9 = arith.constant 128 : i32
    %add3A_10 = arith.addi %mul3A_7, %add3A_9 : i32
    "tpu.region"() ({
      %run_scoped3A = tpu.sem_alloc : memref<!tpu.dma_semaphore, #tpu.memory_space<semaphore_mem>>
      %dma_start3A_93 = arith.constant 0 : i32
      %dma_start3A_94 = tpu.memref_slice %arg7[%add3A_10, %dma_start3A_93] : memref<10112x144xf32, #tpu.memory_space<vmem_shared>> -> memref<128x144xf32, #tpu.memory_space<vmem_shared>>
      %dma_start3A_95 = arith.constant 0 : i32
      %dma_start3A_96 = tpu.memref_slice %arg7[%add3A_10, %dma_start3A_95] : memref<10112x144xf32, #tpu.memory_space<vmem_shared>> -> memref<128x144xf32, #tpu.memory_space<vmem_shared>>
      tpu.enqueue_dma source(%arg9 : memref<128x144xf32, #tpu.memory_space<vmem>>) target(%dma_start3A_96 : memref<128x144xf32, #tpu.memory_space<vmem_shared>>) target_semaphore(%run_scoped3A : memref<!tpu.dma_semaphore, #tpu.memory_space<semaphore_mem>>)
      %dma_wait3A = arith.constant 0 : i32
      %dma_wait3A_97 = tpu.memref_slice %arg7[%add3A_10, %dma_wait3A] : memref<10112x144xf32, #tpu.memory_space<vmem_shared>> -> memref<128x144xf32, #tpu.memory_space<vmem_shared>>
      %dma_wait3A_98 = arith.constant 0 : i32
      %dma_wait3A_99 = tpu.memref_slice %arg7[%add3A_10, %dma_wait3A_98] : memref<10112x144xf32, #tpu.memory_space<vmem_shared>> -> memref<128x144xf32, #tpu.memory_space<vmem_shared>>
      tpu.wait_dma2 semaphore(%run_scoped3A : memref<!tpu.dma_semaphore, #tpu.memory_space<semaphore_mem>>) src(%arg9 : memref<128x144xf32, #tpu.memory_space<vmem>>) dst(%dma_wait3A_99 : memref<128x144xf32, #tpu.memory_space<vmem_shared>>)
      tpu.yield
    }) : () -> ()
    %add3A_11 = arith.constant 256 : i32
    %add3A_12 = arith.addi %mul3A_7, %add3A_11 : i32
    "tpu.region"() ({
      %run_scoped3A = tpu.sem_alloc : memref<!tpu.dma_semaphore, #tpu.memory_space<semaphore_mem>>
      %dma_start3A_93 = arith.constant 0 : i32
      %dma_start3A_94 = tpu.memref_slice %arg7[%add3A_12, %dma_start3A_93] : memref<10112x144xf32, #tpu.memory_space<vmem_shared>> -> memref<128x144xf32, #tpu.memory_space<vmem_shared>>
      %dma_start3A_95 = arith.constant 0 : i32
      %dma_start3A_96 = tpu.memref_slice %arg7[%add3A_12, %dma_start3A_95] : memref<10112x144xf32, #tpu.memory_space<vmem_shared>> -> memref<128x144xf32, #tpu.memory_space<vmem_shared>>
      tpu.enqueue_dma source(%arg9 : memref<128x144xf32, #tpu.memory_space<vmem>>) target(%dma_start3A_96 : memref<128x144xf32, #tpu.memory_space<vmem_shared>>) target_semaphore(%run_scoped3A : memref<!tpu.dma_semaphore, #tpu.memory_space<semaphore_mem>>)
      %dma_wait3A = arith.constant 0 : i32
      %dma_wait3A_97 = tpu.memref_slice %arg7[%add3A_12, %dma_wait3A] : memref<10112x144xf32, #tpu.memory_space<vmem_shared>> -> memref<128x144xf32, #tpu.memory_space<vmem_shared>>
      %dma_wait3A_98 = arith.constant 0 : i32
      %dma_wait3A_99 = tpu.memref_slice %arg7[%add3A_12, %dma_wait3A_98] : memref<10112x144xf32, #tpu.memory_space<vmem_shared>> -> memref<128x144xf32, #tpu.memory_space<vmem_shared>>
      tpu.wait_dma2 semaphore(%run_scoped3A : memref<!tpu.dma_semaphore, #tpu.memory_space<semaphore_mem>>) src(%arg9 : memref<128x144xf32, #tpu.memory_space<vmem>>) dst(%dma_wait3A_99 : memref<128x144xf32, #tpu.memory_space<vmem_shared>>)
      tpu.yield
    }) : () -> ()
    %add3A_13 = arith.constant 384 : i32
    %add3A_14 = arith.addi %mul3A_7, %add3A_13 : i32
    "tpu.region"() ({
      %run_scoped3A = tpu.sem_alloc : memref<!tpu.dma_semaphore, #tpu.memory_space<semaphore_mem>>
      %dma_start3A_93 = arith.constant 0 : i32
      %dma_start3A_94 = tpu.memref_slice %arg7[%add3A_14, %dma_start3A_93] : memref<10112x144xf32, #tpu.memory_space<vmem_shared>> -> memref<128x144xf32, #tpu.memory_space<vmem_shared>>
      %dma_start3A_95 = arith.constant 0 : i32
      %dma_start3A_96 = tpu.memref_slice %arg7[%add3A_14, %dma_start3A_95] : memref<10112x144xf32, #tpu.memory_space<vmem_shared>> -> memref<128x144xf32, #tpu.memory_space<vmem_shared>>
      tpu.enqueue_dma source(%arg9 : memref<128x144xf32, #tpu.memory_space<vmem>>) target(%dma_start3A_96 : memref<128x144xf32, #tpu.memory_space<vmem_shared>>) target_semaphore(%run_scoped3A : memref<!tpu.dma_semaphore, #tpu.memory_space<semaphore_mem>>)
      %dma_wait3A = arith.constant 0 : i32
      %dma_wait3A_97 = tpu.memref_slice %arg7[%add3A_14, %dma_wait3A] : memref<10112x144xf32, #tpu.memory_space<vmem_shared>> -> memref<128x144xf32, #tpu.memory_space<vmem_shared>>
      %dma_wait3A_98 = arith.constant 0 : i32
      %dma_wait3A_99 = tpu.memref_slice %arg7[%add3A_14, %dma_wait3A_98] : memref<10112x144xf32, #tpu.memory_space<vmem_shared>> -> memref<128x144xf32, #tpu.memory_space<vmem_shared>>
      tpu.wait_dma2 semaphore(%run_scoped3A : memref<!tpu.dma_semaphore, #tpu.memory_space<semaphore_mem>>) src(%arg9 : memref<128x144xf32, #tpu.memory_space<vmem>>) dst(%dma_wait3A_99 : memref<128x144xf32, #tpu.memory_space<vmem_shared>>)
      tpu.yield
    }) : () -> ()
    %add3A_15 = arith.constant 512 : i32
    %add3A_16 = arith.addi %mul3A_7, %add3A_15 : i32
    "tpu.region"() ({
      %run_scoped3A = tpu.sem_alloc : memref<!tpu.dma_semaphore, #tpu.memory_space<semaphore_mem>>
      %dma_start3A_93 = arith.constant 0 : i32
      %dma_start3A_94 = arith.constant 0 : i32
      %dma_start3A_95 = tpu.memref_slice %arg9[%dma_start3A_93, %dma_start3A_94] : memref<128x144xf32, #tpu.memory_space<vmem>> -> memref<120x144xf32, #tpu.memory_space<vmem>>
      %dma_start3A_96 = arith.constant 0 : i32
      %dma_start3A_97 = tpu.memref_slice %arg7[%add3A_16, %dma_start3A_96] : memref<10112x144xf32, #tpu.memory_space<vmem_shared>> -> memref<120x144xf32, #tpu.memory_space<vmem_shared>>
      %dma_start3A_98 = arith.constant 0 : i32
      %dma_start3A_99 = tpu.memref_slice %arg7[%add3A_16, %dma_start3A_98] : memref<10112x144xf32, #tpu.memory_space<vmem_shared>> -> memref<120x144xf32, #tpu.memory_space<vmem_shared>>
      %dma_start3A_100 = arith.constant 0 : i32
      %dma_start3A_101 = arith.constant 0 : i32
      %dma_start3A_102 = tpu.memref_slice %arg9[%dma_start3A_100, %dma_start3A_101] : memref<128x144xf32, #tpu.memory_space<vmem>> -> memref<120x144xf32, #tpu.memory_space<vmem>>
      tpu.enqueue_dma source(%dma_start3A_102 : memref<120x144xf32, #tpu.memory_space<vmem>>) target(%dma_start3A_99 : memref<120x144xf32, #tpu.memory_space<vmem_shared>>) target_semaphore(%run_scoped3A : memref<!tpu.dma_semaphore, #tpu.memory_space<semaphore_mem>>)
      %dma_wait3A = arith.constant 0 : i32
      %dma_wait3A_103 = arith.constant 0 : i32
      %dma_wait3A_104 = tpu.memref_slice %arg9[%dma_wait3A, %dma_wait3A_103] : memref<128x144xf32, #tpu.memory_space<vmem>> -> memref<120x144xf32, #tpu.memory_space<vmem>>
      %dma_wait3A_105 = arith.constant 0 : i32
      %dma_wait3A_106 = tpu.memref_slice %arg7[%add3A_16, %dma_wait3A_105] : memref<10112x144xf32, #tpu.memory_space<vmem_shared>> -> memref<120x144xf32, #tpu.memory_space<vmem_shared>>
      %dma_wait3A_107 = arith.constant 0 : i32
      %dma_wait3A_108 = tpu.memref_slice %arg7[%add3A_16, %dma_wait3A_107] : memref<10112x144xf32, #tpu.memory_space<vmem_shared>> -> memref<120x144xf32, #tpu.memory_space<vmem_shared>>
      %dma_wait3A_109 = arith.constant 0 : i32
      %dma_wait3A_110 = arith.constant 0 : i32
      %dma_wait3A_111 = tpu.memref_slice %arg9[%dma_wait3A_109, %dma_wait3A_110] : memref<128x144xf32, #tpu.memory_space<vmem>> -> memref<120x144xf32, #tpu.memory_space<vmem>>
      tpu.wait_dma2 semaphore(%run_scoped3A : memref<!tpu.dma_semaphore, #tpu.memory_space<semaphore_mem>>) src(%dma_wait3A_111 : memref<120x144xf32, #tpu.memory_space<vmem>>) dst(%dma_wait3A_108 : memref<120x144xf32, #tpu.memory_space<vmem_shared>>)
      tpu.yield
    }) : () -> ()
    %barrier3A = arith.constant 0 : index
    tpu.barrier barrier_id(%barrier3A)
    %iota3A = tpu.iota {dimensions = array<i32: 0>} : vector<16xi32>
    %mul3A_17 = arith.constant 20736 : i32
    %mul3A_18 = arith.muli %arg1, %mul3A_17 : i32
    "tpu.region"() ({
      %run_scoped3A = tpu.sem_alloc : memref<!tpu.dma_semaphore, #tpu.memory_space<semaphore_mem>>
      %dma_start3A_93 = tpu.memref_slice %arg4[%mul3A_18] : memref<331776xi32, #tpu.memory_space<hbm>> -> memref<128xi32, #tpu.memory_space<hbm>>
      %dma_start3A_94 = tpu.memref_slice %arg4[%mul3A_18] : memref<331776xi32, #tpu.memory_space<hbm>> -> memref<128xi32, #tpu.memory_space<hbm>>
      tpu.enqueue_dma source(%dma_start3A_94 : memref<128xi32, #tpu.memory_space<hbm>>) target(%arg11 : memref<128xi32, #tpu.memory_space<vmem>>) target_semaphore(%run_scoped3A : memref<!tpu.dma_semaphore, #tpu.memory_space<semaphore_mem>>)
      %dma_wait3A = tpu.memref_slice %arg4[%mul3A_18] : memref<331776xi32, #tpu.memory_space<hbm>> -> memref<128xi32, #tpu.memory_space<hbm>>
      %dma_wait3A_95 = tpu.memref_slice %arg4[%mul3A_18] : memref<331776xi32, #tpu.memory_space<hbm>> -> memref<128xi32, #tpu.memory_space<hbm>>
      tpu.wait_dma2 semaphore(%run_scoped3A : memref<!tpu.dma_semaphore, #tpu.memory_space<semaphore_mem>>) src(%dma_wait3A_95 : memref<128xi32, #tpu.memory_space<hbm>>) dst(%arg11 : memref<128xi32, #tpu.memory_space<vmem>>)
      tpu.yield
    }) : () -> ()
    %get3A = arith.constant 0 : index
    %get3A_19 = tpu.vector_load %arg11[%get3A] {strides = array<i32>} : memref<128xi32, #tpu.memory_space<vmem>>, vector<16xi32>,
    %mul3A_20 = arith.constant 10000 : i32
    %mul3A_21 = arith.muli %arg0, %mul3A_20 : i32
    %add3A_22 = vector.broadcast %mul3A_21 : i32 to vector<16xi32>
    %add3A_23 = arith.addi %get3A_19, %add3A_22 : vector<16xi32>
    %swap3A = arith.constant 0 : index
    %swap3A_24 = tpu.vector_load %arg13[%swap3A] {strides = array<i32>} : memref<128xi32, #tpu.memory_space<vmem>>, vector<16xi32>,
    tpu.vector_store %arg13[%swap3A], %add3A_23 {strides = array<i32>} : memref<128xi32, #tpu.memory_space<vmem>>, vector<16xi32>,
    %get3A_25 = arith.constant 16 : index
    %get3A_26 = tpu.vector_load %arg11[%get3A_25] {strides = array<i32>} : memref<128xi32, #tpu.memory_space<vmem>>, vector<16xi32>,
    %mul3A_27 = arith.constant 10000 : i32
    %mul3A_28 = arith.muli %arg0, %mul3A_27 : i32
    %add3A_29 = vector.broadcast %mul3A_28 : i32 to vector<16xi32>
    %add3A_30 = arith.addi %get3A_26, %add3A_29 : vector<16xi32>
    %swap3A_31 = arith.constant 16 : index
    %swap3A_32 = tpu.vector_load %arg13[%swap3A_31] {strides = array<i32>} : memref<128xi32, #tpu.memory_space<vmem>>, vector<16xi32>,
    tpu.vector_store %arg13[%swap3A_31], %add3A_30 {strides = array<i32>} : memref<128xi32, #tpu.memory_space<vmem>>, vector<16xi32>,
    %get3A_33 = arith.constant 32 : index
    %get3A_34 = tpu.vector_load %arg11[%get3A_33] {strides = array<i32>} : memref<128xi32, #tpu.memory_space<vmem>>, vector<16xi32>,
    %mul3A_35 = arith.constant 10000 : i32
    %mul3A_36 = arith.muli %arg0, %mul3A_35 : i32
    %add3A_37 = vector.broadcast %mul3A_36 : i32 to vector<16xi32>
    %add3A_38 = arith.addi %get3A_34, %add3A_37 : vector<16xi32>
    %swap3A_39 = arith.constant 32 : index
    %swap3A_40 = tpu.vector_load %arg13[%swap3A_39] {strides = array<i32>} : memref<128xi32, #tpu.memory_space<vmem>>, vector<16xi32>,
    tpu.vector_store %arg13[%swap3A_39], %add3A_38 {strides = array<i32>} : memref<128xi32, #tpu.memory_space<vmem>>, vector<16xi32>,
    %get3A_41 = arith.constant 48 : index
    %get3A_42 = tpu.vector_load %arg11[%get3A_41] {strides = array<i32>} : memref<128xi32, #tpu.memory_space<vmem>>, vector<16xi32>,
    %mul3A_43 = arith.constant 10000 : i32
    %mul3A_44 = arith.muli %arg0, %mul3A_43 : i32
    %add3A_45 = vector.broadcast %mul3A_44 : i32 to vector<16xi32>
    %add3A_46 = arith.addi %get3A_42, %add3A_45 : vector<16xi32>
    %swap3A_47 = arith.constant 48 : index
    %swap3A_48 = tpu.vector_load %arg13[%swap3A_47] {strides = array<i32>} : memref<128xi32, #tpu.memory_space<vmem>>, vector<16xi32>,
    tpu.vector_store %arg13[%swap3A_47], %add3A_46 {strides = array<i32>} : memref<128xi32, #tpu.memory_space<vmem>>, vector<16xi32>,
    %get3A_49 = arith.constant 64 : index
    %get3A_50 = tpu.vector_load %arg11[%get3A_49] {strides = array<i32>} : memref<128xi32, #tpu.memory_space<vmem>>, vector<16xi32>,
    %mul3A_51 = arith.constant 10000 : i32
    %mul3A_52 = arith.muli %arg0, %mul3A_51 : i32
    %add3A_53 = vector.broadcast %mul3A_52 : i32 to vector<16xi32>
    %add3A_54 = arith.addi %get3A_50, %add3A_53 : vector<16xi32>
    %swap3A_55 = arith.constant 64 : index
    %swap3A_56 = tpu.vector_load %arg13[%swap3A_55] {strides = array<i32>} : memref<128xi32, #tpu.memory_space<vmem>>, vector<16xi32>,
    tpu.vector_store %arg13[%swap3A_55], %add3A_54 {strides = array<i32>} : memref<128xi32, #tpu.memory_space<vmem>>, vector<16xi32>,
    %get3A_57 = arith.constant 80 : index
    %get3A_58 = tpu.vector_load %arg11[%get3A_57] {strides = array<i32>} : memref<128xi32, #tpu.memory_space<vmem>>, vector<16xi32>,
    %mul3A_59 = arith.constant 10000 : i32
    %mul3A_60 = arith.muli %arg0, %mul3A_59 : i32
    %add3A_61 = vector.broadcast %mul3A_60 : i32 to vector<16xi32>
    %add3A_62 = arith.addi %get3A_58, %add3A_61 : vector<16xi32>
    %swap3A_63 = arith.constant 80 : index
    %swap3A_64 = tpu.vector_load %arg13[%swap3A_63] {strides = array<i32>} : memref<128xi32, #tpu.memory_space<vmem>>, vector<16xi32>,
    tpu.vector_store %arg13[%swap3A_63], %add3A_62 {strides = array<i32>} : memref<128xi32, #tpu.memory_space<vmem>>, vector<16xi32>,
    %get3A_65 = arith.constant 96 : index
    %get3A_66 = tpu.vector_load %arg11[%get3A_65] {strides = array<i32>} : memref<128xi32, #tpu.memory_space<vmem>>, vector<16xi32>,
    %mul3A_67 = arith.constant 10000 : i32
    %mul3A_68 = arith.muli %arg0, %mul3A_67 : i32
    %add3A_69 = vector.broadcast %mul3A_68 : i32 to vector<16xi32>
    %add3A_70 = arith.addi %get3A_66, %add3A_69 : vector<16xi32>
    %swap3A_71 = arith.constant 96 : index
    %swap3A_72 = tpu.vector_load %arg13[%swap3A_71] {strides = array<i32>} : memref<128xi32, #tpu.memory_space<vmem>>, vector<16xi32>,
    tpu.vector_store %arg13[%swap3A_71], %add3A_70 {strides = array<i32>} : memref<128xi32, #tpu.memory_space<vmem>>, vector<16xi32>,
    %get3A_73 = arith.constant 112 : index
    %get3A_74 = tpu.vector_load %arg11[%get3A_73] {strides = array<i32>} : memref<128xi32, #tpu.memory_space<vmem>>, vector<16xi32>,
    %mul3A_75 = arith.constant 10000 : i32
    %mul3A_76 = arith.muli %arg0, %mul3A_75 : i32
    %add3A_77 = vector.broadcast %mul3A_76 : i32 to vector<16xi32>
    %add3A_78 = arith.addi %get3A_74, %add3A_77 : vector<16xi32>
    %swap3A_79 = arith.constant 112 : index
    %swap3A_80 = tpu.vector_load %arg13[%swap3A_79] {strides = array<i32>} : memref<128xi32, #tpu.memory_space<vmem>>, vector<16xi32>,
    tpu.vector_store %arg13[%swap3A_79], %add3A_78 {strides = array<i32>} : memref<128xi32, #tpu.memory_space<vmem>>, vector<16xi32>,
    %dma_start3A = arith.constant 0 : i32
    %dma_start3A_81 = arith.constant 0 : i32
    %dma_start3A_82 = tpu.memref_slice %arg2[%dma_start3A, %dma_start3A_81] : memref<20000x128xf32, #tpu.memory_space<hbm>> -> memref<20000x128xf32, #tpu.memory_space<hbm>>
    tpu.enqueue_indirect_dma source(%dma_start3A_82 : memref<20000x128xf32, #tpu.memory_space<hbm>>) target(%arg8 : memref<128x128xf32, #tpu.memory_space<vmem>>) offsets(%arg13 : memref<128xi32, #tpu.memory_space<vmem>>) semaphore(%arg14 : memref<!tpu.dma_semaphore, #tpu.memory_space<semaphore_mem>>)
    %mul3A_83 = arith.constant 20736 : i32
    %mul3A_84 = arith.muli %arg1, %mul3A_83 : i32
    "tpu.region"() ({
      %run_scoped3A = tpu.sem_alloc : memref<!tpu.dma_semaphore, #tpu.memory_space<semaphore_mem>>
      %dma_start3A_93 = tpu.memref_slice %arg5[%mul3A_84] : memref<331776xi32, #tpu.memory_space<hbm>> -> memref<128xi32, #tpu.memory_space<hbm>>
      %dma_start3A_94 = tpu.memref_slice %arg5[%mul3A_84] : memref<331776xi32, #tpu.memory_space<hbm>> -> memref<128xi32, #tpu.memory_space<hbm>>
      tpu.enqueue_dma source(%dma_start3A_94 : memref<128xi32, #tpu.memory_space<hbm>>) target(%arg12 : memref<128xi32, #tpu.memory_space<vmem>>) target_semaphore(%run_scoped3A : memref<!tpu.dma_semaphore, #tpu.memory_space<semaphore_mem>>)
      %dma_wait3A = tpu.memref_slice %arg5[%mul3A_84] : memref<331776xi32, #tpu.memory_space<hbm>> -> memref<128xi32, #tpu.memory_space<hbm>>
      %dma_wait3A_95 = tpu.memref_slice %arg5[%mul3A_84] : memref<331776xi32, #tpu.memory_space<hbm>> -> memref<128xi32, #tpu.memory_space<hbm>>
      tpu.wait_dma2 semaphore(%run_scoped3A : memref<!tpu.dma_semaphore, #tpu.memory_space<semaphore_mem>>) src(%dma_wait3A_95 : memref<128xi32, #tpu.memory_space<hbm>>) dst(%arg12 : memref<128xi32, #tpu.memory_space<vmem>>)
      tpu.yield
    }) : () -> ()
    %scan3A_85 = arith.constant 0 : i32
    %scan3A_86 = arith.constant 0 : i32
    %scan3A_87 = arith.constant 162 : i32
    %scan3A_88 = arith.addi %scan3A_86, %scan3A_87 : i32
    %scan3A_89 = arith.constant 1 : i32
    %scan3A_90 = scf.for %scan3A_93 = %scan3A_86 to %scan3A_88 step %scan3A_89 iter_args(%scan3A_94 = %scan3A_85) -> (i32)  : i32 {
      %mul3A_95 = arith.constant 20736 : i32
      %mul3A_96 = arith.muli %arg1, %mul3A_95 : i32
      %mul3A_97 = arith.constant 128 : i32
      %mul3A_98 = arith.muli %scan3A_93, %mul3A_97 : i32
      %add3A_99 = arith.addi %mul3A_96, %mul3A_98 : i32
      %mul3A_100 = arith.constant 2 : i32
      %mul3A_101 = arith.muli %arg0, %mul3A_100 : i32
      %add3A_102 = arith.constant 0 : i32
      %add3A_103 = arith.addi %mul3A_101, %add3A_102 : i32
      %run_scoped3A = arith.constant 0 : i32
      "tpu.region"() ({
        %run_scoped3A_246 = tpu.sem_alloc : memref<!tpu.dma_semaphore, #tpu.memory_space<semaphore_mem>>
        %dma_start3A_247 = arith.constant 0 : i32
        %dma_start3A_248 = tpu.memref_slice %arg10[%run_scoped3A, %dma_start3A_247] : memref<2x144xf32, #tpu.memory_space<vmem>> -> memref<1x128xf32, #tpu.memory_space<vmem>>
        %dma_start3A_249 = tpu.memref_squeeze %dma_start3A_248 : memref<1x128xf32, #tpu.memory_space<vmem>> -> memref<128xf32, #tpu.memory_space<vmem>>
        %dma_start3A_250 = tpu.memref_slice %arg3[%add3A_103, %add3A_99] : memref<4x331776xf32, #tpu.memory_space<hbm>> -> memref<1x128xf32, #tpu.memory_space<hbm>>
        %dma_start3A_251 = tpu.memref_squeeze %dma_start3A_250 : memref<1x128xf32, #tpu.memory_space<hbm>> -> memref<128xf32, #tpu.memory_space<hbm>>
        %dma_start3A_252 = arith.constant 0 : i32
        %dma_start3A_253 = tpu.memref_slice %arg10[%run_scoped3A, %dma_start3A_252] : memref<2x144xf32, #tpu.memory_space<vmem>> -> memref<1x128xf32, #tpu.memory_space<vmem>>
        %dma_start3A_254 = tpu.memref_squeeze %dma_start3A_253 : memref<1x128xf32, #tpu.memory_space<vmem>> -> memref<128xf32, #tpu.memory_space<vmem>>
        %dma_start3A_255 = tpu.memref_slice %arg3[%add3A_103, %add3A_99] : memref<4x331776xf32, #tpu.memory_space<hbm>> -> memref<1x128xf32, #tpu.memory_space<hbm>>
        %dma_start3A_256 = tpu.memref_squeeze %dma_start3A_255 : memref<1x128xf32, #tpu.memory_space<hbm>> -> memref<128xf32, #tpu.memory_space<hbm>>
        tpu.enqueue_dma source(%dma_start3A_256 : memref<128xf32, #tpu.memory_space<hbm>>) target(%dma_start3A_254 : memref<128xf32, #tpu.memory_space<vmem>>) target_semaphore(%run_scoped3A_246 : memref<!tpu.dma_semaphore, #tpu.memory_space<semaphore_mem>>)
        %dma_wait3A_257 = arith.constant 0 : i32
        %dma_wait3A_258 = tpu.memref_slice %arg10[%run_scoped3A, %dma_wait3A_257] : memref<2x144xf32, #tpu.memory_space<vmem>> -> memref<1x128xf32, #tpu.memory_space<vmem>>
        %dma_wait3A_259 = tpu.memref_squeeze %dma_wait3A_258 : memref<1x128xf32, #tpu.memory_space<vmem>> -> memref<128xf32, #tpu.memory_space<vmem>>
        %dma_wait3A_260 = tpu.memref_slice %arg3[%add3A_103, %add3A_99] : memref<4x331776xf32, #tpu.memory_space<hbm>> -> memref<1x128xf32, #tpu.memory_space<hbm>>
        %dma_wait3A_261 = tpu.memref_squeeze %dma_wait3A_260 : memref<1x128xf32, #tpu.memory_space<hbm>> -> memref<128xf32, #tpu.memory_space<hbm>>
        %dma_wait3A_262 = arith.constant 0 : i32
        %dma_wait3A_263 = tpu.memref_slice %arg10[%run_scoped3A, %dma_wait3A_262] : memref<2x144xf32, #tpu.memory_space<vmem>> -> memref<1x128xf32, #tpu.memory_space<vmem>>
        %dma_wait3A_264 = tpu.memref_squeeze %dma_wait3A_263 : memref<1x128xf32, #tpu.memory_space<vmem>> -> memref<128xf32, #tpu.memory_space<vmem>>
        %dma_wait3A_265 = tpu.memref_slice %arg3[%add3A_103, %add3A_99] : memref<4x331776xf32, #tpu.memory_space<hbm>> -> memref<1x128xf32, #tpu.memory_space<hbm>>
        %dma_wait3A_266 = tpu.memref_squeeze %dma_wait3A_265 : memref<1x128xf32, #tpu.memory_space<hbm>> -> memref<128xf32, #tpu.memory_space<hbm>>
        tpu.wait_dma2 semaphore(%run_scoped3A_246 : memref<!tpu.dma_semaphore, #tpu.memory_space<semaphore_mem>>) src(%dma_wait3A_266 : memref<128xf32, #tpu.memory_space<hbm>>) dst(%dma_wait3A_264 : memref<128xf32, #tpu.memory_space<vmem>>)
        tpu.yield
      }) : () -> ()
      %mul3A_104 = arith.constant 2 : i32
      %mul3A_105 = arith.muli %arg0, %mul3A_104 : i32
      %add3A_106 = arith.constant 1 : i32
      %add3A_107 = arith.addi %mul3A_105, %add3A_106 : i32
      %run_scoped3A_108 = arith.constant 1 : i32
      "tpu.region"() ({
        %run_scoped3A_246 = tpu.sem_alloc : memref<!tpu.dma_semaphore, #tpu.memory_space<semaphore_mem>>
        %dma_start3A_247 = arith.constant 0 : i32
        %dma_start3A_248 = tpu.memref_slice %arg10[%run_scoped3A_108, %dma_start3A_247] : memref<2x144xf32, #tpu.memory_space<vmem>> -> memref<1x128xf32, #tpu.memory_space<vmem>>
        %dma_start3A_249 = tpu.memref_squeeze %dma_start3A_248 : memref<1x128xf32, #tpu.memory_space<vmem>> -> memref<128xf32, #tpu.memory_space<vmem>>
        %dma_start3A_250 = tpu.memref_slice %arg3[%add3A_107, %add3A_99] : memref<4x331776xf32, #tpu.memory_space<hbm>> -> memref<1x128xf32, #tpu.memory_space<hbm>>
        %dma_start3A_251 = tpu.memref_squeeze %dma_start3A_250 : memref<1x128xf32, #tpu.memory_space<hbm>> -> memref<128xf32, #tpu.memory_space<hbm>>
        %dma_start3A_252 = arith.constant 0 : i32
        %dma_start3A_253 = tpu.memref_slice %arg10[%run_scoped3A_108, %dma_start3A_252] : memref<2x144xf32, #tpu.memory_space<vmem>> -> memref<1x128xf32, #tpu.memory_space<vmem>>
        %dma_start3A_254 = tpu.memref_squeeze %dma_start3A_253 : memref<1x128xf32, #tpu.memory_space<vmem>> -> memref<128xf32, #tpu.memory_space<vmem>>
        %dma_start3A_255 = tpu.memref_slice %arg3[%add3A_107, %add3A_99] : memref<4x331776xf32, #tpu.memory_space<hbm>> -> memref<1x128xf32, #tpu.memory_space<hbm>>
        %dma_start3A_256 = tpu.memref_squeeze %dma_start3A_255 : memref<1x128xf32, #tpu.memory_space<hbm>> -> memref<128xf32, #tpu.memory_space<hbm>>
        tpu.enqueue_dma source(%dma_start3A_256 : memref<128xf32, #tpu.memory_space<hbm>>) target(%dma_start3A_254 : memref<128xf32, #tpu.memory_space<vmem>>) target_semaphore(%run_scoped3A_246 : memref<!tpu.dma_semaphore, #tpu.memory_space<semaphore_mem>>)
        %dma_wait3A_257 = arith.constant 0 : i32
        %dma_wait3A_258 = tpu.memref_slice %arg10[%run_scoped3A_108, %dma_wait3A_257] : memref<2x144xf32, #tpu.memory_space<vmem>> -> memref<1x128xf32, #tpu.memory_space<vmem>>
        %dma_wait3A_259 = tpu.memref_squeeze %dma_wait3A_258 : memref<1x128xf32, #tpu.memory_space<vmem>> -> memref<128xf32, #tpu.memory_space<vmem>>
        %dma_wait3A_260 = tpu.memref_slice %arg3[%add3A_107, %add3A_99] : memref<4x331776xf32, #tpu.memory_space<hbm>> -> memref<1x128xf32, #tpu.memory_space<hbm>>
        %dma_wait3A_261 = tpu.memref_squeeze %dma_wait3A_260 : memref<1x128xf32, #tpu.memory_space<hbm>> -> memref<128xf32, #tpu.memory_space<hbm>>
        %dma_wait3A_262 = arith.constant 0 : i32
        %dma_wait3A_263 = tpu.memref_slice %arg10[%run_scoped3A_108, %dma_wait3A_262] : memref<2x144xf32, #tpu.memory_space<vmem>> -> memref<1x128xf32, #tpu.memory_space<vmem>>
        %dma_wait3A_264 = tpu.memref_squeeze %dma_wait3A_263 : memref<1x128xf32, #tpu.memory_space<vmem>> -> memref<128xf32, #tpu.memory_space<vmem>>
        %dma_wait3A_265 = tpu.memref_slice %arg3[%add3A_107, %add3A_99] : memref<4x331776xf32, #tpu.memory_space<hbm>> -> memref<1x128xf32, #tpu.memory_space<hbm>>
        %dma_wait3A_266 = tpu.memref_squeeze %dma_wait3A_265 : memref<1x128xf32, #tpu.memory_space<hbm>> -> memref<128xf32, #tpu.memory_space<hbm>>
        tpu.wait_dma2 semaphore(%run_scoped3A_246 : memref<!tpu.dma_semaphore, #tpu.memory_space<semaphore_mem>>) src(%dma_wait3A_266 : memref<128xf32, #tpu.memory_space<hbm>>) dst(%dma_wait3A_264 : memref<128xf32, #tpu.memory_space<vmem>>)
        tpu.yield
      }) : () -> ()
      %add3A_109 = arith.constant 0 : i32
      %add3A_110 = vector.broadcast %add3A_109 : i32 to vector<16xi32>
      %add3A_111 = arith.addi %iota3A, %add3A_110 : vector<16xi32>
      %broadcast_in_dim3A_112 = arith.constant 128 : i32
      %broadcast_in_dim3A_113 = vector.broadcast %broadcast_in_dim3A_112 : i32 to vector<16xi32>
      %get3A_114 = arith.constant 0 : i32
      %get3A_115 = arith.index_cast %get3A_114 : i32 to index
      %get3A_116 = arith.constant 0 : index
      %get3A_117 = tpu.vector_load %arg10[%get3A_115, %get3A_116] {strides = array<i32>} : memref<2x144xf32, #tpu.memory_space<vmem>>, vector<16xf32>,
      tpu.vector_store_idx %arg9[%add3A_111, %broadcast_in_dim3A_113], %get3A_117 : memref<128x144xf32, #tpu.memory_space<vmem>>[vector<16xi32>, vector<16xi32>], vector<16xf32>,
      %broadcast_in_dim3A_118 = arith.constant 129 : i32
      %broadcast_in_dim3A_119 = vector.broadcast %broadcast_in_dim3A_118 : i32 to vector<16xi32>
      %get3A_120 = arith.constant 1 : i32
      %get3A_121 = arith.index_cast %get3A_120 : i32 to index
      %get3A_122 = arith.constant 0 : index
      %get3A_123 = tpu.vector_load %arg10[%get3A_121, %get3A_122] {strides = array<i32>} : memref<2x144xf32, #tpu.memory_space<vmem>>, vector<16xf32>,
      tpu.vector_store_idx %arg9[%add3A_111, %broadcast_in_dim3A_119], %get3A_123 : memref<128x144xf32, #tpu.memory_space<vmem>>[vector<16xi32>, vector<16xi32>], vector<16xf32>,
      %add3A_124 = arith.constant 16 : i32
      %add3A_125 = vector.broadcast %add3A_124 : i32 to vector<16xi32>
      %add3A_126 = arith.addi %iota3A, %add3A_125 : vector<16xi32>
      %broadcast_in_dim3A_127 = arith.constant 128 : i32
      %broadcast_in_dim3A_128 = vector.broadcast %broadcast_in_dim3A_127 : i32 to vector<16xi32>
      %get3A_129 = arith.constant 0 : i32
      %get3A_130 = arith.index_cast %get3A_129 : i32 to index
      %get3A_131 = arith.constant 16 : index
      %get3A_132 = tpu.vector_load %arg10[%get3A_130, %get3A_131] {strides = array<i32>} : memref<2x144xf32, #tpu.memory_space<vmem>>, vector<16xf32>,
      tpu.vector_store_idx %arg9[%add3A_126, %broadcast_in_dim3A_128], %get3A_132 : memref<128x144xf32, #tpu.memory_space<vmem>>[vector<16xi32>, vector<16xi32>], vector<16xf32>,
      %broadcast_in_dim3A_133 = arith.constant 129 : i32
      %broadcast_in_dim3A_134 = vector.broadcast %broadcast_in_dim3A_133 : i32 to vector<16xi32>
      %get3A_135 = arith.constant 1 : i32
      %get3A_136 = arith.index_cast %get3A_135 : i32 to index
      %get3A_137 = arith.constant 16 : index
      %get3A_138 = tpu.vector_load %arg10[%get3A_136, %get3A_137] {strides = array<i32>} : memref<2x144xf32, #tpu.memory_space<vmem>>, vector<16xf32>,
      tpu.vector_store_idx %arg9[%add3A_126, %broadcast_in_dim3A_134], %get3A_138 : memref<128x144xf32, #tpu.memory_space<vmem>>[vector<16xi32>, vector<16xi32>], vector<16xf32>,
      %add3A_139 = arith.constant 32 : i32
      %add3A_140 = vector.broadcast %add3A_139 : i32 to vector<16xi32>
      %add3A_141 = arith.addi %iota3A, %add3A_140 : vector<16xi32>
      %broadcast_in_dim3A_142 = arith.constant 128 : i32
      %broadcast_in_dim3A_143 = vector.broadcast %broadcast_in_dim3A_142 : i32 to vector<16xi32>
      %get3A_144 = arith.constant 0 : i32
      %get3A_145 = arith.index_cast %get3A_144 : i32 to index
      %get3A_146 = arith.constant 32 : index
      %get3A_147 = tpu.vector_load %arg10[%get3A_145, %get3A_146] {strides = array<i32>} : memref<2x144xf32, #tpu.memory_space<vmem>>, vector<16xf32>,
      tpu.vector_store_idx %arg9[%add3A_141, %broadcast_in_dim3A_143], %get3A_147 : memref<128x144xf32, #tpu.memory_space<vmem>>[vector<16xi32>, vector<16xi32>], vector<16xf32>,
      %broadcast_in_dim3A_148 = arith.constant 129 : i32
      %broadcast_in_dim3A_149 = vector.broadcast %broadcast_in_dim3A_148 : i32 to vector<16xi32>
      %get3A_150 = arith.constant 1 : i32
      %get3A_151 = arith.index_cast %get3A_150 : i32 to index
      %get3A_152 = arith.constant 32 : index
      %get3A_153 = tpu.vector_load %arg10[%get3A_151, %get3A_152] {strides = array<i32>} : memref<2x144xf32, #tpu.memory_space<vmem>>, vector<16xf32>,
      tpu.vector_store_idx %arg9[%add3A_141, %broadcast_in_dim3A_149], %get3A_153 : memref<128x144xf32, #tpu.memory_space<vmem>>[vector<16xi32>, vector<16xi32>], vector<16xf32>,
      %add3A_154 = arith.constant 48 : i32
      %add3A_155 = vector.broadcast %add3A_154 : i32 to vector<16xi32>
      %add3A_156 = arith.addi %iota3A, %add3A_155 : vector<16xi32>
      %broadcast_in_dim3A_157 = arith.constant 128 : i32
      %broadcast_in_dim3A_158 = vector.broadcast %broadcast_in_dim3A_157 : i32 to vector<16xi32>
      %get3A_159 = arith.constant 0 : i32
      %get3A_160 = arith.index_cast %get3A_159 : i32 to index
      %get3A_161 = arith.constant 48 : index
      %get3A_162 = tpu.vector_load %arg10[%get3A_160, %get3A_161] {strides = array<i32>} : memref<2x144xf32, #tpu.memory_space<vmem>>, vector<16xf32>,
      tpu.vector_store_idx %arg9[%add3A_156, %broadcast_in_dim3A_158], %get3A_162 : memref<128x144xf32, #tpu.memory_space<vmem>>[vector<16xi32>, vector<16xi32>], vector<16xf32>,
      %broadcast_in_dim3A_163 = arith.constant 129 : i32
      %broadcast_in_dim3A_164 = vector.broadcast %broadcast_in_dim3A_163 : i32 to vector<16xi32>
      %get3A_165 = arith.constant 1 : i32
      %get3A_166 = arith.index_cast %get3A_165 : i32 to index
      %get3A_167 = arith.constant 48 : index
      %get3A_168 = tpu.vector_load %arg10[%get3A_166, %get3A_167] {strides = array<i32>} : memref<2x144xf32, #tpu.memory_space<vmem>>, vector<16xf32>,
      tpu.vector_store_idx %arg9[%add3A_156, %broadcast_in_dim3A_164], %get3A_168 : memref<128x144xf32, #tpu.memory_space<vmem>>[vector<16xi32>, vector<16xi32>], vector<16xf32>,
      %add3A_169 = arith.constant 64 : i32
      %add3A_170 = vector.broadcast %add3A_169 : i32 to vector<16xi32>
      %add3A_171 = arith.addi %iota3A, %add3A_170 : vector<16xi32>
      %broadcast_in_dim3A_172 = arith.constant 128 : i32
      %broadcast_in_dim3A_173 = vector.broadcast %broadcast_in_dim3A_172 : i32 to vector<16xi32>
      %get3A_174 = arith.constant 0 : i32
      %get3A_175 = arith.index_cast %get3A_174 : i32 to index
      %get3A_176 = arith.constant 64 : index
      %get3A_177 = tpu.vector_load %arg10[%get3A_175, %get3A_176] {strides = array<i32>} : memref<2x144xf32, #tpu.memory_space<vmem>>, vector<16xf32>,
      tpu.vector_store_idx %arg9[%add3A_171, %broadcast_in_dim3A_173], %get3A_177 : memref<128x144xf32, #tpu.memory_space<vmem>>[vector<16xi32>, vector<16xi32>], vector<16xf32>,
      %broadcast_in_dim3A_178 = arith.constant 129 : i32
      %broadcast_in_dim3A_179 = vector.broadcast %broadcast_in_dim3A_178 : i32 to vector<16xi32>
      %get3A_180 = arith.constant 1 : i32
      %get3A_181 = arith.index_cast %get3A_180 : i32 to index
      %get3A_182 = arith.constant 64 : index
      %get3A_183 = tpu.vector_load %arg10[%get3A_181, %get3A_182] {strides = array<i32>} : memref<2x144xf32, #tpu.memory_space<vmem>>, vector<16xf32>,
      tpu.vector_store_idx %arg9[%add3A_171, %broadcast_in_dim3A_179], %get3A_183 : memref<128x144xf32, #tpu.memory_space<vmem>>[vector<16xi32>, vector<16xi32>], vector<16xf32>,
      %add3A_184 = arith.constant 80 : i32
      %add3A_185 = vector.broadcast %add3A_184 : i32 to vector<16xi32>
      %add3A_186 = arith.addi %iota3A, %add3A_185 : vector<16xi32>
      %broadcast_in_dim3A_187 = arith.constant 128 : i32
      %broadcast_in_dim3A_188 = vector.broadcast %broadcast_in_dim3A_187 : i32 to vector<16xi32>
      %get3A_189 = arith.constant 0 : i32
      %get3A_190 = arith.index_cast %get3A_189 : i32 to index
      %get3A_191 = arith.constant 80 : index
      %get3A_192 = tpu.vector_load %arg10[%get3A_190, %get3A_191] {strides = array<i32>} : memref<2x144xf32, #tpu.memory_space<vmem>>, vector<16xf32>,
      tpu.vector_store_idx %arg9[%add3A_186, %broadcast_in_dim3A_188], %get3A_192 : memref<128x144xf32, #tpu.memory_space<vmem>>[vector<16xi32>, vector<16xi32>], vector<16xf32>,
      %broadcast_in_dim3A_193 = arith.constant 129 : i32
      %broadcast_in_dim3A_194 = vector.broadcast %broadcast_in_dim3A_193 : i32 to vector<16xi32>
      %get3A_195 = arith.constant 1 : i32
      %get3A_196 = arith.index_cast %get3A_195 : i32 to index
      %get3A_197 = arith.constant 80 : index
      %get3A_198 = tpu.vector_load %arg10[%get3A_196, %get3A_197] {strides = array<i32>} : memref<2x144xf32, #tpu.memory_space<vmem>>, vector<16xf32>,
      tpu.vector_store_idx %arg9[%add3A_186, %broadcast_in_dim3A_194], %get3A_198 : memref<128x144xf32, #tpu.memory_space<vmem>>[vector<16xi32>, vector<16xi32>], vector<16xf32>,
      %add3A_199 = arith.constant 96 : i32
      %add3A_200 = vector.broadcast %add3A_199 : i32 to vector<16xi32>
      %add3A_201 = arith.addi %iota3A, %add3A_200 : vector<16xi32>
      %broadcast_in_dim3A_202 = arith.constant 128 : i32
      %broadcast_in_dim3A_203 = vector.broadcast %broadcast_in_dim3A_202 : i32 to vector<16xi32>
      %get3A_204 = arith.constant 0 : i32
      %get3A_205 = arith.index_cast %get3A_204 : i32 to index
      %get3A_206 = arith.constant 96 : index
      %get3A_207 = tpu.vector_load %arg10[%get3A_205, %get3A_206] {strides = array<i32>} : memref<2x144xf32, #tpu.memory_space<vmem>>, vector<16xf32>,
      tpu.vector_store_idx %arg9[%add3A_201, %broadcast_in_dim3A_203], %get3A_207 : memref<128x144xf32, #tpu.memory_space<vmem>>[vector<16xi32>, vector<16xi32>], vector<16xf32>,
      %broadcast_in_dim3A_208 = arith.constant 129 : i32
      %broadcast_in_dim3A_209 = vector.broadcast %broadcast_in_dim3A_208 : i32 to vector<16xi32>
      %get3A_210 = arith.constant 1 : i32
      %get3A_211 = arith.index_cast %get3A_210 : i32 to index
      %get3A_212 = arith.constant 96 : index
      %get3A_213 = tpu.vector_load %arg10[%get3A_211, %get3A_212] {strides = array<i32>} : memref<2x144xf32, #tpu.memory_space<vmem>>, vector<16xf32>,
      tpu.vector_store_idx %arg9[%add3A_201, %broadcast_in_dim3A_209], %get3A_213 : memref<128x144xf32, #tpu.memory_space<vmem>>[vector<16xi32>, vector<16xi32>], vector<16xf32>,
      %add3A_214 = arith.constant 112 : i32
      %add3A_215 = vector.broadcast %add3A_214 : i32 to vector<16xi32>
      %add3A_216 = arith.addi %iota3A, %add3A_215 : vector<16xi32>
      %broadcast_in_dim3A_217 = arith.constant 128 : i32
      %broadcast_in_dim3A_218 = vector.broadcast %broadcast_in_dim3A_217 : i32 to vector<16xi32>
      %get3A_219 = arith.constant 0 : i32
      %get3A_220 = arith.index_cast %get3A_219 : i32 to index
      %get3A_221 = arith.constant 112 : index
      %get3A_222 = tpu.vector_load %arg10[%get3A_220, %get3A_221] {strides = array<i32>} : memref<2x144xf32, #tpu.memory_space<vmem>>, vector<16xf32>,
      tpu.vector_store_idx %arg9[%add3A_216, %broadcast_in_dim3A_218], %get3A_222 : memref<128x144xf32, #tpu.memory_space<vmem>>[vector<16xi32>, vector<16xi32>], vector<16xf32>,
      %broadcast_in_dim3A_223 = arith.constant 129 : i32
      %broadcast_in_dim3A_224 = vector.broadcast %broadcast_in_dim3A_223 : i32 to vector<16xi32>
      %get3A_225 = arith.constant 1 : i32
      %get3A_226 = arith.index_cast %get3A_225 : i32 to index
      %get3A_227 = arith.constant 112 : index
      %get3A_228 = tpu.vector_load %arg10[%get3A_226, %get3A_227] {strides = array<i32>} : memref<2x144xf32, #tpu.memory_space<vmem>>, vector<16xf32>,
      tpu.vector_store_idx %arg9[%add3A_216, %broadcast_in_dim3A_224], %get3A_228 : memref<128x144xf32, #tpu.memory_space<vmem>>[vector<16xi32>, vector<16xi32>], vector<16xf32>,
      %dma_wait3A = arith.constant 0 : i32
      %dma_wait3A_229 = arith.constant 0 : i32
      %dma_wait3A_230 = tpu.memref_slice %arg2[%dma_wait3A, %dma_wait3A_229] : memref<20000x128xf32, #tpu.memory_space<hbm>> -> memref<20000x128xf32, #tpu.memory_space<hbm>>
      tpu.wait_indirect_dma semaphore(%arg14 : memref<!tpu.dma_semaphore, #tpu.memory_space<semaphore_mem>>) src(%dma_wait3A_230 : memref<20000x128xf32, #tpu.memory_space<hbm>>) dst(%arg8 : memref<128x128xf32, #tpu.memory_space<vmem>>)
      %scan3A_231 = arith.constant 0 : i32
      %scan3A_232 = arith.constant 0 : i32
      %scan3A_233 = arith.constant 128 : i32
      %scan3A_234 = arith.addi %scan3A_232, %scan3A_233 : i32
      %scan3A_235 = arith.constant 4 : i32
      %scan3A_236 = scf.for %scan3A_246 = %scan3A_232 to %scan3A_234 step %scan3A_235 iter_args(%scan3A_247 = %scan3A_231) -> (i32)  : i32 {
        %get3A_248 = arith.constant 0 : i32
        %get3A_249 = arith.index_cast %get3A_248 : i32 to index
        %get3A_250 = arith.index_cast %scan3A_246 : i32 to index
        %get3A_251 = tpu.vector_load %arg10[%get3A_249, %get3A_250] {strides = array<i32>} : memref<2x144xf32, #tpu.memory_space<vmem>>, vector<16xf32>,
        %slice3A = vector.extract_strided_slice %get3A_251 {offsets = [0], sizes = [1], strides = [1]} : vector<16xf32> to vector<1xf32>
        %squeeze3A = vector.extract %slice3A[0] : f32 from vector<1xf32>
        %get3A_252 = arith.constant 1 : i32
        %get3A_253 = arith.index_cast %get3A_252 : i32 to index
        %get3A_254 = arith.index_cast %scan3A_246 : i32 to index
        %get3A_255 = tpu.vector_load %arg10[%get3A_253, %get3A_254] {strides = array<i32>} : memref<2x144xf32, #tpu.memory_space<vmem>>, vector<16xf32>,
        %slice3A_256 = vector.extract_strided_slice %get3A_255 {offsets = [0], sizes = [1], strides = [1]} : vector<16xf32> to vector<1xf32>
        %squeeze3A_257 = vector.extract %slice3A_256[0] : f32 from vector<1xf32>
        %get3A_258 = arith.index_cast %scan3A_246 : i32 to index
        %get3A_259 = arith.constant 0 : index
        %get3A_260 = tpu.vector_load %arg8[%get3A_258, %get3A_259] {strides = array<i32>} : memref<128x128xf32, #tpu.memory_space<vmem>>, vector<16xf32>,
        %mul3A_261 = vector.broadcast %squeeze3A : f32 to vector<16xf32>
        %mul3A_262 = arith.mulf %get3A_260, %mul3A_261 : vector<16xf32>
        %swap3A_263 = arith.index_cast %scan3A_246 : i32 to index
        %swap3A_264 = arith.constant 0 : index
        %swap3A_265 = tpu.vector_load %arg9[%swap3A_263, %swap3A_264] {strides = array<i32>} : memref<128x144xf32, #tpu.memory_space<vmem>>, vector<16xf32>,
        tpu.vector_store %arg9[%swap3A_263, %swap3A_264], %mul3A_262 {strides = array<i32>} : memref<128x144xf32, #tpu.memory_space<vmem>>, vector<16xf32>,
        %get3A_266 = arith.index_cast %scan3A_246 : i32 to index
        %get3A_267 = arith.constant 16 : index
        %get3A_268 = tpu.vector_load %arg8[%get3A_266, %get3A_267] {strides = array<i32>} : memref<128x128xf32, #tpu.memory_space<vmem>>, vector<16xf32>,
        %mul3A_269 = vector.broadcast %squeeze3A : f32 to vector<16xf32>
        %mul3A_270 = arith.mulf %get3A_268, %mul3A_269 : vector<16xf32>
        %swap3A_271 = arith.index_cast %scan3A_246 : i32 to index
        %swap3A_272 = arith.constant 16 : index
        %swap3A_273 = tpu.vector_load %arg9[%swap3A_271, %swap3A_272] {strides = array<i32>} : memref<128x144xf32, #tpu.memory_space<vmem>>, vector<16xf32>,
        tpu.vector_store %arg9[%swap3A_271, %swap3A_272], %mul3A_270 {strides = array<i32>} : memref<128x144xf32, #tpu.memory_space<vmem>>, vector<16xf32>,
        %get3A_274 = arith.index_cast %scan3A_246 : i32 to index
        %get3A_275 = arith.constant 32 : index
        %get3A_276 = tpu.vector_load %arg8[%get3A_274, %get3A_275] {strides = array<i32>} : memref<128x128xf32, #tpu.memory_space<vmem>>, vector<16xf32>,
        %mul3A_277 = vector.broadcast %squeeze3A : f32 to vector<16xf32>
        %mul3A_278 = arith.mulf %get3A_276, %mul3A_277 : vector<16xf32>
        %swap3A_279 = arith.index_cast %scan3A_246 : i32 to index
        %swap3A_280 = arith.constant 32 : index
        %swap3A_281 = tpu.vector_load %arg9[%swap3A_279, %swap3A_280] {strides = array<i32>} : memref<128x144xf32, #tpu.memory_space<vmem>>, vector<16xf32>,
        tpu.vector_store %arg9[%swap3A_279, %swap3A_280], %mul3A_278 {strides = array<i32>} : memref<128x144xf32, #tpu.memory_space<vmem>>, vector<16xf32>,
        %get3A_282 = arith.index_cast %scan3A_246 : i32 to index
        %get3A_283 = arith.constant 48 : index
        %get3A_284 = tpu.vector_load %arg8[%get3A_282, %get3A_283] {strides = array<i32>} : memref<128x128xf32, #tpu.memory_space<vmem>>, vector<16xf32>,
        %mul3A_285 = vector.broadcast %squeeze3A : f32 to vector<16xf32>
        %mul3A_286 = arith.mulf %get3A_284, %mul3A_285 : vector<16xf32>
        %swap3A_287 = arith.index_cast %scan3A_246 : i32 to index
        %swap3A_288 = arith.constant 48 : index
        %swap3A_289 = tpu.vector_load %arg9[%swap3A_287, %swap3A_288] {strides = array<i32>} : memref<128x144xf32, #tpu.memory_space<vmem>>, vector<16xf32>,
        tpu.vector_store %arg9[%swap3A_287, %swap3A_288], %mul3A_286 {strides = array<i32>} : memref<128x144xf32, #tpu.memory_space<vmem>>, vector<16xf32>,
        %get3A_290 = arith.index_cast %scan3A_246 : i32 to index
        %get3A_291 = arith.constant 64 : index
        %get3A_292 = tpu.vector_load %arg8[%get3A_290, %get3A_291] {strides = array<i32>} : memref<128x128xf32, #tpu.memory_space<vmem>>, vector<16xf32>,
        %mul3A_293 = vector.broadcast %squeeze3A_257 : f32 to vector<16xf32>
        %mul3A_294 = arith.mulf %get3A_292, %mul3A_293 : vector<16xf32>
        %swap3A_295 = arith.index_cast %scan3A_246 : i32 to index
        %swap3A_296 = arith.constant 64 : index
        %swap3A_297 = tpu.vector_load %arg9[%swap3A_295, %swap3A_296] {strides = array<i32>} : memref<128x144xf32, #tpu.memory_space<vmem>>, vector<16xf32>,
        tpu.vector_store %arg9[%swap3A_295, %swap3A_296], %mul3A_294 {strides = array<i32>} : memref<128x144xf32, #tpu.memory_space<vmem>>, vector<16xf32>,
        %get3A_298 = arith.index_cast %scan3A_246 : i32 to index
        %get3A_299 = arith.constant 80 : index
        %get3A_300 = tpu.vector_load %arg8[%get3A_298, %get3A_299] {strides = array<i32>} : memref<128x128xf32, #tpu.memory_space<vmem>>, vector<16xf32>,
        %mul3A_301 = vector.broadcast %squeeze3A_257 : f32 to vector<16xf32>
        %mul3A_302 = arith.mulf %get3A_300, %mul3A_301 : vector<16xf32>
        %swap3A_303 = arith.index_cast %scan3A_246 : i32 to index
        %swap3A_304 = arith.constant 80 : index
        %swap3A_305 = tpu.vector_load %arg9[%swap3A_303, %swap3A_304] {strides = array<i32>} : memref<128x144xf32, #tpu.memory_space<vmem>>, vector<16xf32>,
        tpu.vector_store %arg9[%swap3A_303, %swap3A_304], %mul3A_302 {strides = array<i32>} : memref<128x144xf32, #tpu.memory_space<vmem>>, vector<16xf32>,
        %get3A_306 = arith.index_cast %scan3A_246 : i32 to index
        %get3A_307 = arith.constant 96 : index
        %get3A_308 = tpu.vector_load %arg8[%get3A_306, %get3A_307] {strides = array<i32>} : memref<128x128xf32, #tpu.memory_space<vmem>>, vector<16xf32>,
        %mul3A_309 = vector.broadcast %squeeze3A_257 : f32 to vector<16xf32>
        %mul3A_310 = arith.mulf %get3A_308, %mul3A_309 : vector<16xf32>
        %swap3A_311 = arith.index_cast %scan3A_246 : i32 to index
        %swap3A_312 = arith.constant 96 : index
        %swap3A_313 = tpu.vector_load %arg9[%swap3A_311, %swap3A_312] {strides = array<i32>} : memref<128x144xf32, #tpu.memory_space<vmem>>, vector<16xf32>,
        tpu.vector_store %arg9[%swap3A_311, %swap3A_312], %mul3A_310 {strides = array<i32>} : memref<128x144xf32, #tpu.memory_space<vmem>>, vector<16xf32>,
        %get3A_314 = arith.index_cast %scan3A_246 : i32 to index
        %get3A_315 = arith.constant 112 : index
        %get3A_316 = tpu.vector_load %arg8[%get3A_314, %get3A_315] {strides = array<i32>} : memref<128x128xf32, #tpu.memory_space<vmem>>, vector<16xf32>,
        %mul3A_317 = vector.broadcast %squeeze3A_257 : f32 to vector<16xf32>
        %mul3A_318 = arith.mulf %get3A_316, %mul3A_317 : vector<16xf32>
        %swap3A_319 = arith.index_cast %scan3A_246 : i32 to index
        %swap3A_320 = arith.constant 112 : index
        %swap3A_321 = tpu.vector_load %arg9[%swap3A_319, %swap3A_320] {strides = array<i32>} : memref<128x144xf32, #tpu.memory_space<vmem>>, vector<16xf32>,
        tpu.vector_store %arg9[%swap3A_319, %swap3A_320], %mul3A_318 {strides = array<i32>} : memref<128x144xf32, #tpu.memory_space<vmem>>, vector<16xf32>,
        %scan3A_322 = arith.constant 0 : i32
        %scan3A_323 = arith.constant 1 : i32
        %scan3A_324 = arith.addi %scan3A_246, %scan3A_323 : i32
        %get3A_325 = arith.constant 0 : i32
        %get3A_326 = arith.index_cast %get3A_325 : i32 to index
        %get3A_327 = arith.index_cast %scan3A_324 : i32 to index
        %get3A_328 = tpu.vector_load %arg10[%get3A_326, %get3A_327] {strides = array<i32>} : memref<2x144xf32, #tpu.memory_space<vmem>>, vector<16xf32>,
        %slice3A_329 = vector.extract_strided_slice %get3A_328 {offsets = [0], sizes = [1], strides = [1]} : vector<16xf32> to vector<1xf32>
        %squeeze3A_330 = vector.extract %slice3A_329[0] : f32 from vector<1xf32>
        %get3A_331 = arith.constant 1 : i32
        %get3A_332 = arith.index_cast %get3A_331 : i32 to index
        %get3A_333 = arith.index_cast %scan3A_324 : i32 to index
        %get3A_334 = tpu.vector_load %arg10[%get3A_332, %get3A_333] {strides = array<i32>} : memref<2x144xf32, #tpu.memory_space<vmem>>, vector<16xf32>,
        %slice3A_335 = vector.extract_strided_slice %get3A_334 {offsets = [0], sizes = [1], strides = [1]} : vector<16xf32> to vector<1xf32>
        %squeeze3A_336 = vector.extract %slice3A_335[0] : f32 from vector<1xf32>
        %get3A_337 = arith.index_cast %scan3A_324 : i32 to index
        %get3A_338 = arith.constant 0 : index
        %get3A_339 = tpu.vector_load %arg8[%get3A_337, %get3A_338] {strides = array<i32>} : memref<128x128xf32, #tpu.memory_space<vmem>>, vector<16xf32>,
        %mul3A_340 = vector.broadcast %squeeze3A_330 : f32 to vector<16xf32>
        %mul3A_341 = arith.mulf %get3A_339, %mul3A_340 : vector<16xf32>
        %swap3A_342 = arith.index_cast %scan3A_324 : i32 to index
        %swap3A_343 = arith.constant 0 : index
        %swap3A_344 = tpu.vector_load %arg9[%swap3A_342, %swap3A_343] {strides = array<i32>} : memref<128x144xf32, #tpu.memory_space<vmem>>, vector<16xf32>,
        tpu.vector_store %arg9[%swap3A_342, %swap3A_343], %mul3A_341 {strides = array<i32>} : memref<128x144xf32, #tpu.memory_space<vmem>>, vector<16xf32>,
        %get3A_345 = arith.index_cast %scan3A_324 : i32 to index
        %get3A_346 = arith.constant 16 : index
        %get3A_347 = tpu.vector_load %arg8[%get3A_345, %get3A_346] {strides = array<i32>} : memref<128x128xf32, #tpu.memory_space<vmem>>, vector<16xf32>,
        %mul3A_348 = vector.broadcast %squeeze3A_330 : f32 to vector<16xf32>
        %mul3A_349 = arith.mulf %get3A_347, %mul3A_348 : vector<16xf32>
        %swap3A_350 = arith.index_cast %scan3A_324 : i32 to index
        %swap3A_351 = arith.constant 16 : index
        %swap3A_352 = tpu.vector_load %arg9[%swap3A_350, %swap3A_351] {strides = array<i32>} : memref<128x144xf32, #tpu.memory_space<vmem>>, vector<16xf32>,
        tpu.vector_store %arg9[%swap3A_350, %swap3A_351], %mul3A_349 {strides = array<i32>} : memref<128x144xf32, #tpu.memory_space<vmem>>, vector<16xf32>,
        %get3A_353 = arith.index_cast %scan3A_324 : i32 to index
        %get3A_354 = arith.constant 32 : index
        %get3A_355 = tpu.vector_load %arg8[%get3A_353, %get3A_354] {strides = array<i32>} : memref<128x128xf32, #tpu.memory_space<vmem>>, vector<16xf32>,
        %mul3A_356 = vector.broadcast %squeeze3A_330 : f32 to vector<16xf32>
        %mul3A_357 = arith.mulf %get3A_355, %mul3A_356 : vector<16xf32>
        %swap3A_358 = arith.index_cast %scan3A_324 : i32 to index
        %swap3A_359 = arith.constant 32 : index
        %swap3A_360 = tpu.vector_load %arg9[%swap3A_358, %swap3A_359] {strides = array<i32>} : memref<128x144xf32, #tpu.memory_space<vmem>>, vector<16xf32>,
        tpu.vector_store %arg9[%swap3A_358, %swap3A_359], %mul3A_357 {strides = array<i32>} : memref<128x144xf32, #tpu.memory_space<vmem>>, vector<16xf32>,
        %get3A_361 = arith.index_cast %scan3A_324 : i32 to index
        %get3A_362 = arith.constant 48 : index
        %get3A_363 = tpu.vector_load %arg8[%get3A_361, %get3A_362] {strides = array<i32>} : memref<128x128xf32, #tpu.memory_space<vmem>>, vector<16xf32>,
        %mul3A_364 = vector.broadcast %squeeze3A_330 : f32 to vector<16xf32>
        %mul3A_365 = arith.mulf %get3A_363, %mul3A_364 : vector<16xf32>
        %swap3A_366 = arith.index_cast %scan3A_324 : i32 to index
        %swap3A_367 = arith.constant 48 : index
        %swap3A_368 = tpu.vector_load %arg9[%swap3A_366, %swap3A_367] {strides = array<i32>} : memref<128x144xf32, #tpu.memory_space<vmem>>, vector<16xf32>,
        tpu.vector_store %arg9[%swap3A_366, %swap3A_367], %mul3A_365 {strides = array<i32>} : memref<128x144xf32, #tpu.memory_space<vmem>>, vector<16xf32>,
        %get3A_369 = arith.index_cast %scan3A_324 : i32 to index
        %get3A_370 = arith.constant 64 : index
        %get3A_371 = tpu.vector_load %arg8[%get3A_369, %get3A_370] {strides = array<i32>} : memref<128x128xf32, #tpu.memory_space<vmem>>, vector<16xf32>,
        %mul3A_372 = vector.broadcast %squeeze3A_336 : f32 to vector<16xf32>
        %mul3A_373 = arith.mulf %get3A_371, %mul3A_372 : vector<16xf32>
        %swap3A_374 = arith.index_cast %scan3A_324 : i32 to index
        %swap3A_375 = arith.constant 64 : index
        %swap3A_376 = tpu.vector_load %arg9[%swap3A_374, %swap3A_375] {strides = array<i32>} : memref<128x144xf32, #tpu.memory_space<vmem>>, vector<16xf32>,
        tpu.vector_store %arg9[%swap3A_374, %swap3A_375], %mul3A_373 {strides = array<i32>} : memref<128x144xf32, #tpu.memory_space<vmem>>, vector<16xf32>,
        %get3A_377 = arith.index_cast %scan3A_324 : i32 to index
        %get3A_378 = arith.constant 80 : index
        %get3A_379 = tpu.vector_load %arg8[%get3A_377, %get3A_378] {strides = array<i32>} : memref<128x128xf32, #tpu.memory_space<vmem>>, vector<16xf32>,
        %mul3A_380 = vector.broadcast %squeeze3A_336 : f32 to vector<16xf32>
        %mul3A_381 = arith.mulf %get3A_379, %mul3A_380 : vector<16xf32>
        %swap3A_382 = arith.index_cast %scan3A_324 : i32 to index
        %swap3A_383 = arith.constant 80 : index
        %swap3A_384 = tpu.vector_load %arg9[%swap3A_382, %swap3A_383] {strides = array<i32>} : memref<128x144xf32, #tpu.memory_space<vmem>>, vector<16xf32>,
        tpu.vector_store %arg9[%swap3A_382, %swap3A_383], %mul3A_381 {strides = array<i32>} : memref<128x144xf32, #tpu.memory_space<vmem>>, vector<16xf32>,
        %get3A_385 = arith.index_cast %scan3A_324 : i32 to index
        %get3A_386 = arith.constant 96 : index
        %get3A_387 = tpu.vector_load %arg8[%get3A_385, %get3A_386] {strides = array<i32>} : memref<128x128xf32, #tpu.memory_space<vmem>>, vector<16xf32>,
        %mul3A_388 = vector.broadcast %squeeze3A_336 : f32 to vector<16xf32>
        %mul3A_389 = arith.mulf %get3A_387, %mul3A_388 : vector<16xf32>
        %swap3A_390 = arith.index_cast %scan3A_324 : i32 to index
        %swap3A_391 = arith.constant 96 : index
        %swap3A_392 = tpu.vector_load %arg9[%swap3A_390, %swap3A_391] {strides = array<i32>} : memref<128x144xf32, #tpu.memory_space<vmem>>, vector<16xf32>,
        tpu.vector_store %arg9[%swap3A_390, %swap3A_391], %mul3A_389 {strides = array<i32>} : memref<128x144xf32, #tpu.memory_space<vmem>>, vector<16xf32>,
        %get3A_393 = arith.index_cast %scan3A_324 : i32 to index
        %get3A_394 = arith.constant 112 : index
        %get3A_395 = tpu.vector_load %arg8[%get3A_393, %get3A_394] {strides = array<i32>} : memref<128x128xf32, #tpu.memory_space<vmem>>, vector<16xf32>,
        %mul3A_396 = vector.broadcast %squeeze3A_336 : f32 to vector<16xf32>
        %mul3A_397 = arith.mulf %get3A_395, %mul3A_396 : vector<16xf32>
        %swap3A_398 = arith.index_cast %scan3A_324 : i32 to index
        %swap3A_399 = arith.constant 112 : index
        %swap3A_400 = tpu.vector_load %arg9[%swap3A_398, %swap3A_399] {strides = array<i32>} : memref<128x144xf32, #tpu.memory_space<vmem>>, vector<16xf32>,
        tpu.vector_store %arg9[%swap3A_398, %swap3A_399], %mul3A_397 {strides = array<i32>} : memref<128x144xf32, #tpu.memory_space<vmem>>, vector<16xf32>,
        %scan3A_401 = arith.constant 0 : i32
        %scan3A_402 = arith.constant 2 : i32
        %scan3A_403 = arith.addi %scan3A_246, %scan3A_402 : i32
        %get3A_404 = arith.constant 0 : i32
        %get3A_405 = arith.index_cast %get3A_404 : i32 to index
        %get3A_406 = arith.index_cast %scan3A_403 : i32 to index
        %get3A_407 = tpu.vector_load %arg10[%get3A_405, %get3A_406] {strides = array<i32>} : memref<2x144xf32, #tpu.memory_space<vmem>>, vector<16xf32>,
        %slice3A_408 = vector.extract_strided_slice %get3A_407 {offsets = [0], sizes = [1], strides = [1]} : vector<16xf32> to vector<1xf32>
        %squeeze3A_409 = vector.extract %slice3A_408[0] : f32 from vector<1xf32>
        %get3A_410 = arith.constant 1 : i32
        %get3A_411 = arith.index_cast %get3A_410 : i32 to index
        %get3A_412 = arith.index_cast %scan3A_403 : i32 to index
        %get3A_413 = tpu.vector_load %arg10[%get3A_411, %get3A_412] {strides = array<i32>} : memref<2x144xf32, #tpu.memory_space<vmem>>, vector<16xf32>,
        %slice3A_414 = vector.extract_strided_slice %get3A_413 {offsets = [0], sizes = [1], strides = [1]} : vector<16xf32> to vector<1xf32>
        %squeeze3A_415 = vector.extract %slice3A_414[0] : f32 from vector<1xf32>
        %get3A_416 = arith.index_cast %scan3A_403 : i32 to index
        %get3A_417 = arith.constant 0 : index
        %get3A_418 = tpu.vector_load %arg8[%get3A_416, %get3A_417] {strides = array<i32>} : memref<128x128xf32, #tpu.memory_space<vmem>>, vector<16xf32>,
        %mul3A_419 = vector.broadcast %squeeze3A_409 : f32 to vector<16xf32>
        %mul3A_420 = arith.mulf %get3A_418, %mul3A_419 : vector<16xf32>
        %swap3A_421 = arith.index_cast %scan3A_403 : i32 to index
        %swap3A_422 = arith.constant 0 : index
        %swap3A_423 = tpu.vector_load %arg9[%swap3A_421, %swap3A_422] {strides = array<i32>} : memref<128x144xf32, #tpu.memory_space<vmem>>, vector<16xf32>,
        tpu.vector_store %arg9[%swap3A_421, %swap3A_422], %mul3A_420 {strides = array<i32>} : memref<128x144xf32, #tpu.memory_space<vmem>>, vector<16xf32>,
        %get3A_424 = arith.index_cast %scan3A_403 : i32 to index
        %get3A_425 = arith.constant 16 : index
        %get3A_426 = tpu.vector_load %arg8[%get3A_424, %get3A_425] {strides = array<i32>} : memref<128x128xf32, #tpu.memory_space<vmem>>, vector<16xf32>,
        %mul3A_427 = vector.broadcast %squeeze3A_409 : f32 to vector<16xf32>
        %mul3A_428 = arith.mulf %get3A_426, %mul3A_427 : vector<16xf32>
        %swap3A_429 = arith.index_cast %scan3A_403 : i32 to index
        %swap3A_430 = arith.constant 16 : index
        %swap3A_431 = tpu.vector_load %arg9[%swap3A_429, %swap3A_430] {strides = array<i32>} : memref<128x144xf32, #tpu.memory_space<vmem>>, vector<16xf32>,
        tpu.vector_store %arg9[%swap3A_429, %swap3A_430], %mul3A_428 {strides = array<i32>} : memref<128x144xf32, #tpu.memory_space<vmem>>, vector<16xf32>,
        %get3A_432 = arith.index_cast %scan3A_403 : i32 to index
        %get3A_433 = arith.constant 32 : index
        %get3A_434 = tpu.vector_load %arg8[%get3A_432, %get3A_433] {strides = array<i32>} : memref<128x128xf32, #tpu.memory_space<vmem>>, vector<16xf32>,
        %mul3A_435 = vector.broadcast %squeeze3A_409 : f32 to vector<16xf32>
        %mul3A_436 = arith.mulf %get3A_434, %mul3A_435 : vector<16xf32>
        %swap3A_437 = arith.index_cast %scan3A_403 : i32 to index
        %swap3A_438 = arith.constant 32 : index
        %swap3A_439 = tpu.vector_load %arg9[%swap3A_437, %swap3A_438] {strides = array<i32>} : memref<128x144xf32, #tpu.memory_space<vmem>>, vector<16xf32>,
        tpu.vector_store %arg9[%swap3A_437, %swap3A_438], %mul3A_436 {strides = array<i32>} : memref<128x144xf32, #tpu.memory_space<vmem>>, vector<16xf32>,
        %get3A_440 = arith.index_cast %scan3A_403 : i32 to index
        %get3A_441 = arith.constant 48 : index
        %get3A_442 = tpu.vector_load %arg8[%get3A_440, %get3A_441] {strides = array<i32>} : memref<128x128xf32, #tpu.memory_space<vmem>>, vector<16xf32>,
        %mul3A_443 = vector.broadcast %squeeze3A_409 : f32 to vector<16xf32>
        %mul3A_444 = arith.mulf %get3A_442, %mul3A_443 : vector<16xf32>
        %swap3A_445 = arith.index_cast %scan3A_403 : i32 to index
        %swap3A_446 = arith.constant 48 : index
        %swap3A_447 = tpu.vector_load %arg9[%swap3A_445, %swap3A_446] {strides = array<i32>} : memref<128x144xf32, #tpu.memory_space<vmem>>, vector<16xf32>,
        tpu.vector_store %arg9[%swap3A_445, %swap3A_446], %mul3A_444 {strides = array<i32>} : memref<128x144xf32, #tpu.memory_space<vmem>>, vector<16xf32>,
        %get3A_448 = arith.index_cast %scan3A_403 : i32 to index
        %get3A_449 = arith.constant 64 : index
        %get3A_450 = tpu.vector_load %arg8[%get3A_448, %get3A_449] {strides = array<i32>} : memref<128x128xf32, #tpu.memory_space<vmem>>, vector<16xf32>,
        %mul3A_451 = vector.broadcast %squeeze3A_415 : f32 to vector<16xf32>
        %mul3A_452 = arith.mulf %get3A_450, %mul3A_451 : vector<16xf32>
        %swap3A_453 = arith.index_cast %scan3A_403 : i32 to index
        %swap3A_454 = arith.constant 64 : index
        %swap3A_455 = tpu.vector_load %arg9[%swap3A_453, %swap3A_454] {strides = array<i32>} : memref<128x144xf32, #tpu.memory_space<vmem>>, vector<16xf32>,
        tpu.vector_store %arg9[%swap3A_453, %swap3A_454], %mul3A_452 {strides = array<i32>} : memref<128x144xf32, #tpu.memory_space<vmem>>, vector<16xf32>,
        %get3A_456 = arith.index_cast %scan3A_403 : i32 to index
        %get3A_457 = arith.constant 80 : index
        %get3A_458 = tpu.vector_load %arg8[%get3A_456, %get3A_457] {strides = array<i32>} : memref<128x128xf32, #tpu.memory_space<vmem>>, vector<16xf32>,
        %mul3A_459 = vector.broadcast %squeeze3A_415 : f32 to vector<16xf32>
        %mul3A_460 = arith.mulf %get3A_458, %mul3A_459 : vector<16xf32>
        %swap3A_461 = arith.index_cast %scan3A_403 : i32 to index
        %swap3A_462 = arith.constant 80 : index
        %swap3A_463 = tpu.vector_load %arg9[%swap3A_461, %swap3A_462] {strides = array<i32>} : memref<128x144xf32, #tpu.memory_space<vmem>>, vector<16xf32>,
        tpu.vector_store %arg9[%swap3A_461, %swap3A_462], %mul3A_460 {strides = array<i32>} : memref<128x144xf32, #tpu.memory_space<vmem>>, vector<16xf32>,
        %get3A_464 = arith.index_cast %scan3A_403 : i32 to index
        %get3A_465 = arith.constant 96 : index
        %get3A_466 = tpu.vector_load %arg8[%get3A_464, %get3A_465] {strides = array<i32>} : memref<128x128xf32, #tpu.memory_space<vmem>>, vector<16xf32>,
        %mul3A_467 = vector.broadcast %squeeze3A_415 : f32 to vector<16xf32>
        %mul3A_468 = arith.mulf %get3A_466, %mul3A_467 : vector<16xf32>
        %swap3A_469 = arith.index_cast %scan3A_403 : i32 to index
        %swap3A_470 = arith.constant 96 : index
        %swap3A_471 = tpu.vector_load %arg9[%swap3A_469, %swap3A_470] {strides = array<i32>} : memref<128x144xf32, #tpu.memory_space<vmem>>, vector<16xf32>,
        tpu.vector_store %arg9[%swap3A_469, %swap3A_470], %mul3A_468 {strides = array<i32>} : memref<128x144xf32, #tpu.memory_space<vmem>>, vector<16xf32>,
        %get3A_472 = arith.index_cast %scan3A_403 : i32 to index
        %get3A_473 = arith.constant 112 : index
        %get3A_474 = tpu.vector_load %arg8[%get3A_472, %get3A_473] {strides = array<i32>} : memref<128x128xf32, #tpu.memory_space<vmem>>, vector<16xf32>,
        %mul3A_475 = vector.broadcast %squeeze3A_415 : f32 to vector<16xf32>
        %mul3A_476 = arith.mulf %get3A_474, %mul3A_475 : vector<16xf32>
        %swap3A_477 = arith.index_cast %scan3A_403 : i32 to index
        %swap3A_478 = arith.constant 112 : index
        %swap3A_479 = tpu.vector_load %arg9[%swap3A_477, %swap3A_478] {strides = array<i32>} : memref<128x144xf32, #tpu.memory_space<vmem>>, vector<16xf32>,
        tpu.vector_store %arg9[%swap3A_477, %swap3A_478], %mul3A_476 {strides = array<i32>} : memref<128x144xf32, #tpu.memory_space<vmem>>, vector<16xf32>,
        %scan3A_480 = arith.constant 0 : i32
        %scan3A_481 = arith.constant 3 : i32
        %scan3A_482 = arith.addi %scan3A_246, %scan3A_481 : i32
        %get3A_483 = arith.constant 0 : i32
        %get3A_484 = arith.index_cast %get3A_483 : i32 to index
        %get3A_485 = arith.index_cast %scan3A_482 : i32 to index
        %get3A_486 = tpu.vector_load %arg10[%get3A_484, %get3A_485] {strides = array<i32>} : memref<2x144xf32, #tpu.memory_space<vmem>>, vector<16xf32>,
        %slice3A_487 = vector.extract_strided_slice %get3A_486 {offsets = [0], sizes = [1], strides = [1]} : vector<16xf32> to vector<1xf32>
        %squeeze3A_488 = vector.extract %slice3A_487[0] : f32 from vector<1xf32>
        %get3A_489 = arith.constant 1 : i32
        %get3A_490 = arith.index_cast %get3A_489 : i32 to index
        %get3A_491 = arith.index_cast %scan3A_482 : i32 to index
        %get3A_492 = tpu.vector_load %arg10[%get3A_490, %get3A_491] {strides = array<i32>} : memref<2x144xf32, #tpu.memory_space<vmem>>, vector<16xf32>,
        %slice3A_493 = vector.extract_strided_slice %get3A_492 {offsets = [0], sizes = [1], strides = [1]} : vector<16xf32> to vector<1xf32>
        %squeeze3A_494 = vector.extract %slice3A_493[0] : f32 from vector<1xf32>
        %get3A_495 = arith.index_cast %scan3A_482 : i32 to index
        %get3A_496 = arith.constant 0 : index
        %get3A_497 = tpu.vector_load %arg8[%get3A_495, %get3A_496] {strides = array<i32>} : memref<128x128xf32, #tpu.memory_space<vmem>>, vector<16xf32>,
        %mul3A_498 = vector.broadcast %squeeze3A_488 : f32 to vector<16xf32>
        %mul3A_499 = arith.mulf %get3A_497, %mul3A_498 : vector<16xf32>
        %swap3A_500 = arith.index_cast %scan3A_482 : i32 to index
        %swap3A_501 = arith.constant 0 : index
        %swap3A_502 = tpu.vector_load %arg9[%swap3A_500, %swap3A_501] {strides = array<i32>} : memref<128x144xf32, #tpu.memory_space<vmem>>, vector<16xf32>,
        tpu.vector_store %arg9[%swap3A_500, %swap3A_501], %mul3A_499 {strides = array<i32>} : memref<128x144xf32, #tpu.memory_space<vmem>>, vector<16xf32>,
        %get3A_503 = arith.index_cast %scan3A_482 : i32 to index
        %get3A_504 = arith.constant 16 : index
        %get3A_505 = tpu.vector_load %arg8[%get3A_503, %get3A_504] {strides = array<i32>} : memref<128x128xf32, #tpu.memory_space<vmem>>, vector<16xf32>,
        %mul3A_506 = vector.broadcast %squeeze3A_488 : f32 to vector<16xf32>
        %mul3A_507 = arith.mulf %get3A_505, %mul3A_506 : vector<16xf32>
        %swap3A_508 = arith.index_cast %scan3A_482 : i32 to index
        %swap3A_509 = arith.constant 16 : index
        %swap3A_510 = tpu.vector_load %arg9[%swap3A_508, %swap3A_509] {strides = array<i32>} : memref<128x144xf32, #tpu.memory_space<vmem>>, vector<16xf32>,
        tpu.vector_store %arg9[%swap3A_508, %swap3A_509], %mul3A_507 {strides = array<i32>} : memref<128x144xf32, #tpu.memory_space<vmem>>, vector<16xf32>,
        %get3A_511 = arith.index_cast %scan3A_482 : i32 to index
        %get3A_512 = arith.constant 32 : index
        %get3A_513 = tpu.vector_load %arg8[%get3A_511, %get3A_512] {strides = array<i32>} : memref<128x128xf32, #tpu.memory_space<vmem>>, vector<16xf32>,
        %mul3A_514 = vector.broadcast %squeeze3A_488 : f32 to vector<16xf32>
        %mul3A_515 = arith.mulf %get3A_513, %mul3A_514 : vector<16xf32>
        %swap3A_516 = arith.index_cast %scan3A_482 : i32 to index
        %swap3A_517 = arith.constant 32 : index
        %swap3A_518 = tpu.vector_load %arg9[%swap3A_516, %swap3A_517] {strides = array<i32>} : memref<128x144xf32, #tpu.memory_space<vmem>>, vector<16xf32>,
        tpu.vector_store %arg9[%swap3A_516, %swap3A_517], %mul3A_515 {strides = array<i32>} : memref<128x144xf32, #tpu.memory_space<vmem>>, vector<16xf32>,
        %get3A_519 = arith.index_cast %scan3A_482 : i32 to index
        %get3A_520 = arith.constant 48 : index
        %get3A_521 = tpu.vector_load %arg8[%get3A_519, %get3A_520] {strides = array<i32>} : memref<128x128xf32, #tpu.memory_space<vmem>>, vector<16xf32>,
        %mul3A_522 = vector.broadcast %squeeze3A_488 : f32 to vector<16xf32>
        %mul3A_523 = arith.mulf %get3A_521, %mul3A_522 : vector<16xf32>
        %swap3A_524 = arith.index_cast %scan3A_482 : i32 to index
        %swap3A_525 = arith.constant 48 : index
        %swap3A_526 = tpu.vector_load %arg9[%swap3A_524, %swap3A_525] {strides = array<i32>} : memref<128x144xf32, #tpu.memory_space<vmem>>, vector<16xf32>,
        tpu.vector_store %arg9[%swap3A_524, %swap3A_525], %mul3A_523 {strides = array<i32>} : memref<128x144xf32, #tpu.memory_space<vmem>>, vector<16xf32>,
        %get3A_527 = arith.index_cast %scan3A_482 : i32 to index
        %get3A_528 = arith.constant 64 : index
        %get3A_529 = tpu.vector_load %arg8[%get3A_527, %get3A_528] {strides = array<i32>} : memref<128x128xf32, #tpu.memory_space<vmem>>, vector<16xf32>,
        %mul3A_530 = vector.broadcast %squeeze3A_494 : f32 to vector<16xf32>
        %mul3A_531 = arith.mulf %get3A_529, %mul3A_530 : vector<16xf32>
        %swap3A_532 = arith.index_cast %scan3A_482 : i32 to index
        %swap3A_533 = arith.constant 64 : index
        %swap3A_534 = tpu.vector_load %arg9[%swap3A_532, %swap3A_533] {strides = array<i32>} : memref<128x144xf32, #tpu.memory_space<vmem>>, vector<16xf32>,
        tpu.vector_store %arg9[%swap3A_532, %swap3A_533], %mul3A_531 {strides = array<i32>} : memref<128x144xf32, #tpu.memory_space<vmem>>, vector<16xf32>,
        %get3A_535 = arith.index_cast %scan3A_482 : i32 to index
        %get3A_536 = arith.constant 80 : index
        %get3A_537 = tpu.vector_load %arg8[%get3A_535, %get3A_536] {strides = array<i32>} : memref<128x128xf32, #tpu.memory_space<vmem>>, vector<16xf32>,
        %mul3A_538 = vector.broadcast %squeeze3A_494 : f32 to vector<16xf32>
        %mul3A_539 = arith.mulf %get3A_537, %mul3A_538 : vector<16xf32>
        %swap3A_540 = arith.index_cast %scan3A_482 : i32 to index
        %swap3A_541 = arith.constant 80 : index
        %swap3A_542 = tpu.vector_load %arg9[%swap3A_540, %swap3A_541] {strides = array<i32>} : memref<128x144xf32, #tpu.memory_space<vmem>>, vector<16xf32>,
        tpu.vector_store %arg9[%swap3A_540, %swap3A_541], %mul3A_539 {strides = array<i32>} : memref<128x144xf32, #tpu.memory_space<vmem>>, vector<16xf32>,
        %get3A_543 = arith.index_cast %scan3A_482 : i32 to index
        %get3A_544 = arith.constant 96 : index
        %get3A_545 = tpu.vector_load %arg8[%get3A_543, %get3A_544] {strides = array<i32>} : memref<128x128xf32, #tpu.memory_space<vmem>>, vector<16xf32>,
        %mul3A_546 = vector.broadcast %squeeze3A_494 : f32 to vector<16xf32>
        %mul3A_547 = arith.mulf %get3A_545, %mul3A_546 : vector<16xf32>
        %swap3A_548 = arith.index_cast %scan3A_482 : i32 to index
        %swap3A_549 = arith.constant 96 : index
        %swap3A_550 = tpu.vector_load %arg9[%swap3A_548, %swap3A_549] {strides = array<i32>} : memref<128x144xf32, #tpu.memory_space<vmem>>, vector<16xf32>,
        tpu.vector_store %arg9[%swap3A_548, %swap3A_549], %mul3A_547 {strides = array<i32>} : memref<128x144xf32, #tpu.memory_space<vmem>>, vector<16xf32>,
        %get3A_551 = arith.index_cast %scan3A_482 : i32 to index
        %get3A_552 = arith.constant 112 : index
        %get3A_553 = tpu.vector_load %arg8[%get3A_551, %get3A_552] {strides = array<i32>} : memref<128x128xf32, #tpu.memory_space<vmem>>, vector<16xf32>,
        %mul3A_554 = vector.broadcast %squeeze3A_494 : f32 to vector<16xf32>
        %mul3A_555 = arith.mulf %get3A_553, %mul3A_554 : vector<16xf32>
        %swap3A_556 = arith.index_cast %scan3A_482 : i32 to index
        %swap3A_557 = arith.constant 112 : index
        %swap3A_558 = tpu.vector_load %arg9[%swap3A_556, %swap3A_557] {strides = array<i32>} : memref<128x144xf32, #tpu.memory_space<vmem>>, vector<16xf32>,
        tpu.vector_store %arg9[%swap3A_556, %swap3A_557], %mul3A_555 {strides = array<i32>} : memref<128x144xf32, #tpu.memory_space<vmem>>, vector<16xf32>,
        %scan3A_559 = arith.constant 0 : i32
        scf.yield %scan3A_559 : i32
      }
      %scan3A_237 = arith.constant 128 : i32
      %lt3A = arith.constant 161 : i32
      %lt3A_238 = arith.cmpi slt, %scan3A_93, %lt3A : i32
      %convert_element_type3A = arith.extui %lt3A_238 : i1 to i32
      %cond3A = arith.constant 0 : i32
      %cond3A_239 = arith.cmpi ne, %convert_element_type3A, %cond3A : i32
      scf.if %cond3A_239 {
        %add3A_246 = arith.constant 128 : i32
        %add3A_247 = arith.addi %add3A_99, %add3A_246 : i32
        "tpu.region"() ({
          %run_scoped3A_315 = tpu.sem_alloc : memref<!tpu.dma_semaphore, #tpu.memory_space<semaphore_mem>>
          %dma_start3A_316 = tpu.memref_slice %arg4[%add3A_247] : memref<331776xi32, #tpu.memory_space<hbm>> -> memref<128xi32, #tpu.memory_space<hbm>>
          %dma_start3A_317 = tpu.memref_slice %arg4[%add3A_247] : memref<331776xi32, #tpu.memory_space<hbm>> -> memref<128xi32, #tpu.memory_space<hbm>>
          tpu.enqueue_dma source(%dma_start3A_317 : memref<128xi32, #tpu.memory_space<hbm>>) target(%arg11 : memref<128xi32, #tpu.memory_space<vmem>>) target_semaphore(%run_scoped3A_315 : memref<!tpu.dma_semaphore, #tpu.memory_space<semaphore_mem>>)
          %dma_wait3A_318 = tpu.memref_slice %arg4[%add3A_247] : memref<331776xi32, #tpu.memory_space<hbm>> -> memref<128xi32, #tpu.memory_space<hbm>>
          %dma_wait3A_319 = tpu.memref_slice %arg4[%add3A_247] : memref<331776xi32, #tpu.memory_space<hbm>> -> memref<128xi32, #tpu.memory_space<hbm>>
          tpu.wait_dma2 semaphore(%run_scoped3A_315 : memref<!tpu.dma_semaphore, #tpu.memory_space<semaphore_mem>>) src(%dma_wait3A_319 : memref<128xi32, #tpu.memory_space<hbm>>) dst(%arg11 : memref<128xi32, #tpu.memory_space<vmem>>)
          tpu.yield
        }) : () -> ()
        %get3A_248 = arith.constant 0 : index
        %get3A_249 = tpu.vector_load %arg11[%get3A_248] {strides = array<i32>} : memref<128xi32, #tpu.memory_space<vmem>>, vector<16xi32>,
        %mul3A_250 = arith.constant 10000 : i32
        %mul3A_251 = arith.muli %arg0, %mul3A_250 : i32
        %add3A_252 = vector.broadcast %mul3A_251 : i32 to vector<16xi32>
        %add3A_253 = arith.addi %get3A_249, %add3A_252 : vector<16xi32>
        %swap3A_254 = arith.constant 0 : index
        %swap3A_255 = tpu.vector_load %arg13[%swap3A_254] {strides = array<i32>} : memref<128xi32, #tpu.memory_space<vmem>>, vector<16xi32>,
        tpu.vector_store %arg13[%swap3A_254], %add3A_253 {strides = array<i32>} : memref<128xi32, #tpu.memory_space<vmem>>, vector<16xi32>,
        %get3A_256 = arith.constant 16 : index
        %get3A_257 = tpu.vector_load %arg11[%get3A_256] {strides = array<i32>} : memref<128xi32, #tpu.memory_space<vmem>>, vector<16xi32>,
        %mul3A_258 = arith.constant 10000 : i32
        %mul3A_259 = arith.muli %arg0, %mul3A_258 : i32
        %add3A_260 = vector.broadcast %mul3A_259 : i32 to vector<16xi32>
        %add3A_261 = arith.addi %get3A_257, %add3A_260 : vector<16xi32>
        %swap3A_262 = arith.constant 16 : index
        %swap3A_263 = tpu.vector_load %arg13[%swap3A_262] {strides = array<i32>} : memref<128xi32, #tpu.memory_space<vmem>>, vector<16xi32>,
        tpu.vector_store %arg13[%swap3A_262], %add3A_261 {strides = array<i32>} : memref<128xi32, #tpu.memory_space<vmem>>, vector<16xi32>,
        %get3A_264 = arith.constant 32 : index
        %get3A_265 = tpu.vector_load %arg11[%get3A_264] {strides = array<i32>} : memref<128xi32, #tpu.memory_space<vmem>>, vector<16xi32>,
        %mul3A_266 = arith.constant 10000 : i32
        %mul3A_267 = arith.muli %arg0, %mul3A_266 : i32
        %add3A_268 = vector.broadcast %mul3A_267 : i32 to vector<16xi32>
        %add3A_269 = arith.addi %get3A_265, %add3A_268 : vector<16xi32>
        %swap3A_270 = arith.constant 32 : index
        %swap3A_271 = tpu.vector_load %arg13[%swap3A_270] {strides = array<i32>} : memref<128xi32, #tpu.memory_space<vmem>>, vector<16xi32>,
        tpu.vector_store %arg13[%swap3A_270], %add3A_269 {strides = array<i32>} : memref<128xi32, #tpu.memory_space<vmem>>, vector<16xi32>,
        %get3A_272 = arith.constant 48 : index
        %get3A_273 = tpu.vector_load %arg11[%get3A_272] {strides = array<i32>} : memref<128xi32, #tpu.memory_space<vmem>>, vector<16xi32>,
        %mul3A_274 = arith.constant 10000 : i32
        %mul3A_275 = arith.muli %arg0, %mul3A_274 : i32
        %add3A_276 = vector.broadcast %mul3A_275 : i32 to vector<16xi32>
        %add3A_277 = arith.addi %get3A_273, %add3A_276 : vector<16xi32>
        %swap3A_278 = arith.constant 48 : index
        %swap3A_279 = tpu.vector_load %arg13[%swap3A_278] {strides = array<i32>} : memref<128xi32, #tpu.memory_space<vmem>>, vector<16xi32>,
        tpu.vector_store %arg13[%swap3A_278], %add3A_277 {strides = array<i32>} : memref<128xi32, #tpu.memory_space<vmem>>, vector<16xi32>,
        %get3A_280 = arith.constant 64 : index
        %get3A_281 = tpu.vector_load %arg11[%get3A_280] {strides = array<i32>} : memref<128xi32, #tpu.memory_space<vmem>>, vector<16xi32>,
        %mul3A_282 = arith.constant 10000 : i32
        %mul3A_283 = arith.muli %arg0, %mul3A_282 : i32
        %add3A_284 = vector.broadcast %mul3A_283 : i32 to vector<16xi32>
        %add3A_285 = arith.addi %get3A_281, %add3A_284 : vector<16xi32>
        %swap3A_286 = arith.constant 64 : index
        %swap3A_287 = tpu.vector_load %arg13[%swap3A_286] {strides = array<i32>} : memref<128xi32, #tpu.memory_space<vmem>>, vector<16xi32>,
        tpu.vector_store %arg13[%swap3A_286], %add3A_285 {strides = array<i32>} : memref<128xi32, #tpu.memory_space<vmem>>, vector<16xi32>,
        %get3A_288 = arith.constant 80 : index
        %get3A_289 = tpu.vector_load %arg11[%get3A_288] {strides = array<i32>} : memref<128xi32, #tpu.memory_space<vmem>>, vector<16xi32>,
        %mul3A_290 = arith.constant 10000 : i32
        %mul3A_291 = arith.muli %arg0, %mul3A_290 : i32
        %add3A_292 = vector.broadcast %mul3A_291 : i32 to vector<16xi32>
        %add3A_293 = arith.addi %get3A_289, %add3A_292 : vector<16xi32>
        %swap3A_294 = arith.constant 80 : index
        %swap3A_295 = tpu.vector_load %arg13[%swap3A_294] {strides = array<i32>} : memref<128xi32, #tpu.memory_space<vmem>>, vector<16xi32>,
        tpu.vector_store %arg13[%swap3A_294], %add3A_293 {strides = array<i32>} : memref<128xi32, #tpu.memory_space<vmem>>, vector<16xi32>,
        %get3A_296 = arith.constant 96 : index
        %get3A_297 = tpu.vector_load %arg11[%get3A_296] {strides = array<i32>} : memref<128xi32, #tpu.memory_space<vmem>>, vector<16xi32>,
        %mul3A_298 = arith.constant 10000 : i32
        %mul3A_299 = arith.muli %arg0, %mul3A_298 : i32
        %add3A_300 = vector.broadcast %mul3A_299 : i32 to vector<16xi32>
        %add3A_301 = arith.addi %get3A_297, %add3A_300 : vector<16xi32>
        %swap3A_302 = arith.constant 96 : index
        %swap3A_303 = tpu.vector_load %arg13[%swap3A_302] {strides = array<i32>} : memref<128xi32, #tpu.memory_space<vmem>>, vector<16xi32>,
        tpu.vector_store %arg13[%swap3A_302], %add3A_301 {strides = array<i32>} : memref<128xi32, #tpu.memory_space<vmem>>, vector<16xi32>,
        %get3A_304 = arith.constant 112 : index
        %get3A_305 = tpu.vector_load %arg11[%get3A_304] {strides = array<i32>} : memref<128xi32, #tpu.memory_space<vmem>>, vector<16xi32>,
        %mul3A_306 = arith.constant 10000 : i32
        %mul3A_307 = arith.muli %arg0, %mul3A_306 : i32
        %add3A_308 = vector.broadcast %mul3A_307 : i32 to vector<16xi32>
        %add3A_309 = arith.addi %get3A_305, %add3A_308 : vector<16xi32>
        %swap3A_310 = arith.constant 112 : index
        %swap3A_311 = tpu.vector_load %arg13[%swap3A_310] {strides = array<i32>} : memref<128xi32, #tpu.memory_space<vmem>>, vector<16xi32>,
        tpu.vector_store %arg13[%swap3A_310], %add3A_309 {strides = array<i32>} : memref<128xi32, #tpu.memory_space<vmem>>, vector<16xi32>,
        %dma_start3A_312 = arith.constant 0 : i32
        %dma_start3A_313 = arith.constant 0 : i32
        %dma_start3A_314 = tpu.memref_slice %arg2[%dma_start3A_312, %dma_start3A_313] : memref<20000x128xf32, #tpu.memory_space<hbm>> -> memref<20000x128xf32, #tpu.memory_space<hbm>>
        tpu.enqueue_indirect_dma source(%dma_start3A_314 : memref<20000x128xf32, #tpu.memory_space<hbm>>) target(%arg8 : memref<128x128xf32, #tpu.memory_space<vmem>>) offsets(%arg13 : memref<128xi32, #tpu.memory_space<vmem>>) semaphore(%arg14 : memref<!tpu.dma_semaphore, #tpu.memory_space<semaphore_mem>>)
      } else {
      }
      "tpu.region"() ({
        %run_scoped3A_246 = tpu.sem_alloc : memref<!tpu.dma_semaphore, #tpu.memory_space<semaphore_mem>>
        %dma_start3A_247 = arith.constant 0 : i32
        %dma_start3A_248 = arith.constant 0 : i32
        %dma_start3A_249 = tpu.memref_slice %arg7[%dma_start3A_247, %dma_start3A_248] : memref<10112x144xf32, #tpu.memory_space<vmem_shared>> -> memref<10112x144xf32, #tpu.memory_space<vmem_shared>>
        tpu.enqueue_indirect_dma source(%arg9 : memref<128x144xf32, #tpu.memory_space<vmem>>) target(%dma_start3A_249 : memref<10112x144xf32, #tpu.memory_space<vmem_shared>>) offsets(%arg12 : memref<128xi32, #tpu.memory_space<vmem>>) semaphore(%run_scoped3A_246 : memref<!tpu.dma_semaphore, #tpu.memory_space<semaphore_mem>>) {add = true}
        %dma_wait3A_250 = arith.constant 0 : i32
        %dma_wait3A_251 = arith.constant 0 : i32
        %dma_wait3A_252 = tpu.memref_slice %arg7[%dma_wait3A_250, %dma_wait3A_251] : memref<10112x144xf32, #tpu.memory_space<vmem_shared>> -> memref<10112x144xf32, #tpu.memory_space<vmem_shared>>
        tpu.wait_indirect_dma semaphore(%run_scoped3A_246 : memref<!tpu.dma_semaphore, #tpu.memory_space<semaphore_mem>>) src(%arg9 : memref<128x144xf32, #tpu.memory_space<vmem>>) dst(%dma_wait3A_252 : memref<10112x144xf32, #tpu.memory_space<vmem_shared>>)
        tpu.yield
      }) : () -> ()
      %lt3A_240 = arith.constant 161 : i32
      %lt3A_241 = arith.cmpi slt, %scan3A_93, %lt3A_240 : i32
      %convert_element_type3A_242 = arith.extui %lt3A_241 : i1 to i32
      %cond3A_243 = arith.constant 0 : i32
      %cond3A_244 = arith.cmpi ne, %convert_element_type3A_242, %cond3A_243 : i32
      scf.if %cond3A_244 {
        %add3A_246 = arith.constant 128 : i32
        %add3A_247 = arith.addi %add3A_99, %add3A_246 : i32
        "tpu.region"() ({
          %run_scoped3A_248 = tpu.sem_alloc : memref<!tpu.dma_semaphore, #tpu.memory_space<semaphore_mem>>
          %dma_start3A_249 = tpu.memref_slice %arg5[%add3A_247] : memref<331776xi32, #tpu.memory_space<hbm>> -> memref<128xi32, #tpu.memory_space<hbm>>
          %dma_start3A_250 = tpu.memref_slice %arg5[%add3A_247] : memref<331776xi32, #tpu.memory_space<hbm>> -> memref<128xi32, #tpu.memory_space<hbm>>
          tpu.enqueue_dma source(%dma_start3A_250 : memref<128xi32, #tpu.memory_space<hbm>>) target(%arg12 : memref<128xi32, #tpu.memory_space<vmem>>) target_semaphore(%run_scoped3A_248 : memref<!tpu.dma_semaphore, #tpu.memory_space<semaphore_mem>>)
          %dma_wait3A_251 = tpu.memref_slice %arg5[%add3A_247] : memref<331776xi32, #tpu.memory_space<hbm>> -> memref<128xi32, #tpu.memory_space<hbm>>
          %dma_wait3A_252 = tpu.memref_slice %arg5[%add3A_247] : memref<331776xi32, #tpu.memory_space<hbm>> -> memref<128xi32, #tpu.memory_space<hbm>>
          tpu.wait_dma2 semaphore(%run_scoped3A_248 : memref<!tpu.dma_semaphore, #tpu.memory_space<semaphore_mem>>) src(%dma_wait3A_252 : memref<128xi32, #tpu.memory_space<hbm>>) dst(%arg12 : memref<128xi32, #tpu.memory_space<vmem>>)
          tpu.yield
        }) : () -> ()
      } else {
      }
      %scan3A_245 = arith.constant 0 : i32
      scf.yield %scan3A_245 : i32
    }
    %scan3A_91 = arith.constant 162 : i32
    %barrier3A_92 = arith.constant 0 : index
    tpu.barrier barrier_id(%barrier3A_92)
    "tpu.region"() ({
      %run_scoped3A = tpu.sem_alloc : memref<!tpu.dma_semaphore, #tpu.memory_space<semaphore_mem>>
      %dma_start3A_93 = arith.constant 0 : i32
      %dma_start3A_94 = tpu.memref_slice %arg6[%arg0, %mul3A_7, %dma_start3A_93] : memref<2x10112x144xf32, #tpu.memory_space<hbm>> -> memref<1x632x144xf32, #tpu.memory_space<hbm>>
      %dma_start3A_95 = tpu.memref_squeeze %dma_start3A_94 : memref<1x632x144xf32, #tpu.memory_space<hbm>> -> memref<632x144xf32, #tpu.memory_space<hbm>>
      %dma_start3A_96 = arith.constant 0 : i32
      %dma_start3A_97 = tpu.memref_slice %arg7[%mul3A_7, %dma_start3A_96] : memref<10112x144xf32, #tpu.memory_space<vmem_shared>> -> memref<632x144xf32, #tpu.memory_space<vmem_shared>>
      tpu.enqueue_dma source(%dma_start3A_97 : memref<632x144xf32, #tpu.memory_space<vmem_shared>>) target(%dma_start3A_95 : memref<632x144xf32, #tpu.memory_space<hbm>>) target_semaphore(%run_scoped3A : memref<!tpu.dma_semaphore, #tpu.memory_space<semaphore_mem>>)
      %dma_wait3A = arith.constant 0 : i32
      %dma_wait3A_98 = tpu.memref_slice %arg6[%arg0, %mul3A_7, %dma_wait3A] : memref<2x10112x144xf32, #tpu.memory_space<hbm>> -> memref<1x632x144xf32, #tpu.memory_space<hbm>>
      %dma_wait3A_99 = tpu.memref_squeeze %dma_wait3A_98 : memref<1x632x144xf32, #tpu.memory_space<hbm>> -> memref<632x144xf32, #tpu.memory_space<hbm>>
      %dma_wait3A_100 = arith.constant 0 : i32
      %dma_wait3A_101 = tpu.memref_slice %arg7[%mul3A_7, %dma_wait3A_100] : memref<10112x144xf32, #tpu.memory_space<vmem_shared>> -> memref<632x144xf32, #tpu.memory_space<vmem_shared>>
      tpu.wait_dma2 semaphore(%run_scoped3A : memref<!tpu.dma_semaphore, #tpu.memory_space<semaphore_mem>>) src(%dma_wait3A_101 : memref<632x144xf32, #tpu.memory_space<vmem_shared>>) dst(%dma_wait3A_99 : memref<632x144xf32, #tpu.memory_space<hbm>>)
      tpu.yield
    }) : () -> ()
    return
  }
}

#map = affine_map<(d0, d1) -> (0, 0)>
#map1 = affine_map<(d0, d1) -> (0)>
module attributes {stable_mosaic.version = 14 : i64} {
  func.func @body(%arg0: i32, %arg1: i32, %arg2: memref<10001x8xf32, #tpu.memory_space<hbm>>, %arg3: memref<331776xi32, #tpu.memory_space<hbm>>, %arg4: memref<331776xi32, #tpu.memory_space<hbm>>, %arg5: memref<4x331776xf32, #tpu.memory_space<hbm>>, %arg6: memref<10001x8xf32, #tpu.memory_space<vmem>>, %arg7: memref<4x128xf32, #tpu.memory_space<vmem>>, %arg8: memref<128xi32, #tpu.memory_space<vmem>>, %arg9: memref<128xi32, #tpu.memory_space<vmem>>) attributes {dimension_semantics = [#tpu.dimension_semantics<core_parallel>, #tpu.dimension_semantics<subcore_parallel>], iteration_bounds = array<i64: 2, 16>, scalar_prefetch = 0 : i64, scratch_operands = 4 : i64, tpu.core_type = #tpu.core_type<sc_vector_subcore>, window_params = [{transform_indices = #map}, {transform_indices = #map1}, {transform_indices = #map1}, {transform_indices = #map}]} {
    %mul3A = arith.constant 16 : i32
    %mul3A_0 = arith.muli %arg0, %mul3A : i32
    %add3A = arith.addi %mul3A_0, %arg1 : i32
    "tpu.region"() ({
      %run_scoped3A = tpu.sem_alloc : memref<!tpu.dma_semaphore, #tpu.memory_space<semaphore_mem>>
      tpu.enqueue_dma source(%arg2 : memref<10001x8xf32, #tpu.memory_space<hbm>>) target(%arg6 : memref<10001x8xf32, #tpu.memory_space<vmem>>) target_semaphore(%run_scoped3A : memref<!tpu.dma_semaphore, #tpu.memory_space<semaphore_mem>>)
      tpu.wait_dma2 semaphore(%run_scoped3A : memref<!tpu.dma_semaphore, #tpu.memory_space<semaphore_mem>>) src(%arg2 : memref<10001x8xf32, #tpu.memory_space<hbm>>) dst(%arg6 : memref<10001x8xf32, #tpu.memory_space<vmem>>)
      tpu.yield
    }) : () -> ()
    %iota3A = tpu.iota {dimensions = array<i32: 0>} : vector<16xi32>
    %scan3A = arith.constant 0 : i32
    %scan3A_1 = arith.constant 0 : i32
    %scan3A_2 = arith.constant 81 : i32
    %scan3A_3 = arith.addi %scan3A_1, %scan3A_2 : i32
    %scan3A_4 = arith.constant 1 : i32
    %scan3A_5 = scf.for %scan3A_7 = %scan3A_1 to %scan3A_3 step %scan3A_4 iter_args(%scan3A_8 = %scan3A) -> (i32)  : i32 {
      %mul3A_9 = arith.constant 10368 : i32
      %mul3A_10 = arith.muli %add3A, %mul3A_9 : i32
      %mul3A_11 = arith.constant 128 : i32
      %mul3A_12 = arith.muli %scan3A_7, %mul3A_11 : i32
      %add3A_13 = arith.addi %mul3A_10, %mul3A_12 : i32
      "tpu.region"() ({
        %run_scoped3A_521 = tpu.sem_alloc : memref<!tpu.dma_semaphore, #tpu.memory_space<semaphore_mem>>
        %dma_start3A = tpu.memref_slice %arg3[%add3A_13] : memref<331776xi32, #tpu.memory_space<hbm>> -> memref<128xi32, #tpu.memory_space<hbm>>
        %dma_start3A_522 = tpu.memref_slice %arg3[%add3A_13] : memref<331776xi32, #tpu.memory_space<hbm>> -> memref<128xi32, #tpu.memory_space<hbm>>
        tpu.enqueue_dma source(%dma_start3A_522 : memref<128xi32, #tpu.memory_space<hbm>>) target(%arg8 : memref<128xi32, #tpu.memory_space<vmem>>) target_semaphore(%run_scoped3A_521 : memref<!tpu.dma_semaphore, #tpu.memory_space<semaphore_mem>>)
        %dma_wait3A = tpu.memref_slice %arg3[%add3A_13] : memref<331776xi32, #tpu.memory_space<hbm>> -> memref<128xi32, #tpu.memory_space<hbm>>
        %dma_wait3A_523 = tpu.memref_slice %arg3[%add3A_13] : memref<331776xi32, #tpu.memory_space<hbm>> -> memref<128xi32, #tpu.memory_space<hbm>>
        tpu.wait_dma2 semaphore(%run_scoped3A_521 : memref<!tpu.dma_semaphore, #tpu.memory_space<semaphore_mem>>) src(%dma_wait3A_523 : memref<128xi32, #tpu.memory_space<hbm>>) dst(%arg8 : memref<128xi32, #tpu.memory_space<vmem>>)
        tpu.yield
      }) : () -> ()
      "tpu.region"() ({
        %run_scoped3A_521 = tpu.sem_alloc : memref<!tpu.dma_semaphore, #tpu.memory_space<semaphore_mem>>
        %dma_start3A = tpu.memref_slice %arg4[%add3A_13] : memref<331776xi32, #tpu.memory_space<hbm>> -> memref<128xi32, #tpu.memory_space<hbm>>
        %dma_start3A_522 = tpu.memref_slice %arg4[%add3A_13] : memref<331776xi32, #tpu.memory_space<hbm>> -> memref<128xi32, #tpu.memory_space<hbm>>
        tpu.enqueue_dma source(%dma_start3A_522 : memref<128xi32, #tpu.memory_space<hbm>>) target(%arg9 : memref<128xi32, #tpu.memory_space<vmem>>) target_semaphore(%run_scoped3A_521 : memref<!tpu.dma_semaphore, #tpu.memory_space<semaphore_mem>>)
        %dma_wait3A = tpu.memref_slice %arg4[%add3A_13] : memref<331776xi32, #tpu.memory_space<hbm>> -> memref<128xi32, #tpu.memory_space<hbm>>
        %dma_wait3A_523 = tpu.memref_slice %arg4[%add3A_13] : memref<331776xi32, #tpu.memory_space<hbm>> -> memref<128xi32, #tpu.memory_space<hbm>>
        tpu.wait_dma2 semaphore(%run_scoped3A_521 : memref<!tpu.dma_semaphore, #tpu.memory_space<semaphore_mem>>) src(%dma_wait3A_523 : memref<128xi32, #tpu.memory_space<hbm>>) dst(%arg9 : memref<128xi32, #tpu.memory_space<vmem>>)
        tpu.yield
      }) : () -> ()
      %get3A = arith.constant 0 : index
      %get3A_14 = tpu.vector_load %arg8[%get3A] {strides = array<i32>} : memref<128xi32, #tpu.memory_space<vmem>>, vector<16xi32>,
      %get3A_15 = arith.constant 0 : index
      %get3A_16 = tpu.vector_load %arg9[%get3A_15] {strides = array<i32>} : memref<128xi32, #tpu.memory_space<vmem>>, vector<16xi32>,
      %add3A_17 = arith.constant 0 : i32
      %add3A_18 = vector.broadcast %add3A_17 : i32 to vector<16xi32>
      %add3A_19 = arith.addi %iota3A, %add3A_18 : vector<16xi32>
      %broadcast_in_dim3A = arith.constant 0 : i32
      %broadcast_in_dim3A_20 = vector.broadcast %broadcast_in_dim3A : i32 to vector<16xi32>
      %gather3A = tpu.vector_load_idx %arg6[%get3A_14, %broadcast_in_dim3A_20] : memref<10001x8xf32, #tpu.memory_space<vmem>>[vector<16xi32>, vector<16xi32>], vector<16xf32>,
      %broadcast_in_dim3A_21 = arith.constant 4 : i32
      %broadcast_in_dim3A_22 = vector.broadcast %broadcast_in_dim3A_21 : i32 to vector<16xi32>
      %gather3A_23 = tpu.vector_load_idx %arg6[%get3A_16, %broadcast_in_dim3A_22] : memref<10001x8xf32, #tpu.memory_space<vmem>>[vector<16xi32>, vector<16xi32>], vector<16xf32>,
      %add3A_24 = arith.addf %gather3A, %gather3A_23 : vector<16xf32>
      %mul3A_25 = arith.constant 2.000000e-01 : f32
      %mul3A_26 = vector.broadcast %mul3A_25 : f32 to vector<16xf32>
      %mul3A_27 = arith.mulf %mul3A_26, %add3A_24 : vector<16xf32>
      %max3A = arith.maximumf %add3A_24, %mul3A_27 : vector<16xf32>
      %exp3A = math.exp %max3A : vector<16xf32>
      %broadcast_in_dim3A_28 = arith.constant 0 : i32
      %broadcast_in_dim3A_29 = vector.broadcast %broadcast_in_dim3A_28 : i32 to vector<16xi32>
      tpu.vector_store_idx %arg7[%broadcast_in_dim3A_29, %add3A_19], %exp3A : memref<4x128xf32, #tpu.memory_space<vmem>>[vector<16xi32>, vector<16xi32>], vector<16xf32>,
      %broadcast_in_dim3A_30 = arith.constant 1 : i32
      %broadcast_in_dim3A_31 = vector.broadcast %broadcast_in_dim3A_30 : i32 to vector<16xi32>
      %gather3A_32 = tpu.vector_load_idx %arg6[%get3A_14, %broadcast_in_dim3A_31] : memref<10001x8xf32, #tpu.memory_space<vmem>>[vector<16xi32>, vector<16xi32>], vector<16xf32>,
      %broadcast_in_dim3A_33 = arith.constant 5 : i32
      %broadcast_in_dim3A_34 = vector.broadcast %broadcast_in_dim3A_33 : i32 to vector<16xi32>
      %gather3A_35 = tpu.vector_load_idx %arg6[%get3A_16, %broadcast_in_dim3A_34] : memref<10001x8xf32, #tpu.memory_space<vmem>>[vector<16xi32>, vector<16xi32>], vector<16xf32>,
      %add3A_36 = arith.addf %gather3A_32, %gather3A_35 : vector<16xf32>
      %mul3A_37 = arith.constant 2.000000e-01 : f32
      %mul3A_38 = vector.broadcast %mul3A_37 : f32 to vector<16xf32>
      %mul3A_39 = arith.mulf %mul3A_38, %add3A_36 : vector<16xf32>
      %max3A_40 = arith.maximumf %add3A_36, %mul3A_39 : vector<16xf32>
      %exp3A_41 = math.exp %max3A_40 : vector<16xf32>
      %broadcast_in_dim3A_42 = arith.constant 1 : i32
      %broadcast_in_dim3A_43 = vector.broadcast %broadcast_in_dim3A_42 : i32 to vector<16xi32>
      tpu.vector_store_idx %arg7[%broadcast_in_dim3A_43, %add3A_19], %exp3A_41 : memref<4x128xf32, #tpu.memory_space<vmem>>[vector<16xi32>, vector<16xi32>], vector<16xf32>,
      %broadcast_in_dim3A_44 = arith.constant 2 : i32
      %broadcast_in_dim3A_45 = vector.broadcast %broadcast_in_dim3A_44 : i32 to vector<16xi32>
      %gather3A_46 = tpu.vector_load_idx %arg6[%get3A_14, %broadcast_in_dim3A_45] : memref<10001x8xf32, #tpu.memory_space<vmem>>[vector<16xi32>, vector<16xi32>], vector<16xf32>,
      %broadcast_in_dim3A_47 = arith.constant 6 : i32
      %broadcast_in_dim3A_48 = vector.broadcast %broadcast_in_dim3A_47 : i32 to vector<16xi32>
      %gather3A_49 = tpu.vector_load_idx %arg6[%get3A_16, %broadcast_in_dim3A_48] : memref<10001x8xf32, #tpu.memory_space<vmem>>[vector<16xi32>, vector<16xi32>], vector<16xf32>,
      %add3A_50 = arith.addf %gather3A_46, %gather3A_49 : vector<16xf32>
      %mul3A_51 = arith.constant 2.000000e-01 : f32
      %mul3A_52 = vector.broadcast %mul3A_51 : f32 to vector<16xf32>
      %mul3A_53 = arith.mulf %mul3A_52, %add3A_50 : vector<16xf32>
      %max3A_54 = arith.maximumf %add3A_50, %mul3A_53 : vector<16xf32>
      %exp3A_55 = math.exp %max3A_54 : vector<16xf32>
      %broadcast_in_dim3A_56 = arith.constant 2 : i32
      %broadcast_in_dim3A_57 = vector.broadcast %broadcast_in_dim3A_56 : i32 to vector<16xi32>
      tpu.vector_store_idx %arg7[%broadcast_in_dim3A_57, %add3A_19], %exp3A_55 : memref<4x128xf32, #tpu.memory_space<vmem>>[vector<16xi32>, vector<16xi32>], vector<16xf32>,
      %broadcast_in_dim3A_58 = arith.constant 3 : i32
      %broadcast_in_dim3A_59 = vector.broadcast %broadcast_in_dim3A_58 : i32 to vector<16xi32>
      %gather3A_60 = tpu.vector_load_idx %arg6[%get3A_14, %broadcast_in_dim3A_59] : memref<10001x8xf32, #tpu.memory_space<vmem>>[vector<16xi32>, vector<16xi32>], vector<16xf32>,
      %broadcast_in_dim3A_61 = arith.constant 7 : i32
      %broadcast_in_dim3A_62 = vector.broadcast %broadcast_in_dim3A_61 : i32 to vector<16xi32>
      %gather3A_63 = tpu.vector_load_idx %arg6[%get3A_16, %broadcast_in_dim3A_62] : memref<10001x8xf32, #tpu.memory_space<vmem>>[vector<16xi32>, vector<16xi32>], vector<16xf32>,
      %add3A_64 = arith.addf %gather3A_60, %gather3A_63 : vector<16xf32>
      %mul3A_65 = arith.constant 2.000000e-01 : f32
      %mul3A_66 = vector.broadcast %mul3A_65 : f32 to vector<16xf32>
      %mul3A_67 = arith.mulf %mul3A_66, %add3A_64 : vector<16xf32>
      %max3A_68 = arith.maximumf %add3A_64, %mul3A_67 : vector<16xf32>
      %exp3A_69 = math.exp %max3A_68 : vector<16xf32>
      %broadcast_in_dim3A_70 = arith.constant 3 : i32
      %broadcast_in_dim3A_71 = vector.broadcast %broadcast_in_dim3A_70 : i32 to vector<16xi32>
      tpu.vector_store_idx %arg7[%broadcast_in_dim3A_71, %add3A_19], %exp3A_69 : memref<4x128xf32, #tpu.memory_space<vmem>>[vector<16xi32>, vector<16xi32>], vector<16xf32>,
      %get3A_72 = arith.constant 16 : index
      %get3A_73 = tpu.vector_load %arg8[%get3A_72] {strides = array<i32>} : memref<128xi32, #tpu.memory_space<vmem>>, vector<16xi32>,
      %get3A_74 = arith.constant 16 : index
      %get3A_75 = tpu.vector_load %arg9[%get3A_74] {strides = array<i32>} : memref<128xi32, #tpu.memory_space<vmem>>, vector<16xi32>,
      %add3A_76 = arith.constant 16 : i32
      %add3A_77 = vector.broadcast %add3A_76 : i32 to vector<16xi32>
      %add3A_78 = arith.addi %iota3A, %add3A_77 : vector<16xi32>
      %broadcast_in_dim3A_79 = arith.constant 0 : i32
      %broadcast_in_dim3A_80 = vector.broadcast %broadcast_in_dim3A_79 : i32 to vector<16xi32>
      %gather3A_81 = tpu.vector_load_idx %arg6[%get3A_73, %broadcast_in_dim3A_80] : memref<10001x8xf32, #tpu.memory_space<vmem>>[vector<16xi32>, vector<16xi32>], vector<16xf32>,
      %broadcast_in_dim3A_82 = arith.constant 4 : i32
      %broadcast_in_dim3A_83 = vector.broadcast %broadcast_in_dim3A_82 : i32 to vector<16xi32>
      %gather3A_84 = tpu.vector_load_idx %arg6[%get3A_75, %broadcast_in_dim3A_83] : memref<10001x8xf32, #tpu.memory_space<vmem>>[vector<16xi32>, vector<16xi32>], vector<16xf32>,
      %add3A_85 = arith.addf %gather3A_81, %gather3A_84 : vector<16xf32>
      %mul3A_86 = arith.constant 2.000000e-01 : f32
      %mul3A_87 = vector.broadcast %mul3A_86 : f32 to vector<16xf32>
      %mul3A_88 = arith.mulf %mul3A_87, %add3A_85 : vector<16xf32>
      %max3A_89 = arith.maximumf %add3A_85, %mul3A_88 : vector<16xf32>
      %exp3A_90 = math.exp %max3A_89 : vector<16xf32>
      %broadcast_in_dim3A_91 = arith.constant 0 : i32
      %broadcast_in_dim3A_92 = vector.broadcast %broadcast_in_dim3A_91 : i32 to vector<16xi32>
      tpu.vector_store_idx %arg7[%broadcast_in_dim3A_92, %add3A_78], %exp3A_90 : memref<4x128xf32, #tpu.memory_space<vmem>>[vector<16xi32>, vector<16xi32>], vector<16xf32>,
      %broadcast_in_dim3A_93 = arith.constant 1 : i32
      %broadcast_in_dim3A_94 = vector.broadcast %broadcast_in_dim3A_93 : i32 to vector<16xi32>
      %gather3A_95 = tpu.vector_load_idx %arg6[%get3A_73, %broadcast_in_dim3A_94] : memref<10001x8xf32, #tpu.memory_space<vmem>>[vector<16xi32>, vector<16xi32>], vector<16xf32>,
      %broadcast_in_dim3A_96 = arith.constant 5 : i32
      %broadcast_in_dim3A_97 = vector.broadcast %broadcast_in_dim3A_96 : i32 to vector<16xi32>
      %gather3A_98 = tpu.vector_load_idx %arg6[%get3A_75, %broadcast_in_dim3A_97] : memref<10001x8xf32, #tpu.memory_space<vmem>>[vector<16xi32>, vector<16xi32>], vector<16xf32>,
      %add3A_99 = arith.addf %gather3A_95, %gather3A_98 : vector<16xf32>
      %mul3A_100 = arith.constant 2.000000e-01 : f32
      %mul3A_101 = vector.broadcast %mul3A_100 : f32 to vector<16xf32>
      %mul3A_102 = arith.mulf %mul3A_101, %add3A_99 : vector<16xf32>
      %max3A_103 = arith.maximumf %add3A_99, %mul3A_102 : vector<16xf32>
      %exp3A_104 = math.exp %max3A_103 : vector<16xf32>
      %broadcast_in_dim3A_105 = arith.constant 1 : i32
      %broadcast_in_dim3A_106 = vector.broadcast %broadcast_in_dim3A_105 : i32 to vector<16xi32>
      tpu.vector_store_idx %arg7[%broadcast_in_dim3A_106, %add3A_78], %exp3A_104 : memref<4x128xf32, #tpu.memory_space<vmem>>[vector<16xi32>, vector<16xi32>], vector<16xf32>,
      %broadcast_in_dim3A_107 = arith.constant 2 : i32
      %broadcast_in_dim3A_108 = vector.broadcast %broadcast_in_dim3A_107 : i32 to vector<16xi32>
      %gather3A_109 = tpu.vector_load_idx %arg6[%get3A_73, %broadcast_in_dim3A_108] : memref<10001x8xf32, #tpu.memory_space<vmem>>[vector<16xi32>, vector<16xi32>], vector<16xf32>,
      %broadcast_in_dim3A_110 = arith.constant 6 : i32
      %broadcast_in_dim3A_111 = vector.broadcast %broadcast_in_dim3A_110 : i32 to vector<16xi32>
      %gather3A_112 = tpu.vector_load_idx %arg6[%get3A_75, %broadcast_in_dim3A_111] : memref<10001x8xf32, #tpu.memory_space<vmem>>[vector<16xi32>, vector<16xi32>], vector<16xf32>,
      %add3A_113 = arith.addf %gather3A_109, %gather3A_112 : vector<16xf32>
      %mul3A_114 = arith.constant 2.000000e-01 : f32
      %mul3A_115 = vector.broadcast %mul3A_114 : f32 to vector<16xf32>
      %mul3A_116 = arith.mulf %mul3A_115, %add3A_113 : vector<16xf32>
      %max3A_117 = arith.maximumf %add3A_113, %mul3A_116 : vector<16xf32>
      %exp3A_118 = math.exp %max3A_117 : vector<16xf32>
      %broadcast_in_dim3A_119 = arith.constant 2 : i32
      %broadcast_in_dim3A_120 = vector.broadcast %broadcast_in_dim3A_119 : i32 to vector<16xi32>
      tpu.vector_store_idx %arg7[%broadcast_in_dim3A_120, %add3A_78], %exp3A_118 : memref<4x128xf32, #tpu.memory_space<vmem>>[vector<16xi32>, vector<16xi32>], vector<16xf32>,
      %broadcast_in_dim3A_121 = arith.constant 3 : i32
      %broadcast_in_dim3A_122 = vector.broadcast %broadcast_in_dim3A_121 : i32 to vector<16xi32>
      %gather3A_123 = tpu.vector_load_idx %arg6[%get3A_73, %broadcast_in_dim3A_122] : memref<10001x8xf32, #tpu.memory_space<vmem>>[vector<16xi32>, vector<16xi32>], vector<16xf32>,
      %broadcast_in_dim3A_124 = arith.constant 7 : i32
      %broadcast_in_dim3A_125 = vector.broadcast %broadcast_in_dim3A_124 : i32 to vector<16xi32>
      %gather3A_126 = tpu.vector_load_idx %arg6[%get3A_75, %broadcast_in_dim3A_125] : memref<10001x8xf32, #tpu.memory_space<vmem>>[vector<16xi32>, vector<16xi32>], vector<16xf32>,
      %add3A_127 = arith.addf %gather3A_123, %gather3A_126 : vector<16xf32>
      %mul3A_128 = arith.constant 2.000000e-01 : f32
      %mul3A_129 = vector.broadcast %mul3A_128 : f32 to vector<16xf32>
      %mul3A_130 = arith.mulf %mul3A_129, %add3A_127 : vector<16xf32>
      %max3A_131 = arith.maximumf %add3A_127, %mul3A_130 : vector<16xf32>
      %exp3A_132 = math.exp %max3A_131 : vector<16xf32>
      %broadcast_in_dim3A_133 = arith.constant 3 : i32
      %broadcast_in_dim3A_134 = vector.broadcast %broadcast_in_dim3A_133 : i32 to vector<16xi32>
      tpu.vector_store_idx %arg7[%broadcast_in_dim3A_134, %add3A_78], %exp3A_132 : memref<4x128xf32, #tpu.memory_space<vmem>>[vector<16xi32>, vector<16xi32>], vector<16xf32>,
      %get3A_135 = arith.constant 32 : index
      %get3A_136 = tpu.vector_load %arg8[%get3A_135] {strides = array<i32>} : memref<128xi32, #tpu.memory_space<vmem>>, vector<16xi32>,
      %get3A_137 = arith.constant 32 : index
      %get3A_138 = tpu.vector_load %arg9[%get3A_137] {strides = array<i32>} : memref<128xi32, #tpu.memory_space<vmem>>, vector<16xi32>,
      %add3A_139 = arith.constant 32 : i32
      %add3A_140 = vector.broadcast %add3A_139 : i32 to vector<16xi32>
      %add3A_141 = arith.addi %iota3A, %add3A_140 : vector<16xi32>
      %broadcast_in_dim3A_142 = arith.constant 0 : i32
      %broadcast_in_dim3A_143 = vector.broadcast %broadcast_in_dim3A_142 : i32 to vector<16xi32>
      %gather3A_144 = tpu.vector_load_idx %arg6[%get3A_136, %broadcast_in_dim3A_143] : memref<10001x8xf32, #tpu.memory_space<vmem>>[vector<16xi32>, vector<16xi32>], vector<16xf32>,
      %broadcast_in_dim3A_145 = arith.constant 4 : i32
      %broadcast_in_dim3A_146 = vector.broadcast %broadcast_in_dim3A_145 : i32 to vector<16xi32>
      %gather3A_147 = tpu.vector_load_idx %arg6[%get3A_138, %broadcast_in_dim3A_146] : memref<10001x8xf32, #tpu.memory_space<vmem>>[vector<16xi32>, vector<16xi32>], vector<16xf32>,
      %add3A_148 = arith.addf %gather3A_144, %gather3A_147 : vector<16xf32>
      %mul3A_149 = arith.constant 2.000000e-01 : f32
      %mul3A_150 = vector.broadcast %mul3A_149 : f32 to vector<16xf32>
      %mul3A_151 = arith.mulf %mul3A_150, %add3A_148 : vector<16xf32>
      %max3A_152 = arith.maximumf %add3A_148, %mul3A_151 : vector<16xf32>
      %exp3A_153 = math.exp %max3A_152 : vector<16xf32>
      %broadcast_in_dim3A_154 = arith.constant 0 : i32
      %broadcast_in_dim3A_155 = vector.broadcast %broadcast_in_dim3A_154 : i32 to vector<16xi32>
      tpu.vector_store_idx %arg7[%broadcast_in_dim3A_155, %add3A_141], %exp3A_153 : memref<4x128xf32, #tpu.memory_space<vmem>>[vector<16xi32>, vector<16xi32>], vector<16xf32>,
      %broadcast_in_dim3A_156 = arith.constant 1 : i32
      %broadcast_in_dim3A_157 = vector.broadcast %broadcast_in_dim3A_156 : i32 to vector<16xi32>
      %gather3A_158 = tpu.vector_load_idx %arg6[%get3A_136, %broadcast_in_dim3A_157] : memref<10001x8xf32, #tpu.memory_space<vmem>>[vector<16xi32>, vector<16xi32>], vector<16xf32>,
      %broadcast_in_dim3A_159 = arith.constant 5 : i32
      %broadcast_in_dim3A_160 = vector.broadcast %broadcast_in_dim3A_159 : i32 to vector<16xi32>
      %gather3A_161 = tpu.vector_load_idx %arg6[%get3A_138, %broadcast_in_dim3A_160] : memref<10001x8xf32, #tpu.memory_space<vmem>>[vector<16xi32>, vector<16xi32>], vector<16xf32>,
      %add3A_162 = arith.addf %gather3A_158, %gather3A_161 : vector<16xf32>
      %mul3A_163 = arith.constant 2.000000e-01 : f32
      %mul3A_164 = vector.broadcast %mul3A_163 : f32 to vector<16xf32>
      %mul3A_165 = arith.mulf %mul3A_164, %add3A_162 : vector<16xf32>
      %max3A_166 = arith.maximumf %add3A_162, %mul3A_165 : vector<16xf32>
      %exp3A_167 = math.exp %max3A_166 : vector<16xf32>
      %broadcast_in_dim3A_168 = arith.constant 1 : i32
      %broadcast_in_dim3A_169 = vector.broadcast %broadcast_in_dim3A_168 : i32 to vector<16xi32>
      tpu.vector_store_idx %arg7[%broadcast_in_dim3A_169, %add3A_141], %exp3A_167 : memref<4x128xf32, #tpu.memory_space<vmem>>[vector<16xi32>, vector<16xi32>], vector<16xf32>,
      %broadcast_in_dim3A_170 = arith.constant 2 : i32
      %broadcast_in_dim3A_171 = vector.broadcast %broadcast_in_dim3A_170 : i32 to vector<16xi32>
      %gather3A_172 = tpu.vector_load_idx %arg6[%get3A_136, %broadcast_in_dim3A_171] : memref<10001x8xf32, #tpu.memory_space<vmem>>[vector<16xi32>, vector<16xi32>], vector<16xf32>,
      %broadcast_in_dim3A_173 = arith.constant 6 : i32
      %broadcast_in_dim3A_174 = vector.broadcast %broadcast_in_dim3A_173 : i32 to vector<16xi32>
      %gather3A_175 = tpu.vector_load_idx %arg6[%get3A_138, %broadcast_in_dim3A_174] : memref<10001x8xf32, #tpu.memory_space<vmem>>[vector<16xi32>, vector<16xi32>], vector<16xf32>,
      %add3A_176 = arith.addf %gather3A_172, %gather3A_175 : vector<16xf32>
      %mul3A_177 = arith.constant 2.000000e-01 : f32
      %mul3A_178 = vector.broadcast %mul3A_177 : f32 to vector<16xf32>
      %mul3A_179 = arith.mulf %mul3A_178, %add3A_176 : vector<16xf32>
      %max3A_180 = arith.maximumf %add3A_176, %mul3A_179 : vector<16xf32>
      %exp3A_181 = math.exp %max3A_180 : vector<16xf32>
      %broadcast_in_dim3A_182 = arith.constant 2 : i32
      %broadcast_in_dim3A_183 = vector.broadcast %broadcast_in_dim3A_182 : i32 to vector<16xi32>
      tpu.vector_store_idx %arg7[%broadcast_in_dim3A_183, %add3A_141], %exp3A_181 : memref<4x128xf32, #tpu.memory_space<vmem>>[vector<16xi32>, vector<16xi32>], vector<16xf32>,
      %broadcast_in_dim3A_184 = arith.constant 3 : i32
      %broadcast_in_dim3A_185 = vector.broadcast %broadcast_in_dim3A_184 : i32 to vector<16xi32>
      %gather3A_186 = tpu.vector_load_idx %arg6[%get3A_136, %broadcast_in_dim3A_185] : memref<10001x8xf32, #tpu.memory_space<vmem>>[vector<16xi32>, vector<16xi32>], vector<16xf32>,
      %broadcast_in_dim3A_187 = arith.constant 7 : i32
      %broadcast_in_dim3A_188 = vector.broadcast %broadcast_in_dim3A_187 : i32 to vector<16xi32>
      %gather3A_189 = tpu.vector_load_idx %arg6[%get3A_138, %broadcast_in_dim3A_188] : memref<10001x8xf32, #tpu.memory_space<vmem>>[vector<16xi32>, vector<16xi32>], vector<16xf32>,
      %add3A_190 = arith.addf %gather3A_186, %gather3A_189 : vector<16xf32>
      %mul3A_191 = arith.constant 2.000000e-01 : f32
      %mul3A_192 = vector.broadcast %mul3A_191 : f32 to vector<16xf32>
      %mul3A_193 = arith.mulf %mul3A_192, %add3A_190 : vector<16xf32>
      %max3A_194 = arith.maximumf %add3A_190, %mul3A_193 : vector<16xf32>
      %exp3A_195 = math.exp %max3A_194 : vector<16xf32>
      %broadcast_in_dim3A_196 = arith.constant 3 : i32
      %broadcast_in_dim3A_197 = vector.broadcast %broadcast_in_dim3A_196 : i32 to vector<16xi32>
      tpu.vector_store_idx %arg7[%broadcast_in_dim3A_197, %add3A_141], %exp3A_195 : memref<4x128xf32, #tpu.memory_space<vmem>>[vector<16xi32>, vector<16xi32>], vector<16xf32>,
      %get3A_198 = arith.constant 48 : index
      %get3A_199 = tpu.vector_load %arg8[%get3A_198] {strides = array<i32>} : memref<128xi32, #tpu.memory_space<vmem>>, vector<16xi32>,
      %get3A_200 = arith.constant 48 : index
      %get3A_201 = tpu.vector_load %arg9[%get3A_200] {strides = array<i32>} : memref<128xi32, #tpu.memory_space<vmem>>, vector<16xi32>,
      %add3A_202 = arith.constant 48 : i32
      %add3A_203 = vector.broadcast %add3A_202 : i32 to vector<16xi32>
      %add3A_204 = arith.addi %iota3A, %add3A_203 : vector<16xi32>
      %broadcast_in_dim3A_205 = arith.constant 0 : i32
      %broadcast_in_dim3A_206 = vector.broadcast %broadcast_in_dim3A_205 : i32 to vector<16xi32>
      %gather3A_207 = tpu.vector_load_idx %arg6[%get3A_199, %broadcast_in_dim3A_206] : memref<10001x8xf32, #tpu.memory_space<vmem>>[vector<16xi32>, vector<16xi32>], vector<16xf32>,
      %broadcast_in_dim3A_208 = arith.constant 4 : i32
      %broadcast_in_dim3A_209 = vector.broadcast %broadcast_in_dim3A_208 : i32 to vector<16xi32>
      %gather3A_210 = tpu.vector_load_idx %arg6[%get3A_201, %broadcast_in_dim3A_209] : memref<10001x8xf32, #tpu.memory_space<vmem>>[vector<16xi32>, vector<16xi32>], vector<16xf32>,
      %add3A_211 = arith.addf %gather3A_207, %gather3A_210 : vector<16xf32>
      %mul3A_212 = arith.constant 2.000000e-01 : f32
      %mul3A_213 = vector.broadcast %mul3A_212 : f32 to vector<16xf32>
      %mul3A_214 = arith.mulf %mul3A_213, %add3A_211 : vector<16xf32>
      %max3A_215 = arith.maximumf %add3A_211, %mul3A_214 : vector<16xf32>
      %exp3A_216 = math.exp %max3A_215 : vector<16xf32>
      %broadcast_in_dim3A_217 = arith.constant 0 : i32
      %broadcast_in_dim3A_218 = vector.broadcast %broadcast_in_dim3A_217 : i32 to vector<16xi32>
      tpu.vector_store_idx %arg7[%broadcast_in_dim3A_218, %add3A_204], %exp3A_216 : memref<4x128xf32, #tpu.memory_space<vmem>>[vector<16xi32>, vector<16xi32>], vector<16xf32>,
      %broadcast_in_dim3A_219 = arith.constant 1 : i32
      %broadcast_in_dim3A_220 = vector.broadcast %broadcast_in_dim3A_219 : i32 to vector<16xi32>
      %gather3A_221 = tpu.vector_load_idx %arg6[%get3A_199, %broadcast_in_dim3A_220] : memref<10001x8xf32, #tpu.memory_space<vmem>>[vector<16xi32>, vector<16xi32>], vector<16xf32>,
      %broadcast_in_dim3A_222 = arith.constant 5 : i32
      %broadcast_in_dim3A_223 = vector.broadcast %broadcast_in_dim3A_222 : i32 to vector<16xi32>
      %gather3A_224 = tpu.vector_load_idx %arg6[%get3A_201, %broadcast_in_dim3A_223] : memref<10001x8xf32, #tpu.memory_space<vmem>>[vector<16xi32>, vector<16xi32>], vector<16xf32>,
      %add3A_225 = arith.addf %gather3A_221, %gather3A_224 : vector<16xf32>
      %mul3A_226 = arith.constant 2.000000e-01 : f32
      %mul3A_227 = vector.broadcast %mul3A_226 : f32 to vector<16xf32>
      %mul3A_228 = arith.mulf %mul3A_227, %add3A_225 : vector<16xf32>
      %max3A_229 = arith.maximumf %add3A_225, %mul3A_228 : vector<16xf32>
      %exp3A_230 = math.exp %max3A_229 : vector<16xf32>
      %broadcast_in_dim3A_231 = arith.constant 1 : i32
      %broadcast_in_dim3A_232 = vector.broadcast %broadcast_in_dim3A_231 : i32 to vector<16xi32>
      tpu.vector_store_idx %arg7[%broadcast_in_dim3A_232, %add3A_204], %exp3A_230 : memref<4x128xf32, #tpu.memory_space<vmem>>[vector<16xi32>, vector<16xi32>], vector<16xf32>,
      %broadcast_in_dim3A_233 = arith.constant 2 : i32
      %broadcast_in_dim3A_234 = vector.broadcast %broadcast_in_dim3A_233 : i32 to vector<16xi32>
      %gather3A_235 = tpu.vector_load_idx %arg6[%get3A_199, %broadcast_in_dim3A_234] : memref<10001x8xf32, #tpu.memory_space<vmem>>[vector<16xi32>, vector<16xi32>], vector<16xf32>,
      %broadcast_in_dim3A_236 = arith.constant 6 : i32
      %broadcast_in_dim3A_237 = vector.broadcast %broadcast_in_dim3A_236 : i32 to vector<16xi32>
      %gather3A_238 = tpu.vector_load_idx %arg6[%get3A_201, %broadcast_in_dim3A_237] : memref<10001x8xf32, #tpu.memory_space<vmem>>[vector<16xi32>, vector<16xi32>], vector<16xf32>,
      %add3A_239 = arith.addf %gather3A_235, %gather3A_238 : vector<16xf32>
      %mul3A_240 = arith.constant 2.000000e-01 : f32
      %mul3A_241 = vector.broadcast %mul3A_240 : f32 to vector<16xf32>
      %mul3A_242 = arith.mulf %mul3A_241, %add3A_239 : vector<16xf32>
      %max3A_243 = arith.maximumf %add3A_239, %mul3A_242 : vector<16xf32>
      %exp3A_244 = math.exp %max3A_243 : vector<16xf32>
      %broadcast_in_dim3A_245 = arith.constant 2 : i32
      %broadcast_in_dim3A_246 = vector.broadcast %broadcast_in_dim3A_245 : i32 to vector<16xi32>
      tpu.vector_store_idx %arg7[%broadcast_in_dim3A_246, %add3A_204], %exp3A_244 : memref<4x128xf32, #tpu.memory_space<vmem>>[vector<16xi32>, vector<16xi32>], vector<16xf32>,
      %broadcast_in_dim3A_247 = arith.constant 3 : i32
      %broadcast_in_dim3A_248 = vector.broadcast %broadcast_in_dim3A_247 : i32 to vector<16xi32>
      %gather3A_249 = tpu.vector_load_idx %arg6[%get3A_199, %broadcast_in_dim3A_248] : memref<10001x8xf32, #tpu.memory_space<vmem>>[vector<16xi32>, vector<16xi32>], vector<16xf32>,
      %broadcast_in_dim3A_250 = arith.constant 7 : i32
      %broadcast_in_dim3A_251 = vector.broadcast %broadcast_in_dim3A_250 : i32 to vector<16xi32>
      %gather3A_252 = tpu.vector_load_idx %arg6[%get3A_201, %broadcast_in_dim3A_251] : memref<10001x8xf32, #tpu.memory_space<vmem>>[vector<16xi32>, vector<16xi32>], vector<16xf32>,
      %add3A_253 = arith.addf %gather3A_249, %gather3A_252 : vector<16xf32>
      %mul3A_254 = arith.constant 2.000000e-01 : f32
      %mul3A_255 = vector.broadcast %mul3A_254 : f32 to vector<16xf32>
      %mul3A_256 = arith.mulf %mul3A_255, %add3A_253 : vector<16xf32>
      %max3A_257 = arith.maximumf %add3A_253, %mul3A_256 : vector<16xf32>
      %exp3A_258 = math.exp %max3A_257 : vector<16xf32>
      %broadcast_in_dim3A_259 = arith.constant 3 : i32
      %broadcast_in_dim3A_260 = vector.broadcast %broadcast_in_dim3A_259 : i32 to vector<16xi32>
      tpu.vector_store_idx %arg7[%broadcast_in_dim3A_260, %add3A_204], %exp3A_258 : memref<4x128xf32, #tpu.memory_space<vmem>>[vector<16xi32>, vector<16xi32>], vector<16xf32>,
      %get3A_261 = arith.constant 64 : index
      %get3A_262 = tpu.vector_load %arg8[%get3A_261] {strides = array<i32>} : memref<128xi32, #tpu.memory_space<vmem>>, vector<16xi32>,
      %get3A_263 = arith.constant 64 : index
      %get3A_264 = tpu.vector_load %arg9[%get3A_263] {strides = array<i32>} : memref<128xi32, #tpu.memory_space<vmem>>, vector<16xi32>,
      %add3A_265 = arith.constant 64 : i32
      %add3A_266 = vector.broadcast %add3A_265 : i32 to vector<16xi32>
      %add3A_267 = arith.addi %iota3A, %add3A_266 : vector<16xi32>
      %broadcast_in_dim3A_268 = arith.constant 0 : i32
      %broadcast_in_dim3A_269 = vector.broadcast %broadcast_in_dim3A_268 : i32 to vector<16xi32>
      %gather3A_270 = tpu.vector_load_idx %arg6[%get3A_262, %broadcast_in_dim3A_269] : memref<10001x8xf32, #tpu.memory_space<vmem>>[vector<16xi32>, vector<16xi32>], vector<16xf32>,
      %broadcast_in_dim3A_271 = arith.constant 4 : i32
      %broadcast_in_dim3A_272 = vector.broadcast %broadcast_in_dim3A_271 : i32 to vector<16xi32>
      %gather3A_273 = tpu.vector_load_idx %arg6[%get3A_264, %broadcast_in_dim3A_272] : memref<10001x8xf32, #tpu.memory_space<vmem>>[vector<16xi32>, vector<16xi32>], vector<16xf32>,
      %add3A_274 = arith.addf %gather3A_270, %gather3A_273 : vector<16xf32>
      %mul3A_275 = arith.constant 2.000000e-01 : f32
      %mul3A_276 = vector.broadcast %mul3A_275 : f32 to vector<16xf32>
      %mul3A_277 = arith.mulf %mul3A_276, %add3A_274 : vector<16xf32>
      %max3A_278 = arith.maximumf %add3A_274, %mul3A_277 : vector<16xf32>
      %exp3A_279 = math.exp %max3A_278 : vector<16xf32>
      %broadcast_in_dim3A_280 = arith.constant 0 : i32
      %broadcast_in_dim3A_281 = vector.broadcast %broadcast_in_dim3A_280 : i32 to vector<16xi32>
      tpu.vector_store_idx %arg7[%broadcast_in_dim3A_281, %add3A_267], %exp3A_279 : memref<4x128xf32, #tpu.memory_space<vmem>>[vector<16xi32>, vector<16xi32>], vector<16xf32>,
      %broadcast_in_dim3A_282 = arith.constant 1 : i32
      %broadcast_in_dim3A_283 = vector.broadcast %broadcast_in_dim3A_282 : i32 to vector<16xi32>
      %gather3A_284 = tpu.vector_load_idx %arg6[%get3A_262, %broadcast_in_dim3A_283] : memref<10001x8xf32, #tpu.memory_space<vmem>>[vector<16xi32>, vector<16xi32>], vector<16xf32>,
      %broadcast_in_dim3A_285 = arith.constant 5 : i32
      %broadcast_in_dim3A_286 = vector.broadcast %broadcast_in_dim3A_285 : i32 to vector<16xi32>
      %gather3A_287 = tpu.vector_load_idx %arg6[%get3A_264, %broadcast_in_dim3A_286] : memref<10001x8xf32, #tpu.memory_space<vmem>>[vector<16xi32>, vector<16xi32>], vector<16xf32>,
      %add3A_288 = arith.addf %gather3A_284, %gather3A_287 : vector<16xf32>
      %mul3A_289 = arith.constant 2.000000e-01 : f32
      %mul3A_290 = vector.broadcast %mul3A_289 : f32 to vector<16xf32>
      %mul3A_291 = arith.mulf %mul3A_290, %add3A_288 : vector<16xf32>
      %max3A_292 = arith.maximumf %add3A_288, %mul3A_291 : vector<16xf32>
      %exp3A_293 = math.exp %max3A_292 : vector<16xf32>
      %broadcast_in_dim3A_294 = arith.constant 1 : i32
      %broadcast_in_dim3A_295 = vector.broadcast %broadcast_in_dim3A_294 : i32 to vector<16xi32>
      tpu.vector_store_idx %arg7[%broadcast_in_dim3A_295, %add3A_267], %exp3A_293 : memref<4x128xf32, #tpu.memory_space<vmem>>[vector<16xi32>, vector<16xi32>], vector<16xf32>,
      %broadcast_in_dim3A_296 = arith.constant 2 : i32
      %broadcast_in_dim3A_297 = vector.broadcast %broadcast_in_dim3A_296 : i32 to vector<16xi32>
      %gather3A_298 = tpu.vector_load_idx %arg6[%get3A_262, %broadcast_in_dim3A_297] : memref<10001x8xf32, #tpu.memory_space<vmem>>[vector<16xi32>, vector<16xi32>], vector<16xf32>,
      %broadcast_in_dim3A_299 = arith.constant 6 : i32
      %broadcast_in_dim3A_300 = vector.broadcast %broadcast_in_dim3A_299 : i32 to vector<16xi32>
      %gather3A_301 = tpu.vector_load_idx %arg6[%get3A_264, %broadcast_in_dim3A_300] : memref<10001x8xf32, #tpu.memory_space<vmem>>[vector<16xi32>, vector<16xi32>], vector<16xf32>,
      %add3A_302 = arith.addf %gather3A_298, %gather3A_301 : vector<16xf32>
      %mul3A_303 = arith.constant 2.000000e-01 : f32
      %mul3A_304 = vector.broadcast %mul3A_303 : f32 to vector<16xf32>
      %mul3A_305 = arith.mulf %mul3A_304, %add3A_302 : vector<16xf32>
      %max3A_306 = arith.maximumf %add3A_302, %mul3A_305 : vector<16xf32>
      %exp3A_307 = math.exp %max3A_306 : vector<16xf32>
      %broadcast_in_dim3A_308 = arith.constant 2 : i32
      %broadcast_in_dim3A_309 = vector.broadcast %broadcast_in_dim3A_308 : i32 to vector<16xi32>
      tpu.vector_store_idx %arg7[%broadcast_in_dim3A_309, %add3A_267], %exp3A_307 : memref<4x128xf32, #tpu.memory_space<vmem>>[vector<16xi32>, vector<16xi32>], vector<16xf32>,
      %broadcast_in_dim3A_310 = arith.constant 3 : i32
      %broadcast_in_dim3A_311 = vector.broadcast %broadcast_in_dim3A_310 : i32 to vector<16xi32>
      %gather3A_312 = tpu.vector_load_idx %arg6[%get3A_262, %broadcast_in_dim3A_311] : memref<10001x8xf32, #tpu.memory_space<vmem>>[vector<16xi32>, vector<16xi32>], vector<16xf32>,
      %broadcast_in_dim3A_313 = arith.constant 7 : i32
      %broadcast_in_dim3A_314 = vector.broadcast %broadcast_in_dim3A_313 : i32 to vector<16xi32>
      %gather3A_315 = tpu.vector_load_idx %arg6[%get3A_264, %broadcast_in_dim3A_314] : memref<10001x8xf32, #tpu.memory_space<vmem>>[vector<16xi32>, vector<16xi32>], vector<16xf32>,
      %add3A_316 = arith.addf %gather3A_312, %gather3A_315 : vector<16xf32>
      %mul3A_317 = arith.constant 2.000000e-01 : f32
      %mul3A_318 = vector.broadcast %mul3A_317 : f32 to vector<16xf32>
      %mul3A_319 = arith.mulf %mul3A_318, %add3A_316 : vector<16xf32>
      %max3A_320 = arith.maximumf %add3A_316, %mul3A_319 : vector<16xf32>
      %exp3A_321 = math.exp %max3A_320 : vector<16xf32>
      %broadcast_in_dim3A_322 = arith.constant 3 : i32
      %broadcast_in_dim3A_323 = vector.broadcast %broadcast_in_dim3A_322 : i32 to vector<16xi32>
      tpu.vector_store_idx %arg7[%broadcast_in_dim3A_323, %add3A_267], %exp3A_321 : memref<4x128xf32, #tpu.memory_space<vmem>>[vector<16xi32>, vector<16xi32>], vector<16xf32>,
      %get3A_324 = arith.constant 80 : index
      %get3A_325 = tpu.vector_load %arg8[%get3A_324] {strides = array<i32>} : memref<128xi32, #tpu.memory_space<vmem>>, vector<16xi32>,
      %get3A_326 = arith.constant 80 : index
      %get3A_327 = tpu.vector_load %arg9[%get3A_326] {strides = array<i32>} : memref<128xi32, #tpu.memory_space<vmem>>, vector<16xi32>,
      %add3A_328 = arith.constant 80 : i32
      %add3A_329 = vector.broadcast %add3A_328 : i32 to vector<16xi32>
      %add3A_330 = arith.addi %iota3A, %add3A_329 : vector<16xi32>
      %broadcast_in_dim3A_331 = arith.constant 0 : i32
      %broadcast_in_dim3A_332 = vector.broadcast %broadcast_in_dim3A_331 : i32 to vector<16xi32>
      %gather3A_333 = tpu.vector_load_idx %arg6[%get3A_325, %broadcast_in_dim3A_332] : memref<10001x8xf32, #tpu.memory_space<vmem>>[vector<16xi32>, vector<16xi32>], vector<16xf32>,
      %broadcast_in_dim3A_334 = arith.constant 4 : i32
      %broadcast_in_dim3A_335 = vector.broadcast %broadcast_in_dim3A_334 : i32 to vector<16xi32>
      %gather3A_336 = tpu.vector_load_idx %arg6[%get3A_327, %broadcast_in_dim3A_335] : memref<10001x8xf32, #tpu.memory_space<vmem>>[vector<16xi32>, vector<16xi32>], vector<16xf32>,
      %add3A_337 = arith.addf %gather3A_333, %gather3A_336 : vector<16xf32>
      %mul3A_338 = arith.constant 2.000000e-01 : f32
      %mul3A_339 = vector.broadcast %mul3A_338 : f32 to vector<16xf32>
      %mul3A_340 = arith.mulf %mul3A_339, %add3A_337 : vector<16xf32>
      %max3A_341 = arith.maximumf %add3A_337, %mul3A_340 : vector<16xf32>
      %exp3A_342 = math.exp %max3A_341 : vector<16xf32>
      %broadcast_in_dim3A_343 = arith.constant 0 : i32
      %broadcast_in_dim3A_344 = vector.broadcast %broadcast_in_dim3A_343 : i32 to vector<16xi32>
      tpu.vector_store_idx %arg7[%broadcast_in_dim3A_344, %add3A_330], %exp3A_342 : memref<4x128xf32, #tpu.memory_space<vmem>>[vector<16xi32>, vector<16xi32>], vector<16xf32>,
      %broadcast_in_dim3A_345 = arith.constant 1 : i32
      %broadcast_in_dim3A_346 = vector.broadcast %broadcast_in_dim3A_345 : i32 to vector<16xi32>
      %gather3A_347 = tpu.vector_load_idx %arg6[%get3A_325, %broadcast_in_dim3A_346] : memref<10001x8xf32, #tpu.memory_space<vmem>>[vector<16xi32>, vector<16xi32>], vector<16xf32>,
      %broadcast_in_dim3A_348 = arith.constant 5 : i32
      %broadcast_in_dim3A_349 = vector.broadcast %broadcast_in_dim3A_348 : i32 to vector<16xi32>
      %gather3A_350 = tpu.vector_load_idx %arg6[%get3A_327, %broadcast_in_dim3A_349] : memref<10001x8xf32, #tpu.memory_space<vmem>>[vector<16xi32>, vector<16xi32>], vector<16xf32>,
      %add3A_351 = arith.addf %gather3A_347, %gather3A_350 : vector<16xf32>
      %mul3A_352 = arith.constant 2.000000e-01 : f32
      %mul3A_353 = vector.broadcast %mul3A_352 : f32 to vector<16xf32>
      %mul3A_354 = arith.mulf %mul3A_353, %add3A_351 : vector<16xf32>
      %max3A_355 = arith.maximumf %add3A_351, %mul3A_354 : vector<16xf32>
      %exp3A_356 = math.exp %max3A_355 : vector<16xf32>
      %broadcast_in_dim3A_357 = arith.constant 1 : i32
      %broadcast_in_dim3A_358 = vector.broadcast %broadcast_in_dim3A_357 : i32 to vector<16xi32>
      tpu.vector_store_idx %arg7[%broadcast_in_dim3A_358, %add3A_330], %exp3A_356 : memref<4x128xf32, #tpu.memory_space<vmem>>[vector<16xi32>, vector<16xi32>], vector<16xf32>,
      %broadcast_in_dim3A_359 = arith.constant 2 : i32
      %broadcast_in_dim3A_360 = vector.broadcast %broadcast_in_dim3A_359 : i32 to vector<16xi32>
      %gather3A_361 = tpu.vector_load_idx %arg6[%get3A_325, %broadcast_in_dim3A_360] : memref<10001x8xf32, #tpu.memory_space<vmem>>[vector<16xi32>, vector<16xi32>], vector<16xf32>,
      %broadcast_in_dim3A_362 = arith.constant 6 : i32
      %broadcast_in_dim3A_363 = vector.broadcast %broadcast_in_dim3A_362 : i32 to vector<16xi32>
      %gather3A_364 = tpu.vector_load_idx %arg6[%get3A_327, %broadcast_in_dim3A_363] : memref<10001x8xf32, #tpu.memory_space<vmem>>[vector<16xi32>, vector<16xi32>], vector<16xf32>,
      %add3A_365 = arith.addf %gather3A_361, %gather3A_364 : vector<16xf32>
      %mul3A_366 = arith.constant 2.000000e-01 : f32
      %mul3A_367 = vector.broadcast %mul3A_366 : f32 to vector<16xf32>
      %mul3A_368 = arith.mulf %mul3A_367, %add3A_365 : vector<16xf32>
      %max3A_369 = arith.maximumf %add3A_365, %mul3A_368 : vector<16xf32>
      %exp3A_370 = math.exp %max3A_369 : vector<16xf32>
      %broadcast_in_dim3A_371 = arith.constant 2 : i32
      %broadcast_in_dim3A_372 = vector.broadcast %broadcast_in_dim3A_371 : i32 to vector<16xi32>
      tpu.vector_store_idx %arg7[%broadcast_in_dim3A_372, %add3A_330], %exp3A_370 : memref<4x128xf32, #tpu.memory_space<vmem>>[vector<16xi32>, vector<16xi32>], vector<16xf32>,
      %broadcast_in_dim3A_373 = arith.constant 3 : i32
      %broadcast_in_dim3A_374 = vector.broadcast %broadcast_in_dim3A_373 : i32 to vector<16xi32>
      %gather3A_375 = tpu.vector_load_idx %arg6[%get3A_325, %broadcast_in_dim3A_374] : memref<10001x8xf32, #tpu.memory_space<vmem>>[vector<16xi32>, vector<16xi32>], vector<16xf32>,
      %broadcast_in_dim3A_376 = arith.constant 7 : i32
      %broadcast_in_dim3A_377 = vector.broadcast %broadcast_in_dim3A_376 : i32 to vector<16xi32>
      %gather3A_378 = tpu.vector_load_idx %arg6[%get3A_327, %broadcast_in_dim3A_377] : memref<10001x8xf32, #tpu.memory_space<vmem>>[vector<16xi32>, vector<16xi32>], vector<16xf32>,
      %add3A_379 = arith.addf %gather3A_375, %gather3A_378 : vector<16xf32>
      %mul3A_380 = arith.constant 2.000000e-01 : f32
      %mul3A_381 = vector.broadcast %mul3A_380 : f32 to vector<16xf32>
      %mul3A_382 = arith.mulf %mul3A_381, %add3A_379 : vector<16xf32>
      %max3A_383 = arith.maximumf %add3A_379, %mul3A_382 : vector<16xf32>
      %exp3A_384 = math.exp %max3A_383 : vector<16xf32>
      %broadcast_in_dim3A_385 = arith.constant 3 : i32
      %broadcast_in_dim3A_386 = vector.broadcast %broadcast_in_dim3A_385 : i32 to vector<16xi32>
      tpu.vector_store_idx %arg7[%broadcast_in_dim3A_386, %add3A_330], %exp3A_384 : memref<4x128xf32, #tpu.memory_space<vmem>>[vector<16xi32>, vector<16xi32>], vector<16xf32>,
      %get3A_387 = arith.constant 96 : index
      %get3A_388 = tpu.vector_load %arg8[%get3A_387] {strides = array<i32>} : memref<128xi32, #tpu.memory_space<vmem>>, vector<16xi32>,
      %get3A_389 = arith.constant 96 : index
      %get3A_390 = tpu.vector_load %arg9[%get3A_389] {strides = array<i32>} : memref<128xi32, #tpu.memory_space<vmem>>, vector<16xi32>,
      %add3A_391 = arith.constant 96 : i32
      %add3A_392 = vector.broadcast %add3A_391 : i32 to vector<16xi32>
      %add3A_393 = arith.addi %iota3A, %add3A_392 : vector<16xi32>
      %broadcast_in_dim3A_394 = arith.constant 0 : i32
      %broadcast_in_dim3A_395 = vector.broadcast %broadcast_in_dim3A_394 : i32 to vector<16xi32>
      %gather3A_396 = tpu.vector_load_idx %arg6[%get3A_388, %broadcast_in_dim3A_395] : memref<10001x8xf32, #tpu.memory_space<vmem>>[vector<16xi32>, vector<16xi32>], vector<16xf32>,
      %broadcast_in_dim3A_397 = arith.constant 4 : i32
      %broadcast_in_dim3A_398 = vector.broadcast %broadcast_in_dim3A_397 : i32 to vector<16xi32>
      %gather3A_399 = tpu.vector_load_idx %arg6[%get3A_390, %broadcast_in_dim3A_398] : memref<10001x8xf32, #tpu.memory_space<vmem>>[vector<16xi32>, vector<16xi32>], vector<16xf32>,
      %add3A_400 = arith.addf %gather3A_396, %gather3A_399 : vector<16xf32>
      %mul3A_401 = arith.constant 2.000000e-01 : f32
      %mul3A_402 = vector.broadcast %mul3A_401 : f32 to vector<16xf32>
      %mul3A_403 = arith.mulf %mul3A_402, %add3A_400 : vector<16xf32>
      %max3A_404 = arith.maximumf %add3A_400, %mul3A_403 : vector<16xf32>
      %exp3A_405 = math.exp %max3A_404 : vector<16xf32>
      %broadcast_in_dim3A_406 = arith.constant 0 : i32
      %broadcast_in_dim3A_407 = vector.broadcast %broadcast_in_dim3A_406 : i32 to vector<16xi32>
      tpu.vector_store_idx %arg7[%broadcast_in_dim3A_407, %add3A_393], %exp3A_405 : memref<4x128xf32, #tpu.memory_space<vmem>>[vector<16xi32>, vector<16xi32>], vector<16xf32>,
      %broadcast_in_dim3A_408 = arith.constant 1 : i32
      %broadcast_in_dim3A_409 = vector.broadcast %broadcast_in_dim3A_408 : i32 to vector<16xi32>
      %gather3A_410 = tpu.vector_load_idx %arg6[%get3A_388, %broadcast_in_dim3A_409] : memref<10001x8xf32, #tpu.memory_space<vmem>>[vector<16xi32>, vector<16xi32>], vector<16xf32>,
      %broadcast_in_dim3A_411 = arith.constant 5 : i32
      %broadcast_in_dim3A_412 = vector.broadcast %broadcast_in_dim3A_411 : i32 to vector<16xi32>
      %gather3A_413 = tpu.vector_load_idx %arg6[%get3A_390, %broadcast_in_dim3A_412] : memref<10001x8xf32, #tpu.memory_space<vmem>>[vector<16xi32>, vector<16xi32>], vector<16xf32>,
      %add3A_414 = arith.addf %gather3A_410, %gather3A_413 : vector<16xf32>
      %mul3A_415 = arith.constant 2.000000e-01 : f32
      %mul3A_416 = vector.broadcast %mul3A_415 : f32 to vector<16xf32>
      %mul3A_417 = arith.mulf %mul3A_416, %add3A_414 : vector<16xf32>
      %max3A_418 = arith.maximumf %add3A_414, %mul3A_417 : vector<16xf32>
      %exp3A_419 = math.exp %max3A_418 : vector<16xf32>
      %broadcast_in_dim3A_420 = arith.constant 1 : i32
      %broadcast_in_dim3A_421 = vector.broadcast %broadcast_in_dim3A_420 : i32 to vector<16xi32>
      tpu.vector_store_idx %arg7[%broadcast_in_dim3A_421, %add3A_393], %exp3A_419 : memref<4x128xf32, #tpu.memory_space<vmem>>[vector<16xi32>, vector<16xi32>], vector<16xf32>,
      %broadcast_in_dim3A_422 = arith.constant 2 : i32
      %broadcast_in_dim3A_423 = vector.broadcast %broadcast_in_dim3A_422 : i32 to vector<16xi32>
      %gather3A_424 = tpu.vector_load_idx %arg6[%get3A_388, %broadcast_in_dim3A_423] : memref<10001x8xf32, #tpu.memory_space<vmem>>[vector<16xi32>, vector<16xi32>], vector<16xf32>,
      %broadcast_in_dim3A_425 = arith.constant 6 : i32
      %broadcast_in_dim3A_426 = vector.broadcast %broadcast_in_dim3A_425 : i32 to vector<16xi32>
      %gather3A_427 = tpu.vector_load_idx %arg6[%get3A_390, %broadcast_in_dim3A_426] : memref<10001x8xf32, #tpu.memory_space<vmem>>[vector<16xi32>, vector<16xi32>], vector<16xf32>,
      %add3A_428 = arith.addf %gather3A_424, %gather3A_427 : vector<16xf32>
      %mul3A_429 = arith.constant 2.000000e-01 : f32
      %mul3A_430 = vector.broadcast %mul3A_429 : f32 to vector<16xf32>
      %mul3A_431 = arith.mulf %mul3A_430, %add3A_428 : vector<16xf32>
      %max3A_432 = arith.maximumf %add3A_428, %mul3A_431 : vector<16xf32>
      %exp3A_433 = math.exp %max3A_432 : vector<16xf32>
      %broadcast_in_dim3A_434 = arith.constant 2 : i32
      %broadcast_in_dim3A_435 = vector.broadcast %broadcast_in_dim3A_434 : i32 to vector<16xi32>
      tpu.vector_store_idx %arg7[%broadcast_in_dim3A_435, %add3A_393], %exp3A_433 : memref<4x128xf32, #tpu.memory_space<vmem>>[vector<16xi32>, vector<16xi32>], vector<16xf32>,
      %broadcast_in_dim3A_436 = arith.constant 3 : i32
      %broadcast_in_dim3A_437 = vector.broadcast %broadcast_in_dim3A_436 : i32 to vector<16xi32>
      %gather3A_438 = tpu.vector_load_idx %arg6[%get3A_388, %broadcast_in_dim3A_437] : memref<10001x8xf32, #tpu.memory_space<vmem>>[vector<16xi32>, vector<16xi32>], vector<16xf32>,
      %broadcast_in_dim3A_439 = arith.constant 7 : i32
      %broadcast_in_dim3A_440 = vector.broadcast %broadcast_in_dim3A_439 : i32 to vector<16xi32>
      %gather3A_441 = tpu.vector_load_idx %arg6[%get3A_390, %broadcast_in_dim3A_440] : memref<10001x8xf32, #tpu.memory_space<vmem>>[vector<16xi32>, vector<16xi32>], vector<16xf32>,
      %add3A_442 = arith.addf %gather3A_438, %gather3A_441 : vector<16xf32>
      %mul3A_443 = arith.constant 2.000000e-01 : f32
      %mul3A_444 = vector.broadcast %mul3A_443 : f32 to vector<16xf32>
      %mul3A_445 = arith.mulf %mul3A_444, %add3A_442 : vector<16xf32>
      %max3A_446 = arith.maximumf %add3A_442, %mul3A_445 : vector<16xf32>
      %exp3A_447 = math.exp %max3A_446 : vector<16xf32>
      %broadcast_in_dim3A_448 = arith.constant 3 : i32
      %broadcast_in_dim3A_449 = vector.broadcast %broadcast_in_dim3A_448 : i32 to vector<16xi32>
      tpu.vector_store_idx %arg7[%broadcast_in_dim3A_449, %add3A_393], %exp3A_447 : memref<4x128xf32, #tpu.memory_space<vmem>>[vector<16xi32>, vector<16xi32>], vector<16xf32>,
      %get3A_450 = arith.constant 112 : index
      %get3A_451 = tpu.vector_load %arg8[%get3A_450] {strides = array<i32>} : memref<128xi32, #tpu.memory_space<vmem>>, vector<16xi32>,
      %get3A_452 = arith.constant 112 : index
      %get3A_453 = tpu.vector_load %arg9[%get3A_452] {strides = array<i32>} : memref<128xi32, #tpu.memory_space<vmem>>, vector<16xi32>,
      %add3A_454 = arith.constant 112 : i32
      %add3A_455 = vector.broadcast %add3A_454 : i32 to vector<16xi32>
      %add3A_456 = arith.addi %iota3A, %add3A_455 : vector<16xi32>
      %broadcast_in_dim3A_457 = arith.constant 0 : i32
      %broadcast_in_dim3A_458 = vector.broadcast %broadcast_in_dim3A_457 : i32 to vector<16xi32>
      %gather3A_459 = tpu.vector_load_idx %arg6[%get3A_451, %broadcast_in_dim3A_458] : memref<10001x8xf32, #tpu.memory_space<vmem>>[vector<16xi32>, vector<16xi32>], vector<16xf32>,
      %broadcast_in_dim3A_460 = arith.constant 4 : i32
      %broadcast_in_dim3A_461 = vector.broadcast %broadcast_in_dim3A_460 : i32 to vector<16xi32>
      %gather3A_462 = tpu.vector_load_idx %arg6[%get3A_453, %broadcast_in_dim3A_461] : memref<10001x8xf32, #tpu.memory_space<vmem>>[vector<16xi32>, vector<16xi32>], vector<16xf32>,
      %add3A_463 = arith.addf %gather3A_459, %gather3A_462 : vector<16xf32>
      %mul3A_464 = arith.constant 2.000000e-01 : f32
      %mul3A_465 = vector.broadcast %mul3A_464 : f32 to vector<16xf32>
      %mul3A_466 = arith.mulf %mul3A_465, %add3A_463 : vector<16xf32>
      %max3A_467 = arith.maximumf %add3A_463, %mul3A_466 : vector<16xf32>
      %exp3A_468 = math.exp %max3A_467 : vector<16xf32>
      %broadcast_in_dim3A_469 = arith.constant 0 : i32
      %broadcast_in_dim3A_470 = vector.broadcast %broadcast_in_dim3A_469 : i32 to vector<16xi32>
      tpu.vector_store_idx %arg7[%broadcast_in_dim3A_470, %add3A_456], %exp3A_468 : memref<4x128xf32, #tpu.memory_space<vmem>>[vector<16xi32>, vector<16xi32>], vector<16xf32>,
      %broadcast_in_dim3A_471 = arith.constant 1 : i32
      %broadcast_in_dim3A_472 = vector.broadcast %broadcast_in_dim3A_471 : i32 to vector<16xi32>
      %gather3A_473 = tpu.vector_load_idx %arg6[%get3A_451, %broadcast_in_dim3A_472] : memref<10001x8xf32, #tpu.memory_space<vmem>>[vector<16xi32>, vector<16xi32>], vector<16xf32>,
      %broadcast_in_dim3A_474 = arith.constant 5 : i32
      %broadcast_in_dim3A_475 = vector.broadcast %broadcast_in_dim3A_474 : i32 to vector<16xi32>
      %gather3A_476 = tpu.vector_load_idx %arg6[%get3A_453, %broadcast_in_dim3A_475] : memref<10001x8xf32, #tpu.memory_space<vmem>>[vector<16xi32>, vector<16xi32>], vector<16xf32>,
      %add3A_477 = arith.addf %gather3A_473, %gather3A_476 : vector<16xf32>
      %mul3A_478 = arith.constant 2.000000e-01 : f32
      %mul3A_479 = vector.broadcast %mul3A_478 : f32 to vector<16xf32>
      %mul3A_480 = arith.mulf %mul3A_479, %add3A_477 : vector<16xf32>
      %max3A_481 = arith.maximumf %add3A_477, %mul3A_480 : vector<16xf32>
      %exp3A_482 = math.exp %max3A_481 : vector<16xf32>
      %broadcast_in_dim3A_483 = arith.constant 1 : i32
      %broadcast_in_dim3A_484 = vector.broadcast %broadcast_in_dim3A_483 : i32 to vector<16xi32>
      tpu.vector_store_idx %arg7[%broadcast_in_dim3A_484, %add3A_456], %exp3A_482 : memref<4x128xf32, #tpu.memory_space<vmem>>[vector<16xi32>, vector<16xi32>], vector<16xf32>,
      %broadcast_in_dim3A_485 = arith.constant 2 : i32
      %broadcast_in_dim3A_486 = vector.broadcast %broadcast_in_dim3A_485 : i32 to vector<16xi32>
      %gather3A_487 = tpu.vector_load_idx %arg6[%get3A_451, %broadcast_in_dim3A_486] : memref<10001x8xf32, #tpu.memory_space<vmem>>[vector<16xi32>, vector<16xi32>], vector<16xf32>,
      %broadcast_in_dim3A_488 = arith.constant 6 : i32
      %broadcast_in_dim3A_489 = vector.broadcast %broadcast_in_dim3A_488 : i32 to vector<16xi32>
      %gather3A_490 = tpu.vector_load_idx %arg6[%get3A_453, %broadcast_in_dim3A_489] : memref<10001x8xf32, #tpu.memory_space<vmem>>[vector<16xi32>, vector<16xi32>], vector<16xf32>,
      %add3A_491 = arith.addf %gather3A_487, %gather3A_490 : vector<16xf32>
      %mul3A_492 = arith.constant 2.000000e-01 : f32
      %mul3A_493 = vector.broadcast %mul3A_492 : f32 to vector<16xf32>
      %mul3A_494 = arith.mulf %mul3A_493, %add3A_491 : vector<16xf32>
      %max3A_495 = arith.maximumf %add3A_491, %mul3A_494 : vector<16xf32>
      %exp3A_496 = math.exp %max3A_495 : vector<16xf32>
      %broadcast_in_dim3A_497 = arith.constant 2 : i32
      %broadcast_in_dim3A_498 = vector.broadcast %broadcast_in_dim3A_497 : i32 to vector<16xi32>
      tpu.vector_store_idx %arg7[%broadcast_in_dim3A_498, %add3A_456], %exp3A_496 : memref<4x128xf32, #tpu.memory_space<vmem>>[vector<16xi32>, vector<16xi32>], vector<16xf32>,
      %broadcast_in_dim3A_499 = arith.constant 3 : i32
      %broadcast_in_dim3A_500 = vector.broadcast %broadcast_in_dim3A_499 : i32 to vector<16xi32>
      %gather3A_501 = tpu.vector_load_idx %arg6[%get3A_451, %broadcast_in_dim3A_500] : memref<10001x8xf32, #tpu.memory_space<vmem>>[vector<16xi32>, vector<16xi32>], vector<16xf32>,
      %broadcast_in_dim3A_502 = arith.constant 7 : i32
      %broadcast_in_dim3A_503 = vector.broadcast %broadcast_in_dim3A_502 : i32 to vector<16xi32>
      %gather3A_504 = tpu.vector_load_idx %arg6[%get3A_453, %broadcast_in_dim3A_503] : memref<10001x8xf32, #tpu.memory_space<vmem>>[vector<16xi32>, vector<16xi32>], vector<16xf32>,
      %add3A_505 = arith.addf %gather3A_501, %gather3A_504 : vector<16xf32>
      %mul3A_506 = arith.constant 2.000000e-01 : f32
      %mul3A_507 = vector.broadcast %mul3A_506 : f32 to vector<16xf32>
      %mul3A_508 = arith.mulf %mul3A_507, %add3A_505 : vector<16xf32>
      %max3A_509 = arith.maximumf %add3A_505, %mul3A_508 : vector<16xf32>
      %exp3A_510 = math.exp %max3A_509 : vector<16xf32>
      %broadcast_in_dim3A_511 = arith.constant 3 : i32
      %broadcast_in_dim3A_512 = vector.broadcast %broadcast_in_dim3A_511 : i32 to vector<16xi32>
      tpu.vector_store_idx %arg7[%broadcast_in_dim3A_512, %add3A_456], %exp3A_510 : memref<4x128xf32, #tpu.memory_space<vmem>>[vector<16xi32>, vector<16xi32>], vector<16xf32>,
      %run_scoped3A = arith.constant 0 : i32
      %run_scoped3A_513 = arith.constant 0 : i32
      "tpu.region"() ({
        %run_scoped3A_521 = tpu.sem_alloc : memref<!tpu.dma_semaphore, #tpu.memory_space<semaphore_mem>>
        %dma_start3A = arith.constant 0 : i32
        %dma_start3A_522 = tpu.memref_slice %arg7[%run_scoped3A, %dma_start3A] : memref<4x128xf32, #tpu.memory_space<vmem>> -> memref<1x128xf32, #tpu.memory_space<vmem>>
        %dma_start3A_523 = tpu.memref_squeeze %dma_start3A_522 : memref<1x128xf32, #tpu.memory_space<vmem>> -> memref<128xf32, #tpu.memory_space<vmem>>
        %dma_start3A_524 = tpu.memref_slice %arg5[%run_scoped3A_513, %add3A_13] : memref<4x331776xf32, #tpu.memory_space<hbm>> -> memref<1x128xf32, #tpu.memory_space<hbm>>
        %dma_start3A_525 = tpu.memref_squeeze %dma_start3A_524 : memref<1x128xf32, #tpu.memory_space<hbm>> -> memref<128xf32, #tpu.memory_space<hbm>>
        %dma_start3A_526 = tpu.memref_slice %arg5[%run_scoped3A_513, %add3A_13] : memref<4x331776xf32, #tpu.memory_space<hbm>> -> memref<1x128xf32, #tpu.memory_space<hbm>>
        %dma_start3A_527 = tpu.memref_squeeze %dma_start3A_526 : memref<1x128xf32, #tpu.memory_space<hbm>> -> memref<128xf32, #tpu.memory_space<hbm>>
        %dma_start3A_528 = arith.constant 0 : i32
        %dma_start3A_529 = tpu.memref_slice %arg7[%run_scoped3A, %dma_start3A_528] : memref<4x128xf32, #tpu.memory_space<vmem>> -> memref<1x128xf32, #tpu.memory_space<vmem>>
        %dma_start3A_530 = tpu.memref_squeeze %dma_start3A_529 : memref<1x128xf32, #tpu.memory_space<vmem>> -> memref<128xf32, #tpu.memory_space<vmem>>
        tpu.enqueue_dma source(%dma_start3A_530 : memref<128xf32, #tpu.memory_space<vmem>>) target(%dma_start3A_527 : memref<128xf32, #tpu.memory_space<hbm>>) target_semaphore(%run_scoped3A_521 : memref<!tpu.dma_semaphore, #tpu.memory_space<semaphore_mem>>)
        %dma_wait3A = arith.constant 0 : i32
        %dma_wait3A_531 = tpu.memref_slice %arg7[%run_scoped3A, %dma_wait3A] : memref<4x128xf32, #tpu.memory_space<vmem>> -> memref<1x128xf32, #tpu.memory_space<vmem>>
        %dma_wait3A_532 = tpu.memref_squeeze %dma_wait3A_531 : memref<1x128xf32, #tpu.memory_space<vmem>> -> memref<128xf32, #tpu.memory_space<vmem>>
        %dma_wait3A_533 = tpu.memref_slice %arg5[%run_scoped3A_513, %add3A_13] : memref<4x331776xf32, #tpu.memory_space<hbm>> -> memref<1x128xf32, #tpu.memory_space<hbm>>
        %dma_wait3A_534 = tpu.memref_squeeze %dma_wait3A_533 : memref<1x128xf32, #tpu.memory_space<hbm>> -> memref<128xf32, #tpu.memory_space<hbm>>
        %dma_wait3A_535 = tpu.memref_slice %arg5[%run_scoped3A_513, %add3A_13] : memref<4x331776xf32, #tpu.memory_space<hbm>> -> memref<1x128xf32, #tpu.memory_space<hbm>>
        %dma_wait3A_536 = tpu.memref_squeeze %dma_wait3A_535 : memref<1x128xf32, #tpu.memory_space<hbm>> -> memref<128xf32, #tpu.memory_space<hbm>>
        %dma_wait3A_537 = arith.constant 0 : i32
        %dma_wait3A_538 = tpu.memref_slice %arg7[%run_scoped3A, %dma_wait3A_537] : memref<4x128xf32, #tpu.memory_space<vmem>> -> memref<1x128xf32, #tpu.memory_space<vmem>>
        %dma_wait3A_539 = tpu.memref_squeeze %dma_wait3A_538 : memref<1x128xf32, #tpu.memory_space<vmem>> -> memref<128xf32, #tpu.memory_space<vmem>>
        tpu.wait_dma2 semaphore(%run_scoped3A_521 : memref<!tpu.dma_semaphore, #tpu.memory_space<semaphore_mem>>) src(%dma_wait3A_539 : memref<128xf32, #tpu.memory_space<vmem>>) dst(%dma_wait3A_536 : memref<128xf32, #tpu.memory_space<hbm>>)
        tpu.yield
      }) : () -> ()
      %run_scoped3A_514 = arith.constant 1 : i32
      %run_scoped3A_515 = arith.constant 1 : i32
      "tpu.region"() ({
        %run_scoped3A_521 = tpu.sem_alloc : memref<!tpu.dma_semaphore, #tpu.memory_space<semaphore_mem>>
        %dma_start3A = arith.constant 0 : i32
        %dma_start3A_522 = tpu.memref_slice %arg7[%run_scoped3A_514, %dma_start3A] : memref<4x128xf32, #tpu.memory_space<vmem>> -> memref<1x128xf32, #tpu.memory_space<vmem>>
        %dma_start3A_523 = tpu.memref_squeeze %dma_start3A_522 : memref<1x128xf32, #tpu.memory_space<vmem>> -> memref<128xf32, #tpu.memory_space<vmem>>
        %dma_start3A_524 = tpu.memref_slice %arg5[%run_scoped3A_515, %add3A_13] : memref<4x331776xf32, #tpu.memory_space<hbm>> -> memref<1x128xf32, #tpu.memory_space<hbm>>
        %dma_start3A_525 = tpu.memref_squeeze %dma_start3A_524 : memref<1x128xf32, #tpu.memory_space<hbm>> -> memref<128xf32, #tpu.memory_space<hbm>>
        %dma_start3A_526 = tpu.memref_slice %arg5[%run_scoped3A_515, %add3A_13] : memref<4x331776xf32, #tpu.memory_space<hbm>> -> memref<1x128xf32, #tpu.memory_space<hbm>>
        %dma_start3A_527 = tpu.memref_squeeze %dma_start3A_526 : memref<1x128xf32, #tpu.memory_space<hbm>> -> memref<128xf32, #tpu.memory_space<hbm>>
        %dma_start3A_528 = arith.constant 0 : i32
        %dma_start3A_529 = tpu.memref_slice %arg7[%run_scoped3A_514, %dma_start3A_528] : memref<4x128xf32, #tpu.memory_space<vmem>> -> memref<1x128xf32, #tpu.memory_space<vmem>>
        %dma_start3A_530 = tpu.memref_squeeze %dma_start3A_529 : memref<1x128xf32, #tpu.memory_space<vmem>> -> memref<128xf32, #tpu.memory_space<vmem>>
        tpu.enqueue_dma source(%dma_start3A_530 : memref<128xf32, #tpu.memory_space<vmem>>) target(%dma_start3A_527 : memref<128xf32, #tpu.memory_space<hbm>>) target_semaphore(%run_scoped3A_521 : memref<!tpu.dma_semaphore, #tpu.memory_space<semaphore_mem>>)
        %dma_wait3A = arith.constant 0 : i32
        %dma_wait3A_531 = tpu.memref_slice %arg7[%run_scoped3A_514, %dma_wait3A] : memref<4x128xf32, #tpu.memory_space<vmem>> -> memref<1x128xf32, #tpu.memory_space<vmem>>
        %dma_wait3A_532 = tpu.memref_squeeze %dma_wait3A_531 : memref<1x128xf32, #tpu.memory_space<vmem>> -> memref<128xf32, #tpu.memory_space<vmem>>
        %dma_wait3A_533 = tpu.memref_slice %arg5[%run_scoped3A_515, %add3A_13] : memref<4x331776xf32, #tpu.memory_space<hbm>> -> memref<1x128xf32, #tpu.memory_space<hbm>>
        %dma_wait3A_534 = tpu.memref_squeeze %dma_wait3A_533 : memref<1x128xf32, #tpu.memory_space<hbm>> -> memref<128xf32, #tpu.memory_space<hbm>>
        %dma_wait3A_535 = tpu.memref_slice %arg5[%run_scoped3A_515, %add3A_13] : memref<4x331776xf32, #tpu.memory_space<hbm>> -> memref<1x128xf32, #tpu.memory_space<hbm>>
        %dma_wait3A_536 = tpu.memref_squeeze %dma_wait3A_535 : memref<1x128xf32, #tpu.memory_space<hbm>> -> memref<128xf32, #tpu.memory_space<hbm>>
        %dma_wait3A_537 = arith.constant 0 : i32
        %dma_wait3A_538 = tpu.memref_slice %arg7[%run_scoped3A_514, %dma_wait3A_537] : memref<4x128xf32, #tpu.memory_space<vmem>> -> memref<1x128xf32, #tpu.memory_space<vmem>>
        %dma_wait3A_539 = tpu.memref_squeeze %dma_wait3A_538 : memref<1x128xf32, #tpu.memory_space<vmem>> -> memref<128xf32, #tpu.memory_space<vmem>>
        tpu.wait_dma2 semaphore(%run_scoped3A_521 : memref<!tpu.dma_semaphore, #tpu.memory_space<semaphore_mem>>) src(%dma_wait3A_539 : memref<128xf32, #tpu.memory_space<vmem>>) dst(%dma_wait3A_536 : memref<128xf32, #tpu.memory_space<hbm>>)
        tpu.yield
      }) : () -> ()
      %run_scoped3A_516 = arith.constant 2 : i32
      %run_scoped3A_517 = arith.constant 2 : i32
      "tpu.region"() ({
        %run_scoped3A_521 = tpu.sem_alloc : memref<!tpu.dma_semaphore, #tpu.memory_space<semaphore_mem>>
        %dma_start3A = arith.constant 0 : i32
        %dma_start3A_522 = tpu.memref_slice %arg7[%run_scoped3A_516, %dma_start3A] : memref<4x128xf32, #tpu.memory_space<vmem>> -> memref<1x128xf32, #tpu.memory_space<vmem>>
        %dma_start3A_523 = tpu.memref_squeeze %dma_start3A_522 : memref<1x128xf32, #tpu.memory_space<vmem>> -> memref<128xf32, #tpu.memory_space<vmem>>
        %dma_start3A_524 = tpu.memref_slice %arg5[%run_scoped3A_517, %add3A_13] : memref<4x331776xf32, #tpu.memory_space<hbm>> -> memref<1x128xf32, #tpu.memory_space<hbm>>
        %dma_start3A_525 = tpu.memref_squeeze %dma_start3A_524 : memref<1x128xf32, #tpu.memory_space<hbm>> -> memref<128xf32, #tpu.memory_space<hbm>>
        %dma_start3A_526 = tpu.memref_slice %arg5[%run_scoped3A_517, %add3A_13] : memref<4x331776xf32, #tpu.memory_space<hbm>> -> memref<1x128xf32, #tpu.memory_space<hbm>>
        %dma_start3A_527 = tpu.memref_squeeze %dma_start3A_526 : memref<1x128xf32, #tpu.memory_space<hbm>> -> memref<128xf32, #tpu.memory_space<hbm>>
        %dma_start3A_528 = arith.constant 0 : i32
        %dma_start3A_529 = tpu.memref_slice %arg7[%run_scoped3A_516, %dma_start3A_528] : memref<4x128xf32, #tpu.memory_space<vmem>> -> memref<1x128xf32, #tpu.memory_space<vmem>>
        %dma_start3A_530 = tpu.memref_squeeze %dma_start3A_529 : memref<1x128xf32, #tpu.memory_space<vmem>> -> memref<128xf32, #tpu.memory_space<vmem>>
        tpu.enqueue_dma source(%dma_start3A_530 : memref<128xf32, #tpu.memory_space<vmem>>) target(%dma_start3A_527 : memref<128xf32, #tpu.memory_space<hbm>>) target_semaphore(%run_scoped3A_521 : memref<!tpu.dma_semaphore, #tpu.memory_space<semaphore_mem>>)
        %dma_wait3A = arith.constant 0 : i32
        %dma_wait3A_531 = tpu.memref_slice %arg7[%run_scoped3A_516, %dma_wait3A] : memref<4x128xf32, #tpu.memory_space<vmem>> -> memref<1x128xf32, #tpu.memory_space<vmem>>
        %dma_wait3A_532 = tpu.memref_squeeze %dma_wait3A_531 : memref<1x128xf32, #tpu.memory_space<vmem>> -> memref<128xf32, #tpu.memory_space<vmem>>
        %dma_wait3A_533 = tpu.memref_slice %arg5[%run_scoped3A_517, %add3A_13] : memref<4x331776xf32, #tpu.memory_space<hbm>> -> memref<1x128xf32, #tpu.memory_space<hbm>>
        %dma_wait3A_534 = tpu.memref_squeeze %dma_wait3A_533 : memref<1x128xf32, #tpu.memory_space<hbm>> -> memref<128xf32, #tpu.memory_space<hbm>>
        %dma_wait3A_535 = tpu.memref_slice %arg5[%run_scoped3A_517, %add3A_13] : memref<4x331776xf32, #tpu.memory_space<hbm>> -> memref<1x128xf32, #tpu.memory_space<hbm>>
        %dma_wait3A_536 = tpu.memref_squeeze %dma_wait3A_535 : memref<1x128xf32, #tpu.memory_space<hbm>> -> memref<128xf32, #tpu.memory_space<hbm>>
        %dma_wait3A_537 = arith.constant 0 : i32
        %dma_wait3A_538 = tpu.memref_slice %arg7[%run_scoped3A_516, %dma_wait3A_537] : memref<4x128xf32, #tpu.memory_space<vmem>> -> memref<1x128xf32, #tpu.memory_space<vmem>>
        %dma_wait3A_539 = tpu.memref_squeeze %dma_wait3A_538 : memref<1x128xf32, #tpu.memory_space<vmem>> -> memref<128xf32, #tpu.memory_space<vmem>>
        tpu.wait_dma2 semaphore(%run_scoped3A_521 : memref<!tpu.dma_semaphore, #tpu.memory_space<semaphore_mem>>) src(%dma_wait3A_539 : memref<128xf32, #tpu.memory_space<vmem>>) dst(%dma_wait3A_536 : memref<128xf32, #tpu.memory_space<hbm>>)
        tpu.yield
      }) : () -> ()
      %run_scoped3A_518 = arith.constant 3 : i32
      %run_scoped3A_519 = arith.constant 3 : i32
      "tpu.region"() ({
        %run_scoped3A_521 = tpu.sem_alloc : memref<!tpu.dma_semaphore, #tpu.memory_space<semaphore_mem>>
        %dma_start3A = arith.constant 0 : i32
        %dma_start3A_522 = tpu.memref_slice %arg7[%run_scoped3A_518, %dma_start3A] : memref<4x128xf32, #tpu.memory_space<vmem>> -> memref<1x128xf32, #tpu.memory_space<vmem>>
        %dma_start3A_523 = tpu.memref_squeeze %dma_start3A_522 : memref<1x128xf32, #tpu.memory_space<vmem>> -> memref<128xf32, #tpu.memory_space<vmem>>
        %dma_start3A_524 = tpu.memref_slice %arg5[%run_scoped3A_519, %add3A_13] : memref<4x331776xf32, #tpu.memory_space<hbm>> -> memref<1x128xf32, #tpu.memory_space<hbm>>
        %dma_start3A_525 = tpu.memref_squeeze %dma_start3A_524 : memref<1x128xf32, #tpu.memory_space<hbm>> -> memref<128xf32, #tpu.memory_space<hbm>>
        %dma_start3A_526 = tpu.memref_slice %arg5[%run_scoped3A_519, %add3A_13] : memref<4x331776xf32, #tpu.memory_space<hbm>> -> memref<1x128xf32, #tpu.memory_space<hbm>>
        %dma_start3A_527 = tpu.memref_squeeze %dma_start3A_526 : memref<1x128xf32, #tpu.memory_space<hbm>> -> memref<128xf32, #tpu.memory_space<hbm>>
        %dma_start3A_528 = arith.constant 0 : i32
        %dma_start3A_529 = tpu.memref_slice %arg7[%run_scoped3A_518, %dma_start3A_528] : memref<4x128xf32, #tpu.memory_space<vmem>> -> memref<1x128xf32, #tpu.memory_space<vmem>>
        %dma_start3A_530 = tpu.memref_squeeze %dma_start3A_529 : memref<1x128xf32, #tpu.memory_space<vmem>> -> memref<128xf32, #tpu.memory_space<vmem>>
        tpu.enqueue_dma source(%dma_start3A_530 : memref<128xf32, #tpu.memory_space<vmem>>) target(%dma_start3A_527 : memref<128xf32, #tpu.memory_space<hbm>>) target_semaphore(%run_scoped3A_521 : memref<!tpu.dma_semaphore, #tpu.memory_space<semaphore_mem>>)
        %dma_wait3A = arith.constant 0 : i32
        %dma_wait3A_531 = tpu.memref_slice %arg7[%run_scoped3A_518, %dma_wait3A] : memref<4x128xf32, #tpu.memory_space<vmem>> -> memref<1x128xf32, #tpu.memory_space<vmem>>
        %dma_wait3A_532 = tpu.memref_squeeze %dma_wait3A_531 : memref<1x128xf32, #tpu.memory_space<vmem>> -> memref<128xf32, #tpu.memory_space<vmem>>
        %dma_wait3A_533 = tpu.memref_slice %arg5[%run_scoped3A_519, %add3A_13] : memref<4x331776xf32, #tpu.memory_space<hbm>> -> memref<1x128xf32, #tpu.memory_space<hbm>>
        %dma_wait3A_534 = tpu.memref_squeeze %dma_wait3A_533 : memref<1x128xf32, #tpu.memory_space<hbm>> -> memref<128xf32, #tpu.memory_space<hbm>>
        %dma_wait3A_535 = tpu.memref_slice %arg5[%run_scoped3A_519, %add3A_13] : memref<4x331776xf32, #tpu.memory_space<hbm>> -> memref<1x128xf32, #tpu.memory_space<hbm>>
        %dma_wait3A_536 = tpu.memref_squeeze %dma_wait3A_535 : memref<1x128xf32, #tpu.memory_space<hbm>> -> memref<128xf32, #tpu.memory_space<hbm>>
        %dma_wait3A_537 = arith.constant 0 : i32
        %dma_wait3A_538 = tpu.memref_slice %arg7[%run_scoped3A_518, %dma_wait3A_537] : memref<4x128xf32, #tpu.memory_space<vmem>> -> memref<1x128xf32, #tpu.memory_space<vmem>>
        %dma_wait3A_539 = tpu.memref_squeeze %dma_wait3A_538 : memref<1x128xf32, #tpu.memory_space<vmem>> -> memref<128xf32, #tpu.memory_space<vmem>>
        tpu.wait_dma2 semaphore(%run_scoped3A_521 : memref<!tpu.dma_semaphore, #tpu.memory_space<semaphore_mem>>) src(%dma_wait3A_539 : memref<128xf32, #tpu.memory_space<vmem>>) dst(%dma_wait3A_536 : memref<128xf32, #tpu.memory_space<hbm>>)
        tpu.yield
      }) : () -> ()
      %scan3A_520 = arith.constant 0 : i32
      scf.yield %scan3A_520 : i32
    }
    %scan3A_6 = arith.constant 81 : i32
    return
  }
}

#map = affine_map<(d0, d1) -> (0, 0)>
#map1 = affine_map<(d0, d1) -> (0)>
#map2 = affine_map<(d0, d1) -> (0, 0, 0)>
module attributes {stable_mosaic.version = 14 : i64} {
  func.func @body(%arg0: i32, %arg1: i32, %arg2: memref<20000x32xf32, #tpu.memory_space<hbm>>, %arg3: memref<1x331776xf32, #tpu.memory_space<hbm>>, %arg4: memref<331776xi32, #tpu.memory_space<hbm>>, %arg5: memref<331776xi32, #tpu.memory_space<hbm>>, %arg6: memref<2x10112x48xf32, #tpu.memory_space<hbm>>, %arg7: memref<10112x48xf32, #tpu.memory_space<vmem_shared>>, %arg8: memref<128x32xf32, #tpu.memory_space<vmem>>, %arg9: memref<128x48xf32, #tpu.memory_space<vmem>>, %arg10: memref<1x144xf32, #tpu.memory_space<vmem>>, %arg11: memref<128xi32, #tpu.memory_space<vmem>>, %arg12: memref<128xi32, #tpu.memory_space<vmem>>, %arg13: memref<128xi32, #tpu.memory_space<vmem>>, %arg14: memref<!tpu.dma_semaphore, #tpu.memory_space<semaphore_mem>>) attributes {dimension_semantics = [#tpu.dimension_semantics<core_parallel>, #tpu.dimension_semantics<subcore_parallel>], iteration_bounds = array<i64: 2, 16>, scalar_prefetch = 0 : i64, scratch_operands = 8 : i64, tpu.core_type = #tpu.core_type<sc_vector_subcore>, window_params = [{transform_indices = #map}, {transform_indices = #map}, {transform_indices = #map1}, {transform_indices = #map1}, {transform_indices = #map2}]} {
    %broadcast_in_dim3A = arith.constant 0.000000e+00 : f32
    %broadcast_in_dim3A_0 = vector.broadcast %broadcast_in_dim3A : f32 to vector<16xf32>
    %scan3A = arith.constant 0 : i32
    %scan3A_1 = arith.constant 0 : i32
    %scan3A_2 = arith.constant 128 : i32
    %scan3A_3 = arith.addi %scan3A_1, %scan3A_2 : i32
    %scan3A_4 = arith.constant 1 : i32
    %scan3A_5 = scf.for %scan3A_93 = %scan3A_1 to %scan3A_3 step %scan3A_4 iter_args(%scan3A_94 = %scan3A) -> (i32)  : i32 {
      %swap3A_95 = arith.index_cast %scan3A_93 : i32 to index
      %swap3A_96 = arith.constant 0 : index
      %swap3A_97 = tpu.vector_load %arg9[%swap3A_95, %swap3A_96] {strides = array<i32>} : memref<128x48xf32, #tpu.memory_space<vmem>>, vector<16xf32>,
      tpu.vector_store %arg9[%swap3A_95, %swap3A_96], %broadcast_in_dim3A_0 {strides = array<i32>} : memref<128x48xf32, #tpu.memory_space<vmem>>, vector<16xf32>,
      %swap3A_98 = arith.index_cast %scan3A_93 : i32 to index
      %swap3A_99 = arith.constant 16 : index
      %swap3A_100 = tpu.vector_load %arg9[%swap3A_98, %swap3A_99] {strides = array<i32>} : memref<128x48xf32, #tpu.memory_space<vmem>>, vector<16xf32>,
      tpu.vector_store %arg9[%swap3A_98, %swap3A_99], %broadcast_in_dim3A_0 {strides = array<i32>} : memref<128x48xf32, #tpu.memory_space<vmem>>, vector<16xf32>,
      %swap3A_101 = arith.index_cast %scan3A_93 : i32 to index
      %swap3A_102 = arith.constant 32 : index
      %swap3A_103 = tpu.vector_load %arg9[%swap3A_101, %swap3A_102] {strides = array<i32>} : memref<128x48xf32, #tpu.memory_space<vmem>>, vector<16xf32>,
      tpu.vector_store %arg9[%swap3A_101, %swap3A_102], %broadcast_in_dim3A_0 {strides = array<i32>} : memref<128x48xf32, #tpu.memory_space<vmem>>, vector<16xf32>,
      %scan3A_104 = arith.constant 0 : i32
      scf.yield %scan3A_104 : i32
    }
    %scan3A_6 = arith.constant 128 : i32
    %mul3A = arith.constant 632 : i32
    %mul3A_7 = arith.muli %arg1, %mul3A : i32
    %add3A = arith.constant 0 : i32
    %add3A_8 = arith.addi %mul3A_7, %add3A : i32
    "tpu.region"() ({
      %run_scoped3A = tpu.sem_alloc : memref<!tpu.dma_semaphore, #tpu.memory_space<semaphore_mem>>
      %dma_start3A_93 = arith.constant 0 : i32
      %dma_start3A_94 = tpu.memref_slice %arg7[%add3A_8, %dma_start3A_93] : memref<10112x48xf32, #tpu.memory_space<vmem_shared>> -> memref<128x48xf32, #tpu.memory_space<vmem_shared>>
      %dma_start3A_95 = arith.constant 0 : i32
      %dma_start3A_96 = tpu.memref_slice %arg7[%add3A_8, %dma_start3A_95] : memref<10112x48xf32, #tpu.memory_space<vmem_shared>> -> memref<128x48xf32, #tpu.memory_space<vmem_shared>>
      tpu.enqueue_dma source(%arg9 : memref<128x48xf32, #tpu.memory_space<vmem>>) target(%dma_start3A_96 : memref<128x48xf32, #tpu.memory_space<vmem_shared>>) target_semaphore(%run_scoped3A : memref<!tpu.dma_semaphore, #tpu.memory_space<semaphore_mem>>)
      %dma_wait3A = arith.constant 0 : i32
      %dma_wait3A_97 = tpu.memref_slice %arg7[%add3A_8, %dma_wait3A] : memref<10112x48xf32, #tpu.memory_space<vmem_shared>> -> memref<128x48xf32, #tpu.memory_space<vmem_shared>>
      %dma_wait3A_98 = arith.constant 0 : i32
      %dma_wait3A_99 = tpu.memref_slice %arg7[%add3A_8, %dma_wait3A_98] : memref<10112x48xf32, #tpu.memory_space<vmem_shared>> -> memref<128x48xf32, #tpu.memory_space<vmem_shared>>
      tpu.wait_dma2 semaphore(%run_scoped3A : memref<!tpu.dma_semaphore, #tpu.memory_space<semaphore_mem>>) src(%arg9 : memref<128x48xf32, #tpu.memory_space<vmem>>) dst(%dma_wait3A_99 : memref<128x48xf32, #tpu.memory_space<vmem_shared>>)
      tpu.yield
    }) : () -> ()
    %add3A_9 = arith.constant 128 : i32
    %add3A_10 = arith.addi %mul3A_7, %add3A_9 : i32
    "tpu.region"() ({
      %run_scoped3A = tpu.sem_alloc : memref<!tpu.dma_semaphore, #tpu.memory_space<semaphore_mem>>
      %dma_start3A_93 = arith.constant 0 : i32
      %dma_start3A_94 = tpu.memref_slice %arg7[%add3A_10, %dma_start3A_93] : memref<10112x48xf32, #tpu.memory_space<vmem_shared>> -> memref<128x48xf32, #tpu.memory_space<vmem_shared>>
      %dma_start3A_95 = arith.constant 0 : i32
      %dma_start3A_96 = tpu.memref_slice %arg7[%add3A_10, %dma_start3A_95] : memref<10112x48xf32, #tpu.memory_space<vmem_shared>> -> memref<128x48xf32, #tpu.memory_space<vmem_shared>>
      tpu.enqueue_dma source(%arg9 : memref<128x48xf32, #tpu.memory_space<vmem>>) target(%dma_start3A_96 : memref<128x48xf32, #tpu.memory_space<vmem_shared>>) target_semaphore(%run_scoped3A : memref<!tpu.dma_semaphore, #tpu.memory_space<semaphore_mem>>)
      %dma_wait3A = arith.constant 0 : i32
      %dma_wait3A_97 = tpu.memref_slice %arg7[%add3A_10, %dma_wait3A] : memref<10112x48xf32, #tpu.memory_space<vmem_shared>> -> memref<128x48xf32, #tpu.memory_space<vmem_shared>>
      %dma_wait3A_98 = arith.constant 0 : i32
      %dma_wait3A_99 = tpu.memref_slice %arg7[%add3A_10, %dma_wait3A_98] : memref<10112x48xf32, #tpu.memory_space<vmem_shared>> -> memref<128x48xf32, #tpu.memory_space<vmem_shared>>
      tpu.wait_dma2 semaphore(%run_scoped3A : memref<!tpu.dma_semaphore, #tpu.memory_space<semaphore_mem>>) src(%arg9 : memref<128x48xf32, #tpu.memory_space<vmem>>) dst(%dma_wait3A_99 : memref<128x48xf32, #tpu.memory_space<vmem_shared>>)
      tpu.yield
    }) : () -> ()
    %add3A_11 = arith.constant 256 : i32
    %add3A_12 = arith.addi %mul3A_7, %add3A_11 : i32
    "tpu.region"() ({
      %run_scoped3A = tpu.sem_alloc : memref<!tpu.dma_semaphore, #tpu.memory_space<semaphore_mem>>
      %dma_start3A_93 = arith.constant 0 : i32
      %dma_start3A_94 = tpu.memref_slice %arg7[%add3A_12, %dma_start3A_93] : memref<10112x48xf32, #tpu.memory_space<vmem_shared>> -> memref<128x48xf32, #tpu.memory_space<vmem_shared>>
      %dma_start3A_95 = arith.constant 0 : i32
      %dma_start3A_96 = tpu.memref_slice %arg7[%add3A_12, %dma_start3A_95] : memref<10112x48xf32, #tpu.memory_space<vmem_shared>> -> memref<128x48xf32, #tpu.memory_space<vmem_shared>>
      tpu.enqueue_dma source(%arg9 : memref<128x48xf32, #tpu.memory_space<vmem>>) target(%dma_start3A_96 : memref<128x48xf32, #tpu.memory_space<vmem_shared>>) target_semaphore(%run_scoped3A : memref<!tpu.dma_semaphore, #tpu.memory_space<semaphore_mem>>)
      %dma_wait3A = arith.constant 0 : i32
      %dma_wait3A_97 = tpu.memref_slice %arg7[%add3A_12, %dma_wait3A] : memref<10112x48xf32, #tpu.memory_space<vmem_shared>> -> memref<128x48xf32, #tpu.memory_space<vmem_shared>>
      %dma_wait3A_98 = arith.constant 0 : i32
      %dma_wait3A_99 = tpu.memref_slice %arg7[%add3A_12, %dma_wait3A_98] : memref<10112x48xf32, #tpu.memory_space<vmem_shared>> -> memref<128x48xf32, #tpu.memory_space<vmem_shared>>
      tpu.wait_dma2 semaphore(%run_scoped3A : memref<!tpu.dma_semaphore, #tpu.memory_space<semaphore_mem>>) src(%arg9 : memref<128x48xf32, #tpu.memory_space<vmem>>) dst(%dma_wait3A_99 : memref<128x48xf32, #tpu.memory_space<vmem_shared>>)
      tpu.yield
    }) : () -> ()
    %add3A_13 = arith.constant 384 : i32
    %add3A_14 = arith.addi %mul3A_7, %add3A_13 : i32
    "tpu.region"() ({
      %run_scoped3A = tpu.sem_alloc : memref<!tpu.dma_semaphore, #tpu.memory_space<semaphore_mem>>
      %dma_start3A_93 = arith.constant 0 : i32
      %dma_start3A_94 = tpu.memref_slice %arg7[%add3A_14, %dma_start3A_93] : memref<10112x48xf32, #tpu.memory_space<vmem_shared>> -> memref<128x48xf32, #tpu.memory_space<vmem_shared>>
      %dma_start3A_95 = arith.constant 0 : i32
      %dma_start3A_96 = tpu.memref_slice %arg7[%add3A_14, %dma_start3A_95] : memref<10112x48xf32, #tpu.memory_space<vmem_shared>> -> memref<128x48xf32, #tpu.memory_space<vmem_shared>>
      tpu.enqueue_dma source(%arg9 : memref<128x48xf32, #tpu.memory_space<vmem>>) target(%dma_start3A_96 : memref<128x48xf32, #tpu.memory_space<vmem_shared>>) target_semaphore(%run_scoped3A : memref<!tpu.dma_semaphore, #tpu.memory_space<semaphore_mem>>)
      %dma_wait3A = arith.constant 0 : i32
      %dma_wait3A_97 = tpu.memref_slice %arg7[%add3A_14, %dma_wait3A] : memref<10112x48xf32, #tpu.memory_space<vmem_shared>> -> memref<128x48xf32, #tpu.memory_space<vmem_shared>>
      %dma_wait3A_98 = arith.constant 0 : i32
      %dma_wait3A_99 = tpu.memref_slice %arg7[%add3A_14, %dma_wait3A_98] : memref<10112x48xf32, #tpu.memory_space<vmem_shared>> -> memref<128x48xf32, #tpu.memory_space<vmem_shared>>
      tpu.wait_dma2 semaphore(%run_scoped3A : memref<!tpu.dma_semaphore, #tpu.memory_space<semaphore_mem>>) src(%arg9 : memref<128x48xf32, #tpu.memory_space<vmem>>) dst(%dma_wait3A_99 : memref<128x48xf32, #tpu.memory_space<vmem_shared>>)
      tpu.yield
    }) : () -> ()
    %add3A_15 = arith.constant 512 : i32
    %add3A_16 = arith.addi %mul3A_7, %add3A_15 : i32
    "tpu.region"() ({
      %run_scoped3A = tpu.sem_alloc : memref<!tpu.dma_semaphore, #tpu.memory_space<semaphore_mem>>
      %dma_start3A_93 = arith.constant 0 : i32
      %dma_start3A_94 = arith.constant 0 : i32
      %dma_start3A_95 = tpu.memref_slice %arg9[%dma_start3A_93, %dma_start3A_94] : memref<128x48xf32, #tpu.memory_space<vmem>> -> memref<120x48xf32, #tpu.memory_space<vmem>>
      %dma_start3A_96 = arith.constant 0 : i32
      %dma_start3A_97 = tpu.memref_slice %arg7[%add3A_16, %dma_start3A_96] : memref<10112x48xf32, #tpu.memory_space<vmem_shared>> -> memref<120x48xf32, #tpu.memory_space<vmem_shared>>
      %dma_start3A_98 = arith.constant 0 : i32
      %dma_start3A_99 = tpu.memref_slice %arg7[%add3A_16, %dma_start3A_98] : memref<10112x48xf32, #tpu.memory_space<vmem_shared>> -> memref<120x48xf32, #tpu.memory_space<vmem_shared>>
      %dma_start3A_100 = arith.constant 0 : i32
      %dma_start3A_101 = arith.constant 0 : i32
      %dma_start3A_102 = tpu.memref_slice %arg9[%dma_start3A_100, %dma_start3A_101] : memref<128x48xf32, #tpu.memory_space<vmem>> -> memref<120x48xf32, #tpu.memory_space<vmem>>
      tpu.enqueue_dma source(%dma_start3A_102 : memref<120x48xf32, #tpu.memory_space<vmem>>) target(%dma_start3A_99 : memref<120x48xf32, #tpu.memory_space<vmem_shared>>) target_semaphore(%run_scoped3A : memref<!tpu.dma_semaphore, #tpu.memory_space<semaphore_mem>>)
      %dma_wait3A = arith.constant 0 : i32
      %dma_wait3A_103 = arith.constant 0 : i32
      %dma_wait3A_104 = tpu.memref_slice %arg9[%dma_wait3A, %dma_wait3A_103] : memref<128x48xf32, #tpu.memory_space<vmem>> -> memref<120x48xf32, #tpu.memory_space<vmem>>
      %dma_wait3A_105 = arith.constant 0 : i32
      %dma_wait3A_106 = tpu.memref_slice %arg7[%add3A_16, %dma_wait3A_105] : memref<10112x48xf32, #tpu.memory_space<vmem_shared>> -> memref<120x48xf32, #tpu.memory_space<vmem_shared>>
      %dma_wait3A_107 = arith.constant 0 : i32
      %dma_wait3A_108 = tpu.memref_slice %arg7[%add3A_16, %dma_wait3A_107] : memref<10112x48xf32, #tpu.memory_space<vmem_shared>> -> memref<120x48xf32, #tpu.memory_space<vmem_shared>>
      %dma_wait3A_109 = arith.constant 0 : i32
      %dma_wait3A_110 = arith.constant 0 : i32
      %dma_wait3A_111 = tpu.memref_slice %arg9[%dma_wait3A_109, %dma_wait3A_110] : memref<128x48xf32, #tpu.memory_space<vmem>> -> memref<120x48xf32, #tpu.memory_space<vmem>>
      tpu.wait_dma2 semaphore(%run_scoped3A : memref<!tpu.dma_semaphore, #tpu.memory_space<semaphore_mem>>) src(%dma_wait3A_111 : memref<120x48xf32, #tpu.memory_space<vmem>>) dst(%dma_wait3A_108 : memref<120x48xf32, #tpu.memory_space<vmem_shared>>)
      tpu.yield
    }) : () -> ()
    %barrier3A = arith.constant 0 : index
    tpu.barrier barrier_id(%barrier3A)
    %iota3A = tpu.iota {dimensions = array<i32: 0>} : vector<16xi32>
    %mul3A_17 = arith.constant 20736 : i32
    %mul3A_18 = arith.muli %arg1, %mul3A_17 : i32
    "tpu.region"() ({
      %run_scoped3A = tpu.sem_alloc : memref<!tpu.dma_semaphore, #tpu.memory_space<semaphore_mem>>
      %dma_start3A_93 = tpu.memref_slice %arg4[%mul3A_18] : memref<331776xi32, #tpu.memory_space<hbm>> -> memref<128xi32, #tpu.memory_space<hbm>>
      %dma_start3A_94 = tpu.memref_slice %arg4[%mul3A_18] : memref<331776xi32, #tpu.memory_space<hbm>> -> memref<128xi32, #tpu.memory_space<hbm>>
      tpu.enqueue_dma source(%dma_start3A_94 : memref<128xi32, #tpu.memory_space<hbm>>) target(%arg11 : memref<128xi32, #tpu.memory_space<vmem>>) target_semaphore(%run_scoped3A : memref<!tpu.dma_semaphore, #tpu.memory_space<semaphore_mem>>)
      %dma_wait3A = tpu.memref_slice %arg4[%mul3A_18] : memref<331776xi32, #tpu.memory_space<hbm>> -> memref<128xi32, #tpu.memory_space<hbm>>
      %dma_wait3A_95 = tpu.memref_slice %arg4[%mul3A_18] : memref<331776xi32, #tpu.memory_space<hbm>> -> memref<128xi32, #tpu.memory_space<hbm>>
      tpu.wait_dma2 semaphore(%run_scoped3A : memref<!tpu.dma_semaphore, #tpu.memory_space<semaphore_mem>>) src(%dma_wait3A_95 : memref<128xi32, #tpu.memory_space<hbm>>) dst(%arg11 : memref<128xi32, #tpu.memory_space<vmem>>)
      tpu.yield
    }) : () -> ()
    %get3A = arith.constant 0 : index
    %get3A_19 = tpu.vector_load %arg11[%get3A] {strides = array<i32>} : memref<128xi32, #tpu.memory_space<vmem>>, vector<16xi32>,
    %mul3A_20 = arith.constant 10000 : i32
    %mul3A_21 = arith.muli %arg0, %mul3A_20 : i32
    %add3A_22 = vector.broadcast %mul3A_21 : i32 to vector<16xi32>
    %add3A_23 = arith.addi %get3A_19, %add3A_22 : vector<16xi32>
    %swap3A = arith.constant 0 : index
    %swap3A_24 = tpu.vector_load %arg13[%swap3A] {strides = array<i32>} : memref<128xi32, #tpu.memory_space<vmem>>, vector<16xi32>,
    tpu.vector_store %arg13[%swap3A], %add3A_23 {strides = array<i32>} : memref<128xi32, #tpu.memory_space<vmem>>, vector<16xi32>,
    %get3A_25 = arith.constant 16 : index
    %get3A_26 = tpu.vector_load %arg11[%get3A_25] {strides = array<i32>} : memref<128xi32, #tpu.memory_space<vmem>>, vector<16xi32>,
    %mul3A_27 = arith.constant 10000 : i32
    %mul3A_28 = arith.muli %arg0, %mul3A_27 : i32
    %add3A_29 = vector.broadcast %mul3A_28 : i32 to vector<16xi32>
    %add3A_30 = arith.addi %get3A_26, %add3A_29 : vector<16xi32>
    %swap3A_31 = arith.constant 16 : index
    %swap3A_32 = tpu.vector_load %arg13[%swap3A_31] {strides = array<i32>} : memref<128xi32, #tpu.memory_space<vmem>>, vector<16xi32>,
    tpu.vector_store %arg13[%swap3A_31], %add3A_30 {strides = array<i32>} : memref<128xi32, #tpu.memory_space<vmem>>, vector<16xi32>,
    %get3A_33 = arith.constant 32 : index
    %get3A_34 = tpu.vector_load %arg11[%get3A_33] {strides = array<i32>} : memref<128xi32, #tpu.memory_space<vmem>>, vector<16xi32>,
    %mul3A_35 = arith.constant 10000 : i32
    %mul3A_36 = arith.muli %arg0, %mul3A_35 : i32
    %add3A_37 = vector.broadcast %mul3A_36 : i32 to vector<16xi32>
    %add3A_38 = arith.addi %get3A_34, %add3A_37 : vector<16xi32>
    %swap3A_39 = arith.constant 32 : index
    %swap3A_40 = tpu.vector_load %arg13[%swap3A_39] {strides = array<i32>} : memref<128xi32, #tpu.memory_space<vmem>>, vector<16xi32>,
    tpu.vector_store %arg13[%swap3A_39], %add3A_38 {strides = array<i32>} : memref<128xi32, #tpu.memory_space<vmem>>, vector<16xi32>,
    %get3A_41 = arith.constant 48 : index
    %get3A_42 = tpu.vector_load %arg11[%get3A_41] {strides = array<i32>} : memref<128xi32, #tpu.memory_space<vmem>>, vector<16xi32>,
    %mul3A_43 = arith.constant 10000 : i32
    %mul3A_44 = arith.muli %arg0, %mul3A_43 : i32
    %add3A_45 = vector.broadcast %mul3A_44 : i32 to vector<16xi32>
    %add3A_46 = arith.addi %get3A_42, %add3A_45 : vector<16xi32>
    %swap3A_47 = arith.constant 48 : index
    %swap3A_48 = tpu.vector_load %arg13[%swap3A_47] {strides = array<i32>} : memref<128xi32, #tpu.memory_space<vmem>>, vector<16xi32>,
    tpu.vector_store %arg13[%swap3A_47], %add3A_46 {strides = array<i32>} : memref<128xi32, #tpu.memory_space<vmem>>, vector<16xi32>,
    %get3A_49 = arith.constant 64 : index
    %get3A_50 = tpu.vector_load %arg11[%get3A_49] {strides = array<i32>} : memref<128xi32, #tpu.memory_space<vmem>>, vector<16xi32>,
    %mul3A_51 = arith.constant 10000 : i32
    %mul3A_52 = arith.muli %arg0, %mul3A_51 : i32
    %add3A_53 = vector.broadcast %mul3A_52 : i32 to vector<16xi32>
    %add3A_54 = arith.addi %get3A_50, %add3A_53 : vector<16xi32>
    %swap3A_55 = arith.constant 64 : index
    %swap3A_56 = tpu.vector_load %arg13[%swap3A_55] {strides = array<i32>} : memref<128xi32, #tpu.memory_space<vmem>>, vector<16xi32>,
    tpu.vector_store %arg13[%swap3A_55], %add3A_54 {strides = array<i32>} : memref<128xi32, #tpu.memory_space<vmem>>, vector<16xi32>,
    %get3A_57 = arith.constant 80 : index
    %get3A_58 = tpu.vector_load %arg11[%get3A_57] {strides = array<i32>} : memref<128xi32, #tpu.memory_space<vmem>>, vector<16xi32>,
    %mul3A_59 = arith.constant 10000 : i32
    %mul3A_60 = arith.muli %arg0, %mul3A_59 : i32
    %add3A_61 = vector.broadcast %mul3A_60 : i32 to vector<16xi32>
    %add3A_62 = arith.addi %get3A_58, %add3A_61 : vector<16xi32>
    %swap3A_63 = arith.constant 80 : index
    %swap3A_64 = tpu.vector_load %arg13[%swap3A_63] {strides = array<i32>} : memref<128xi32, #tpu.memory_space<vmem>>, vector<16xi32>,
    tpu.vector_store %arg13[%swap3A_63], %add3A_62 {strides = array<i32>} : memref<128xi32, #tpu.memory_space<vmem>>, vector<16xi32>,
    %get3A_65 = arith.constant 96 : index
    %get3A_66 = tpu.vector_load %arg11[%get3A_65] {strides = array<i32>} : memref<128xi32, #tpu.memory_space<vmem>>, vector<16xi32>,
    %mul3A_67 = arith.constant 10000 : i32
    %mul3A_68 = arith.muli %arg0, %mul3A_67 : i32
    %add3A_69 = vector.broadcast %mul3A_68 : i32 to vector<16xi32>
    %add3A_70 = arith.addi %get3A_66, %add3A_69 : vector<16xi32>
    %swap3A_71 = arith.constant 96 : index
    %swap3A_72 = tpu.vector_load %arg13[%swap3A_71] {strides = array<i32>} : memref<128xi32, #tpu.memory_space<vmem>>, vector<16xi32>,
    tpu.vector_store %arg13[%swap3A_71], %add3A_70 {strides = array<i32>} : memref<128xi32, #tpu.memory_space<vmem>>, vector<16xi32>,
    %get3A_73 = arith.constant 112 : index
    %get3A_74 = tpu.vector_load %arg11[%get3A_73] {strides = array<i32>} : memref<128xi32, #tpu.memory_space<vmem>>, vector<16xi32>,
    %mul3A_75 = arith.constant 10000 : i32
    %mul3A_76 = arith.muli %arg0, %mul3A_75 : i32
    %add3A_77 = vector.broadcast %mul3A_76 : i32 to vector<16xi32>
    %add3A_78 = arith.addi %get3A_74, %add3A_77 : vector<16xi32>
    %swap3A_79 = arith.constant 112 : index
    %swap3A_80 = tpu.vector_load %arg13[%swap3A_79] {strides = array<i32>} : memref<128xi32, #tpu.memory_space<vmem>>, vector<16xi32>,
    tpu.vector_store %arg13[%swap3A_79], %add3A_78 {strides = array<i32>} : memref<128xi32, #tpu.memory_space<vmem>>, vector<16xi32>,
    %dma_start3A = arith.constant 0 : i32
    %dma_start3A_81 = arith.constant 0 : i32
    %dma_start3A_82 = tpu.memref_slice %arg2[%dma_start3A, %dma_start3A_81] : memref<20000x32xf32, #tpu.memory_space<hbm>> -> memref<20000x32xf32, #tpu.memory_space<hbm>>
    tpu.enqueue_indirect_dma source(%dma_start3A_82 : memref<20000x32xf32, #tpu.memory_space<hbm>>) target(%arg8 : memref<128x32xf32, #tpu.memory_space<vmem>>) offsets(%arg13 : memref<128xi32, #tpu.memory_space<vmem>>) semaphore(%arg14 : memref<!tpu.dma_semaphore, #tpu.memory_space<semaphore_mem>>)
    %mul3A_83 = arith.constant 20736 : i32
    %mul3A_84 = arith.muli %arg1, %mul3A_83 : i32
    "tpu.region"() ({
      %run_scoped3A = tpu.sem_alloc : memref<!tpu.dma_semaphore, #tpu.memory_space<semaphore_mem>>
      %dma_start3A_93 = tpu.memref_slice %arg5[%mul3A_84] : memref<331776xi32, #tpu.memory_space<hbm>> -> memref<128xi32, #tpu.memory_space<hbm>>
      %dma_start3A_94 = tpu.memref_slice %arg5[%mul3A_84] : memref<331776xi32, #tpu.memory_space<hbm>> -> memref<128xi32, #tpu.memory_space<hbm>>
      tpu.enqueue_dma source(%dma_start3A_94 : memref<128xi32, #tpu.memory_space<hbm>>) target(%arg12 : memref<128xi32, #tpu.memory_space<vmem>>) target_semaphore(%run_scoped3A : memref<!tpu.dma_semaphore, #tpu.memory_space<semaphore_mem>>)
      %dma_wait3A = tpu.memref_slice %arg5[%mul3A_84] : memref<331776xi32, #tpu.memory_space<hbm>> -> memref<128xi32, #tpu.memory_space<hbm>>
      %dma_wait3A_95 = tpu.memref_slice %arg5[%mul3A_84] : memref<331776xi32, #tpu.memory_space<hbm>> -> memref<128xi32, #tpu.memory_space<hbm>>
      tpu.wait_dma2 semaphore(%run_scoped3A : memref<!tpu.dma_semaphore, #tpu.memory_space<semaphore_mem>>) src(%dma_wait3A_95 : memref<128xi32, #tpu.memory_space<hbm>>) dst(%arg12 : memref<128xi32, #tpu.memory_space<vmem>>)
      tpu.yield
    }) : () -> ()
    %scan3A_85 = arith.constant 0 : i32
    %scan3A_86 = arith.constant 0 : i32
    %scan3A_87 = arith.constant 162 : i32
    %scan3A_88 = arith.addi %scan3A_86, %scan3A_87 : i32
    %scan3A_89 = arith.constant 1 : i32
    %scan3A_90 = scf.for %scan3A_93 = %scan3A_86 to %scan3A_88 step %scan3A_89 iter_args(%scan3A_94 = %scan3A_85) -> (i32)  : i32 {
      %mul3A_95 = arith.constant 20736 : i32
      %mul3A_96 = arith.muli %arg1, %mul3A_95 : i32
      %mul3A_97 = arith.constant 128 : i32
      %mul3A_98 = arith.muli %scan3A_93, %mul3A_97 : i32
      %add3A_99 = arith.addi %mul3A_96, %mul3A_98 : i32
      %run_scoped3A = arith.constant 0 : i32
      %run_scoped3A_100 = arith.constant 0 : i32
      "tpu.region"() ({
        %run_scoped3A_190 = tpu.sem_alloc : memref<!tpu.dma_semaphore, #tpu.memory_space<semaphore_mem>>
        %dma_start3A_191 = arith.constant 0 : i32
        %dma_start3A_192 = tpu.memref_slice %arg10[%run_scoped3A_100, %dma_start3A_191] : memref<1x144xf32, #tpu.memory_space<vmem>> -> memref<1x128xf32, #tpu.memory_space<vmem>>
        %dma_start3A_193 = tpu.memref_squeeze %dma_start3A_192 : memref<1x128xf32, #tpu.memory_space<vmem>> -> memref<128xf32, #tpu.memory_space<vmem>>
        %dma_start3A_194 = tpu.memref_slice %arg3[%run_scoped3A, %add3A_99] : memref<1x331776xf32, #tpu.memory_space<hbm>> -> memref<1x128xf32, #tpu.memory_space<hbm>>
        %dma_start3A_195 = tpu.memref_squeeze %dma_start3A_194 : memref<1x128xf32, #tpu.memory_space<hbm>> -> memref<128xf32, #tpu.memory_space<hbm>>
        %dma_start3A_196 = arith.constant 0 : i32
        %dma_start3A_197 = tpu.memref_slice %arg10[%run_scoped3A_100, %dma_start3A_196] : memref<1x144xf32, #tpu.memory_space<vmem>> -> memref<1x128xf32, #tpu.memory_space<vmem>>
        %dma_start3A_198 = tpu.memref_squeeze %dma_start3A_197 : memref<1x128xf32, #tpu.memory_space<vmem>> -> memref<128xf32, #tpu.memory_space<vmem>>
        %dma_start3A_199 = tpu.memref_slice %arg3[%run_scoped3A, %add3A_99] : memref<1x331776xf32, #tpu.memory_space<hbm>> -> memref<1x128xf32, #tpu.memory_space<hbm>>
        %dma_start3A_200 = tpu.memref_squeeze %dma_start3A_199 : memref<1x128xf32, #tpu.memory_space<hbm>> -> memref<128xf32, #tpu.memory_space<hbm>>
        tpu.enqueue_dma source(%dma_start3A_200 : memref<128xf32, #tpu.memory_space<hbm>>) target(%dma_start3A_198 : memref<128xf32, #tpu.memory_space<vmem>>) target_semaphore(%run_scoped3A_190 : memref<!tpu.dma_semaphore, #tpu.memory_space<semaphore_mem>>)
        %dma_wait3A_201 = arith.constant 0 : i32
        %dma_wait3A_202 = tpu.memref_slice %arg10[%run_scoped3A_100, %dma_wait3A_201] : memref<1x144xf32, #tpu.memory_space<vmem>> -> memref<1x128xf32, #tpu.memory_space<vmem>>
        %dma_wait3A_203 = tpu.memref_squeeze %dma_wait3A_202 : memref<1x128xf32, #tpu.memory_space<vmem>> -> memref<128xf32, #tpu.memory_space<vmem>>
        %dma_wait3A_204 = tpu.memref_slice %arg3[%run_scoped3A, %add3A_99] : memref<1x331776xf32, #tpu.memory_space<hbm>> -> memref<1x128xf32, #tpu.memory_space<hbm>>
        %dma_wait3A_205 = tpu.memref_squeeze %dma_wait3A_204 : memref<1x128xf32, #tpu.memory_space<hbm>> -> memref<128xf32, #tpu.memory_space<hbm>>
        %dma_wait3A_206 = arith.constant 0 : i32
        %dma_wait3A_207 = tpu.memref_slice %arg10[%run_scoped3A_100, %dma_wait3A_206] : memref<1x144xf32, #tpu.memory_space<vmem>> -> memref<1x128xf32, #tpu.memory_space<vmem>>
        %dma_wait3A_208 = tpu.memref_squeeze %dma_wait3A_207 : memref<1x128xf32, #tpu.memory_space<vmem>> -> memref<128xf32, #tpu.memory_space<vmem>>
        %dma_wait3A_209 = tpu.memref_slice %arg3[%run_scoped3A, %add3A_99] : memref<1x331776xf32, #tpu.memory_space<hbm>> -> memref<1x128xf32, #tpu.memory_space<hbm>>
        %dma_wait3A_210 = tpu.memref_squeeze %dma_wait3A_209 : memref<1x128xf32, #tpu.memory_space<hbm>> -> memref<128xf32, #tpu.memory_space<hbm>>
        tpu.wait_dma2 semaphore(%run_scoped3A_190 : memref<!tpu.dma_semaphore, #tpu.memory_space<semaphore_mem>>) src(%dma_wait3A_210 : memref<128xf32, #tpu.memory_space<hbm>>) dst(%dma_wait3A_208 : memref<128xf32, #tpu.memory_space<vmem>>)
        tpu.yield
      }) : () -> ()
      %add3A_101 = arith.constant 0 : i32
      %add3A_102 = vector.broadcast %add3A_101 : i32 to vector<16xi32>
      %add3A_103 = arith.addi %iota3A, %add3A_102 : vector<16xi32>
      %broadcast_in_dim3A_104 = arith.constant 32 : i32
      %broadcast_in_dim3A_105 = vector.broadcast %broadcast_in_dim3A_104 : i32 to vector<16xi32>
      %get3A_106 = arith.constant 0 : i32
      %get3A_107 = arith.index_cast %get3A_106 : i32 to index
      %get3A_108 = arith.constant 0 : index
      %get3A_109 = tpu.vector_load %arg10[%get3A_107, %get3A_108] {strides = array<i32>} : memref<1x144xf32, #tpu.memory_space<vmem>>, vector<16xf32>,
      tpu.vector_store_idx %arg9[%add3A_103, %broadcast_in_dim3A_105], %get3A_109 : memref<128x48xf32, #tpu.memory_space<vmem>>[vector<16xi32>, vector<16xi32>], vector<16xf32>,
      %add3A_110 = arith.constant 16 : i32
      %add3A_111 = vector.broadcast %add3A_110 : i32 to vector<16xi32>
      %add3A_112 = arith.addi %iota3A, %add3A_111 : vector<16xi32>
      %broadcast_in_dim3A_113 = arith.constant 32 : i32
      %broadcast_in_dim3A_114 = vector.broadcast %broadcast_in_dim3A_113 : i32 to vector<16xi32>
      %get3A_115 = arith.constant 0 : i32
      %get3A_116 = arith.index_cast %get3A_115 : i32 to index
      %get3A_117 = arith.constant 16 : index
      %get3A_118 = tpu.vector_load %arg10[%get3A_116, %get3A_117] {strides = array<i32>} : memref<1x144xf32, #tpu.memory_space<vmem>>, vector<16xf32>,
      tpu.vector_store_idx %arg9[%add3A_112, %broadcast_in_dim3A_114], %get3A_118 : memref<128x48xf32, #tpu.memory_space<vmem>>[vector<16xi32>, vector<16xi32>], vector<16xf32>,
      %add3A_119 = arith.constant 32 : i32
      %add3A_120 = vector.broadcast %add3A_119 : i32 to vector<16xi32>
      %add3A_121 = arith.addi %iota3A, %add3A_120 : vector<16xi32>
      %broadcast_in_dim3A_122 = arith.constant 32 : i32
      %broadcast_in_dim3A_123 = vector.broadcast %broadcast_in_dim3A_122 : i32 to vector<16xi32>
      %get3A_124 = arith.constant 0 : i32
      %get3A_125 = arith.index_cast %get3A_124 : i32 to index
      %get3A_126 = arith.constant 32 : index
      %get3A_127 = tpu.vector_load %arg10[%get3A_125, %get3A_126] {strides = array<i32>} : memref<1x144xf32, #tpu.memory_space<vmem>>, vector<16xf32>,
      tpu.vector_store_idx %arg9[%add3A_121, %broadcast_in_dim3A_123], %get3A_127 : memref<128x48xf32, #tpu.memory_space<vmem>>[vector<16xi32>, vector<16xi32>], vector<16xf32>,
      %add3A_128 = arith.constant 48 : i32
      %add3A_129 = vector.broadcast %add3A_128 : i32 to vector<16xi32>
      %add3A_130 = arith.addi %iota3A, %add3A_129 : vector<16xi32>
      %broadcast_in_dim3A_131 = arith.constant 32 : i32
      %broadcast_in_dim3A_132 = vector.broadcast %broadcast_in_dim3A_131 : i32 to vector<16xi32>
      %get3A_133 = arith.constant 0 : i32
      %get3A_134 = arith.index_cast %get3A_133 : i32 to index
      %get3A_135 = arith.constant 48 : index
      %get3A_136 = tpu.vector_load %arg10[%get3A_134, %get3A_135] {strides = array<i32>} : memref<1x144xf32, #tpu.memory_space<vmem>>, vector<16xf32>,
      tpu.vector_store_idx %arg9[%add3A_130, %broadcast_in_dim3A_132], %get3A_136 : memref<128x48xf32, #tpu.memory_space<vmem>>[vector<16xi32>, vector<16xi32>], vector<16xf32>,
      %add3A_137 = arith.constant 64 : i32
      %add3A_138 = vector.broadcast %add3A_137 : i32 to vector<16xi32>
      %add3A_139 = arith.addi %iota3A, %add3A_138 : vector<16xi32>
      %broadcast_in_dim3A_140 = arith.constant 32 : i32
      %broadcast_in_dim3A_141 = vector.broadcast %broadcast_in_dim3A_140 : i32 to vector<16xi32>
      %get3A_142 = arith.constant 0 : i32
      %get3A_143 = arith.index_cast %get3A_142 : i32 to index
      %get3A_144 = arith.constant 64 : index
      %get3A_145 = tpu.vector_load %arg10[%get3A_143, %get3A_144] {strides = array<i32>} : memref<1x144xf32, #tpu.memory_space<vmem>>, vector<16xf32>,
      tpu.vector_store_idx %arg9[%add3A_139, %broadcast_in_dim3A_141], %get3A_145 : memref<128x48xf32, #tpu.memory_space<vmem>>[vector<16xi32>, vector<16xi32>], vector<16xf32>,
      %add3A_146 = arith.constant 80 : i32
      %add3A_147 = vector.broadcast %add3A_146 : i32 to vector<16xi32>
      %add3A_148 = arith.addi %iota3A, %add3A_147 : vector<16xi32>
      %broadcast_in_dim3A_149 = arith.constant 32 : i32
      %broadcast_in_dim3A_150 = vector.broadcast %broadcast_in_dim3A_149 : i32 to vector<16xi32>
      %get3A_151 = arith.constant 0 : i32
      %get3A_152 = arith.index_cast %get3A_151 : i32 to index
      %get3A_153 = arith.constant 80 : index
      %get3A_154 = tpu.vector_load %arg10[%get3A_152, %get3A_153] {strides = array<i32>} : memref<1x144xf32, #tpu.memory_space<vmem>>, vector<16xf32>,
      tpu.vector_store_idx %arg9[%add3A_148, %broadcast_in_dim3A_150], %get3A_154 : memref<128x48xf32, #tpu.memory_space<vmem>>[vector<16xi32>, vector<16xi32>], vector<16xf32>,
      %add3A_155 = arith.constant 96 : i32
      %add3A_156 = vector.broadcast %add3A_155 : i32 to vector<16xi32>
      %add3A_157 = arith.addi %iota3A, %add3A_156 : vector<16xi32>
      %broadcast_in_dim3A_158 = arith.constant 32 : i32
      %broadcast_in_dim3A_159 = vector.broadcast %broadcast_in_dim3A_158 : i32 to vector<16xi32>
      %get3A_160 = arith.constant 0 : i32
      %get3A_161 = arith.index_cast %get3A_160 : i32 to index
      %get3A_162 = arith.constant 96 : index
      %get3A_163 = tpu.vector_load %arg10[%get3A_161, %get3A_162] {strides = array<i32>} : memref<1x144xf32, #tpu.memory_space<vmem>>, vector<16xf32>,
      tpu.vector_store_idx %arg9[%add3A_157, %broadcast_in_dim3A_159], %get3A_163 : memref<128x48xf32, #tpu.memory_space<vmem>>[vector<16xi32>, vector<16xi32>], vector<16xf32>,
      %add3A_164 = arith.constant 112 : i32
      %add3A_165 = vector.broadcast %add3A_164 : i32 to vector<16xi32>
      %add3A_166 = arith.addi %iota3A, %add3A_165 : vector<16xi32>
      %broadcast_in_dim3A_167 = arith.constant 32 : i32
      %broadcast_in_dim3A_168 = vector.broadcast %broadcast_in_dim3A_167 : i32 to vector<16xi32>
      %get3A_169 = arith.constant 0 : i32
      %get3A_170 = arith.index_cast %get3A_169 : i32 to index
      %get3A_171 = arith.constant 112 : index
      %get3A_172 = tpu.vector_load %arg10[%get3A_170, %get3A_171] {strides = array<i32>} : memref<1x144xf32, #tpu.memory_space<vmem>>, vector<16xf32>,
      tpu.vector_store_idx %arg9[%add3A_166, %broadcast_in_dim3A_168], %get3A_172 : memref<128x48xf32, #tpu.memory_space<vmem>>[vector<16xi32>, vector<16xi32>], vector<16xf32>,
      %dma_wait3A = arith.constant 0 : i32
      %dma_wait3A_173 = arith.constant 0 : i32
      %dma_wait3A_174 = tpu.memref_slice %arg2[%dma_wait3A, %dma_wait3A_173] : memref<20000x32xf32, #tpu.memory_space<hbm>> -> memref<20000x32xf32, #tpu.memory_space<hbm>>
      tpu.wait_indirect_dma semaphore(%arg14 : memref<!tpu.dma_semaphore, #tpu.memory_space<semaphore_mem>>) src(%dma_wait3A_174 : memref<20000x32xf32, #tpu.memory_space<hbm>>) dst(%arg8 : memref<128x32xf32, #tpu.memory_space<vmem>>)
      %scan3A_175 = arith.constant 0 : i32
      %scan3A_176 = arith.constant 0 : i32
      %scan3A_177 = arith.constant 128 : i32
      %scan3A_178 = arith.addi %scan3A_176, %scan3A_177 : i32
      %scan3A_179 = arith.constant 4 : i32
      %scan3A_180 = scf.for %scan3A_190 = %scan3A_176 to %scan3A_178 step %scan3A_179 iter_args(%scan3A_191 = %scan3A_175) -> (i32)  : i32 {
        %get3A_192 = arith.constant 0 : i32
        %get3A_193 = arith.index_cast %get3A_192 : i32 to index
        %get3A_194 = arith.index_cast %scan3A_190 : i32 to index
        %get3A_195 = tpu.vector_load %arg10[%get3A_193, %get3A_194] {strides = array<i32>} : memref<1x144xf32, #tpu.memory_space<vmem>>, vector<16xf32>,
        %slice3A = vector.extract_strided_slice %get3A_195 {offsets = [0], sizes = [1], strides = [1]} : vector<16xf32> to vector<1xf32>
        %squeeze3A = vector.extract %slice3A[0] : f32 from vector<1xf32>
        %get3A_196 = arith.index_cast %scan3A_190 : i32 to index
        %get3A_197 = arith.constant 0 : index
        %get3A_198 = tpu.vector_load %arg8[%get3A_196, %get3A_197] {strides = array<i32>} : memref<128x32xf32, #tpu.memory_space<vmem>>, vector<16xf32>,
        %mul3A_199 = vector.broadcast %squeeze3A : f32 to vector<16xf32>
        %mul3A_200 = arith.mulf %get3A_198, %mul3A_199 : vector<16xf32>
        %swap3A_201 = arith.index_cast %scan3A_190 : i32 to index
        %swap3A_202 = arith.constant 0 : index
        %swap3A_203 = tpu.vector_load %arg9[%swap3A_201, %swap3A_202] {strides = array<i32>} : memref<128x48xf32, #tpu.memory_space<vmem>>, vector<16xf32>,
        tpu.vector_store %arg9[%swap3A_201, %swap3A_202], %mul3A_200 {strides = array<i32>} : memref<128x48xf32, #tpu.memory_space<vmem>>, vector<16xf32>,
        %get3A_204 = arith.index_cast %scan3A_190 : i32 to index
        %get3A_205 = arith.constant 16 : index
        %get3A_206 = tpu.vector_load %arg8[%get3A_204, %get3A_205] {strides = array<i32>} : memref<128x32xf32, #tpu.memory_space<vmem>>, vector<16xf32>,
        %mul3A_207 = vector.broadcast %squeeze3A : f32 to vector<16xf32>
        %mul3A_208 = arith.mulf %get3A_206, %mul3A_207 : vector<16xf32>
        %swap3A_209 = arith.index_cast %scan3A_190 : i32 to index
        %swap3A_210 = arith.constant 16 : index
        %swap3A_211 = tpu.vector_load %arg9[%swap3A_209, %swap3A_210] {strides = array<i32>} : memref<128x48xf32, #tpu.memory_space<vmem>>, vector<16xf32>,
        tpu.vector_store %arg9[%swap3A_209, %swap3A_210], %mul3A_208 {strides = array<i32>} : memref<128x48xf32, #tpu.memory_space<vmem>>, vector<16xf32>,
        %scan3A_212 = arith.constant 0 : i32
        %scan3A_213 = arith.constant 1 : i32
        %scan3A_214 = arith.addi %scan3A_190, %scan3A_213 : i32
        %get3A_215 = arith.constant 0 : i32
        %get3A_216 = arith.index_cast %get3A_215 : i32 to index
        %get3A_217 = arith.index_cast %scan3A_214 : i32 to index
        %get3A_218 = tpu.vector_load %arg10[%get3A_216, %get3A_217] {strides = array<i32>} : memref<1x144xf32, #tpu.memory_space<vmem>>, vector<16xf32>,
        %slice3A_219 = vector.extract_strided_slice %get3A_218 {offsets = [0], sizes = [1], strides = [1]} : vector<16xf32> to vector<1xf32>
        %squeeze3A_220 = vector.extract %slice3A_219[0] : f32 from vector<1xf32>
        %get3A_221 = arith.index_cast %scan3A_214 : i32 to index
        %get3A_222 = arith.constant 0 : index
        %get3A_223 = tpu.vector_load %arg8[%get3A_221, %get3A_222] {strides = array<i32>} : memref<128x32xf32, #tpu.memory_space<vmem>>, vector<16xf32>,
        %mul3A_224 = vector.broadcast %squeeze3A_220 : f32 to vector<16xf32>
        %mul3A_225 = arith.mulf %get3A_223, %mul3A_224 : vector<16xf32>
        %swap3A_226 = arith.index_cast %scan3A_214 : i32 to index
        %swap3A_227 = arith.constant 0 : index
        %swap3A_228 = tpu.vector_load %arg9[%swap3A_226, %swap3A_227] {strides = array<i32>} : memref<128x48xf32, #tpu.memory_space<vmem>>, vector<16xf32>,
        tpu.vector_store %arg9[%swap3A_226, %swap3A_227], %mul3A_225 {strides = array<i32>} : memref<128x48xf32, #tpu.memory_space<vmem>>, vector<16xf32>,
        %get3A_229 = arith.index_cast %scan3A_214 : i32 to index
        %get3A_230 = arith.constant 16 : index
        %get3A_231 = tpu.vector_load %arg8[%get3A_229, %get3A_230] {strides = array<i32>} : memref<128x32xf32, #tpu.memory_space<vmem>>, vector<16xf32>,
        %mul3A_232 = vector.broadcast %squeeze3A_220 : f32 to vector<16xf32>
        %mul3A_233 = arith.mulf %get3A_231, %mul3A_232 : vector<16xf32>
        %swap3A_234 = arith.index_cast %scan3A_214 : i32 to index
        %swap3A_235 = arith.constant 16 : index
        %swap3A_236 = tpu.vector_load %arg9[%swap3A_234, %swap3A_235] {strides = array<i32>} : memref<128x48xf32, #tpu.memory_space<vmem>>, vector<16xf32>,
        tpu.vector_store %arg9[%swap3A_234, %swap3A_235], %mul3A_233 {strides = array<i32>} : memref<128x48xf32, #tpu.memory_space<vmem>>, vector<16xf32>,
        %scan3A_237 = arith.constant 0 : i32
        %scan3A_238 = arith.constant 2 : i32
        %scan3A_239 = arith.addi %scan3A_190, %scan3A_238 : i32
        %get3A_240 = arith.constant 0 : i32
        %get3A_241 = arith.index_cast %get3A_240 : i32 to index
        %get3A_242 = arith.index_cast %scan3A_239 : i32 to index
        %get3A_243 = tpu.vector_load %arg10[%get3A_241, %get3A_242] {strides = array<i32>} : memref<1x144xf32, #tpu.memory_space<vmem>>, vector<16xf32>,
        %slice3A_244 = vector.extract_strided_slice %get3A_243 {offsets = [0], sizes = [1], strides = [1]} : vector<16xf32> to vector<1xf32>
        %squeeze3A_245 = vector.extract %slice3A_244[0] : f32 from vector<1xf32>
        %get3A_246 = arith.index_cast %scan3A_239 : i32 to index
        %get3A_247 = arith.constant 0 : index
        %get3A_248 = tpu.vector_load %arg8[%get3A_246, %get3A_247] {strides = array<i32>} : memref<128x32xf32, #tpu.memory_space<vmem>>, vector<16xf32>,
        %mul3A_249 = vector.broadcast %squeeze3A_245 : f32 to vector<16xf32>
        %mul3A_250 = arith.mulf %get3A_248, %mul3A_249 : vector<16xf32>
        %swap3A_251 = arith.index_cast %scan3A_239 : i32 to index
        %swap3A_252 = arith.constant 0 : index
        %swap3A_253 = tpu.vector_load %arg9[%swap3A_251, %swap3A_252] {strides = array<i32>} : memref<128x48xf32, #tpu.memory_space<vmem>>, vector<16xf32>,
        tpu.vector_store %arg9[%swap3A_251, %swap3A_252], %mul3A_250 {strides = array<i32>} : memref<128x48xf32, #tpu.memory_space<vmem>>, vector<16xf32>,
        %get3A_254 = arith.index_cast %scan3A_239 : i32 to index
        %get3A_255 = arith.constant 16 : index
        %get3A_256 = tpu.vector_load %arg8[%get3A_254, %get3A_255] {strides = array<i32>} : memref<128x32xf32, #tpu.memory_space<vmem>>, vector<16xf32>,
        %mul3A_257 = vector.broadcast %squeeze3A_245 : f32 to vector<16xf32>
        %mul3A_258 = arith.mulf %get3A_256, %mul3A_257 : vector<16xf32>
        %swap3A_259 = arith.index_cast %scan3A_239 : i32 to index
        %swap3A_260 = arith.constant 16 : index
        %swap3A_261 = tpu.vector_load %arg9[%swap3A_259, %swap3A_260] {strides = array<i32>} : memref<128x48xf32, #tpu.memory_space<vmem>>, vector<16xf32>,
        tpu.vector_store %arg9[%swap3A_259, %swap3A_260], %mul3A_258 {strides = array<i32>} : memref<128x48xf32, #tpu.memory_space<vmem>>, vector<16xf32>,
        %scan3A_262 = arith.constant 0 : i32
        %scan3A_263 = arith.constant 3 : i32
        %scan3A_264 = arith.addi %scan3A_190, %scan3A_263 : i32
        %get3A_265 = arith.constant 0 : i32
        %get3A_266 = arith.index_cast %get3A_265 : i32 to index
        %get3A_267 = arith.index_cast %scan3A_264 : i32 to index
        %get3A_268 = tpu.vector_load %arg10[%get3A_266, %get3A_267] {strides = array<i32>} : memref<1x144xf32, #tpu.memory_space<vmem>>, vector<16xf32>,
        %slice3A_269 = vector.extract_strided_slice %get3A_268 {offsets = [0], sizes = [1], strides = [1]} : vector<16xf32> to vector<1xf32>
        %squeeze3A_270 = vector.extract %slice3A_269[0] : f32 from vector<1xf32>
        %get3A_271 = arith.index_cast %scan3A_264 : i32 to index
        %get3A_272 = arith.constant 0 : index
        %get3A_273 = tpu.vector_load %arg8[%get3A_271, %get3A_272] {strides = array<i32>} : memref<128x32xf32, #tpu.memory_space<vmem>>, vector<16xf32>,
        %mul3A_274 = vector.broadcast %squeeze3A_270 : f32 to vector<16xf32>
        %mul3A_275 = arith.mulf %get3A_273, %mul3A_274 : vector<16xf32>
        %swap3A_276 = arith.index_cast %scan3A_264 : i32 to index
        %swap3A_277 = arith.constant 0 : index
        %swap3A_278 = tpu.vector_load %arg9[%swap3A_276, %swap3A_277] {strides = array<i32>} : memref<128x48xf32, #tpu.memory_space<vmem>>, vector<16xf32>,
        tpu.vector_store %arg9[%swap3A_276, %swap3A_277], %mul3A_275 {strides = array<i32>} : memref<128x48xf32, #tpu.memory_space<vmem>>, vector<16xf32>,
        %get3A_279 = arith.index_cast %scan3A_264 : i32 to index
        %get3A_280 = arith.constant 16 : index
        %get3A_281 = tpu.vector_load %arg8[%get3A_279, %get3A_280] {strides = array<i32>} : memref<128x32xf32, #tpu.memory_space<vmem>>, vector<16xf32>,
        %mul3A_282 = vector.broadcast %squeeze3A_270 : f32 to vector<16xf32>
        %mul3A_283 = arith.mulf %get3A_281, %mul3A_282 : vector<16xf32>
        %swap3A_284 = arith.index_cast %scan3A_264 : i32 to index
        %swap3A_285 = arith.constant 16 : index
        %swap3A_286 = tpu.vector_load %arg9[%swap3A_284, %swap3A_285] {strides = array<i32>} : memref<128x48xf32, #tpu.memory_space<vmem>>, vector<16xf32>,
        tpu.vector_store %arg9[%swap3A_284, %swap3A_285], %mul3A_283 {strides = array<i32>} : memref<128x48xf32, #tpu.memory_space<vmem>>, vector<16xf32>,
        %scan3A_287 = arith.constant 0 : i32
        scf.yield %scan3A_287 : i32
      }
      %scan3A_181 = arith.constant 128 : i32
      %lt3A = arith.constant 161 : i32
      %lt3A_182 = arith.cmpi slt, %scan3A_93, %lt3A : i32
      %convert_element_type3A = arith.extui %lt3A_182 : i1 to i32
      %cond3A = arith.constant 0 : i32
      %cond3A_183 = arith.cmpi ne, %convert_element_type3A, %cond3A : i32
      scf.if %cond3A_183 {
        %add3A_190 = arith.constant 128 : i32
        %add3A_191 = arith.addi %add3A_99, %add3A_190 : i32
        "tpu.region"() ({
          %run_scoped3A_259 = tpu.sem_alloc : memref<!tpu.dma_semaphore, #tpu.memory_space<semaphore_mem>>
          %dma_start3A_260 = tpu.memref_slice %arg4[%add3A_191] : memref<331776xi32, #tpu.memory_space<hbm>> -> memref<128xi32, #tpu.memory_space<hbm>>
          %dma_start3A_261 = tpu.memref_slice %arg4[%add3A_191] : memref<331776xi32, #tpu.memory_space<hbm>> -> memref<128xi32, #tpu.memory_space<hbm>>
          tpu.enqueue_dma source(%dma_start3A_261 : memref<128xi32, #tpu.memory_space<hbm>>) target(%arg11 : memref<128xi32, #tpu.memory_space<vmem>>) target_semaphore(%run_scoped3A_259 : memref<!tpu.dma_semaphore, #tpu.memory_space<semaphore_mem>>)
          %dma_wait3A_262 = tpu.memref_slice %arg4[%add3A_191] : memref<331776xi32, #tpu.memory_space<hbm>> -> memref<128xi32, #tpu.memory_space<hbm>>
          %dma_wait3A_263 = tpu.memref_slice %arg4[%add3A_191] : memref<331776xi32, #tpu.memory_space<hbm>> -> memref<128xi32, #tpu.memory_space<hbm>>
          tpu.wait_dma2 semaphore(%run_scoped3A_259 : memref<!tpu.dma_semaphore, #tpu.memory_space<semaphore_mem>>) src(%dma_wait3A_263 : memref<128xi32, #tpu.memory_space<hbm>>) dst(%arg11 : memref<128xi32, #tpu.memory_space<vmem>>)
          tpu.yield
        }) : () -> ()
        %get3A_192 = arith.constant 0 : index
        %get3A_193 = tpu.vector_load %arg11[%get3A_192] {strides = array<i32>} : memref<128xi32, #tpu.memory_space<vmem>>, vector<16xi32>,
        %mul3A_194 = arith.constant 10000 : i32
        %mul3A_195 = arith.muli %arg0, %mul3A_194 : i32
        %add3A_196 = vector.broadcast %mul3A_195 : i32 to vector<16xi32>
        %add3A_197 = arith.addi %get3A_193, %add3A_196 : vector<16xi32>
        %swap3A_198 = arith.constant 0 : index
        %swap3A_199 = tpu.vector_load %arg13[%swap3A_198] {strides = array<i32>} : memref<128xi32, #tpu.memory_space<vmem>>, vector<16xi32>,
        tpu.vector_store %arg13[%swap3A_198], %add3A_197 {strides = array<i32>} : memref<128xi32, #tpu.memory_space<vmem>>, vector<16xi32>,
        %get3A_200 = arith.constant 16 : index
        %get3A_201 = tpu.vector_load %arg11[%get3A_200] {strides = array<i32>} : memref<128xi32, #tpu.memory_space<vmem>>, vector<16xi32>,
        %mul3A_202 = arith.constant 10000 : i32
        %mul3A_203 = arith.muli %arg0, %mul3A_202 : i32
        %add3A_204 = vector.broadcast %mul3A_203 : i32 to vector<16xi32>
        %add3A_205 = arith.addi %get3A_201, %add3A_204 : vector<16xi32>
        %swap3A_206 = arith.constant 16 : index
        %swap3A_207 = tpu.vector_load %arg13[%swap3A_206] {strides = array<i32>} : memref<128xi32, #tpu.memory_space<vmem>>, vector<16xi32>,
        tpu.vector_store %arg13[%swap3A_206], %add3A_205 {strides = array<i32>} : memref<128xi32, #tpu.memory_space<vmem>>, vector<16xi32>,
        %get3A_208 = arith.constant 32 : index
        %get3A_209 = tpu.vector_load %arg11[%get3A_208] {strides = array<i32>} : memref<128xi32, #tpu.memory_space<vmem>>, vector<16xi32>,
        %mul3A_210 = arith.constant 10000 : i32
        %mul3A_211 = arith.muli %arg0, %mul3A_210 : i32
        %add3A_212 = vector.broadcast %mul3A_211 : i32 to vector<16xi32>
        %add3A_213 = arith.addi %get3A_209, %add3A_212 : vector<16xi32>
        %swap3A_214 = arith.constant 32 : index
        %swap3A_215 = tpu.vector_load %arg13[%swap3A_214] {strides = array<i32>} : memref<128xi32, #tpu.memory_space<vmem>>, vector<16xi32>,
        tpu.vector_store %arg13[%swap3A_214], %add3A_213 {strides = array<i32>} : memref<128xi32, #tpu.memory_space<vmem>>, vector<16xi32>,
        %get3A_216 = arith.constant 48 : index
        %get3A_217 = tpu.vector_load %arg11[%get3A_216] {strides = array<i32>} : memref<128xi32, #tpu.memory_space<vmem>>, vector<16xi32>,
        %mul3A_218 = arith.constant 10000 : i32
        %mul3A_219 = arith.muli %arg0, %mul3A_218 : i32
        %add3A_220 = vector.broadcast %mul3A_219 : i32 to vector<16xi32>
        %add3A_221 = arith.addi %get3A_217, %add3A_220 : vector<16xi32>
        %swap3A_222 = arith.constant 48 : index
        %swap3A_223 = tpu.vector_load %arg13[%swap3A_222] {strides = array<i32>} : memref<128xi32, #tpu.memory_space<vmem>>, vector<16xi32>,
        tpu.vector_store %arg13[%swap3A_222], %add3A_221 {strides = array<i32>} : memref<128xi32, #tpu.memory_space<vmem>>, vector<16xi32>,
        %get3A_224 = arith.constant 64 : index
        %get3A_225 = tpu.vector_load %arg11[%get3A_224] {strides = array<i32>} : memref<128xi32, #tpu.memory_space<vmem>>, vector<16xi32>,
        %mul3A_226 = arith.constant 10000 : i32
        %mul3A_227 = arith.muli %arg0, %mul3A_226 : i32
        %add3A_228 = vector.broadcast %mul3A_227 : i32 to vector<16xi32>
        %add3A_229 = arith.addi %get3A_225, %add3A_228 : vector<16xi32>
        %swap3A_230 = arith.constant 64 : index
        %swap3A_231 = tpu.vector_load %arg13[%swap3A_230] {strides = array<i32>} : memref<128xi32, #tpu.memory_space<vmem>>, vector<16xi32>,
        tpu.vector_store %arg13[%swap3A_230], %add3A_229 {strides = array<i32>} : memref<128xi32, #tpu.memory_space<vmem>>, vector<16xi32>,
        %get3A_232 = arith.constant 80 : index
        %get3A_233 = tpu.vector_load %arg11[%get3A_232] {strides = array<i32>} : memref<128xi32, #tpu.memory_space<vmem>>, vector<16xi32>,
        %mul3A_234 = arith.constant 10000 : i32
        %mul3A_235 = arith.muli %arg0, %mul3A_234 : i32
        %add3A_236 = vector.broadcast %mul3A_235 : i32 to vector<16xi32>
        %add3A_237 = arith.addi %get3A_233, %add3A_236 : vector<16xi32>
        %swap3A_238 = arith.constant 80 : index
        %swap3A_239 = tpu.vector_load %arg13[%swap3A_238] {strides = array<i32>} : memref<128xi32, #tpu.memory_space<vmem>>, vector<16xi32>,
        tpu.vector_store %arg13[%swap3A_238], %add3A_237 {strides = array<i32>} : memref<128xi32, #tpu.memory_space<vmem>>, vector<16xi32>,
        %get3A_240 = arith.constant 96 : index
        %get3A_241 = tpu.vector_load %arg11[%get3A_240] {strides = array<i32>} : memref<128xi32, #tpu.memory_space<vmem>>, vector<16xi32>,
        %mul3A_242 = arith.constant 10000 : i32
        %mul3A_243 = arith.muli %arg0, %mul3A_242 : i32
        %add3A_244 = vector.broadcast %mul3A_243 : i32 to vector<16xi32>
        %add3A_245 = arith.addi %get3A_241, %add3A_244 : vector<16xi32>
        %swap3A_246 = arith.constant 96 : index
        %swap3A_247 = tpu.vector_load %arg13[%swap3A_246] {strides = array<i32>} : memref<128xi32, #tpu.memory_space<vmem>>, vector<16xi32>,
        tpu.vector_store %arg13[%swap3A_246], %add3A_245 {strides = array<i32>} : memref<128xi32, #tpu.memory_space<vmem>>, vector<16xi32>,
        %get3A_248 = arith.constant 112 : index
        %get3A_249 = tpu.vector_load %arg11[%get3A_248] {strides = array<i32>} : memref<128xi32, #tpu.memory_space<vmem>>, vector<16xi32>,
        %mul3A_250 = arith.constant 10000 : i32
        %mul3A_251 = arith.muli %arg0, %mul3A_250 : i32
        %add3A_252 = vector.broadcast %mul3A_251 : i32 to vector<16xi32>
        %add3A_253 = arith.addi %get3A_249, %add3A_252 : vector<16xi32>
        %swap3A_254 = arith.constant 112 : index
        %swap3A_255 = tpu.vector_load %arg13[%swap3A_254] {strides = array<i32>} : memref<128xi32, #tpu.memory_space<vmem>>, vector<16xi32>,
        tpu.vector_store %arg13[%swap3A_254], %add3A_253 {strides = array<i32>} : memref<128xi32, #tpu.memory_space<vmem>>, vector<16xi32>,
        %dma_start3A_256 = arith.constant 0 : i32
        %dma_start3A_257 = arith.constant 0 : i32
        %dma_start3A_258 = tpu.memref_slice %arg2[%dma_start3A_256, %dma_start3A_257] : memref<20000x32xf32, #tpu.memory_space<hbm>> -> memref<20000x32xf32, #tpu.memory_space<hbm>>
        tpu.enqueue_indirect_dma source(%dma_start3A_258 : memref<20000x32xf32, #tpu.memory_space<hbm>>) target(%arg8 : memref<128x32xf32, #tpu.memory_space<vmem>>) offsets(%arg13 : memref<128xi32, #tpu.memory_space<vmem>>) semaphore(%arg14 : memref<!tpu.dma_semaphore, #tpu.memory_space<semaphore_mem>>)
      } else {
      }
      "tpu.region"() ({
        %run_scoped3A_190 = tpu.sem_alloc : memref<!tpu.dma_semaphore, #tpu.memory_space<semaphore_mem>>
        %dma_start3A_191 = arith.constant 0 : i32
        %dma_start3A_192 = arith.constant 0 : i32
        %dma_start3A_193 = tpu.memref_slice %arg7[%dma_start3A_191, %dma_start3A_192] : memref<10112x48xf32, #tpu.memory_space<vmem_shared>> -> memref<10112x48xf32, #tpu.memory_space<vmem_shared>>
        tpu.enqueue_indirect_dma source(%arg9 : memref<128x48xf32, #tpu.memory_space<vmem>>) target(%dma_start3A_193 : memref<10112x48xf32, #tpu.memory_space<vmem_shared>>) offsets(%arg12 : memref<128xi32, #tpu.memory_space<vmem>>) semaphore(%run_scoped3A_190 : memref<!tpu.dma_semaphore, #tpu.memory_space<semaphore_mem>>) {add = true}
        %dma_wait3A_194 = arith.constant 0 : i32
        %dma_wait3A_195 = arith.constant 0 : i32
        %dma_wait3A_196 = tpu.memref_slice %arg7[%dma_wait3A_194, %dma_wait3A_195] : memref<10112x48xf32, #tpu.memory_space<vmem_shared>> -> memref<10112x48xf32, #tpu.memory_space<vmem_shared>>
        tpu.wait_indirect_dma semaphore(%run_scoped3A_190 : memref<!tpu.dma_semaphore, #tpu.memory_space<semaphore_mem>>) src(%arg9 : memref<128x48xf32, #tpu.memory_space<vmem>>) dst(%dma_wait3A_196 : memref<10112x48xf32, #tpu.memory_space<vmem_shared>>)
        tpu.yield
      }) : () -> ()
      %lt3A_184 = arith.constant 161 : i32
      %lt3A_185 = arith.cmpi slt, %scan3A_93, %lt3A_184 : i32
      %convert_element_type3A_186 = arith.extui %lt3A_185 : i1 to i32
      %cond3A_187 = arith.constant 0 : i32
      %cond3A_188 = arith.cmpi ne, %convert_element_type3A_186, %cond3A_187 : i32
      scf.if %cond3A_188 {
        %add3A_190 = arith.constant 128 : i32
        %add3A_191 = arith.addi %add3A_99, %add3A_190 : i32
        "tpu.region"() ({
          %run_scoped3A_192 = tpu.sem_alloc : memref<!tpu.dma_semaphore, #tpu.memory_space<semaphore_mem>>
          %dma_start3A_193 = tpu.memref_slice %arg5[%add3A_191] : memref<331776xi32, #tpu.memory_space<hbm>> -> memref<128xi32, #tpu.memory_space<hbm>>
          %dma_start3A_194 = tpu.memref_slice %arg5[%add3A_191] : memref<331776xi32, #tpu.memory_space<hbm>> -> memref<128xi32, #tpu.memory_space<hbm>>
          tpu.enqueue_dma source(%dma_start3A_194 : memref<128xi32, #tpu.memory_space<hbm>>) target(%arg12 : memref<128xi32, #tpu.memory_space<vmem>>) target_semaphore(%run_scoped3A_192 : memref<!tpu.dma_semaphore, #tpu.memory_space<semaphore_mem>>)
          %dma_wait3A_195 = tpu.memref_slice %arg5[%add3A_191] : memref<331776xi32, #tpu.memory_space<hbm>> -> memref<128xi32, #tpu.memory_space<hbm>>
          %dma_wait3A_196 = tpu.memref_slice %arg5[%add3A_191] : memref<331776xi32, #tpu.memory_space<hbm>> -> memref<128xi32, #tpu.memory_space<hbm>>
          tpu.wait_dma2 semaphore(%run_scoped3A_192 : memref<!tpu.dma_semaphore, #tpu.memory_space<semaphore_mem>>) src(%dma_wait3A_196 : memref<128xi32, #tpu.memory_space<hbm>>) dst(%arg12 : memref<128xi32, #tpu.memory_space<vmem>>)
          tpu.yield
        }) : () -> ()
      } else {
      }
      %scan3A_189 = arith.constant 0 : i32
      scf.yield %scan3A_189 : i32
    }
    %scan3A_91 = arith.constant 162 : i32
    %barrier3A_92 = arith.constant 0 : index
    tpu.barrier barrier_id(%barrier3A_92)
    "tpu.region"() ({
      %run_scoped3A = tpu.sem_alloc : memref<!tpu.dma_semaphore, #tpu.memory_space<semaphore_mem>>
      %dma_start3A_93 = arith.constant 0 : i32
      %dma_start3A_94 = tpu.memref_slice %arg6[%arg0, %mul3A_7, %dma_start3A_93] : memref<2x10112x48xf32, #tpu.memory_space<hbm>> -> memref<1x632x48xf32, #tpu.memory_space<hbm>>
      %dma_start3A_95 = tpu.memref_squeeze %dma_start3A_94 : memref<1x632x48xf32, #tpu.memory_space<hbm>> -> memref<632x48xf32, #tpu.memory_space<hbm>>
      %dma_start3A_96 = arith.constant 0 : i32
      %dma_start3A_97 = tpu.memref_slice %arg7[%mul3A_7, %dma_start3A_96] : memref<10112x48xf32, #tpu.memory_space<vmem_shared>> -> memref<632x48xf32, #tpu.memory_space<vmem_shared>>
      tpu.enqueue_dma source(%dma_start3A_97 : memref<632x48xf32, #tpu.memory_space<vmem_shared>>) target(%dma_start3A_95 : memref<632x48xf32, #tpu.memory_space<hbm>>) target_semaphore(%run_scoped3A : memref<!tpu.dma_semaphore, #tpu.memory_space<semaphore_mem>>)
      %dma_wait3A = arith.constant 0 : i32
      %dma_wait3A_98 = tpu.memref_slice %arg6[%arg0, %mul3A_7, %dma_wait3A] : memref<2x10112x48xf32, #tpu.memory_space<hbm>> -> memref<1x632x48xf32, #tpu.memory_space<hbm>>
      %dma_wait3A_99 = tpu.memref_squeeze %dma_wait3A_98 : memref<1x632x48xf32, #tpu.memory_space<hbm>> -> memref<632x48xf32, #tpu.memory_space<hbm>>
      %dma_wait3A_100 = arith.constant 0 : i32
      %dma_wait3A_101 = tpu.memref_slice %arg7[%mul3A_7, %dma_wait3A_100] : memref<10112x48xf32, #tpu.memory_space<vmem_shared>> -> memref<632x48xf32, #tpu.memory_space<vmem_shared>>
      tpu.wait_dma2 semaphore(%run_scoped3A : memref<!tpu.dma_semaphore, #tpu.memory_space<semaphore_mem>>) src(%dma_wait3A_101 : memref<632x48xf32, #tpu.memory_space<vmem_shared>>) dst(%dma_wait3A_99 : memref<632x48xf32, #tpu.memory_space<hbm>>)
      tpu.yield
    }) : () -> ()
    return
  }
}

#map = affine_map<(d0, d1) -> (0, 0)>
#map1 = affine_map<(d0, d1) -> (0)>
module attributes {stable_mosaic.version = 14 : i64} {
  func.func @body(%arg0: i32, %arg1: i32, %arg2: memref<10001x2xf32, #tpu.memory_space<hbm>>, %arg3: memref<331776xi32, #tpu.memory_space<hbm>>, %arg4: memref<331776xi32, #tpu.memory_space<hbm>>, %arg5: memref<1x331776xf32, #tpu.memory_space<hbm>>, %arg6: memref<10001x2xf32, #tpu.memory_space<vmem>>, %arg7: memref<1x128xf32, #tpu.memory_space<vmem>>, %arg8: memref<128xi32, #tpu.memory_space<vmem>>, %arg9: memref<128xi32, #tpu.memory_space<vmem>>) attributes {dimension_semantics = [#tpu.dimension_semantics<core_parallel>, #tpu.dimension_semantics<subcore_parallel>], iteration_bounds = array<i64: 2, 16>, scalar_prefetch = 0 : i64, scratch_operands = 4 : i64, tpu.core_type = #tpu.core_type<sc_vector_subcore>, window_params = [{transform_indices = #map}, {transform_indices = #map1}, {transform_indices = #map1}, {transform_indices = #map}]} {
    %mul3A = arith.constant 16 : i32
    %mul3A_0 = arith.muli %arg0, %mul3A : i32
    %add3A = arith.addi %mul3A_0, %arg1 : i32
    "tpu.region"() ({
      %run_scoped3A = tpu.sem_alloc : memref<!tpu.dma_semaphore, #tpu.memory_space<semaphore_mem>>
      tpu.enqueue_dma source(%arg2 : memref<10001x2xf32, #tpu.memory_space<hbm>>) target(%arg6 : memref<10001x2xf32, #tpu.memory_space<vmem>>) target_semaphore(%run_scoped3A : memref<!tpu.dma_semaphore, #tpu.memory_space<semaphore_mem>>)
      tpu.wait_dma2 semaphore(%run_scoped3A : memref<!tpu.dma_semaphore, #tpu.memory_space<semaphore_mem>>) src(%arg2 : memref<10001x2xf32, #tpu.memory_space<hbm>>) dst(%arg6 : memref<10001x2xf32, #tpu.memory_space<vmem>>)
      tpu.yield
    }) : () -> ()
    %iota3A = tpu.iota {dimensions = array<i32: 0>} : vector<16xi32>
    %scan3A = arith.constant 0 : i32
    %scan3A_1 = arith.constant 0 : i32
    %scan3A_2 = arith.constant 81 : i32
    %scan3A_3 = arith.addi %scan3A_1, %scan3A_2 : i32
    %scan3A_4 = arith.constant 1 : i32
    %scan3A_5 = scf.for %scan3A_7 = %scan3A_1 to %scan3A_3 step %scan3A_4 iter_args(%scan3A_8 = %scan3A) -> (i32)  : i32 {
      %mul3A_9 = arith.constant 10368 : i32
      %mul3A_10 = arith.muli %add3A, %mul3A_9 : i32
      %mul3A_11 = arith.constant 128 : i32
      %mul3A_12 = arith.muli %scan3A_7, %mul3A_11 : i32
      %add3A_13 = arith.addi %mul3A_10, %mul3A_12 : i32
      "tpu.region"() ({
        %run_scoped3A_179 = tpu.sem_alloc : memref<!tpu.dma_semaphore, #tpu.memory_space<semaphore_mem>>
        %dma_start3A = tpu.memref_slice %arg3[%add3A_13] : memref<331776xi32, #tpu.memory_space<hbm>> -> memref<128xi32, #tpu.memory_space<hbm>>
        %dma_start3A_180 = tpu.memref_slice %arg3[%add3A_13] : memref<331776xi32, #tpu.memory_space<hbm>> -> memref<128xi32, #tpu.memory_space<hbm>>
        tpu.enqueue_dma source(%dma_start3A_180 : memref<128xi32, #tpu.memory_space<hbm>>) target(%arg8 : memref<128xi32, #tpu.memory_space<vmem>>) target_semaphore(%run_scoped3A_179 : memref<!tpu.dma_semaphore, #tpu.memory_space<semaphore_mem>>)
        %dma_wait3A = tpu.memref_slice %arg3[%add3A_13] : memref<331776xi32, #tpu.memory_space<hbm>> -> memref<128xi32, #tpu.memory_space<hbm>>
        %dma_wait3A_181 = tpu.memref_slice %arg3[%add3A_13] : memref<331776xi32, #tpu.memory_space<hbm>> -> memref<128xi32, #tpu.memory_space<hbm>>
        tpu.wait_dma2 semaphore(%run_scoped3A_179 : memref<!tpu.dma_semaphore, #tpu.memory_space<semaphore_mem>>) src(%dma_wait3A_181 : memref<128xi32, #tpu.memory_space<hbm>>) dst(%arg8 : memref<128xi32, #tpu.memory_space<vmem>>)
        tpu.yield
      }) : () -> ()
      "tpu.region"() ({
        %run_scoped3A_179 = tpu.sem_alloc : memref<!tpu.dma_semaphore, #tpu.memory_space<semaphore_mem>>
        %dma_start3A = tpu.memref_slice %arg4[%add3A_13] : memref<331776xi32, #tpu.memory_space<hbm>> -> memref<128xi32, #tpu.memory_space<hbm>>
        %dma_start3A_180 = tpu.memref_slice %arg4[%add3A_13] : memref<331776xi32, #tpu.memory_space<hbm>> -> memref<128xi32, #tpu.memory_space<hbm>>
        tpu.enqueue_dma source(%dma_start3A_180 : memref<128xi32, #tpu.memory_space<hbm>>) target(%arg9 : memref<128xi32, #tpu.memory_space<vmem>>) target_semaphore(%run_scoped3A_179 : memref<!tpu.dma_semaphore, #tpu.memory_space<semaphore_mem>>)
        %dma_wait3A = tpu.memref_slice %arg4[%add3A_13] : memref<331776xi32, #tpu.memory_space<hbm>> -> memref<128xi32, #tpu.memory_space<hbm>>
        %dma_wait3A_181 = tpu.memref_slice %arg4[%add3A_13] : memref<331776xi32, #tpu.memory_space<hbm>> -> memref<128xi32, #tpu.memory_space<hbm>>
        tpu.wait_dma2 semaphore(%run_scoped3A_179 : memref<!tpu.dma_semaphore, #tpu.memory_space<semaphore_mem>>) src(%dma_wait3A_181 : memref<128xi32, #tpu.memory_space<hbm>>) dst(%arg9 : memref<128xi32, #tpu.memory_space<vmem>>)
        tpu.yield
      }) : () -> ()
      %get3A = arith.constant 0 : index
      %get3A_14 = tpu.vector_load %arg8[%get3A] {strides = array<i32>} : memref<128xi32, #tpu.memory_space<vmem>>, vector<16xi32>,
      %get3A_15 = arith.constant 0 : index
      %get3A_16 = tpu.vector_load %arg9[%get3A_15] {strides = array<i32>} : memref<128xi32, #tpu.memory_space<vmem>>, vector<16xi32>,
      %add3A_17 = arith.constant 0 : i32
      %add3A_18 = vector.broadcast %add3A_17 : i32 to vector<16xi32>
      %add3A_19 = arith.addi %iota3A, %add3A_18 : vector<16xi32>
      %broadcast_in_dim3A = arith.constant 0 : i32
      %broadcast_in_dim3A_20 = vector.broadcast %broadcast_in_dim3A : i32 to vector<16xi32>
      %gather3A = tpu.vector_load_idx %arg6[%get3A_14, %broadcast_in_dim3A_20] : memref<10001x2xf32, #tpu.memory_space<vmem>>[vector<16xi32>, vector<16xi32>], vector<16xf32>,
      %broadcast_in_dim3A_21 = arith.constant 1 : i32
      %broadcast_in_dim3A_22 = vector.broadcast %broadcast_in_dim3A_21 : i32 to vector<16xi32>
      %gather3A_23 = tpu.vector_load_idx %arg6[%get3A_16, %broadcast_in_dim3A_22] : memref<10001x2xf32, #tpu.memory_space<vmem>>[vector<16xi32>, vector<16xi32>], vector<16xf32>,
      %add3A_24 = arith.addf %gather3A, %gather3A_23 : vector<16xf32>
      %mul3A_25 = arith.constant 2.000000e-01 : f32
      %mul3A_26 = vector.broadcast %mul3A_25 : f32 to vector<16xf32>
      %mul3A_27 = arith.mulf %mul3A_26, %add3A_24 : vector<16xf32>
      %max3A = arith.maximumf %add3A_24, %mul3A_27 : vector<16xf32>
      %exp3A = math.exp %max3A : vector<16xf32>
      %broadcast_in_dim3A_28 = arith.constant 0 : i32
      %broadcast_in_dim3A_29 = vector.broadcast %broadcast_in_dim3A_28 : i32 to vector<16xi32>
      tpu.vector_store_idx %arg7[%broadcast_in_dim3A_29, %add3A_19], %exp3A : memref<1x128xf32, #tpu.memory_space<vmem>>[vector<16xi32>, vector<16xi32>], vector<16xf32>,
      %get3A_30 = arith.constant 16 : index
      %get3A_31 = tpu.vector_load %arg8[%get3A_30] {strides = array<i32>} : memref<128xi32, #tpu.memory_space<vmem>>, vector<16xi32>,
      %get3A_32 = arith.constant 16 : index
      %get3A_33 = tpu.vector_load %arg9[%get3A_32] {strides = array<i32>} : memref<128xi32, #tpu.memory_space<vmem>>, vector<16xi32>,
      %add3A_34 = arith.constant 16 : i32
      %add3A_35 = vector.broadcast %add3A_34 : i32 to vector<16xi32>
      %add3A_36 = arith.addi %iota3A, %add3A_35 : vector<16xi32>
      %broadcast_in_dim3A_37 = arith.constant 0 : i32
      %broadcast_in_dim3A_38 = vector.broadcast %broadcast_in_dim3A_37 : i32 to vector<16xi32>
      %gather3A_39 = tpu.vector_load_idx %arg6[%get3A_31, %broadcast_in_dim3A_38] : memref<10001x2xf32, #tpu.memory_space<vmem>>[vector<16xi32>, vector<16xi32>], vector<16xf32>,
      %broadcast_in_dim3A_40 = arith.constant 1 : i32
      %broadcast_in_dim3A_41 = vector.broadcast %broadcast_in_dim3A_40 : i32 to vector<16xi32>
      %gather3A_42 = tpu.vector_load_idx %arg6[%get3A_33, %broadcast_in_dim3A_41] : memref<10001x2xf32, #tpu.memory_space<vmem>>[vector<16xi32>, vector<16xi32>], vector<16xf32>,
      %add3A_43 = arith.addf %gather3A_39, %gather3A_42 : vector<16xf32>
      %mul3A_44 = arith.constant 2.000000e-01 : f32
      %mul3A_45 = vector.broadcast %mul3A_44 : f32 to vector<16xf32>
      %mul3A_46 = arith.mulf %mul3A_45, %add3A_43 : vector<16xf32>
      %max3A_47 = arith.maximumf %add3A_43, %mul3A_46 : vector<16xf32>
      %exp3A_48 = math.exp %max3A_47 : vector<16xf32>
      %broadcast_in_dim3A_49 = arith.constant 0 : i32
      %broadcast_in_dim3A_50 = vector.broadcast %broadcast_in_dim3A_49 : i32 to vector<16xi32>
      tpu.vector_store_idx %arg7[%broadcast_in_dim3A_50, %add3A_36], %exp3A_48 : memref<1x128xf32, #tpu.memory_space<vmem>>[vector<16xi32>, vector<16xi32>], vector<16xf32>,
      %get3A_51 = arith.constant 32 : index
      %get3A_52 = tpu.vector_load %arg8[%get3A_51] {strides = array<i32>} : memref<128xi32, #tpu.memory_space<vmem>>, vector<16xi32>,
      %get3A_53 = arith.constant 32 : index
      %get3A_54 = tpu.vector_load %arg9[%get3A_53] {strides = array<i32>} : memref<128xi32, #tpu.memory_space<vmem>>, vector<16xi32>,
      %add3A_55 = arith.constant 32 : i32
      %add3A_56 = vector.broadcast %add3A_55 : i32 to vector<16xi32>
      %add3A_57 = arith.addi %iota3A, %add3A_56 : vector<16xi32>
      %broadcast_in_dim3A_58 = arith.constant 0 : i32
      %broadcast_in_dim3A_59 = vector.broadcast %broadcast_in_dim3A_58 : i32 to vector<16xi32>
      %gather3A_60 = tpu.vector_load_idx %arg6[%get3A_52, %broadcast_in_dim3A_59] : memref<10001x2xf32, #tpu.memory_space<vmem>>[vector<16xi32>, vector<16xi32>], vector<16xf32>,
      %broadcast_in_dim3A_61 = arith.constant 1 : i32
      %broadcast_in_dim3A_62 = vector.broadcast %broadcast_in_dim3A_61 : i32 to vector<16xi32>
      %gather3A_63 = tpu.vector_load_idx %arg6[%get3A_54, %broadcast_in_dim3A_62] : memref<10001x2xf32, #tpu.memory_space<vmem>>[vector<16xi32>, vector<16xi32>], vector<16xf32>,
      %add3A_64 = arith.addf %gather3A_60, %gather3A_63 : vector<16xf32>
      %mul3A_65 = arith.constant 2.000000e-01 : f32
      %mul3A_66 = vector.broadcast %mul3A_65 : f32 to vector<16xf32>
      %mul3A_67 = arith.mulf %mul3A_66, %add3A_64 : vector<16xf32>
      %max3A_68 = arith.maximumf %add3A_64, %mul3A_67 : vector<16xf32>
      %exp3A_69 = math.exp %max3A_68 : vector<16xf32>
      %broadcast_in_dim3A_70 = arith.constant 0 : i32
      %broadcast_in_dim3A_71 = vector.broadcast %broadcast_in_dim3A_70 : i32 to vector<16xi32>
      tpu.vector_store_idx %arg7[%broadcast_in_dim3A_71, %add3A_57], %exp3A_69 : memref<1x128xf32, #tpu.memory_space<vmem>>[vector<16xi32>, vector<16xi32>], vector<16xf32>,
      %get3A_72 = arith.constant 48 : index
      %get3A_73 = tpu.vector_load %arg8[%get3A_72] {strides = array<i32>} : memref<128xi32, #tpu.memory_space<vmem>>, vector<16xi32>,
      %get3A_74 = arith.constant 48 : index
      %get3A_75 = tpu.vector_load %arg9[%get3A_74] {strides = array<i32>} : memref<128xi32, #tpu.memory_space<vmem>>, vector<16xi32>,
      %add3A_76 = arith.constant 48 : i32
      %add3A_77 = vector.broadcast %add3A_76 : i32 to vector<16xi32>
      %add3A_78 = arith.addi %iota3A, %add3A_77 : vector<16xi32>
      %broadcast_in_dim3A_79 = arith.constant 0 : i32
      %broadcast_in_dim3A_80 = vector.broadcast %broadcast_in_dim3A_79 : i32 to vector<16xi32>
      %gather3A_81 = tpu.vector_load_idx %arg6[%get3A_73, %broadcast_in_dim3A_80] : memref<10001x2xf32, #tpu.memory_space<vmem>>[vector<16xi32>, vector<16xi32>], vector<16xf32>,
      %broadcast_in_dim3A_82 = arith.constant 1 : i32
      %broadcast_in_dim3A_83 = vector.broadcast %broadcast_in_dim3A_82 : i32 to vector<16xi32>
      %gather3A_84 = tpu.vector_load_idx %arg6[%get3A_75, %broadcast_in_dim3A_83] : memref<10001x2xf32, #tpu.memory_space<vmem>>[vector<16xi32>, vector<16xi32>], vector<16xf32>,
      %add3A_85 = arith.addf %gather3A_81, %gather3A_84 : vector<16xf32>
      %mul3A_86 = arith.constant 2.000000e-01 : f32
      %mul3A_87 = vector.broadcast %mul3A_86 : f32 to vector<16xf32>
      %mul3A_88 = arith.mulf %mul3A_87, %add3A_85 : vector<16xf32>
      %max3A_89 = arith.maximumf %add3A_85, %mul3A_88 : vector<16xf32>
      %exp3A_90 = math.exp %max3A_89 : vector<16xf32>
      %broadcast_in_dim3A_91 = arith.constant 0 : i32
      %broadcast_in_dim3A_92 = vector.broadcast %broadcast_in_dim3A_91 : i32 to vector<16xi32>
      tpu.vector_store_idx %arg7[%broadcast_in_dim3A_92, %add3A_78], %exp3A_90 : memref<1x128xf32, #tpu.memory_space<vmem>>[vector<16xi32>, vector<16xi32>], vector<16xf32>,
      %get3A_93 = arith.constant 64 : index
      %get3A_94 = tpu.vector_load %arg8[%get3A_93] {strides = array<i32>} : memref<128xi32, #tpu.memory_space<vmem>>, vector<16xi32>,
      %get3A_95 = arith.constant 64 : index
      %get3A_96 = tpu.vector_load %arg9[%get3A_95] {strides = array<i32>} : memref<128xi32, #tpu.memory_space<vmem>>, vector<16xi32>,
      %add3A_97 = arith.constant 64 : i32
      %add3A_98 = vector.broadcast %add3A_97 : i32 to vector<16xi32>
      %add3A_99 = arith.addi %iota3A, %add3A_98 : vector<16xi32>
      %broadcast_in_dim3A_100 = arith.constant 0 : i32
      %broadcast_in_dim3A_101 = vector.broadcast %broadcast_in_dim3A_100 : i32 to vector<16xi32>
      %gather3A_102 = tpu.vector_load_idx %arg6[%get3A_94, %broadcast_in_dim3A_101] : memref<10001x2xf32, #tpu.memory_space<vmem>>[vector<16xi32>, vector<16xi32>], vector<16xf32>,
      %broadcast_in_dim3A_103 = arith.constant 1 : i32
      %broadcast_in_dim3A_104 = vector.broadcast %broadcast_in_dim3A_103 : i32 to vector<16xi32>
      %gather3A_105 = tpu.vector_load_idx %arg6[%get3A_96, %broadcast_in_dim3A_104] : memref<10001x2xf32, #tpu.memory_space<vmem>>[vector<16xi32>, vector<16xi32>], vector<16xf32>,
      %add3A_106 = arith.addf %gather3A_102, %gather3A_105 : vector<16xf32>
      %mul3A_107 = arith.constant 2.000000e-01 : f32
      %mul3A_108 = vector.broadcast %mul3A_107 : f32 to vector<16xf32>
      %mul3A_109 = arith.mulf %mul3A_108, %add3A_106 : vector<16xf32>
      %max3A_110 = arith.maximumf %add3A_106, %mul3A_109 : vector<16xf32>
      %exp3A_111 = math.exp %max3A_110 : vector<16xf32>
      %broadcast_in_dim3A_112 = arith.constant 0 : i32
      %broadcast_in_dim3A_113 = vector.broadcast %broadcast_in_dim3A_112 : i32 to vector<16xi32>
      tpu.vector_store_idx %arg7[%broadcast_in_dim3A_113, %add3A_99], %exp3A_111 : memref<1x128xf32, #tpu.memory_space<vmem>>[vector<16xi32>, vector<16xi32>], vector<16xf32>,
      %get3A_114 = arith.constant 80 : index
      %get3A_115 = tpu.vector_load %arg8[%get3A_114] {strides = array<i32>} : memref<128xi32, #tpu.memory_space<vmem>>, vector<16xi32>,
      %get3A_116 = arith.constant 80 : index
      %get3A_117 = tpu.vector_load %arg9[%get3A_116] {strides = array<i32>} : memref<128xi32, #tpu.memory_space<vmem>>, vector<16xi32>,
      %add3A_118 = arith.constant 80 : i32
      %add3A_119 = vector.broadcast %add3A_118 : i32 to vector<16xi32>
      %add3A_120 = arith.addi %iota3A, %add3A_119 : vector<16xi32>
      %broadcast_in_dim3A_121 = arith.constant 0 : i32
      %broadcast_in_dim3A_122 = vector.broadcast %broadcast_in_dim3A_121 : i32 to vector<16xi32>
      %gather3A_123 = tpu.vector_load_idx %arg6[%get3A_115, %broadcast_in_dim3A_122] : memref<10001x2xf32, #tpu.memory_space<vmem>>[vector<16xi32>, vector<16xi32>], vector<16xf32>,
      %broadcast_in_dim3A_124 = arith.constant 1 : i32
      %broadcast_in_dim3A_125 = vector.broadcast %broadcast_in_dim3A_124 : i32 to vector<16xi32>
      %gather3A_126 = tpu.vector_load_idx %arg6[%get3A_117, %broadcast_in_dim3A_125] : memref<10001x2xf32, #tpu.memory_space<vmem>>[vector<16xi32>, vector<16xi32>], vector<16xf32>,
      %add3A_127 = arith.addf %gather3A_123, %gather3A_126 : vector<16xf32>
      %mul3A_128 = arith.constant 2.000000e-01 : f32
      %mul3A_129 = vector.broadcast %mul3A_128 : f32 to vector<16xf32>
      %mul3A_130 = arith.mulf %mul3A_129, %add3A_127 : vector<16xf32>
      %max3A_131 = arith.maximumf %add3A_127, %mul3A_130 : vector<16xf32>
      %exp3A_132 = math.exp %max3A_131 : vector<16xf32>
      %broadcast_in_dim3A_133 = arith.constant 0 : i32
      %broadcast_in_dim3A_134 = vector.broadcast %broadcast_in_dim3A_133 : i32 to vector<16xi32>
      tpu.vector_store_idx %arg7[%broadcast_in_dim3A_134, %add3A_120], %exp3A_132 : memref<1x128xf32, #tpu.memory_space<vmem>>[vector<16xi32>, vector<16xi32>], vector<16xf32>,
      %get3A_135 = arith.constant 96 : index
      %get3A_136 = tpu.vector_load %arg8[%get3A_135] {strides = array<i32>} : memref<128xi32, #tpu.memory_space<vmem>>, vector<16xi32>,
      %get3A_137 = arith.constant 96 : index
      %get3A_138 = tpu.vector_load %arg9[%get3A_137] {strides = array<i32>} : memref<128xi32, #tpu.memory_space<vmem>>, vector<16xi32>,
      %add3A_139 = arith.constant 96 : i32
      %add3A_140 = vector.broadcast %add3A_139 : i32 to vector<16xi32>
      %add3A_141 = arith.addi %iota3A, %add3A_140 : vector<16xi32>
      %broadcast_in_dim3A_142 = arith.constant 0 : i32
      %broadcast_in_dim3A_143 = vector.broadcast %broadcast_in_dim3A_142 : i32 to vector<16xi32>
      %gather3A_144 = tpu.vector_load_idx %arg6[%get3A_136, %broadcast_in_dim3A_143] : memref<10001x2xf32, #tpu.memory_space<vmem>>[vector<16xi32>, vector<16xi32>], vector<16xf32>,
      %broadcast_in_dim3A_145 = arith.constant 1 : i32
      %broadcast_in_dim3A_146 = vector.broadcast %broadcast_in_dim3A_145 : i32 to vector<16xi32>
      %gather3A_147 = tpu.vector_load_idx %arg6[%get3A_138, %broadcast_in_dim3A_146] : memref<10001x2xf32, #tpu.memory_space<vmem>>[vector<16xi32>, vector<16xi32>], vector<16xf32>,
      %add3A_148 = arith.addf %gather3A_144, %gather3A_147 : vector<16xf32>
      %mul3A_149 = arith.constant 2.000000e-01 : f32
      %mul3A_150 = vector.broadcast %mul3A_149 : f32 to vector<16xf32>
      %mul3A_151 = arith.mulf %mul3A_150, %add3A_148 : vector<16xf32>
      %max3A_152 = arith.maximumf %add3A_148, %mul3A_151 : vector<16xf32>
      %exp3A_153 = math.exp %max3A_152 : vector<16xf32>
      %broadcast_in_dim3A_154 = arith.constant 0 : i32
      %broadcast_in_dim3A_155 = vector.broadcast %broadcast_in_dim3A_154 : i32 to vector<16xi32>
      tpu.vector_store_idx %arg7[%broadcast_in_dim3A_155, %add3A_141], %exp3A_153 : memref<1x128xf32, #tpu.memory_space<vmem>>[vector<16xi32>, vector<16xi32>], vector<16xf32>,
      %get3A_156 = arith.constant 112 : index
      %get3A_157 = tpu.vector_load %arg8[%get3A_156] {strides = array<i32>} : memref<128xi32, #tpu.memory_space<vmem>>, vector<16xi32>,
      %get3A_158 = arith.constant 112 : index
      %get3A_159 = tpu.vector_load %arg9[%get3A_158] {strides = array<i32>} : memref<128xi32, #tpu.memory_space<vmem>>, vector<16xi32>,
      %add3A_160 = arith.constant 112 : i32
      %add3A_161 = vector.broadcast %add3A_160 : i32 to vector<16xi32>
      %add3A_162 = arith.addi %iota3A, %add3A_161 : vector<16xi32>
      %broadcast_in_dim3A_163 = arith.constant 0 : i32
      %broadcast_in_dim3A_164 = vector.broadcast %broadcast_in_dim3A_163 : i32 to vector<16xi32>
      %gather3A_165 = tpu.vector_load_idx %arg6[%get3A_157, %broadcast_in_dim3A_164] : memref<10001x2xf32, #tpu.memory_space<vmem>>[vector<16xi32>, vector<16xi32>], vector<16xf32>,
      %broadcast_in_dim3A_166 = arith.constant 1 : i32
      %broadcast_in_dim3A_167 = vector.broadcast %broadcast_in_dim3A_166 : i32 to vector<16xi32>
      %gather3A_168 = tpu.vector_load_idx %arg6[%get3A_159, %broadcast_in_dim3A_167] : memref<10001x2xf32, #tpu.memory_space<vmem>>[vector<16xi32>, vector<16xi32>], vector<16xf32>,
      %add3A_169 = arith.addf %gather3A_165, %gather3A_168 : vector<16xf32>
      %mul3A_170 = arith.constant 2.000000e-01 : f32
      %mul3A_171 = vector.broadcast %mul3A_170 : f32 to vector<16xf32>
      %mul3A_172 = arith.mulf %mul3A_171, %add3A_169 : vector<16xf32>
      %max3A_173 = arith.maximumf %add3A_169, %mul3A_172 : vector<16xf32>
      %exp3A_174 = math.exp %max3A_173 : vector<16xf32>
      %broadcast_in_dim3A_175 = arith.constant 0 : i32
      %broadcast_in_dim3A_176 = vector.broadcast %broadcast_in_dim3A_175 : i32 to vector<16xi32>
      tpu.vector_store_idx %arg7[%broadcast_in_dim3A_176, %add3A_162], %exp3A_174 : memref<1x128xf32, #tpu.memory_space<vmem>>[vector<16xi32>, vector<16xi32>], vector<16xf32>,
      %run_scoped3A = arith.constant 0 : i32
      %run_scoped3A_177 = arith.constant 0 : i32
      "tpu.region"() ({
        %run_scoped3A_179 = tpu.sem_alloc : memref<!tpu.dma_semaphore, #tpu.memory_space<semaphore_mem>>
        %dma_start3A = arith.constant 0 : i32
        %dma_start3A_180 = tpu.memref_slice %arg7[%run_scoped3A, %dma_start3A] : memref<1x128xf32, #tpu.memory_space<vmem>> -> memref<1x128xf32, #tpu.memory_space<vmem>>
        %dma_start3A_181 = tpu.memref_squeeze %dma_start3A_180 : memref<1x128xf32, #tpu.memory_space<vmem>> -> memref<128xf32, #tpu.memory_space<vmem>>
        %dma_start3A_182 = tpu.memref_slice %arg5[%run_scoped3A_177, %add3A_13] : memref<1x331776xf32, #tpu.memory_space<hbm>> -> memref<1x128xf32, #tpu.memory_space<hbm>>
        %dma_start3A_183 = tpu.memref_squeeze %dma_start3A_182 : memref<1x128xf32, #tpu.memory_space<hbm>> -> memref<128xf32, #tpu.memory_space<hbm>>
        %dma_start3A_184 = tpu.memref_slice %arg5[%run_scoped3A_177, %add3A_13] : memref<1x331776xf32, #tpu.memory_space<hbm>> -> memref<1x128xf32, #tpu.memory_space<hbm>>
        %dma_start3A_185 = tpu.memref_squeeze %dma_start3A_184 : memref<1x128xf32, #tpu.memory_space<hbm>> -> memref<128xf32, #tpu.memory_space<hbm>>
        %dma_start3A_186 = arith.constant 0 : i32
        %dma_start3A_187 = tpu.memref_slice %arg7[%run_scoped3A, %dma_start3A_186] : memref<1x128xf32, #tpu.memory_space<vmem>> -> memref<1x128xf32, #tpu.memory_space<vmem>>
        %dma_start3A_188 = tpu.memref_squeeze %dma_start3A_187 : memref<1x128xf32, #tpu.memory_space<vmem>> -> memref<128xf32, #tpu.memory_space<vmem>>
        tpu.enqueue_dma source(%dma_start3A_188 : memref<128xf32, #tpu.memory_space<vmem>>) target(%dma_start3A_185 : memref<128xf32, #tpu.memory_space<hbm>>) target_semaphore(%run_scoped3A_179 : memref<!tpu.dma_semaphore, #tpu.memory_space<semaphore_mem>>)
        %dma_wait3A = arith.constant 0 : i32
        %dma_wait3A_189 = tpu.memref_slice %arg7[%run_scoped3A, %dma_wait3A] : memref<1x128xf32, #tpu.memory_space<vmem>> -> memref<1x128xf32, #tpu.memory_space<vmem>>
        %dma_wait3A_190 = tpu.memref_squeeze %dma_wait3A_189 : memref<1x128xf32, #tpu.memory_space<vmem>> -> memref<128xf32, #tpu.memory_space<vmem>>
        %dma_wait3A_191 = tpu.memref_slice %arg5[%run_scoped3A_177, %add3A_13] : memref<1x331776xf32, #tpu.memory_space<hbm>> -> memref<1x128xf32, #tpu.memory_space<hbm>>
        %dma_wait3A_192 = tpu.memref_squeeze %dma_wait3A_191 : memref<1x128xf32, #tpu.memory_space<hbm>> -> memref<128xf32, #tpu.memory_space<hbm>>
        %dma_wait3A_193 = tpu.memref_slice %arg5[%run_scoped3A_177, %add3A_13] : memref<1x331776xf32, #tpu.memory_space<hbm>> -> memref<1x128xf32, #tpu.memory_space<hbm>>
        %dma_wait3A_194 = tpu.memref_squeeze %dma_wait3A_193 : memref<1x128xf32, #tpu.memory_space<hbm>> -> memref<128xf32, #tpu.memory_space<hbm>>
        %dma_wait3A_195 = arith.constant 0 : i32
        %dma_wait3A_196 = tpu.memref_slice %arg7[%run_scoped3A, %dma_wait3A_195] : memref<1x128xf32, #tpu.memory_space<vmem>> -> memref<1x128xf32, #tpu.memory_space<vmem>>
        %dma_wait3A_197 = tpu.memref_squeeze %dma_wait3A_196 : memref<1x128xf32, #tpu.memory_space<vmem>> -> memref<128xf32, #tpu.memory_space<vmem>>
        tpu.wait_dma2 semaphore(%run_scoped3A_179 : memref<!tpu.dma_semaphore, #tpu.memory_space<semaphore_mem>>) src(%dma_wait3A_197 : memref<128xf32, #tpu.memory_space<vmem>>) dst(%dma_wait3A_194 : memref<128xf32, #tpu.memory_space<hbm>>)
        tpu.yield
      }) : () -> ()
      %scan3A_178 = arith.constant 0 : i32
      scf.yield %scan3A_178 : i32
    }
    %scan3A_6 = arith.constant 81 : i32
    return
  }
}

module attributes {stable_mosaic.version = 14 : i64} {
  func.func @_proj1_body(%arg0: i32, %arg1: memref<1000x128xf32, #tpu.memory_space<vmem>>, %arg2: memref<128x256xf32, #tpu.memory_space<vmem>>, %arg3: memref<1x256xf32, #tpu.memory_space<vmem>>, %arg4: memref<1x256xf32, #tpu.memory_space<vmem>>, %arg5: memref<2x1000x128xf32, #tpu.memory_space<vmem>>, %arg6: memref<1000x8xf32, #tpu.memory_space<vmem>>) attributes {dimension_semantics = [#tpu.dimension_semantics<arbitrary>], iteration_bounds = array<i64: 10>, scalar_prefetch = 0 : i64, scratch_operands = 0 : i64, tpu.core_type = #tpu.core_type<tc>, window_params = [{transform_indices = @transform_0, window_bounds = array<i64: 1000, 128>}, {pipeline_mode = #tpu.pipeline_mode<synchronous>, transform_indices = @transform_1, window_bounds = array<i64: 128, 256>}, {pipeline_mode = #tpu.pipeline_mode<synchronous>, transform_indices = @transform_2, window_bounds = array<i64: 1, 256>}, {pipeline_mode = #tpu.pipeline_mode<synchronous>, transform_indices = @transform_3, window_bounds = array<i64: 1, 256>}, {transform_indices = @transform_4, window_bounds = array<i64: 2, 1000, 128>}, {transform_indices = @transform_5, window_bounds = array<i64: 1000, 8>}]} {
    %get3A = arith.constant 0 : index
    %get3A_0 = arith.constant 0 : index
    %get3A_1 = vector.load %arg1[%get3A, %get3A_0] : memref<1000x128xf32, #tpu.memory_space<vmem>>, vector<1000x128xf32>
    %get3A_2 = arith.constant 0 : index
    %get3A_3 = arith.constant 0 : index
    %get3A_4 = vector.load %arg2[%get3A_2, %get3A_3] : memref<128x256xf32, #tpu.memory_space<vmem>>, vector<128x256xf32>
    %dot_general3A = arith.constant dense<0.000000e+00> : vector<1000x256xf32>
    %dot_general3A_5 = tpu.matmul %get3A_1, %get3A_4, %dot_general3A {dimension_numbers = #tpu.dot_dimension_numbers<[1], [0], [0], [1], [0, 0, 1, 1], [], []>, transpose_lhs_hint = false} : vector<1000x128xf32>, vector<128x256xf32>, vector<1000x256xf32> -> vector<1000x256xf32>
    %slice3A = vector.extract_strided_slice %dot_general3A_5 {offsets = [0, 0], sizes = [1000, 128], strides = [1, 1]} : vector<1000x256xf32> to vector<1000x128xf32>
    %swap3A = arith.constant 0 : index
    %swap3A_6 = arith.constant 0 : index
    %swap3A_7 = arith.constant 0 : index
    %swap3A_8 = vector.load %arg5[%swap3A, %swap3A_6, %swap3A_7] : memref<2x1000x128xf32, #tpu.memory_space<vmem>>, vector<1x1000x128xf32>
    %swap3A_9 = vector.shape_cast %swap3A_8 : vector<1x1000x128xf32> to vector<1000x128xf32>
    %swap3A_10 = vector.shape_cast %slice3A : vector<1000x128xf32> to vector<1x1000x128xf32>
    tpu.vector_store %arg5[%swap3A, %swap3A_6, %swap3A_7], %swap3A_10 {strides = array<i32>} : memref<2x1000x128xf32, #tpu.memory_space<vmem>>, vector<1x1000x128xf32>,
    %slice3A_11 = vector.extract_strided_slice %dot_general3A_5 {offsets = [0, 128], sizes = [1000, 128], strides = [1, 1]} : vector<1000x256xf32> to vector<1000x128xf32>
    %swap3A_12 = arith.constant 1 : index
    %swap3A_13 = arith.constant 0 : index
    %swap3A_14 = arith.constant 0 : index
    %swap3A_15 = vector.load %arg5[%swap3A_12, %swap3A_13, %swap3A_14] : memref<2x1000x128xf32, #tpu.memory_space<vmem>>, vector<1x1000x128xf32>
    %swap3A_16 = vector.shape_cast %swap3A_15 : vector<1x1000x128xf32> to vector<1000x128xf32>
    %swap3A_17 = vector.shape_cast %slice3A_11 : vector<1000x128xf32> to vector<1x1000x128xf32>
    tpu.vector_store %arg5[%swap3A_12, %swap3A_13, %swap3A_14], %swap3A_17 {strides = array<i32>} : memref<2x1000x128xf32, #tpu.memory_space<vmem>>, vector<1x1000x128xf32>,
    %get3A_18 = arith.constant 0 : index
    %get3A_19 = arith.constant 0 : index
    %get3A_20 = vector.load %arg3[%get3A_18, %get3A_19] : memref<1x256xf32, #tpu.memory_space<vmem>>, vector<1x256xf32>
    %mul3A = vector.broadcast %get3A_20 : vector<1x256xf32> to vector<1000x256xf32>
    %mul3A_21 = arith.mulf %dot_general3A_5, %mul3A : vector<1000x256xf32>
    %reshape3A = vector.shape_cast %mul3A_21 : vector<1000x256xf32> to vector<1000x4x64xf32>
    %reduce_sum3A = arith.constant dense<0.000000e+00> : vector<1000x4xf32>
    %reduce_sum3A_22 = vector.multi_reduction <add>, %reshape3A, %reduce_sum3A [2] : vector<1000x4x64xf32> to vector<1000x4xf32>
    %get3A_23 = arith.constant 0 : index
    %get3A_24 = arith.constant 0 : index
    %get3A_25 = vector.load %arg4[%get3A_23, %get3A_24] : memref<1x256xf32, #tpu.memory_space<vmem>>, vector<1x256xf32>
    %mul3A_26 = vector.broadcast %get3A_25 : vector<1x256xf32> to vector<1000x256xf32>
    %mul3A_27 = arith.mulf %dot_general3A_5, %mul3A_26 : vector<1000x256xf32>
    %reshape3A_28 = vector.shape_cast %mul3A_27 : vector<1000x256xf32> to vector<1000x4x64xf32>
    %reduce_sum3A_29 = arith.constant dense<0.000000e+00> : vector<1000x4xf32>
    %reduce_sum3A_30 = vector.multi_reduction <add>, %reshape3A_28, %reduce_sum3A_29 [2] : vector<1000x4x64xf32> to vector<1000x4xf32>
    %concatenate3A = tpu.concatenate %reduce_sum3A_22, %reduce_sum3A_30 in 1 : vector<1000x4xf32>, vector<1000x4xf32> -> vector<1000x8xf32>
    %swap3A_31 = arith.constant 0 : index
    %swap3A_32 = arith.constant 0 : index
    %swap3A_33 = vector.load %arg6[%swap3A_31, %swap3A_32] : memref<1000x8xf32, #tpu.memory_space<vmem>>, vector<1000x8xf32>
    tpu.vector_store %arg6[%swap3A_31, %swap3A_32], %concatenate3A {strides = array<i32>} : memref<1000x8xf32, #tpu.memory_space<vmem>>, vector<1000x8xf32>,
    return
  }
  func.func @transform_0(%arg0: i32) -> (i32, i32) {
    %c0_i32 = arith.constant 0 : i32
    %c0_i32_0 = arith.constant 0 : i32
    return %arg0, %c0_i32 : i32, i32
  }
  func.func @transform_1(%arg0: i32) -> (i32, i32) {
    %c0_i32 = arith.constant 0 : i32
    %c0_i32_0 = arith.constant 0 : i32
    %c0_i32_1 = arith.constant 0 : i32
    return %c0_i32, %c0_i32_0 : i32, i32
  }
  func.func @transform_2(%arg0: i32) -> (i32, i32) {
    %c0_i32 = arith.constant 0 : i32
    %c0_i32_0 = arith.constant 0 : i32
    %c0_i32_1 = arith.constant 0 : i32
    return %c0_i32, %c0_i32_0 : i32, i32
  }
  func.func @transform_3(%arg0: i32) -> (i32, i32) {
    %c0_i32 = arith.constant 0 : i32
    %c0_i32_0 = arith.constant 0 : i32
    %c0_i32_1 = arith.constant 0 : i32
    return %c0_i32, %c0_i32_0 : i32, i32
  }
  func.func @transform_4(%arg0: i32) -> (i32, i32, i32) {
    %c0_i32 = arith.constant 0 : i32
    %c0_i32_0 = arith.constant 0 : i32
    %c0_i32_1 = arith.constant 0 : i32
    return %c0_i32, %arg0, %c0_i32_0 : i32, i32, i32
  }
  func.func @transform_5(%arg0: i32) -> (i32, i32) {
    %c0_i32 = arith.constant 0 : i32
    %c0_i32_0 = arith.constant 0 : i32
    return %arg0, %c0_i32 : i32, i32
  }
}

module attributes {stable_mosaic.version = 14 : i64} {
  func.func @_mid_body(%arg0: i32, %arg1: memref<2x1000x144xf32, #tpu.memory_space<vmem>>, %arg2: memref<256x64xf32, #tpu.memory_space<vmem>>, %arg3: memref<1x256xf32, #tpu.memory_space<vmem>>, %arg4: memref<64x2xf32, #tpu.memory_space<vmem>>, %arg5: memref<2x1000x32xf32, #tpu.memory_space<vmem>>, %arg6: memref<1000x2xf32, #tpu.memory_space<vmem>>) attributes {dimension_semantics = [#tpu.dimension_semantics<arbitrary>], iteration_bounds = array<i64: 10>, scalar_prefetch = 0 : i64, scratch_operands = 0 : i64, tpu.core_type = #tpu.core_type<tc>, window_params = [{transform_indices = @transform_0, window_bounds = array<i64: 2, 1000, 144>}, {pipeline_mode = #tpu.pipeline_mode<synchronous>, transform_indices = @transform_1, window_bounds = array<i64: 256, 64>}, {pipeline_mode = #tpu.pipeline_mode<synchronous>, transform_indices = @transform_2, window_bounds = array<i64: 1, 256>}, {pipeline_mode = #tpu.pipeline_mode<synchronous>, transform_indices = @transform_3, window_bounds = array<i64: 64, 2>}, {transform_indices = @transform_4, window_bounds = array<i64: 2, 1000, 32>}, {transform_indices = @transform_5, window_bounds = array<i64: 1000, 2>}]} {
    %get3A = arith.constant 0 : index
    %get3A_0 = arith.constant 0 : index
    %get3A_1 = arith.constant 0 : index
    %get3A_2 = vector.load %arg1[%get3A, %get3A_0, %get3A_1] : memref<2x1000x144xf32, #tpu.memory_space<vmem>>, vector<1x1000x144xf32>
    %get3A_3 = vector.shape_cast %get3A_2 : vector<1x1000x144xf32> to vector<1000x144xf32>
    %get3A_4 = arith.constant 1 : index
    %get3A_5 = arith.constant 0 : index
    %get3A_6 = arith.constant 0 : index
    %get3A_7 = vector.load %arg1[%get3A_4, %get3A_5, %get3A_6] : memref<2x1000x144xf32, #tpu.memory_space<vmem>>, vector<1x1000x144xf32>
    %get3A_8 = vector.shape_cast %get3A_7 : vector<1x1000x144xf32> to vector<1000x144xf32>
    %slice3A = vector.extract_strided_slice %get3A_3 {offsets = [0, 0], sizes = [1000, 64], strides = [1, 1]} : vector<1000x144xf32> to vector<1000x64xf32>
    %slice3A_9 = vector.extract_strided_slice %get3A_3 {offsets = [0, 128], sizes = [1000, 1], strides = [1, 1]} : vector<1000x144xf32> to vector<1000x1xf32>
    %add3A = arith.constant 1.000000e-16 : f32
    %add3A_10 = vector.broadcast %add3A : f32 to vector<1000x1xf32>
    %add3A_11 = arith.addf %slice3A_9, %add3A_10 : vector<1000x1xf32>
    %div3A = vector.broadcast %add3A_11 : vector<1000x1xf32> to vector<1000x64xf32>
    %div3A_12 = arith.divf %slice3A, %div3A : vector<1000x64xf32>
    %slice3A_13 = vector.extract_strided_slice %get3A_3 {offsets = [0, 64], sizes = [1000, 64], strides = [1, 1]} : vector<1000x144xf32> to vector<1000x64xf32>
    %slice3A_14 = vector.extract_strided_slice %get3A_3 {offsets = [0, 129], sizes = [1000, 1], strides = [1, 1]} : vector<1000x144xf32> to vector<1000x1xf32>
    %add3A_15 = arith.constant 1.000000e-16 : f32
    %add3A_16 = vector.broadcast %add3A_15 : f32 to vector<1000x1xf32>
    %add3A_17 = arith.addf %slice3A_14, %add3A_16 : vector<1000x1xf32>
    %div3A_18 = vector.broadcast %add3A_17 : vector<1000x1xf32> to vector<1000x64xf32>
    %div3A_19 = arith.divf %slice3A_13, %div3A_18 : vector<1000x64xf32>
    %slice3A_20 = vector.extract_strided_slice %get3A_8 {offsets = [0, 0], sizes = [1000, 64], strides = [1, 1]} : vector<1000x144xf32> to vector<1000x64xf32>
    %slice3A_21 = vector.extract_strided_slice %get3A_8 {offsets = [0, 128], sizes = [1000, 1], strides = [1, 1]} : vector<1000x144xf32> to vector<1000x1xf32>
    %add3A_22 = arith.constant 1.000000e-16 : f32
    %add3A_23 = vector.broadcast %add3A_22 : f32 to vector<1000x1xf32>
    %add3A_24 = arith.addf %slice3A_21, %add3A_23 : vector<1000x1xf32>
    %div3A_25 = vector.broadcast %add3A_24 : vector<1000x1xf32> to vector<1000x64xf32>
    %div3A_26 = arith.divf %slice3A_20, %div3A_25 : vector<1000x64xf32>
    %slice3A_27 = vector.extract_strided_slice %get3A_8 {offsets = [0, 64], sizes = [1000, 64], strides = [1, 1]} : vector<1000x144xf32> to vector<1000x64xf32>
    %slice3A_28 = vector.extract_strided_slice %get3A_8 {offsets = [0, 129], sizes = [1000, 1], strides = [1, 1]} : vector<1000x144xf32> to vector<1000x1xf32>
    %add3A_29 = arith.constant 1.000000e-16 : f32
    %add3A_30 = vector.broadcast %add3A_29 : f32 to vector<1000x1xf32>
    %add3A_31 = arith.addf %slice3A_28, %add3A_30 : vector<1000x1xf32>
    %div3A_32 = vector.broadcast %add3A_31 : vector<1000x1xf32> to vector<1000x64xf32>
    %div3A_33 = arith.divf %slice3A_27, %div3A_32 : vector<1000x64xf32>
    %concatenate3A = tpu.concatenate %div3A_12, %div3A_19, %div3A_26, %div3A_33 in 1 : vector<1000x64xf32>, vector<1000x64xf32>, vector<1000x64xf32>, vector<1000x64xf32> -> vector<1000x256xf32>
    %get3A_34 = arith.constant 0 : index
    %get3A_35 = arith.constant 0 : index
    %get3A_36 = vector.load %arg3[%get3A_34, %get3A_35] : memref<1x256xf32, #tpu.memory_space<vmem>>, vector<1x256xf32>
    %add3A_37 = vector.broadcast %get3A_36 : vector<1x256xf32> to vector<1000x256xf32>
    %add3A_38 = arith.addf %concatenate3A, %add3A_37 : vector<1000x256xf32>
    %gt3A = arith.constant 0.000000e+00 : f32
    %gt3A_39 = vector.broadcast %gt3A : f32 to vector<1000x256xf32>
    %gt3A_40 = arith.cmpf ogt, %add3A_38, %gt3A_39 : vector<1000x256xf32>
    %exp3A = math.exp %add3A_38 : vector<1000x256xf32>
    %sub3A = arith.constant 1.000000e+00 : f32
    %sub3A_41 = vector.broadcast %sub3A : f32 to vector<1000x256xf32>
    %sub3A_42 = arith.subf %exp3A, %sub3A_41 : vector<1000x256xf32>
    %select_n3A = arith.select %gt3A_40, %add3A_38, %sub3A_42 : vector<1000x256xi1>, vector<1000x256xf32>
    %get3A_43 = arith.constant 0 : index
    %get3A_44 = arith.constant 0 : index
    %get3A_45 = vector.load %arg2[%get3A_43, %get3A_44] : memref<256x64xf32, #tpu.memory_space<vmem>>, vector<256x64xf32>
    %dot_general3A = arith.constant dense<0.000000e+00> : vector<1000x64xf32>
    %dot_general3A_46 = tpu.matmul %select_n3A, %get3A_45, %dot_general3A {dimension_numbers = #tpu.dot_dimension_numbers<[1], [0], [0], [1], [0, 0, 1, 1], [], []>, transpose_lhs_hint = false} : vector<1000x256xf32>, vector<256x64xf32>, vector<1000x64xf32> -> vector<1000x64xf32>
    %slice3A_47 = vector.extract_strided_slice %dot_general3A_46 {offsets = [0, 0], sizes = [1000, 32], strides = [1, 1]} : vector<1000x64xf32> to vector<1000x32xf32>
    %swap3A = arith.constant 0 : index
    %swap3A_48 = arith.constant 0 : index
    %swap3A_49 = arith.constant 0 : index
    %swap3A_50 = vector.load %arg5[%swap3A, %swap3A_48, %swap3A_49] : memref<2x1000x32xf32, #tpu.memory_space<vmem>>, vector<1x1000x32xf32>
    %swap3A_51 = vector.shape_cast %swap3A_50 : vector<1x1000x32xf32> to vector<1000x32xf32>
    %swap3A_52 = vector.shape_cast %slice3A_47 : vector<1000x32xf32> to vector<1x1000x32xf32>
    tpu.vector_store %arg5[%swap3A, %swap3A_48, %swap3A_49], %swap3A_52 {strides = array<i32>} : memref<2x1000x32xf32, #tpu.memory_space<vmem>>, vector<1x1000x32xf32>,
    %slice3A_53 = vector.extract_strided_slice %dot_general3A_46 {offsets = [0, 32], sizes = [1000, 32], strides = [1, 1]} : vector<1000x64xf32> to vector<1000x32xf32>
    %swap3A_54 = arith.constant 1 : index
    %swap3A_55 = arith.constant 0 : index
    %swap3A_56 = arith.constant 0 : index
    %swap3A_57 = vector.load %arg5[%swap3A_54, %swap3A_55, %swap3A_56] : memref<2x1000x32xf32, #tpu.memory_space<vmem>>, vector<1x1000x32xf32>
    %swap3A_58 = vector.shape_cast %swap3A_57 : vector<1x1000x32xf32> to vector<1000x32xf32>
    %swap3A_59 = vector.shape_cast %slice3A_53 : vector<1000x32xf32> to vector<1x1000x32xf32>
    tpu.vector_store %arg5[%swap3A_54, %swap3A_55, %swap3A_56], %swap3A_59 {strides = array<i32>} : memref<2x1000x32xf32, #tpu.memory_space<vmem>>, vector<1x1000x32xf32>,
    %get3A_60 = arith.constant 0 : index
    %get3A_61 = arith.constant 0 : index
    %get3A_62 = vector.load %arg4[%get3A_60, %get3A_61] : memref<64x2xf32, #tpu.memory_space<vmem>>, vector<64x2xf32>
    %dot_general3A_63 = arith.constant dense<0.000000e+00> : vector<1000x2xf32>
    %dot_general3A_64 = tpu.matmul %dot_general3A_46, %get3A_62, %dot_general3A_63 {dimension_numbers = #tpu.dot_dimension_numbers<[1], [0], [0], [1], [0, 0, 1, 1], [], []>, transpose_lhs_hint = false} : vector<1000x64xf32>, vector<64x2xf32>, vector<1000x2xf32> -> vector<1000x2xf32>
    %swap3A_65 = arith.constant 0 : index
    %swap3A_66 = arith.constant 0 : index
    %swap3A_67 = vector.load %arg6[%swap3A_65, %swap3A_66] : memref<1000x2xf32, #tpu.memory_space<vmem>>, vector<1000x2xf32>
    tpu.vector_store %arg6[%swap3A_65, %swap3A_66], %dot_general3A_64 {strides = array<i32>} : memref<1000x2xf32, #tpu.memory_space<vmem>>, vector<1000x2xf32>,
    return
  }
  func.func @transform_0(%arg0: i32) -> (i32, i32, i32) {
    %c0_i32 = arith.constant 0 : i32
    %c0_i32_0 = arith.constant 0 : i32
    %c0_i32_1 = arith.constant 0 : i32
    return %c0_i32, %arg0, %c0_i32_0 : i32, i32, i32
  }
  func.func @transform_1(%arg0: i32) -> (i32, i32) {
    %c0_i32 = arith.constant 0 : i32
    %c0_i32_0 = arith.constant 0 : i32
    %c0_i32_1 = arith.constant 0 : i32
    return %c0_i32, %c0_i32_0 : i32, i32
  }
  func.func @transform_2(%arg0: i32) -> (i32, i32) {
    %c0_i32 = arith.constant 0 : i32
    %c0_i32_0 = arith.constant 0 : i32
    %c0_i32_1 = arith.constant 0 : i32
    return %c0_i32, %c0_i32_0 : i32, i32
  }
  func.func @transform_3(%arg0: i32) -> (i32, i32) {
    %c0_i32 = arith.constant 0 : i32
    %c0_i32_0 = arith.constant 0 : i32
    %c0_i32_1 = arith.constant 0 : i32
    return %c0_i32, %c0_i32_0 : i32, i32
  }
  func.func @transform_4(%arg0: i32) -> (i32, i32, i32) {
    %c0_i32 = arith.constant 0 : i32
    %c0_i32_0 = arith.constant 0 : i32
    %c0_i32_1 = arith.constant 0 : i32
    return %c0_i32, %arg0, %c0_i32_0 : i32, i32, i32
  }
  func.func @transform_5(%arg0: i32) -> (i32, i32) {
    %c0_i32 = arith.constant 0 : i32
    %c0_i32_0 = arith.constant 0 : i32
    return %arg0, %c0_i32 : i32, i32
  }
}

module attributes {stable_mosaic.version = 14 : i64} {
  func.func @_pool_body(%arg0: i32, %arg1: memref<2x1000x48xf32, #tpu.memory_space<vmem>>, %arg2: memref<1x64xf32, #tpu.memory_space<vmem>>, %arg3: memref<1x1x1000xi32, #tpu.memory_space<vmem>>, %arg4: memref<16x64xf32, #tpu.memory_space<vmem>>, %arg5: memref<16x65xf32, #tpu.memory_space<vmem>>) attributes {dimension_semantics = [#tpu.dimension_semantics<arbitrary>], iteration_bounds = array<i64: 10>, scalar_prefetch = 0 : i64, scratch_operands = 1 : i64, tpu.core_type = #tpu.core_type<tc>, window_params = [{transform_indices = @transform_0, window_bounds = array<i64: 2, 1000, 48>}, {pipeline_mode = #tpu.pipeline_mode<synchronous>, transform_indices = @transform_1, window_bounds = array<i64: 1, 64>}, {transform_indices = @transform_2, window_bounds = array<i64: 1, 1, 1000>}, {pipeline_mode = #tpu.pipeline_mode<synchronous>, transform_indices = @transform_3, window_bounds = array<i64: 16, 64>}]} {
    %get3A = arith.constant 0 : index
    %get3A_0 = arith.constant 0 : index
    %get3A_1 = arith.constant 0 : index
    %get3A_2 = vector.load %arg1[%get3A, %get3A_0, %get3A_1] : memref<2x1000x48xf32, #tpu.memory_space<vmem>>, vector<1x1000x48xf32>
    %get3A_3 = vector.shape_cast %get3A_2 : vector<1x1000x48xf32> to vector<1000x48xf32>
    %get3A_4 = arith.constant 1 : index
    %get3A_5 = arith.constant 0 : index
    %get3A_6 = arith.constant 0 : index
    %get3A_7 = vector.load %arg1[%get3A_4, %get3A_5, %get3A_6] : memref<2x1000x48xf32, #tpu.memory_space<vmem>>, vector<1x1000x48xf32>
    %get3A_8 = vector.shape_cast %get3A_7 : vector<1x1000x48xf32> to vector<1000x48xf32>
    %slice3A = vector.extract_strided_slice %get3A_3 {offsets = [0, 32], sizes = [1000, 1], strides = [1, 1]} : vector<1000x48xf32> to vector<1000x1xf32>
    %add3A = arith.constant 1.000000e-16 : f32
    %add3A_9 = vector.broadcast %add3A : f32 to vector<1000x1xf32>
    %add3A_10 = arith.addf %slice3A, %add3A_9 : vector<1000x1xf32>
    %slice3A_11 = vector.extract_strided_slice %get3A_3 {offsets = [0, 0], sizes = [1000, 32], strides = [1, 1]} : vector<1000x48xf32> to vector<1000x32xf32>
    %div3A = vector.broadcast %add3A_10 : vector<1000x1xf32> to vector<1000x32xf32>
    %div3A_12 = arith.divf %slice3A_11, %div3A : vector<1000x32xf32>
    %slice3A_13 = vector.extract_strided_slice %get3A_8 {offsets = [0, 0], sizes = [1000, 32], strides = [1, 1]} : vector<1000x48xf32> to vector<1000x32xf32>
    %div3A_14 = vector.broadcast %add3A_10 : vector<1000x1xf32> to vector<1000x32xf32>
    %div3A_15 = arith.divf %slice3A_13, %div3A_14 : vector<1000x32xf32>
    %concatenate3A = tpu.concatenate %div3A_12, %div3A_15 in 1 : vector<1000x32xf32>, vector<1000x32xf32> -> vector<1000x64xf32>
    %get3A_16 = arith.constant 0 : index
    %get3A_17 = arith.constant 0 : index
    %get3A_18 = vector.load %arg2[%get3A_16, %get3A_17] : memref<1x64xf32, #tpu.memory_space<vmem>>, vector<1x64xf32>
    %add3A_19 = vector.broadcast %get3A_18 : vector<1x64xf32> to vector<1000x64xf32>
    %add3A_20 = arith.addf %concatenate3A, %add3A_19 : vector<1000x64xf32>
    %gt3A = arith.constant 0.000000e+00 : f32
    %gt3A_21 = vector.broadcast %gt3A : f32 to vector<1000x64xf32>
    %gt3A_22 = arith.cmpf ogt, %add3A_20, %gt3A_21 : vector<1000x64xf32>
    %exp3A = math.exp %add3A_20 : vector<1000x64xf32>
    %sub3A = arith.constant 1.000000e+00 : f32
    %sub3A_23 = vector.broadcast %sub3A : f32 to vector<1000x64xf32>
    %sub3A_24 = arith.subf %exp3A, %sub3A_23 : vector<1000x64xf32>
    %select_n3A = arith.select %gt3A_22, %add3A_20, %sub3A_24 : vector<1000x64xi1>, vector<1000x64xf32>
    %broadcast_in_dim3A = arith.constant 1.000000e+00 : f32
    %broadcast_in_dim3A_25 = vector.broadcast %broadcast_in_dim3A : f32 to vector<1000x1xf32>
    %concatenate3A_26 = tpu.concatenate %select_n3A, %broadcast_in_dim3A_25 in 1 : vector<1000x64xf32>, vector<1000x1xf32> -> vector<1000x65xf32>
    %get3A_27 = arith.constant 0 : index
    %get3A_28 = arith.constant 0 : index
    %get3A_29 = arith.constant 0 : index
    %get3A_30 = vector.load %arg3[%get3A_27, %get3A_28, %get3A_29] : memref<1x1x1000xi32, #tpu.memory_space<vmem>>, vector<1x1x1000xi32>
    %get3A_31 = vector.shape_cast %get3A_30 : vector<1x1x1000xi32> to vector<1000xi32>
    %broadcast_in_dim3A_32 = vector.shape_cast %get3A_31 : vector<1000xi32> to vector<1000x1xi32>
    %iota3A = tpu.iota {dimensions = array<i32: 1>} : vector<1x16xi32>
    %eq3A = vector.broadcast %broadcast_in_dim3A_32 : vector<1000x1xi32> to vector<1000x16xi32>
    %eq3A_33 = vector.broadcast %iota3A : vector<1x16xi32> to vector<1000x16xi32>
    %eq3A_34 = arith.cmpi eq, %eq3A, %eq3A_33 : vector<1000x16xi32>
    %convert_element_type3A = arith.extui %eq3A_34 : vector<1000x16xi1> to vector<1000x16xi32>
    %convert_element_type3A_35 = arith.sitofp %convert_element_type3A : vector<1000x16xi32> to vector<1000x16xf32>
    %transpose3A = tpu.transpose %convert_element_type3A_35, [1, 0] : vector<1000x16xf32> -> vector<16x1000xf32>
    %dot_general3A = arith.constant dense<0.000000e+00> : vector<16x65xf32>
    %dot_general3A_36 = tpu.matmul %transpose3A, %concatenate3A_26, %dot_general3A {dimension_numbers = #tpu.dot_dimension_numbers<[1], [0], [0], [1], [0, 0, 1, 1], [], []>, transpose_lhs_hint = false} : vector<16x1000xf32>, vector<1000x65xf32>, vector<16x65xf32> -> vector<16x65xf32>
    %eq3A_37 = arith.constant 0 : i32
    %eq3A_38 = arith.cmpi eq, %arg0, %eq3A_37 : i32
    %convert_element_type3A_39 = arith.extui %eq3A_38 : i1 to i32
    %cond3A = arith.constant 0 : i32
    %cond3A_40 = arith.cmpi ne, %convert_element_type3A_39, %cond3A : i32
    scf.if %cond3A_40 {
      %swap3A = arith.constant 0 : index
      %swap3A_51 = arith.constant 0 : index
      %swap3A_52 = vector.load %arg5[%swap3A, %swap3A_51] : memref<16x65xf32, #tpu.memory_space<vmem>>, vector<16x65xf32>
      tpu.vector_store %arg5[%swap3A, %swap3A_51], %dot_general3A_36 {strides = array<i32>} : memref<16x65xf32, #tpu.memory_space<vmem>>, vector<16x65xf32>,
    } else {
    }
    %gt3A_41 = arith.constant 0 : i32
    %gt3A_42 = arith.cmpi sgt, %arg0, %gt3A_41 : i32
    %convert_element_type3A_43 = arith.extui %gt3A_42 : i1 to i32
    %cond3A_44 = arith.constant 0 : i32
    %cond3A_45 = arith.cmpi ne, %convert_element_type3A_43, %cond3A_44 : i32
    scf.if %cond3A_45 {
      %get3A_51 = arith.constant 0 : index
      %get3A_52 = arith.constant 0 : index
      %get3A_53 = vector.load %arg5[%get3A_51, %get3A_52] : memref<16x65xf32, #tpu.memory_space<vmem>>, vector<16x65xf32>
      %add3A_54 = arith.addf %get3A_53, %dot_general3A_36 : vector<16x65xf32>
      %swap3A = arith.constant 0 : index
      %swap3A_55 = arith.constant 0 : index
      %swap3A_56 = vector.load %arg5[%swap3A, %swap3A_55] : memref<16x65xf32, #tpu.memory_space<vmem>>, vector<16x65xf32>
      tpu.vector_store %arg5[%swap3A, %swap3A_55], %add3A_54 {strides = array<i32>} : memref<16x65xf32, #tpu.memory_space<vmem>>, vector<16x65xf32>,
    } else {
    }
    %eq3A_46 = arith.constant 9 : i32
    %eq3A_47 = arith.cmpi eq, %arg0, %eq3A_46 : i32
    %convert_element_type3A_48 = arith.extui %eq3A_47 : i1 to i32
    %cond3A_49 = arith.constant 0 : i32
    %cond3A_50 = arith.cmpi ne, %convert_element_type3A_48, %cond3A_49 : i32
    scf.if %cond3A_50 {
      %get3A_51 = arith.constant 0 : index
      %get3A_52 = arith.constant 0 : index
      %get3A_53 = vector.load %arg5[%get3A_51, %get3A_52] : memref<16x65xf32, #tpu.memory_space<vmem>>, vector<16x65xf32>
      %slice3A_54 = vector.extract_strided_slice %get3A_53 {offsets = [0, 0], sizes = [16, 64], strides = [1, 1]} : vector<16x65xf32> to vector<16x64xf32>
      %slice3A_55 = vector.extract_strided_slice %get3A_53 {offsets = [0, 64], sizes = [16, 1], strides = [1, 1]} : vector<16x65xf32> to vector<16x1xf32>
      %max3A = arith.constant 1.000000e+00 : f32
      %max3A_56 = vector.broadcast %max3A : f32 to vector<16x1xf32>
      %max3A_57 = arith.maximumf %slice3A_55, %max3A_56 : vector<16x1xf32>
      %div3A_58 = vector.broadcast %max3A_57 : vector<16x1xf32> to vector<16x64xf32>
      %div3A_59 = arith.divf %slice3A_54, %div3A_58 : vector<16x64xf32>
      %swap3A = arith.constant 0 : index
      %swap3A_60 = arith.constant 0 : index
      %swap3A_61 = vector.load %arg4[%swap3A, %swap3A_60] : memref<16x64xf32, #tpu.memory_space<vmem>>, vector<16x64xf32>
      tpu.vector_store %arg4[%swap3A, %swap3A_60], %div3A_59 {strides = array<i32>} : memref<16x64xf32, #tpu.memory_space<vmem>>, vector<16x64xf32>,
    } else {
    }
    return
  }
  func.func @transform_0(%arg0: i32) -> (i32, i32, i32) {
    %c0_i32 = arith.constant 0 : i32
    %c0_i32_0 = arith.constant 0 : i32
    %c0_i32_1 = arith.constant 0 : i32
    return %c0_i32, %arg0, %c0_i32_0 : i32, i32, i32
  }
  func.func @transform_1(%arg0: i32) -> (i32, i32) {
    %c0_i32 = arith.constant 0 : i32
    %c0_i32_0 = arith.constant 0 : i32
    %c0_i32_1 = arith.constant 0 : i32
    return %c0_i32, %c0_i32_0 : i32, i32
  }
  func.func @transform_2(%arg0: i32) -> (i32, i32, i32) {
    %c0_i32 = arith.constant 0 : i32
    %c0_i32_0 = arith.constant 0 : i32
    %c0_i32_1 = arith.constant 0 : i32
    return %arg0, %c0_i32, %c0_i32_0 : i32, i32, i32
  }
  func.func @transform_3(%arg0: i32) -> (i32, i32) {
    %c0_i32 = arith.constant 0 : i32
    %c0_i32_0 = arith.constant 0 : i32
    %c0_i32_1 = arith.constant 0 : i32
    return %c0_i32, %c0_i32_0 : i32, i32
  }
}

</mosaic_0001>

<sc_bundles>
// kernel: kernel.12.cloned.1.call-start
scs
__scs_entry_jumppad:
0x0: {  	(pc) =	sbr.rel $0x88, $3  }
0x1: {  	(tag) =	ssettag $0x0;
	lr =	simm.s32 $0x1  }
0x2: {  	[smem:$0x3F96] =	sst lr;
	_ =	strace $0xD0000000  }
0x3: {  	_ = 	snop  }
0x4: {  	_ = 	snop  }
0x5: {  	_ = 	snop  }
0x6: {  	_ = 	snop  }
0x7: {  	_ = 	snop  }
__scs_overlays_trampoline_lowered:
0x8: {  	[smem:$0x3FA5] =	sst s0  }
0x9: {  	[smem:$0x3FA6] =	sst s1  }
0xa: {  	[smem:$0x3FA7] =	sst s2  }
0xb: {  	[smem:$0x3FA8] =	sst s3  }
0xc: {  	[smem:$0x3FA9] =	sst s4  }
0xd: {  	[smem:$0x3FAA] =	sst s5  }
0xe: {  	[smem:$0x3FAB] =	sst s6  }
0xf: {  	[smem:$0x3FAC] =	sst s7  }
0x10: {  	[smem:$0x3FAD] =	sst s8  }
0x11: {  	[smem:$0x3FAE] =	sst s9;
	s0 =	simm.s32 @!p0 $0x0  }
0x12: {  	s1 =	sld [smem:$0x3F94];
	s0 =	simm.s32 @p0 $0x1  }
0x13: {  	[smem:$0x3FAF] =	sst s0;
	s0 =	simm.s32 @!p1 $0x0  }
0x14: {  	s2 =	sld [smem:$0x3F93];
	s0 =	simm.s32 @p1 $0x1  }
0x15: {  	[smem:$0x3FB0] =	sst s0;
	s0 =	simm.s32 @!p2 $0x0  }
0x16: {  	s3 =	sld [smem:$0x3FDB];
	s0 =	simm.s32 @p2 $0x1  }
0x17: {  	s4 =	simm.s32 $0x1BF5;
	[smem:$0x3FB2] =	sst s0  }
0x18: {  	s0 =	sld [smem:$0x3F95];
	_ =	swait.ge [sflag:s4], $0x0  }
0x19: {  	s7 =	sld [smem:$0x3F96]  }
0x1a: {  	s8 =	sadd.s32 $0xFFFFE003, lr  }
0x1b: {  	s9 =	sadd.s32 $0xFFFFFEF7, lr;
	s5 =	simm.s32 $0xFFFFFFFF;
	p2 =	slt.u32 s8, $0xFFFFF086  }
0x1c: {  	p1 =	slt.u32 s9, $0xF7A;
	s5 =	simm.s32 @!p2 $0x0  }
0x1d: {  	s5 =	simm.s32 @p1 $0x1;
	p0 =	seq.s32 s7, s2  }
0x1e: {  	s7 =	smul.u32 @!p0 $0xF7A, s2;
	p2 =	seq.s32 @!p0 s5, $0x0  }
0x1f: {  	s9 =	smul.u32 $0xF7A, s1;
	s8 =	simm.s32 @!p0 $0x1BF5;
	p2 =	por !p2, p0  }
0x20: {  	[sflag:s8] =	ssyncset.s32 @!p0 $0xFFFFF086;
	s6 =	sadd.s32 @!p0 s3, s7;
	s7 =	simm.s32 @!p0 $0x108  }
0x21: {  	s3 =	sadd.s32 s3, s9;
	s6 =	sadd.s32 @!p0 $0x88, s6;
	s7 =	simm.s32 @p2 $0x1082  }
0x22: {  	[simem:s7], [sflag:s8] =	dma.local @!p0 [hbm:s6], $0xF7A  }
0x23: {  	s9 =	sor.u32 $0xD0000000, s2;
	s6 =	simm.s32 $0x108;
	_ =	swait.ge @!p0 [sflag:s8], $0x0  }
0x24: {  	s3 =	sadd.s32 $0x88, s3;
	s6 =	simm.s32 @!p1 $0x1082;
	[sflag:s4] =	ssyncset.s32 $0xFFFFF086  }
0x25: {  	[simem:s6], [sflag:s4] =	dma.local [hbm:s3], $0xF7A  }
0x26: {  	[smem:$0x3F96] =	sst s1;
	(tag) =	ssettag s2;
	_ =	strace s9  }
0x27: {  	s1 =	sld [smem:$0x3FA6]  }
0x28: {  	s2 =	sld [smem:$0x3FA7]  }
0x29: {  	s4 =	sld [smem:$0x3FA9]  }
0x2a: {  	p0 =	seq.s32 s5, $0x0;
	s5 =	sld [smem:$0x3FAA]  }
0x2b: {  	s6 =	sld [smem:$0x3FAB]  }
0x2c: {  	s7 =	sld [smem:$0x3FAC]  }
0x2d: {  	s3 =	simm.s32 $0x108;
	s8 =	sld [smem:$0x3FAD]  }
0x2e: {  	s3 =	simm.s32 @!p0 $0x1082;
	s9 =	sld [smem:$0x3FAE]  }
0x2f: {  	lr =	sadd.s32 s0, s3;
	s0 =	sld [smem:$0x3FA5]  }
0x30: {  	s3 =	sld [smem:$0x3FA8]  }
0x31: {  	[smem:$0x3FB1] =	sst s10  }
0x32: {  	s10 =	sld [smem:$0x3FAF];
	_ =	sdelay $0x3  }
0x33: {  	p0 =	seq.s32 s10, $0x1;
	s10 =	sld [smem:$0x3FB1];
	_ =	sdelay $0x3  }
0x34: {  	[smem:$0x3FB1] =	sst s10  }
0x35: {  	s10 =	sld [smem:$0x3FB0];
	_ =	sdelay $0x3  }
0x36: {  	p1 =	seq.s32 s10, $0x1;
	s10 =	sld [smem:$0x3FB1];
	_ =	sdelay $0x3  }
0x37: {  	[smem:$0x3FB1] =	sst s10  }
0x38: {  	s10 =	sld [smem:$0x3FB2]  }
0x39: {  	_ = 	snop;
	(pc) =	sbr.ind lr, $3  }
0x3a: {  	_ = 	snop  }
0x3b: {  	_ = 	snop  }
0x3c: {  	p2 =	seq.s32 s10, $0x1;
	s10 =	sld [smem:$0x3FB1]  }
0x3d: {  	_ =	shalt  }
0x3e: {  	_ =	shalt  }
0x3f: {  	_ =	shalt  }
0x40: {  	_ =	shalt  }
0x41: {  	_ =	shalt  }
0x42: {  	_ =	shalt  }
0x43: {  	_ =	shalt  }
0x44: {  	_ =	shalt  }
0x45: {  	_ =	shalt  }
0x46: {  	_ =	shalt  }
0x47: {  	_ =	shalt  }
0x48: {  	_ =	shalt  }
0x49: {  	_ =	shalt  }
0x4a: {  	_ =	shalt  }
0x4b: {  	_ =	shalt  }
0x4c: {  	_ =	shalt  }
0x4d: {  	_ =	shalt  }
0x4e: {  	_ =	shalt  }
0x4f: {  	_ =	shalt  }
0x50: {  	_ =	shalt  }
0x51: {  	_ =	shalt  }
0x52: {  	_ =	shalt  }
0x53: {  	_ =	shalt  }
0x54: {  	_ =	shalt  }
0x55: {  	_ =	shalt  }
0x56: {  	_ =	shalt  }
0x57: {  	_ =	shalt  }
0x58: {  	_ =	shalt  }
0x59: {  	_ =	shalt  }
0x5a: {  	_ =	shalt  }
0x5b: {  	_ =	shalt  }
0x5c: {  	_ =	shalt  }
0x5d: {  	_ =	shalt  }
0x5e: {  	_ =	shalt  }
0x5f: {  	_ =	shalt  }
0x60: {  	_ =	shalt  }
0x61: {  	_ =	shalt  }
0x62: {  	_ =	shalt  }
0x63: {  	_ =	shalt  }
0x64: {  	_ =	shalt  }
0x65: {  	_ =	shalt  }
0x66: {  	_ =	shalt  }
0x67: {  	_ =	shalt  }
0x68: {  	_ =	shalt  }
0x69: {  	_ =	shalt  }
0x6a: {  	_ =	shalt  }
0x6b: {  	_ =	shalt  }
0x6c: {  	_ =	shalt  }
0x6d: {  	_ =	shalt  }
0x6e: {  	_ =	shalt  }
0x6f: {  	_ =	shalt  }
0x70: {  	_ =	shalt  }
0x71: {  	_ =	shalt  }
0x72: {  	_ =	shalt  }
0x73: {  	_ =	shalt  }
0x74: {  	_ =	shalt  }
0x75: {  	_ =	shalt  }
0x76: {  	_ =	shalt  }
0x77: {  	_ =	shalt  }
0x78: {  	_ =	shalt  }
0x79: {  	_ =	shalt  }
0x7a: {  	_ =	shalt  }
0x7b: {  	_ =	shalt  }
0x7c: {  	_ =	shalt  }
0x7d: {  	_ =	shalt  }
0x7e: {  	_ =	shalt  }
0x7f: {  	_ =	shalt  }
0x80: {  	_ =	shalt  }
0x81: {  	_ =	shalt  }
0x82: {  	_ =	shalt  }
0x83: {  	_ =	shalt  }
0x84: {  	_ =	shalt  }
0x85: {  	_ =	shalt  }
0x86: {  	_ =	shalt  }
0x87: {  	_ =	shalt  }
.Lfunc_end0:
.L_simem_size_0:
called_computation.1_lowered:
.L_overlay_start_0:
0x88: {  	s2 =	sld [smem:$0x3FD9]  }
0x89: {  	s3 =	sld [smem:$0x3FFE];
	_ =	sdelay $0x1  }
0x8a: {  	s1 =	srdreg.scid  }
0x8b: {  	s0 =	sand.u32 $0x1, s1  }
0x8c: {  	s16 =	sshll.u32 s0, $0xA;
	s2 =	sadd.s32 s3, s2  }
0x8d: {  	s2 =	sadd.s32 s2, s16  }
0x8e: {  	[smem:$0x3FBD] =	sst s2  }
0x8f: {  	_ = 	snop  }
0x90: {  	(tm) =	ssettm $0x1  }
0x91: {  	s17 =	sld [smem:$0x3FFB];
	_ =	sdelay $0x3  }
0x92: {  	_ =	strace s17  }
0x93: {  	s2 =	sld [smem:$0x3FFC];
	_ =	sdelay $0x3  }
0x94: {  	_ =	strace s2  }
0x95: {  	s2 =	sld [smem:$0x3FFD];
	_ =	sdelay $0x3  }
0x96: {  	_ =	strace s2  }
0x97: {  	_ =	strace $0x8FFFFFFF  }
0x98: {  	s18 =	sld [smem:$0x3FDB];
	_ =	sdelay $0x1  }
0x99: {  	s19 =	simm.s32 $_scs_section_size  }
0x9a: {  	s4 =	simm.s32 $_size__tile_overlayer_lowered;
	s5 =	simm.s32 $_tile_overlayer_lowered  }
0x9b: {  	s22 =	simm.s32 $0x1BFF;
	s21 =	sshll.u32 s5, $0x1;
	s2 =	sadd.s32 s19, s18  }
0x9c: {  	s6 =	simm.s32 $0x0;
	s20 =	sshll.u32 s4, $0x1;
	s4 =	sadd.s32 s21, s2  }
0x9d: {  	[timem:s6], [sflag:s22] =	dma.local [hbm:s4], s20  }
0x9e: {  	_ =	swait.ge [sflag:s22], s20  }
0x9f: {  	s3 =	ssub.s32 $0x0, s20;
	[sflag:s22] =	ssyncset.done $0x0  }
0xa0: {  	[sflag:s22] =	ssyncadd.s32 s3;
	_ =	sdelay $0x1  }
0xa1: {  	s23 =	simm.s32 $0x1B8B  }
0xa2: {  	_ =	swait.ge [sflag:s23], $0x1  }
0xa3: {  	[sflag:s23] =	ssyncset.done $0x0  }
0xa4: {  	s25 =	simm.s32 $0x1B8E;
	s24 =	sld [smem:$0x3FFE];
	[sflag:s23] =	ssyncadd.s32 $0xFFFFFFFF  }
0xa5: {  	s26 =	simm.s32 $execute0_lowered;
	[smem:$0x3FD2] =	sst s25  }
0xa6: {  	s4 =	sshll.u32 s26, $0x1;
	_ =	strace $0x80000049;
	[dreg:$0x1] =	wrdreg $0xFFFFFFFF  }
0xa7: {  	s28 =	simm.s32 $_size_execute0_lowered;
	s2 =	sadd.s32 s2, s4;
	[dreg:$0x0] =	wrdreg $0x0  }
0xa8: {  	s4 =	sshll.u32 s28, $0x1;
	[dreg:$0x2] =	wrdreg s2  }
0xa9: {  	[dreg:$0x3] =	wrdreg s4  }
0xaa: {  	[dreg:$0x4] =	wrdreg $0xC0  }
0xab: {  	_ =	task [dreg:s6], $0x5FFFF  }
0xac: {  	[dreg:$0x1] =	wrdreg $0xFFFFFFFF  }
0xad: {  	[dreg:$0x0] =	wrdreg $0x60  }
0xae: {  	[dreg:$0x2] =	wrdreg s24  }
0xaf: {  	[dreg:$0x3] =	wrdreg $0x0  }
0xb0: {  	[dreg:$0x4] =	wrdreg $0x9  }
0xb1: {  	_ =	task.clear_ibuf [dreg:s6], $0x5FFFF;
	_ =	strace $0x90000049  }
0xb2: {  	s29 =	simm.s32 $0x9;
	_ =	strace $0x8000004B  }
0xb3: {  	_ =	swait.ge [sflag:s29], $0x1  }
0xb4: {  	[sflag:s29] =	ssyncadd.s32 $0xFFFFFFFF  }
0xb5: {  	_ =	strace $0x9000004B  }
0xb6: {  	_ =	sfence  }
0xb7: {  	s30 =	sld [smem:$0x0];
	_ =	sdelay $0x2  }
0xb8: {  	s31 =	sshll.u32 s1, $0xD;
	s1 =	sshrl.u32 s1, $0x2  }
0xb9: {  	s3 =	sand.u32 $0x4000, s31;
	s1 =	sadd.s32 s1, s30  }
0xba: {  	s0 =	sor.u32 s3, s0;
	s1 =	sshll.u32 s1, $0x11  }
0xbb: {  	s0 =	sor.u32 s1, s0  }
0xbc: {  	s0 =	sadd.s32 $0x8F2B, s0  }
0xbd: {  	[sflag:s0] =	ssyncadd.remote.s32 $0x1  }
0xbe: {  	_ =	sfence.sel $0xFFFF  }
0xbf: {  	[dreg:$0x0] =	wrdreg $0xFFFFFFFF;
	(pc) =	sbr.abs _section_cstart, $3  }
0xc0: {  	[dreg:$0x1] =	wrdreg $0xFFFFFFFF  }
0xc1: {  	_ =	task.clear_ibuf [dreg:s6], $0x2FFFF;
	_ =	strace $0x9FFFFFFF  }
0xc2: {  	(tm) =	ssettm $0x7FFFFFFF  }
0xc3: {  	_ =	shalt  }
tec
execute0_lowered:
.L_overlay_start_1:
0x0: {  	(tag) =	ssettag $0x1  }
0x1: {  	s0 =	rddreg [dreg:$0x0]  }
0x2: {  	s2 =	rddreg [dreg:$0x1]  }
0x3: {  	s3 =	simm.s32 $0x0;
	s1 =	srdreg.scid;
	s13 =	stileid.u32  }
0x4: {  	s28 =	simm.s32 $0x1EB80;
	s29 =	simm.s32 $0x3;
	s30 =	simm.s32 $0x1EC10  }
0x5: {  	s31 =	simm.s32 $0x1;
	[smem:$0x7FF] =	sst s3;
	s8 =	smul.u32 $0x16380, s13  }
0x6: {  	s1 =	sand.u32 $0x1, s1;
	s4 =	sadd.s32 $0x2200, s0;
	s11 =	smul.u32 $0x58E00, s13  }
0x7: {  	s5 =	sadd.s32 $0x67000, s0;
	s6 =	sadd.s32 $0x5CE00, s0;
	s7 =	smul.u32 $0x163800, s1  }
0x8: {  	_ =	strace $0x8000004A;
	s10 =	ssub.s32 $0x2, s1;
	s21 =	smul.u32 $0x2710, s1  }
0x9: {  	s12 =	sshrl.u32 s10, $0x1;
	s18 =	sshrl.u32 s11, $0x2;
	s15 =	sadd.s32 s8, s2  }
0xa: {  	s9 =	sadd.s32 s8, s7;
	s7 =	sadd.s32 $0x52C00, s0;
	s11 =	sadd.s32 s18, s2  }
0xb: {  	v0 =	vlaneseq.u32;
	s10 =	ssub.s32 s10, s12;
	[dreg:$0x3] =	wrdreg s15;
	s19 =	sadd.s32 $0x4800, s11  }
0xc: {  	v17 =	vmul.u32 $0x90, v0;
	v0 =	vmov s21;
	s21 =	simm.s32 $0x2;
	s20 =	sadd.s32 $0x9000, s11;
	[dreg:$0x4] =	wrdreg s19  }
0xd: {  	s9 =	sshrl.u32 s9, $0x3;
	s22 =	sadd.s32 $0xD800, s11;
	[dreg:$0x5] =	wrdreg s20  }
0xe: {  	s23 =	sadd.s32 $0x12000, s11;
	s26 =	smax.u32 s10, $0x1;
	[dreg:$0x6] =	wrdreg s22  }
0xf: {  	s0 =	sadd.s32 s9, s0;
	s9 =	smul.u32 $0x5100, s13;
	[dreg:$0x7] =	wrdreg s23  }
0x10: {  	v1 =	vimm.f32 $0.0e+00;
	v2 =	vadd.s32 $0x80, v17;
	s13 =	smul.u32 $0xA2000, s1;
	[dreg:$0xb] =	wrdreg s26;
	s20 =	simm.s32 $0x1A380  }
.Ltmp0:
0x11: {  	v3 =	vadd.s32 $0x81, v17;
	v4 =	vadd.s32 $0x980, v17;
	v5 =	vadd.s32 $0x981, v17;
	s22 =	simm.s32 $0x1ECA0;
	s23 =	simm.s32 $0x80;
	(pc) =	sbr.rel .LBB2_1-.Ltmp0, $4  }
0x12: {  	v6 =	vadd.s32 $0x1280, v17;
	v7 =	vadd.s32 $0x1281, v17;
	v8 =	vadd.s32 $0x1B80, v17;
	s26 =	simm.s32 $0x1ED20;
	s0 =	sadd.s32 $0x8F800, s0;
	s14 =	sshrl.u32 s9, $0x3  }
0x13: {  	v9 =	vadd.s32 $0x1B81, v17;
	v10 =	vadd.s32 $0x2480, v17;
	v11 =	vadd.s32 $0x2481, v17;
	s17 =	sadd.s32 $0x51000, s13;
	[dreg:$0xa] =	wrdreg s0;
	s24 =	sadd.s32 s6, s14  }
0x14: {  	v12 =	vadd.s32 $0x2D80, v17;
	v13 =	vadd.s32 $0x2D81, v17;
	v14 =	vadd.s32 $0x3680, v17;
	s0 =	simm.s32 $0x0;
	s25 =	sadd.s32 s7, s14;
	[dreg:$0x8] =	wrdreg s24  }
0x15: {  	v15 =	vadd.s32 $0x3681, v17;
	v16 =	vadd.s32 $0x3F80, v17;
	v17 =	vadd.s32 $0x3F81, v17;
	[dreg:$0x9] =	wrdreg s25;
	s24 =	simm.s32 $0x1EDA0;
	s25 =	simm.s32 $0x16380  }
.LBB2_8:
0x16: {  	[spmem:s2] =	stream.indirect.scatter.add.f32 [tilespmem:s20], [sflag:$0x3], $0x90, s26, s23, $0xb8;
	[tilespmem:$0x1EE20] =	vst v63  }
0x17: {  	_ =	swait.ge [sflag:s29], $0x4800  }
0x18: {  	[sflag:s29] =	ssyncset.done $0x0  }
0x19: {  	[sflag:s29] =	ssyncadd.s32 $0xFFFFB800  }
0x1a: {  	s1 =	stileid.u32;
	[bflag:$0x0] =	sbarrier.arrive $0xFFFF  }
0x1b: {  	s1 =	sshll.u32 s1, $0x6;
	s15 =	rddreg [dreg:$0x3]  }
0x1c: {  	s1 =	sor.u32 $0x1C02, s1;
	s10 =	rddreg [dreg:$0xa];
	s8 =	sshrl.u32 s15, $0x3  }
0x1d: {  	[hbm:s10], [sflag:s1] =	dma.local [spmem:s8], $0x2C70  }
0x1e: {  	_ =	swait.ge [sflag:s21], $0x2C70  }
0x1f: {  	s0 =	sadd.s32 $0x1, s0;
	s19 =	rddreg [dreg:$0xb]  }
0x20: {  	p0 =	sne.s32 s0, s19  }
.Ltmp1:
0x21: {  	_ = 	snop;
	(pc) =	sbr.rel @!p0 .LBB2_9-.Ltmp1, $3  }
0x22: {  	_ =	sdelay $0x1  }
0x23: {  	[sflag:s21] =	ssyncset.done $0x0  }
0x24: {  	[sflag:s21] =	ssyncadd.s32 $0xFFFFD390  }
.LBB2_1:
0x25: {  	s1 =	simm.s32 $0x0;
	s10 =	simm.s32 $0x240  }
.LBB2_2:
0x26: {  	p0 =	sne.s32 s10, $0x11DC0;
	[tilespmem:s1+$0x1A400] =	vst v1  }
0x27: {  	[tilespmem:s1+$0x1A380] =	vst v1  }
0x28: {  	[tilespmem:s1+$0x1A390] =	vst v1  }
0x29: {  	[tilespmem:s1+$0x1A3A0] =	vst v1  }
.Ltmp2:
0x2a: {  	[tilespmem:s1+$0x1A3B0] =	vst v1;
	(pc) =	sbr.rel @p0 .LBB2_2-.Ltmp2, $4  }
0x2b: {  	[tilespmem:s1+$0x1A3C0] =	vst v1  }
0x2c: {  	[tilespmem:s1+$0x1A3D0] =	vst v1  }
0x2d: {  	[tilespmem:s1+$0x1A3E0] =	vst v1  }
0x2e: {  	[tilespmem:s1+$0x1A3F0] =	vst v1;
	s1 =	sshra.s32 s10, $0x2;
	s10 =	sadd.s32 $0x240, s10  }
0x2f: {  	[tilespmem:s1+$0x1A400] =	vst v1  }
0x30: {  	[tilespmem:s1+$0x1A380] =	vst v1  }
0x31: {  	[tilespmem:s1+$0x1A390] =	vst v1  }
0x32: {  	[tilespmem:s1+$0x1A3A0] =	vst v1  }
0x33: {  	[tilespmem:s1+$0x1A3B0] =	vst v1  }
0x34: {  	[tilespmem:s1+$0x1A3C0] =	vst v1  }
0x35: {  	[tilespmem:s1+$0x1A3D0] =	vst v1  }
0x36: {  	[tilespmem:s1+$0x1A3E0] =	vst v1  }
0x37: {  	[tilespmem:s1+$0x1A3F0] =	vst v1  }
0x38: {  	[spmem:s15] =	stream.linear.scatter [tilespmem:s20], [sflag:$0x2], $0x4800, $0x38;
	[tilespmem:$0x1EE20] =	vst v63  }
0x39: {  	_ =	swait.ge [sflag:s21], $0x4800  }
0x3a: {  	[sflag:s21] =	ssyncset.done $0x0  }
0x3b: {  	s14 =	rddreg [dreg:$0x4];
	[sflag:s21] =	ssyncadd.s32 $0xFFFFB800  }
0x3c: {  	[spmem:s14] =	stream.linear.scatter [tilespmem:s20], [sflag:$0x2], $0x4800, $0x38;
	[tilespmem:$0x1EE20] =	vst v63  }
0x3d: {  	_ =	swait.ge [sflag:s21], $0x4800  }
0x3e: {  	[sflag:s21] =	ssyncset.done $0x0  }
0x3f: {  	s15 =	rddreg [dreg:$0x5];
	[sflag:s21] =	ssyncadd.s32 $0xFFFFB800  }
0x40: {  	[spmem:s15] =	stream.linear.scatter [tilespmem:s20], [sflag:$0x2], $0x4800, $0x38;
	[tilespmem:$0x1EE20] =	vst v63  }
0x41: {  	_ =	swait.ge [sflag:s21], $0x4800  }
0x42: {  	[sflag:s21] =	ssyncset.done $0x0  }
0x43: {  	s16 =	rddreg [dreg:$0x6];
	[sflag:s21] =	ssyncadd.s32 $0xFFFFB800  }
0x44: {  	[spmem:s16] =	stream.linear.scatter [tilespmem:s20], [sflag:$0x2], $0x4800, $0x38;
	[tilespmem:$0x1EE20] =	vst v63  }
0x45: {  	_ =	swait.ge [sflag:s21], $0x4800  }
0x46: {  	[sflag:s21] =	ssyncset.done $0x0  }
0x47: {  	s18 =	rddreg [dreg:$0x7];
	[sflag:s21] =	ssyncadd.s32 $0xFFFFB800  }
0x48: {  	[spmem:s18] =	stream.linear.scatter [tilespmem:s20], [sflag:$0x2], $0x4380, $0x38;
	[tilespmem:$0x1EE20] =	vst v63  }
0x49: {  	_ =	swait.ge [sflag:s21], $0x4380  }
0x4a: {  	[sflag:s21] =	ssyncset.done $0x0  }
0x4b: {  	[sflag:s21] =	ssyncadd.s32 $0xFFFFBC80  }
0x4c: {  	[bflag:$0x0] =	sbarrier.arrive $0xFFFF  }
0x4d: {  	s1 =	simm.s32 $0x0;
	s8 =	rddreg [dreg:$0x8]  }
0x4e: {  	[tilespmem:s22], [sflag:$0x2] =	stream.linear.gather [hbm4b:s8+s1], $0x80, $0x38;
	[tilespmem:$0x1EE20] =	vst v63  }
0x4f: {  	_ =	swait.ge [sflag:s21], $0x80  }
0x50: {  	[sflag:s21] =	ssyncset.done $0x0  }
0x51: {  	[sflag:s21] =	ssyncadd.s32 $0xFFFFFF80  }
0x52: {  	v18 =	vld [tilespmem:$0x1ECA0]  }
0x53: {  	v19 =	vld [tilespmem:$0x1ECB0]  }
0x54: {  	v20 =	vld [tilespmem:$0x1ECC0]  }
0x55: {  	v21 =	vld [tilespmem:$0x1ECD0]  }
0x56: {  	v22 =	vld [tilespmem:$0x1ECE0]  }
0x57: {  	v23 =	vld [tilespmem:$0x1ECF0];
	v18 =	vadd.s32 v0, v18  }
0x58: {  	[tilespmem:$0x1EDA0] =	vst v18;
	v18 =	vadd.s32 v0, v19;
	v19 =	vld [tilespmem:$0x1ED00]  }
0x59: {  	v63 =	vld [tilespmem:$0x1ED10];
	[tilespmem:$0x1EDB0] =	vst v18;
	v18 =	vadd.s32 v0, v20  }
0x5a: {  	[tilespmem:$0x1EDC0] =	vst v18;
	v18 =	vadd.s32 v0, v21  }
0x5b: {  	[tilespmem:$0x1EDD0] =	vst v18;
	v18 =	vadd.s32 v0, v22  }
0x5c: {  	[tilespmem:$0x1EDE0] =	vst v18;
	v18 =	vadd.s32 v0, v23  }
0x5d: {  	[tilespmem:$0x1EDF0] =	vst v18;
	v18 =	vadd.s32 v0, v19  }
0x5e: {  	[tilespmem:$0x1EE00] =	vst v18;
	v18 =	vadd.s32 v0, v63  }
0x5f: {  	[tilespmem:$0x1EE10] =	vst v18  }
0x60: {  	[tilespmem:s25], [sflag:$0x1] =	stream.indirect.gather [hbm4b:s4+s23], $0x80, s24, s23, $0xb8;
	[tilespmem:$0x1EE20] =	vst v63  }
0x61: {  	s19 =	rddreg [dreg:$0x9]  }
0x62: {  	[tilespmem:s26], [sflag:$0x2] =	stream.linear.gather [hbm4b:s19+s1], $0x80, $0x38;
	[tilespmem:$0x1EE20] =	vst v63  }
0x63: {  	_ =	swait.ge [sflag:s21], $0x80  }
0x64: {  	[sflag:s21] =	ssyncset.done $0x0  }
0x65: {  	[sflag:s21] =	ssyncadd.s32 $0xFFFFFF80  }
.LBB2_4:
0x66: {  	s10 =	sshll.u32 s1, $0x7  }
0x67: {  	s10 =	sadd.s32 s9, s10  }
0x68: {  	s11 =	sadd.s32 s13, s10  }
0x69: {  	s11 =	sshrl.u32 s11, $0x3  }
0x6a: {  	s11 =	sadd.s32 s5, s11  }
0x6b: {  	[tilespmem:s28], [sflag:$0x3] =	stream.linear.gather [hbm4b:s11+s3], $0x80, $0x38;
	[tilespmem:$0x1EE20] =	vst v63  }
0x6c: {  	s18 =	sadd.s32 s17, s10;
	_ =	swait.ge [sflag:s29], $0x80  }
0x6d: {  	s11 =	sshrl.u32 s18, $0x3;
	[sflag:s29] =	ssyncset.done $0x0  }
0x6e: {  	s11 =	sadd.s32 s5, s11;
	[sflag:s29] =	ssyncadd.s32 $0xFFFFFF80  }
0x6f: {  	[tilespmem:s30], [sflag:$0x3] =	stream.linear.gather [hbm4b:s11+s3], $0x80, $0x38;
	[tilespmem:$0x1EE20] =	vst v63  }
0x70: {  	_ =	swait.ge [sflag:s29], $0x80  }
0x71: {  	[sflag:s29] =	ssyncset.done $0x0  }
0x72: {  	[sflag:s29] =	ssyncadd.s32 $0xFFFFFF80  }
0x73: {  	v18 =	vld [tilespmem:$0x1EB80];
	_ =	sdelay $0x4  }
0x74: {  	[tilespmem:v2+s20+$0x0] =	vst.idx.msk $0xffff, v18  }
0x75: {  	v18 =	vld [tilespmem:$0x1EC10];
	_ =	sdelay $0x4  }
0x76: {  	[tilespmem:v3+s20+$0x0] =	vst.idx.msk $0xffff, v18  }
0x77: {  	v18 =	vld [tilespmem:$0x1EB90];
	_ =	sdelay $0x4  }
0x78: {  	[tilespmem:v4+s20+$0x0] =	vst.idx.msk $0xffff, v18  }
0x79: {  	v18 =	vld [tilespmem:$0x1EC20];
	_ =	sdelay $0x4  }
0x7a: {  	[tilespmem:v5+s20+$0x0] =	vst.idx.msk $0xffff, v18  }
0x7b: {  	v18 =	vld [tilespmem:$0x1EBA0];
	_ =	sdelay $0x4  }
0x7c: {  	[tilespmem:v6+s20+$0x0] =	vst.idx.msk $0xffff, v18  }
0x7d: {  	v18 =	vld [tilespmem:$0x1EC30];
	_ =	sdelay $0x4  }
0x7e: {  	[tilespmem:v7+s20+$0x0] =	vst.idx.msk $0xffff, v18  }
0x7f: {  	v18 =	vld [tilespmem:$0x1EBB0];
	_ =	sdelay $0x4  }
0x80: {  	[tilespmem:v8+s20+$0x0] =	vst.idx.msk $0xffff, v18  }
0x81: {  	v18 =	vld [tilespmem:$0x1EC40];
	_ =	sdelay $0x4  }
0x82: {  	[tilespmem:v9+s20+$0x0] =	vst.idx.msk $0xffff, v18  }
0x83: {  	v18 =	vld [tilespmem:$0x1EBC0];
	_ =	sdelay $0x4  }
0x84: {  	[tilespmem:v10+s20+$0x0] =	vst.idx.msk $0xffff, v18  }
0x85: {  	v18 =	vld [tilespmem:$0x1EC50];
	_ =	sdelay $0x4  }
0x86: {  	[tilespmem:v11+s20+$0x0] =	vst.idx.msk $0xffff, v18  }
0x87: {  	v18 =	vld [tilespmem:$0x1EBD0];
	_ =	sdelay $0x4  }
0x88: {  	[tilespmem:v12+s20+$0x0] =	vst.idx.msk $0xffff, v18  }
0x89: {  	v18 =	vld [tilespmem:$0x1EC60];
	_ =	sdelay $0x4  }
0x8a: {  	[tilespmem:v13+s20+$0x0] =	vst.idx.msk $0xffff, v18  }
0x8b: {  	v18 =	vld [tilespmem:$0x1EBE0];
	_ =	sdelay $0x4  }
0x8c: {  	[tilespmem:v14+s20+$0x0] =	vst.idx.msk $0xffff, v18  }
0x8d: {  	v18 =	vld [tilespmem:$0x1EC70];
	_ =	sdelay $0x4  }
0x8e: {  	[tilespmem:v15+s20+$0x0] =	vst.idx.msk $0xffff, v18  }
0x8f: {  	v18 =	vld [tilespmem:$0x1EBF0];
	_ =	sdelay $0x4  }
0x90: {  	[tilespmem:v16+s20+$0x0] =	vst.idx.msk $0xffff, v18  }
0x91: {  	v18 =	vld [tilespmem:$0x1EC80];
	_ =	sdelay $0x4  }
0x92: {  	[tilespmem:v17+s20+$0x0] =	vst.idx.msk $0xffff, v18  }
0x93: {  	_ =	swait.ge [sflag:s31], $0x4000  }
0x94: {  	[sflag:s31] =	ssyncset.done $0x0  }
0x95: {  	s11 =	simm.s32 $0x1EB82;
	[sflag:s31] =	ssyncadd.s32 $0xFFFFC000  }
0x96: {  	s12 =	simm.s32 $0x16480;
	v18 =	vld.msk [tilespmem:s11+$0xFFFFFFFE ss:$0x0], $0xffff  }
0x97: {  	v19 =	vld [tilespmem:s12+$0xFFFFFF00];
	_ =	sdelay $0x2  }
0x98: {  	s14 =	simm.s32 $0x0  }
0x99: {  	s15 =	sand.u32 $0x78, s14  }
0x9a: {  	s16 =	sadd.s32 $0x1EC10, s15;
	s18 =	sand.u32 $0x4, s14;
	v19 =	vmul.f32 v19, v18  }
0x9b: {  	s15 =	simm.s32 $0x1A4A0;
	s18 =	sor.u32 s18, s16  }
0x9c: {  	v20 =	vld.msk [tilespmem:s18+$0x0 ss:$0x0], $0xffff;
	[tilespmem:s15+$0xFFFFFEE0] =	vst v19  }
0x9d: {  	v19 =	vld [tilespmem:s12+$0xFFFFFF10];
	_ =	sdelay $0x4  }
0x9e: {  	v19 =	vmul.f32 v19, v18;
	_ =	sdelay $0x1  }
0x9f: {  	[tilespmem:s15+$0xFFFFFEF0] =	vst v19  }
0xa0: {  	v19 =	vld [tilespmem:s12+$0xFFFFFF20];
	_ =	sdelay $0x4  }
0xa1: {  	v19 =	vmul.f32 v19, v18;
	_ =	sdelay $0x1  }
0xa2: {  	[tilespmem:s15+$0xFFFFFF00] =	vst v19  }
0xa3: {  	v19 =	vld [tilespmem:s12+$0xFFFFFF30];
	_ =	sdelay $0x4  }
0xa4: {  	v18 =	vmul.f32 v19, v18;
	_ =	sdelay $0x1  }
0xa5: {  	[tilespmem:s15+$0xFFFFFF10] =	vst v18  }
0xa6: {  	v18 =	vld [tilespmem:s12+$0xFFFFFF40];
	_ =	sdelay $0x4  }
0xa7: {  	v18 =	vmul.f32 v18, v20;
	_ =	sdelay $0x1  }
0xa8: {  	[tilespmem:s15+$0xFFFFFF20] =	vst v18  }
0xa9: {  	v18 =	vld [tilespmem:s12+$0xFFFFFF50];
	_ =	sdelay $0x4  }
0xaa: {  	v18 =	vmul.f32 v18, v20;
	_ =	sdelay $0x1  }
0xab: {  	[tilespmem:s15+$0xFFFFFF30] =	vst v18  }
0xac: {  	v18 =	vld [tilespmem:s12+$0xFFFFFF60];
	_ =	sdelay $0x4  }
0xad: {  	v18 =	vmul.f32 v18, v20;
	_ =	sdelay $0x1  }
0xae: {  	[tilespmem:s15+$0xFFFFFF40] =	vst v18  }
0xaf: {  	v18 =	vld [tilespmem:s12+$0xFFFFFF70];
	_ =	sdelay $0x4  }
0xb0: {  	v18 =	vmul.f32 v18, v20;
	_ =	sdelay $0x1  }
0xb1: {  	[tilespmem:s15+$0xFFFFFF50] =	vst v18  }
0xb2: {  	v18 =	vld.msk [tilespmem:s11+$0xFFFFFFFF ss:$0x0], $0xffff  }
0xb3: {  	v19 =	vld [tilespmem:s12+$0xFFFFFF80];
	_ =	sdelay $0x3  }
0xb4: {  	s19 =	simm.s32 $0x1  }
0xb5: {  	s18 =	sand.u32 $0x5, s19;
	v19 =	vmul.f32 v19, v18  }
0xb6: {  	s18 =	sor.u32 s18, s16  }
0xb7: {  	v20 =	vld.msk [tilespmem:s18+$0x0 ss:$0x0], $0xffff;
	[tilespmem:s15+$0xFFFFFF70] =	vst v19  }
0xb8: {  	v19 =	vld [tilespmem:s12+$0xFFFFFF90];
	_ =	sdelay $0x4  }
0xb9: {  	v19 =	vmul.f32 v19, v18;
	_ =	sdelay $0x1  }
0xba: {  	[tilespmem:s15+$0xFFFFFF80] =	vst v19  }
0xbb: {  	v19 =	vld [tilespmem:s12+$0xFFFFFFA0];
	_ =	sdelay $0x4  }
0xbc: {  	v19 =	vmul.f32 v19, v18;
	_ =	sdelay $0x1  }
0xbd: {  	[tilespmem:s15+$0xFFFFFF90] =	vst v19  }
0xbe: {  	v19 =	vld [tilespmem:s12+$0xFFFFFFB0];
	_ =	sdelay $0x4  }
0xbf: {  	v18 =	vmul.f32 v19, v18;
	_ =	sdelay $0x1  }
0xc0: {  	[tilespmem:s15+$0xFFFFFFA0] =	vst v18  }
0xc1: {  	v18 =	vld [tilespmem:s12+$0xFFFFFFC0];
	_ =	sdelay $0x4  }
0xc2: {  	v18 =	vmul.f32 v18, v20;
	_ =	sdelay $0x1  }
0xc3: {  	[tilespmem:s15+$0xFFFFFFB0] =	vst v18  }
0xc4: {  	v18 =	vld [tilespmem:s12+$0xFFFFFFD0];
	_ =	sdelay $0x4  }
0xc5: {  	v18 =	vmul.f32 v18, v20;
	_ =	sdelay $0x1  }
0xc6: {  	[tilespmem:s15+$0xFFFFFFC0] =	vst v18  }
0xc7: {  	v18 =	vld [tilespmem:s12+$0xFFFFFFE0];
	_ =	sdelay $0x4  }
0xc8: {  	v18 =	vmul.f32 v18, v20;
	_ =	sdelay $0x1  }
0xc9: {  	[tilespmem:s15+$0xFFFFFFD0] =	vst v18  }
0xca: {  	v18 =	vld [tilespmem:s12+$0xFFFFFFF0];
	_ =	sdelay $0x4  }
0xcb: {  	v18 =	vmul.f32 v18, v20;
	_ =	sdelay $0x1  }
0xcc: {  	[tilespmem:s15+$0xFFFFFFE0] =	vst v18  }
0xcd: {  	v18 =	vld.msk [tilespmem:s11+$0x0 ss:$0x0], $0xffff  }
0xce: {  	v19 =	vld [tilespmem:s12+$0x0];
	_ =	sdelay $0x3  }
0xcf: {  	s8 =	simm.s32 $0x2  }
0xd0: {  	s18 =	sand.u32 $0x6, s8;
	v19 =	vmul.f32 v19, v18  }
0xd1: {  	s18 =	sor.u32 s18, s16  }
0xd2: {  	v20 =	vld.msk [tilespmem:s18+$0x0 ss:$0x0], $0xffff;
	[tilespmem:s15+$0x0] =	vst v19  }
0xd3: {  	v19 =	vld [tilespmem:s12+$0x10];
	_ =	sdelay $0x4  }
0xd4: {  	v19 =	vmul.f32 v19, v18;
	_ =	sdelay $0x1  }
0xd5: {  	[tilespmem:s15+$0x10] =	vst v19  }
0xd6: {  	v19 =	vld [tilespmem:s12+$0x20];
	_ =	sdelay $0x4  }
0xd7: {  	v19 =	vmul.f32 v19, v18;
	_ =	sdelay $0x1  }
0xd8: {  	[tilespmem:s15+$0x20] =	vst v19  }
0xd9: {  	v19 =	vld [tilespmem:s12+$0x30];
	_ =	sdelay $0x4  }
0xda: {  	v18 =	vmul.f32 v19, v18;
	_ =	sdelay $0x1  }
0xdb: {  	[tilespmem:s15+$0x30] =	vst v18  }
0xdc: {  	v18 =	vld [tilespmem:s12+$0x40];
	_ =	sdelay $0x4  }
0xdd: {  	v18 =	vmul.f32 v18, v20;
	_ =	sdelay $0x1  }
0xde: {  	[tilespmem:s15+$0x40] =	vst v18  }
0xdf: {  	v18 =	vld [tilespmem:s12+$0x50];
	_ =	sdelay $0x4  }
0xe0: {  	v18 =	vmul.f32 v18, v20;
	_ =	sdelay $0x1  }
0xe1: {  	[tilespmem:s15+$0x50] =	vst v18  }
0xe2: {  	v18 =	vld [tilespmem:s12+$0x60];
	_ =	sdelay $0x4  }
0xe3: {  	v18 =	vmul.f32 v18, v20;
	_ =	sdelay $0x1  }
0xe4: {  	[tilespmem:s15+$0x60] =	vst v18  }
0xe5: {  	v18 =	vld [tilespmem:s12+$0x70];
	_ =	sdelay $0x4  }
0xe6: {  	v18 =	vmul.f32 v18, v20;
	_ =	sdelay $0x1  }
0xe7: {  	[tilespmem:s15+$0x70] =	vst v18  }
0xe8: {  	v18 =	vld.msk [tilespmem:s11+$0x1 ss:$0x0], $0xffff  }
0xe9: {  	v19 =	vld [tilespmem:s12+$0x80];
	_ =	sdelay $0x3  }
0xea: {  	s19 =	simm.s32 $0xFFFFFFFB  }
0xeb: {  	s18 =	sand.u32 $0x7, s19;
	v19 =	vmul.f32 v19, v18  }
0xec: {  	s16 =	sor.u32 s18, s16  }
0xed: {  	v20 =	vld.msk [tilespmem:s16+$0x0 ss:$0x0], $0xffff;
	[tilespmem:s15+$0x90] =	vst v19  }
0xee: {  	v19 =	vld [tilespmem:s12+$0x90];
	_ =	sdelay $0x4  }
0xef: {  	v19 =	vmul.f32 v19, v18;
	_ =	sdelay $0x1  }
0xf0: {  	[tilespmem:s15+$0xA0] =	vst v19  }
0xf1: {  	v19 =	vld [tilespmem:s12+$0xA0];
	_ =	sdelay $0x4  }
0xf2: {  	v19 =	vmul.f32 v19, v18;
	_ =	sdelay $0x1  }
0xf3: {  	[tilespmem:s15+$0xB0] =	vst v19  }
0xf4: {  	v19 =	vld [tilespmem:s12+$0xB0];
	_ =	sdelay $0x4  }
0xf5: {  	v18 =	vmul.f32 v19, v18;
	_ =	sdelay $0x1  }
0xf6: {  	[tilespmem:s15+$0xC0] =	vst v18  }
0xf7: {  	v18 =	vld [tilespmem:s12+$0xC0];
	_ =	sdelay $0x4  }
0xf8: {  	v18 =	vmul.f32 v18, v20;
	_ =	sdelay $0x1  }
0xf9: {  	[tilespmem:s15+$0xD0] =	vst v18  }
0xfa: {  	v18 =	vld [tilespmem:s12+$0xD0];
	_ =	sdelay $0x4  }
0xfb: {  	v18 =	vmul.f32 v18, v20;
	_ =	sdelay $0x1  }
0xfc: {  	[tilespmem:s15+$0xE0] =	vst v18  }
0xfd: {  	v18 =	vld [tilespmem:s12+$0xE0];
	_ =	sdelay $0x4  }
0xfe: {  	v18 =	vmul.f32 v18, v20;
	_ =	sdelay $0x1  }
0xff: {  	[tilespmem:s15+$0xF0] =	vst v18  }
0x100: {  	v18 =	vld [tilespmem:s12+$0xF0];
	_ =	sdelay $0x4  }
0x101: {  	s16 =	simm.s32 $0x1A6E0;
	v18 =	vmul.f32 v18, v20  }
.LBB2_5:
0x102: {  	s11 =	sadd.s32 $0x4, s11;
	s12 =	sadd.s32 $0x200, s12  }
0x103: {  	[tilespmem:s15+$0x100] =	vst v18;
	s18 =	smov.u32 s14;
	s14 =	sadd.s32 $0x4, s14;
	s15 =	smov.u32 s16  }
0x104: {  	s19 =	sand.u32 $0x78, s14;
	v18 =	vld.msk [tilespmem:s11+$0xFFFFFFFE ss:$0x0], $0xffff;
	p0 =	slt.u32 s14, $0x7C  }
0x105: {  	s8 =	sand.u32 $0x4, s14;
	s19 =	sadd.s32 $0x1EC10, s19;
	v19 =	vld [tilespmem:s12+$0xFFFFFF00]  }
0x106: {  	s8 =	sor.u32 s8, s19;
	_ =	sdelay $0x3  }
0x107: {  	v19 =	vmul.f32 v19, v18  }
0x108: {  	v20 =	vld.msk [tilespmem:s8+$0x0 ss:$0x0], $0xffff  }
0x109: {  	[tilespmem:s16+$0xFFFFFEE0] =	vst v19  }
0x10a: {  	v19 =	vld [tilespmem:s12+$0xFFFFFF10];
	_ =	sdelay $0x4  }
0x10b: {  	v19 =	vmul.f32 v19, v18;
	_ =	sdelay $0x1  }
0x10c: {  	[tilespmem:s16+$0xFFFFFEF0] =	vst v19  }
0x10d: {  	v19 =	vld [tilespmem:s12+$0xFFFFFF20];
	_ =	sdelay $0x4  }
0x10e: {  	v19 =	vmul.f32 v19, v18;
	_ =	sdelay $0x1  }
0x10f: {  	[tilespmem:s16+$0xFFFFFF00] =	vst v19  }
0x110: {  	v19 =	vld [tilespmem:s12+$0xFFFFFF30];
	_ =	sdelay $0x4  }
0x111: {  	v18 =	vmul.f32 v19, v18;
	_ =	sdelay $0x1  }
0x112: {  	[tilespmem:s16+$0xFFFFFF10] =	vst v18  }
0x113: {  	v18 =	vld [tilespmem:s12+$0xFFFFFF40];
	_ =	sdelay $0x4  }
0x114: {  	v18 =	vmul.f32 v18, v20;
	_ =	sdelay $0x1  }
0x115: {  	[tilespmem:s16+$0xFFFFFF20] =	vst v18  }
0x116: {  	v18 =	vld [tilespmem:s12+$0xFFFFFF50];
	_ =	sdelay $0x4  }
0x117: {  	v18 =	vmul.f32 v18, v20;
	_ =	sdelay $0x1  }
0x118: {  	[tilespmem:s16+$0xFFFFFF30] =	vst v18  }
0x119: {  	v18 =	vld [tilespmem:s12+$0xFFFFFF60];
	_ =	sdelay $0x4  }
0x11a: {  	v18 =	vmul.f32 v18, v20;
	_ =	sdelay $0x1  }
0x11b: {  	[tilespmem:s16+$0xFFFFFF40] =	vst v18  }
0x11c: {  	v18 =	vld [tilespmem:s12+$0xFFFFFF70];
	_ =	sdelay $0x4  }
0x11d: {  	v18 =	vmul.f32 v18, v20;
	_ =	sdelay $0x1  }
0x11e: {  	[tilespmem:s16+$0xFFFFFF50] =	vst v18  }
0x11f: {  	v18 =	vld.msk [tilespmem:s11+$0xFFFFFFFF ss:$0x0], $0xffff  }
0x120: {  	v19 =	vld [tilespmem:s12+$0xFFFFFF80];
	_ =	sdelay $0x2  }
0x121: {  	s8 =	sadd.s32 $0x5, s18  }
0x122: {  	s8 =	sand.u32 $0x5, s8  }
0x123: {  	s8 =	sor.u32 s8, s19;
	v19 =	vmul.f32 v19, v18  }
0x124: {  	v20 =	vld.msk [tilespmem:s8+$0x0 ss:$0x0], $0xffff  }
0x125: {  	[tilespmem:s16+$0xFFFFFF70] =	vst v19  }
0x126: {  	v19 =	vld [tilespmem:s12+$0xFFFFFF90];
	_ =	sdelay $0x4  }
0x127: {  	v19 =	vmul.f32 v19, v18;
	_ =	sdelay $0x1  }
0x128: {  	[tilespmem:s16+$0xFFFFFF80] =	vst v19  }
0x129: {  	v19 =	vld [tilespmem:s12+$0xFFFFFFA0];
	_ =	sdelay $0x4  }
0x12a: {  	v19 =	vmul.f32 v19, v18;
	_ =	sdelay $0x1  }
0x12b: {  	[tilespmem:s16+$0xFFFFFF90] =	vst v19  }
0x12c: {  	v19 =	vld [tilespmem:s12+$0xFFFFFFB0];
	_ =	sdelay $0x4  }
0x12d: {  	v18 =	vmul.f32 v19, v18;
	_ =	sdelay $0x1  }
0x12e: {  	[tilespmem:s16+$0xFFFFFFA0] =	vst v18  }
0x12f: {  	v18 =	vld [tilespmem:s12+$0xFFFFFFC0];
	_ =	sdelay $0x4  }
0x130: {  	v18 =	vmul.f32 v18, v20;
	_ =	sdelay $0x1  }
0x131: {  	[tilespmem:s16+$0xFFFFFFB0] =	vst v18  }
0x132: {  	v18 =	vld [tilespmem:s12+$0xFFFFFFD0];
	_ =	sdelay $0x4  }
0x133: {  	v18 =	vmul.f32 v18, v20;
	_ =	sdelay $0x1  }
0x134: {  	[tilespmem:s16+$0xFFFFFFC0] =	vst v18  }
0x135: {  	v18 =	vld [tilespmem:s12+$0xFFFFFFE0];
	_ =	sdelay $0x4  }
0x136: {  	v18 =	vmul.f32 v18, v20;
	_ =	sdelay $0x1  }
0x137: {  	[tilespmem:s16+$0xFFFFFFD0] =	vst v18  }
0x138: {  	v18 =	vld [tilespmem:s12+$0xFFFFFFF0];
	_ =	sdelay $0x4  }
0x139: {  	v18 =	vmul.f32 v18, v20;
	_ =	sdelay $0x1  }
0x13a: {  	[tilespmem:s16+$0xFFFFFFE0] =	vst v18  }
0x13b: {  	v18 =	vld.msk [tilespmem:s11+$0x0 ss:$0x0], $0xffff  }
0x13c: {  	v19 =	vld [tilespmem:s12+$0x0];
	_ =	sdelay $0x2  }
0x13d: {  	s8 =	sadd.s32 $0x6, s18  }
0x13e: {  	s8 =	sand.u32 $0x6, s8  }
0x13f: {  	s8 =	sor.u32 s8, s19;
	v19 =	vmul.f32 v19, v18  }
0x140: {  	v20 =	vld.msk [tilespmem:s8+$0x0 ss:$0x0], $0xffff  }
0x141: {  	[tilespmem:s16+$0x0] =	vst v19  }
0x142: {  	v19 =	vld [tilespmem:s12+$0x10];
	_ =	sdelay $0x4  }
0x143: {  	v19 =	vmul.f32 v19, v18;
	_ =	sdelay $0x1  }
0x144: {  	[tilespmem:s16+$0x10] =	vst v19  }
0x145: {  	v19 =	vld [tilespmem:s12+$0x20];
	_ =	sdelay $0x4  }
0x146: {  	v19 =	vmul.f32 v19, v18;
	_ =	sdelay $0x1  }
0x147: {  	[tilespmem:s16+$0x20] =	vst v19  }
0x148: {  	v19 =	vld [tilespmem:s12+$0x30];
	_ =	sdelay $0x4  }
0x149: {  	v18 =	vmul.f32 v19, v18;
	_ =	sdelay $0x1  }
0x14a: {  	[tilespmem:s16+$0x30] =	vst v18  }
0x14b: {  	v18 =	vld [tilespmem:s12+$0x40];
	_ =	sdelay $0x4  }
0x14c: {  	v18 =	vmul.f32 v18, v20;
	_ =	sdelay $0x1  }
0x14d: {  	[tilespmem:s16+$0x40] =	vst v18  }
0x14e: {  	v18 =	vld [tilespmem:s12+$0x50];
	_ =	sdelay $0x4  }
0x14f: {  	v18 =	vmul.f32 v18, v20;
	_ =	sdelay $0x1  }
0x150: {  	[tilespmem:s16+$0x50] =	vst v18  }
0x151: {  	v18 =	vld [tilespmem:s12+$0x60];
	_ =	sdelay $0x4  }
0x152: {  	v18 =	vmul.f32 v18, v20;
	_ =	sdelay $0x1  }
0x153: {  	[tilespmem:s16+$0x60] =	vst v18  }
0x154: {  	v18 =	vld [tilespmem:s12+$0x70];
	_ =	sdelay $0x4  }
0x155: {  	v18 =	vmul.f32 v18, v20;
	_ =	sdelay $0x1  }
0x156: {  	s8 =	sadd.s32 $0xFFFFFFFF, s18;
	[tilespmem:s16+$0x70] =	vst v18  }
0x157: {  	s8 =	sand.u32 $0x7, s8;
	v18 =	vld.msk [tilespmem:s11+$0x1 ss:$0x0], $0xffff  }
0x158: {  	s8 =	sor.u32 s8, s19;
	v19 =	vld [tilespmem:s12+$0x80]  }
0x159: {  	v20 =	vld.msk [tilespmem:s8+$0x0 ss:$0x0], $0xffff;
	_ =	sdelay $0x3  }
0x15a: {  	v19 =	vmul.f32 v19, v18;
	_ =	sdelay $0x1  }
0x15b: {  	[tilespmem:s16+$0x90] =	vst v19  }
0x15c: {  	v19 =	vld [tilespmem:s12+$0x90];
	_ =	sdelay $0x4  }
0x15d: {  	v19 =	vmul.f32 v19, v18;
	_ =	sdelay $0x1  }
0x15e: {  	[tilespmem:s16+$0xA0] =	vst v19  }
0x15f: {  	v19 =	vld [tilespmem:s12+$0xA0];
	_ =	sdelay $0x4  }
0x160: {  	v19 =	vmul.f32 v19, v18;
	_ =	sdelay $0x1  }
0x161: {  	[tilespmem:s16+$0xB0] =	vst v19  }
0x162: {  	v19 =	vld [tilespmem:s12+$0xB0];
	_ =	sdelay $0x4  }
0x163: {  	v18 =	vmul.f32 v19, v18;
	_ =	sdelay $0x1  }
0x164: {  	[tilespmem:s16+$0xC0] =	vst v18  }
0x165: {  	v18 =	vld [tilespmem:s12+$0xC0];
	_ =	sdelay $0x4  }
0x166: {  	v18 =	vmul.f32 v18, v20;
	_ =	sdelay $0x1  }
0x167: {  	[tilespmem:s16+$0xD0] =	vst v18  }
0x168: {  	v18 =	vld [tilespmem:s12+$0xD0];
	_ =	sdelay $0x4  }
0x169: {  	v18 =	vmul.f32 v18, v20;
	_ =	sdelay $0x1  }
0x16a: {  	[tilespmem:s16+$0xE0] =	vst v18  }
0x16b: {  	v18 =	vld [tilespmem:s12+$0xE0];
	_ =	sdelay $0x4  }
0x16c: {  	v18 =	vmul.f32 v18, v20;
	_ =	sdelay $0x1  }
0x16d: {  	[tilespmem:s16+$0xF0] =	vst v18  }
0x16e: {  	v18 =	vld [tilespmem:s12+$0xF0];
	_ =	sdelay $0x1  }
.Ltmp3:
0x16f: {  	(pc) =	sbr.rel @p0 .LBB2_5-.Ltmp3, $3  }
0x170: {  	_ =	sdelay $0x1  }
0x171: {  	v18 =	vmul.f32 v18, v20  }
0x172: {  	s16 =	sadd.s32 $0x240, s16  }
0x173: {  	p0 =	seq.s32 s1, $0xA1  }
.Ltmp4:
0x174: {  	_ = 	snop;
	(pc) =	sbr.rel @p0 .LBB2_8-.Ltmp4, $2  }
0x175: {  	_ =	sdelay $0x2  }
0x176: {  	[tilespmem:s15+$0x100] =	vst v18  }
0x177: {  	s8 =	sshrl.u32 s10, $0x3  }
0x178: {  	s8 =	sadd.s32 $0x10, s8  }
0x179: {  	s19 =	sadd.s32 s6, s8  }
0x17a: {  	[tilespmem:s22], [sflag:$0x3] =	stream.linear.gather [hbm4b:s19+s3], $0x80, $0x38;
	[tilespmem:$0x1EE20] =	vst v63  }
0x17b: {  	_ =	swait.ge [sflag:s29], $0x80  }
0x17c: {  	[sflag:s29] =	ssyncset.done $0x0  }
0x17d: {  	[sflag:s29] =	ssyncadd.s32 $0xFFFFFF80  }
0x17e: {  	v18 =	vld [tilespmem:$0x1ECA0]  }
0x17f: {  	v19 =	vld [tilespmem:$0x1ECB0]  }
0x180: {  	v20 =	vld [tilespmem:$0x1ECC0]  }
0x181: {  	v21 =	vld [tilespmem:$0x1ECD0]  }
0x182: {  	v22 =	vld [tilespmem:$0x1ECE0]  }
0x183: {  	v23 =	vld [tilespmem:$0x1ECF0];
	v18 =	vadd.s32 v0, v18  }
0x184: {  	[tilespmem:$0x1EDA0] =	vst v18;
	v18 =	vadd.s32 v0, v19;
	v19 =	vld [tilespmem:$0x1ED00]  }
0x185: {  	v63 =	vld [tilespmem:$0x1ED10];
	[tilespmem:$0x1EDB0] =	vst v18;
	v18 =	vadd.s32 v0, v20  }
0x186: {  	[tilespmem:$0x1EDC0] =	vst v18;
	v18 =	vadd.s32 v0, v21  }
0x187: {  	[tilespmem:$0x1EDD0] =	vst v18;
	v18 =	vadd.s32 v0, v22  }
0x188: {  	[tilespmem:$0x1EDE0] =	vst v18;
	v18 =	vadd.s32 v0, v23  }
0x189: {  	[tilespmem:$0x1EDF0] =	vst v18;
	v18 =	vadd.s32 v0, v19  }
0x18a: {  	[tilespmem:$0x1EE00] =	vst v18;
	v18 =	vadd.s32 v0, v63  }
0x18b: {  	[tilespmem:$0x1EE10] =	vst v18  }
0x18c: {  	[tilespmem:s25], [sflag:$0x1] =	stream.indirect.gather [hbm4b:s4+s23], $0x80, s24, s23, $0xb8;
	[tilespmem:$0x1EE20] =	vst v63  }
0x18d: {  	_ = 	snop  }
0x18e: {  	[spmem:s2] =	stream.indirect.scatter.add.f32 [tilespmem:s20], [sflag:$0x3], $0x90, s26, s23, $0xb8;
	[tilespmem:$0x1EE20] =	vst v63  }
0x18f: {  	_ =	swait.ge [sflag:s29], $0x4800  }
0x190: {  	[sflag:s29] =	ssyncset.done $0x0  }
.Ltmp5:
0x191: {  	s8 =	sadd.s32 s7, s8;
	[sflag:s29] =	ssyncadd.s32 $0xFFFFB800;
	(pc) =	sbr.rel .LBB2_4-.Ltmp5, $4  }
0x192: {  	[tilespmem:s26], [sflag:$0x2] =	stream.linear.gather [hbm4b:s8+s3], $0x80, $0x38;
	[tilespmem:$0x1EE20] =	vst v63  }
0x193: {  	_ =	swait.ge [sflag:s21], $0x80  }
0x194: {  	[sflag:s21] =	ssyncset.done $0x0  }
0x195: {  	s1 =	sadd.s32 $0x1, s1;
	[sflag:s21] =	ssyncadd.s32 $0xFFFFFF80  }
.LBB2_9:
0x196: {  	_ =	sfence.sel $0x180000  }
0x197: {  	[bflag:$0x0] =	sbarrier.arrive $0xFFFF  }
0x198: {  	_ =	strace $0x9000004A  }
0x199: {  	s0 =	stileid.u32;
	[bflag:$0x2] =	sbarrier.arrive $0xFFFF  }
0x19a: {  	p0 =	sne.s32 s0, $0x0;
	s0 =	rddreg [dreg:$0x2]  }
0x19b: {  	s0 =	sadd.s32 @!p0 $0x100000, s0  }
0x19c: {  	[sflag:s0] =	ssyncadd.tile.s32 @!p0 $0x1;
	_ =	shalt  }
.Lfunc_end2:
_tile_overlayer_lowered:
.L_overlay_start_2:
0x19d: {  	(tag) =	ssettag $0x2  }
0x19e: {  	s0 =	rddreg [dreg:$0x0];
	s2 =	stileid.u32  }
0x19f: {  	s1 =	rddreg [dreg:$0x1];
	p0 =	sne.s32 s2, $0x0  }
0x1a0: {  	s3 =	rddreg [dreg:$0x2];
	[bflag:$0x3] =	sbarrier.arrive $0xFFFF;
	s2 =	simm.s32 @!p0 $0x1C02  }
0x1a1: {  	[timem:s3], [sflag:s2] =	dma.local @!p0 [hbm:s0], s1  }
0x1a2: {  	s0 =	simm.s32 @!p0 $0x2  }
0x1a3: {  	_ =	swait.ge @!p0 [sflag:s0], s1  }
0x1a4: {  	s1 =	ssub.s32 @!p0 $0x0, s1;
	[sflag:s0] =	ssyncset.done @!p0 $0x0  }
0x1a5: {  	[sflag:s0] =	ssyncadd.s32 @!p0 s1  }
0x1a6: {  	[bflag:$0x3] =	sbarrier.arrive $0xFFFF  }
0x1a7: {  	_ =	shalt  }

// kernel: kernel.15.cloned.1.call-start
scs
__scs_entry_jumppad:
0x0: {  	(pc) =	sbr.rel $0x88, $3  }
0x1: {  	(tag) =	ssettag $0x0;
	lr =	simm.s32 $0x1  }
0x2: {  	[smem:$0x3F96] =	sst lr;
	_ =	strace $0xD0000000  }
0x3: {  	_ = 	snop  }
0x4: {  	_ = 	snop  }
0x5: {  	_ = 	snop  }
0x6: {  	_ = 	snop  }
0x7: {  	_ = 	snop  }
__scs_overlays_trampoline_lowered:
0x8: {  	[smem:$0x3FA5] =	sst s0  }
0x9: {  	[smem:$0x3FA6] =	sst s1  }
0xa: {  	[smem:$0x3FA7] =	sst s2  }
0xb: {  	[smem:$0x3FA8] =	sst s3  }
0xc: {  	[smem:$0x3FA9] =	sst s4  }
0xd: {  	[smem:$0x3FAA] =	sst s5  }
0xe: {  	[smem:$0x3FAB] =	sst s6  }
0xf: {  	[smem:$0x3FAC] =	sst s7  }
0x10: {  	[smem:$0x3FAD] =	sst s8  }
0x11: {  	[smem:$0x3FAE] =	sst s9;
	s0 =	simm.s32 @!p0 $0x0  }
0x12: {  	s1 =	sld [smem:$0x3F94];
	s0 =	simm.s32 @p0 $0x1  }
0x13: {  	[smem:$0x3FAF] =	sst s0;
	s0 =	simm.s32 @!p1 $0x0  }
0x14: {  	s2 =	sld [smem:$0x3F93];
	s0 =	simm.s32 @p1 $0x1  }
0x15: {  	[smem:$0x3FB0] =	sst s0;
	s0 =	simm.s32 @!p2 $0x0  }
0x16: {  	s3 =	sld [smem:$0x3FDB];
	s0 =	simm.s32 @p2 $0x1  }
0x17: {  	s4 =	simm.s32 $0x1BF5;
	[smem:$0x3FB2] =	sst s0  }
0x18: {  	s0 =	sld [smem:$0x3F95];
	_ =	swait.ge [sflag:s4], $0x0  }
0x19: {  	s7 =	sld [smem:$0x3F96]  }
0x1a: {  	s8 =	sadd.s32 $0xFFFFE003, lr  }
0x1b: {  	s9 =	sadd.s32 $0xFFFFFEF7, lr;
	s5 =	simm.s32 $0xFFFFFFFF;
	p2 =	slt.u32 s8, $0xFFFFF086  }
0x1c: {  	p1 =	slt.u32 s9, $0xF7A;
	s5 =	simm.s32 @!p2 $0x0  }
0x1d: {  	s5 =	simm.s32 @p1 $0x1;
	p0 =	seq.s32 s7, s2  }
0x1e: {  	s7 =	smul.u32 @!p0 $0xF7A, s2;
	p2 =	seq.s32 @!p0 s5, $0x0  }
0x1f: {  	s9 =	smul.u32 $0xF7A, s1;
	s8 =	simm.s32 @!p0 $0x1BF5;
	p2 =	por !p2, p0  }
0x20: {  	[sflag:s8] =	ssyncset.s32 @!p0 $0xFFFFF086;
	s6 =	sadd.s32 @!p0 s3, s7;
	s7 =	simm.s32 @!p0 $0x108  }
0x21: {  	s3 =	sadd.s32 s3, s9;
	s6 =	sadd.s32 @!p0 $0x88, s6;
	s7 =	simm.s32 @p2 $0x1082  }
0x22: {  	[simem:s7], [sflag:s8] =	dma.local @!p0 [hbm:s6], $0xF7A  }
0x23: {  	s9 =	sor.u32 $0xD0000000, s2;
	s6 =	simm.s32 $0x108;
	_ =	swait.ge @!p0 [sflag:s8], $0x0  }
0x24: {  	s3 =	sadd.s32 $0x88, s3;
	s6 =	simm.s32 @!p1 $0x1082;
	[sflag:s4] =	ssyncset.s32 $0xFFFFF086  }
0x25: {  	[simem:s6], [sflag:s4] =	dma.local [hbm:s3], $0xF7A  }
0x26: {  	[smem:$0x3F96] =	sst s1;
	(tag) =	ssettag s2;
	_ =	strace s9  }
0x27: {  	s1 =	sld [smem:$0x3FA6]  }
0x28: {  	s2 =	sld [smem:$0x3FA7]  }
0x29: {  	s4 =	sld [smem:$0x3FA9]  }
0x2a: {  	p0 =	seq.s32 s5, $0x0;
	s5 =	sld [smem:$0x3FAA]  }
0x2b: {  	s6 =	sld [smem:$0x3FAB]  }
0x2c: {  	s7 =	sld [smem:$0x3FAC]  }
0x2d: {  	s3 =	simm.s32 $0x108;
	s8 =	sld [smem:$0x3FAD]  }
0x2e: {  	s3 =	simm.s32 @!p0 $0x1082;
	s9 =	sld [smem:$0x3FAE]  }
0x2f: {  	lr =	sadd.s32 s0, s3;
	s0 =	sld [smem:$0x3FA5]  }
0x30: {  	s3 =	sld [smem:$0x3FA8]  }
0x31: {  	[smem:$0x3FB1] =	sst s10  }
0x32: {  	s10 =	sld [smem:$0x3FAF];
	_ =	sdelay $0x3  }
0x33: {  	p0 =	seq.s32 s10, $0x1;
	s10 =	sld [smem:$0x3FB1];
	_ =	sdelay $0x3  }
0x34: {  	[smem:$0x3FB1] =	sst s10  }
0x35: {  	s10 =	sld [smem:$0x3FB0];
	_ =	sdelay $0x3  }
0x36: {  	p1 =	seq.s32 s10, $0x1;
	s10 =	sld [smem:$0x3FB1];
	_ =	sdelay $0x3  }
0x37: {  	[smem:$0x3FB1] =	sst s10  }
0x38: {  	s10 =	sld [smem:$0x3FB2]  }
0x39: {  	_ = 	snop;
	(pc) =	sbr.ind lr, $3  }
0x3a: {  	_ = 	snop  }
0x3b: {  	_ = 	snop  }
0x3c: {  	p2 =	seq.s32 s10, $0x1;
	s10 =	sld [smem:$0x3FB1]  }
0x3d: {  	_ =	shalt  }
0x3e: {  	_ =	shalt  }
0x3f: {  	_ =	shalt  }
0x40: {  	_ =	shalt  }
0x41: {  	_ =	shalt  }
0x42: {  	_ =	shalt  }
0x43: {  	_ =	shalt  }
0x44: {  	_ =	shalt  }
0x45: {  	_ =	shalt  }
0x46: {  	_ =	shalt  }
0x47: {  	_ =	shalt  }
0x48: {  	_ =	shalt  }
0x49: {  	_ =	shalt  }
0x4a: {  	_ =	shalt  }
0x4b: {  	_ =	shalt  }
0x4c: {  	_ =	shalt  }
0x4d: {  	_ =	shalt  }
0x4e: {  	_ =	shalt  }
0x4f: {  	_ =	shalt  }
0x50: {  	_ =	shalt  }
0x51: {  	_ =	shalt  }
0x52: {  	_ =	shalt  }
0x53: {  	_ =	shalt  }
0x54: {  	_ =	shalt  }
0x55: {  	_ =	shalt  }
0x56: {  	_ =	shalt  }
0x57: {  	_ =	shalt  }
0x58: {  	_ =	shalt  }
0x59: {  	_ =	shalt  }
0x5a: {  	_ =	shalt  }
0x5b: {  	_ =	shalt  }
0x5c: {  	_ =	shalt  }
0x5d: {  	_ =	shalt  }
0x5e: {  	_ =	shalt  }
0x5f: {  	_ =	shalt  }
0x60: {  	_ =	shalt  }
0x61: {  	_ =	shalt  }
0x62: {  	_ =	shalt  }
0x63: {  	_ =	shalt  }
0x64: {  	_ =	shalt  }
0x65: {  	_ =	shalt  }
0x66: {  	_ =	shalt  }
0x67: {  	_ =	shalt  }
0x68: {  	_ =	shalt  }
0x69: {  	_ =	shalt  }
0x6a: {  	_ =	shalt  }
0x6b: {  	_ =	shalt  }
0x6c: {  	_ =	shalt  }
0x6d: {  	_ =	shalt  }
0x6e: {  	_ =	shalt  }
0x6f: {  	_ =	shalt  }
0x70: {  	_ =	shalt  }
0x71: {  	_ =	shalt  }
0x72: {  	_ =	shalt  }
0x73: {  	_ =	shalt  }
0x74: {  	_ =	shalt  }
0x75: {  	_ =	shalt  }
0x76: {  	_ =	shalt  }
0x77: {  	_ =	shalt  }
0x78: {  	_ =	shalt  }
0x79: {  	_ =	shalt  }
0x7a: {  	_ =	shalt  }
0x7b: {  	_ =	shalt  }
0x7c: {  	_ =	shalt  }
0x7d: {  	_ =	shalt  }
0x7e: {  	_ =	shalt  }
0x7f: {  	_ =	shalt  }
0x80: {  	_ =	shalt  }
0x81: {  	_ =	shalt  }
0x82: {  	_ =	shalt  }
0x83: {  	_ =	shalt  }
0x84: {  	_ =	shalt  }
0x85: {  	_ =	shalt  }
0x86: {  	_ =	shalt  }
0x87: {  	_ =	shalt  }
.Lfunc_end0:
.L_simem_size_0:
called_computation.2_lowered:
.L_overlay_start_0:
0x88: {  	s2 =	sld [smem:$0x3FD9]  }
0x89: {  	s3 =	sld [smem:$0x3FFE];
	_ =	sdelay $0x1  }
0x8a: {  	s1 =	srdreg.scid  }
0x8b: {  	s0 =	sand.u32 $0x1, s1  }
0x8c: {  	s16 =	sshll.u32 s0, $0xA;
	s2 =	sadd.s32 s3, s2  }
0x8d: {  	s2 =	sadd.s32 s2, s16  }
0x8e: {  	[smem:$0x3FBD] =	sst s2  }
0x8f: {  	_ = 	snop  }
0x90: {  	(tm) =	ssettm $0x1  }
0x91: {  	s17 =	sld [smem:$0x3FFB];
	_ =	sdelay $0x3  }
0x92: {  	_ =	strace s17  }
0x93: {  	s2 =	sld [smem:$0x3FFC];
	_ =	sdelay $0x3  }
0x94: {  	_ =	strace s2  }
0x95: {  	s2 =	sld [smem:$0x3FFD];
	_ =	sdelay $0x3  }
0x96: {  	_ =	strace s2  }
0x97: {  	_ =	strace $0x8FFFFFFF  }
0x98: {  	s18 =	sld [smem:$0x3FDB];
	_ =	sdelay $0x1  }
0x99: {  	s19 =	simm.s32 $_scs_section_size  }
0x9a: {  	s4 =	simm.s32 $_size__tile_overlayer_lowered;
	s5 =	simm.s32 $_tile_overlayer_lowered  }
0x9b: {  	s22 =	simm.s32 $0x1BFF;
	s21 =	sshll.u32 s5, $0x1;
	s2 =	sadd.s32 s19, s18  }
0x9c: {  	s6 =	simm.s32 $0x0;
	s20 =	sshll.u32 s4, $0x1;
	s4 =	sadd.s32 s21, s2  }
0x9d: {  	[timem:s6], [sflag:s22] =	dma.local [hbm:s4], s20  }
0x9e: {  	_ =	swait.ge [sflag:s22], s20  }
0x9f: {  	s3 =	ssub.s32 $0x0, s20;
	[sflag:s22] =	ssyncset.done $0x0  }
0xa0: {  	[sflag:s22] =	ssyncadd.s32 s3;
	_ =	sdelay $0x1  }
0xa1: {  	s23 =	simm.s32 $0x1B8B  }
0xa2: {  	_ =	swait.ge [sflag:s23], $0x1  }
0xa3: {  	[sflag:s23] =	ssyncset.done $0x0  }
0xa4: {  	s25 =	simm.s32 $0x1B8E;
	s24 =	sld [smem:$0x3FFE];
	[sflag:s23] =	ssyncadd.s32 $0xFFFFFFFF  }
0xa5: {  	s26 =	simm.s32 $execute0_lowered;
	[smem:$0x3FD2] =	sst s25  }
0xa6: {  	s4 =	sshll.u32 s26, $0x1;
	_ =	strace $0x8000004C;
	[dreg:$0x1] =	wrdreg $0xFFFFFFFF  }
0xa7: {  	s28 =	simm.s32 $_size_execute0_lowered;
	s2 =	sadd.s32 s2, s4;
	[dreg:$0x0] =	wrdreg $0x0  }
0xa8: {  	s4 =	sshll.u32 s28, $0x1;
	[dreg:$0x2] =	wrdreg s2  }
0xa9: {  	[dreg:$0x3] =	wrdreg s4  }
0xaa: {  	[dreg:$0x4] =	wrdreg $0xC0  }
0xab: {  	_ =	task [dreg:s6], $0x5FFFF  }
0xac: {  	[dreg:$0x1] =	wrdreg $0xFFFFFFFF  }
0xad: {  	[dreg:$0x0] =	wrdreg $0x60  }
0xae: {  	[dreg:$0x2] =	wrdreg s24  }
0xaf: {  	[dreg:$0x3] =	wrdreg $0x9  }
0xb0: {  	_ =	task.clear_ibuf [dreg:s6], $0x4FFFF;
	_ =	strace $0x9000004C  }
0xb1: {  	s29 =	simm.s32 $0x9;
	_ =	strace $0x8000004E  }
0xb2: {  	_ =	swait.ge [sflag:s29], $0x1  }
0xb3: {  	[sflag:s29] =	ssyncadd.s32 $0xFFFFFFFF  }
0xb4: {  	_ =	strace $0x9000004E  }
0xb5: {  	_ =	sfence  }
0xb6: {  	s30 =	sld [smem:$0x0];
	_ =	sdelay $0x2  }
0xb7: {  	s31 =	sshll.u32 s1, $0xD;
	s1 =	sshrl.u32 s1, $0x2  }
0xb8: {  	s3 =	sand.u32 $0x4000, s31;
	s1 =	sadd.s32 s1, s30  }
0xb9: {  	s0 =	sor.u32 s3, s0;
	s1 =	sshll.u32 s1, $0x11  }
0xba: {  	s0 =	sor.u32 s1, s0  }
0xbb: {  	s0 =	sadd.s32 $0x8F2B, s0  }
0xbc: {  	[sflag:s0] =	ssyncadd.remote.s32 $0x1  }
0xbd: {  	_ =	sfence.sel $0xFFFF  }
0xbe: {  	[dreg:$0x0] =	wrdreg $0xFFFFFFFF;
	(pc) =	sbr.abs _section_cstart, $3  }
0xbf: {  	[dreg:$0x1] =	wrdreg $0xFFFFFFFF  }
0xc0: {  	_ =	task.clear_ibuf [dreg:s6], $0x2FFFF;
	_ =	strace $0x9FFFFFFF  }
0xc1: {  	(tm) =	ssettm $0x7FFFFFFF  }
tec
execute0_lowered:
.L_overlay_start_1:
0x0: {  	(tag) =	ssettag $0x1  }
0x1: {  	s0 =	srdreg.scid  }
0x2: {  	s5 =	rddreg [dreg:$0x0];
	s3 =	sand.u32 $0x1, s0  }
0x3: {  	s0 =	stileid.u32;
	s4 =	smul.u32 $0x28800, s3  }
0x4: {  	s1 =	rddreg [dreg:$0x1];
	s2 =	simm.s32 $0x0;
	s6 =	smul.u32 $0x2880, s0  }
0x5: {  	s9 =	simm.s32 $0x13908;
	s10 =	simm.s32 $0x13988;
	s11 =	simm.s32 $0x13888  }
0x6: {  	s12 =	simm.s32 $0x0;
	s30 =	ssub.s32 $0x2, s3;
	s4 =	sadd.s32 s6, s4  }
0x7: {  	v0 =	vlaneseq.u32;
	[smem:$0x7FF] =	sst s2;
	s7 =	sshrl.u32 s30, $0x1;
	s4 =	sshrl.u32 s4, $0x3  }
0x8: {  	v1 =	vor.u32 $0x10, v0;
	_ =	strace $0x8000004D;
	s31 =	ssub.s32 s30, s7;
	s8 =	sadd.s32 s4, s5  }
0x9: {  	v2 =	vor.u32 $0x20, v0;
	v3 =	vor.u32 $0x30, v0;
	v4 =	vor.u32 $0x40, v0;
	s3 =	sadd.s32 $0x2200, s5;
	s4 =	smax.u32 s31, $0x1;
	s5 =	sadd.s32 $0x4A00, s8  }
0xa: {  	v5 =	vor.u32 $0x50, v0;
	v6 =	vor.u32 $0x60, v0;
	v7 =	vor.u32 $0x70, v0;
	s6 =	sadd.s32 $0x52C00, s8;
	s7 =	sadd.s32 $0x5CE00, s8;
	s8 =	simm.s32 $0x1  }
.LBB2_1:
0xb: {  	[tilespmem:s2], [sflag:$0x1] =	stream.linear.gather [hbm4b:s3+s2], $0x13888, $0x38;
	[tilespmem:$0x13A08] =	vst v63  }
0xc: {  	_ =	swait.ge [sflag:s8], $0x13888  }
0xd: {  	[sflag:s8] =	ssyncset.done $0x0  }
0xe: {  	s13 =	simm.s32 $0x0;
	[sflag:s8] =	ssyncadd.s32 $0xFFFEC778  }
.LBB2_2:
0xf: {  	s14 =	sadd.s32 s13, s7  }
0x10: {  	[tilespmem:s9], [sflag:$0x1] =	stream.linear.gather [hbm4b:s14+s2], $0x80, $0x38;
	[tilespmem:$0x13A08] =	vst v63  }
0x11: {  	_ =	swait.ge [sflag:s8], $0x80  }
0x12: {  	[sflag:s8] =	ssyncset.done $0x0  }
0x13: {  	s30 =	sadd.s32 s13, s6;
	[sflag:s8] =	ssyncadd.s32 $0xFFFFFF80  }
0x14: {  	[tilespmem:s10], [sflag:$0x1] =	stream.linear.gather [hbm4b:s30+s2], $0x80, $0x38;
	[tilespmem:$0x13A08] =	vst v63  }
0x15: {  	_ =	swait.ge [sflag:s8], $0x80  }
0x16: {  	[sflag:s8] =	ssyncset.done $0x0  }
0x17: {  	[sflag:s8] =	ssyncadd.s32 $0xFFFFFF80  }
0x18: {  	v8 =	vld [tilespmem:$0x13908]  }
0x19: {  	v9 =	vld [tilespmem:$0x13988];
	_ =	sdelay $0x4  }
0x1a: {  	v8 =	vshll.u32 v8, $0x3;
	v9 =	vshll.u32 v9, $0x3  }
0x1b: {  	v9 =	vor.u32 $0x1, v9;
	_ =	sdelay $0x3  }
0x1c: {  	v8 =	vld.idx.msk [tilespmem:v8+s2+$0x0], $0xffff  }
0x1d: {  	v9 =	vld.idx.msk [tilespmem:v9+s2+$0x0], $0xffff;
	_ =	sdelay $0x4  }
0x1e: {  	v8 =	vadd.f32 v9, v8;
	_ =	sdelay $0x1  }
0x1f: {  	v9 =	vmul.f32 $2.000000030e-01, v8;
	_ =	sdelay $0x1  }
0x20: {  	v8 =	vmax.f32 v8, v9  }
0x21: {  	v8 =	vmul.f32 $1.442695020e+00, v8;
	_ =	sdelay $0x1  }
0x22: {  	(erf) = vpow2.f32 v8;
	_ =	sdelay $0x8  }
0x23: {  	v8 =	vpop (erf)  }
0x24: {  	[tilespmem:v0+s11+$0x0] =	vst.idx.msk $0xffff, v8  }
0x25: {  	v8 =	vld [tilespmem:$0x13918]  }
0x26: {  	v57 =	vld [tilespmem:$0x13998];
	_ =	sdelay $0x4  }
0x27: {  	v8 =	vshll.u32 v8, $0x3;
	v9 =	vshll.u32 v57, $0x3  }
0x28: {  	v9 =	vor.u32 $0x1, v9;
	_ =	sdelay $0x3  }
0x29: {  	v8 =	vld.idx.msk [tilespmem:v8+s2+$0x0], $0xffff  }
0x2a: {  	v9 =	vld.idx.msk [tilespmem:v9+s2+$0x0], $0xffff;
	_ =	sdelay $0x4  }
0x2b: {  	v8 =	vadd.f32 v9, v8;
	_ =	sdelay $0x1  }
0x2c: {  	v9 =	vmul.f32 $2.000000030e-01, v8;
	_ =	sdelay $0x1  }
0x2d: {  	v8 =	vmax.f32 v8, v9  }
0x2e: {  	v8 =	vmul.f32 $1.442695020e+00, v8;
	_ =	sdelay $0x1  }
0x2f: {  	(erf) = vpow2.f32 v8;
	_ =	sdelay $0x8  }
0x30: {  	v8 =	vpop (erf)  }
0x31: {  	[tilespmem:v1+s11+$0x0] =	vst.idx.msk $0xffff, v8  }
0x32: {  	v8 =	vld [tilespmem:$0x13928]  }
0x33: {  	v58 =	vld [tilespmem:$0x139A8];
	_ =	sdelay $0x4  }
0x34: {  	v8 =	vshll.u32 v8, $0x3;
	v9 =	vshll.u32 v58, $0x3  }
0x35: {  	v9 =	vor.u32 $0x1, v9;
	_ =	sdelay $0x3  }
0x36: {  	v8 =	vld.idx.msk [tilespmem:v8+s2+$0x0], $0xffff  }
0x37: {  	v9 =	vld.idx.msk [tilespmem:v9+s2+$0x0], $0xffff;
	_ =	sdelay $0x4  }
0x38: {  	v8 =	vadd.f32 v9, v8;
	_ =	sdelay $0x1  }
0x39: {  	v9 =	vmul.f32 $2.000000030e-01, v8;
	_ =	sdelay $0x1  }
0x3a: {  	v8 =	vmax.f32 v8, v9  }
0x3b: {  	v8 =	vmul.f32 $1.442695020e+00, v8;
	_ =	sdelay $0x1  }
0x3c: {  	(erf) = vpow2.f32 v8;
	_ =	sdelay $0x8  }
0x3d: {  	v8 =	vpop (erf)  }
0x3e: {  	[tilespmem:v2+s11+$0x0] =	vst.idx.msk $0xffff, v8  }
0x3f: {  	v8 =	vld [tilespmem:$0x13938]  }
0x40: {  	v59 =	vld [tilespmem:$0x139B8];
	_ =	sdelay $0x4  }
0x41: {  	v8 =	vshll.u32 v8, $0x3;
	v9 =	vshll.u32 v59, $0x3  }
0x42: {  	v9 =	vor.u32 $0x1, v9;
	_ =	sdelay $0x3  }
0x43: {  	v8 =	vld.idx.msk [tilespmem:v8+s2+$0x0], $0xffff  }
0x44: {  	v9 =	vld.idx.msk [tilespmem:v9+s2+$0x0], $0xffff;
	_ =	sdelay $0x4  }
0x45: {  	v8 =	vadd.f32 v9, v8;
	_ =	sdelay $0x1  }
0x46: {  	v9 =	vmul.f32 $2.000000030e-01, v8;
	_ =	sdelay $0x1  }
0x47: {  	v8 =	vmax.f32 v8, v9  }
0x48: {  	v8 =	vmul.f32 $1.442695020e+00, v8;
	_ =	sdelay $0x1  }
0x49: {  	(erf) = vpow2.f32 v8;
	_ =	sdelay $0x8  }
0x4a: {  	v8 =	vpop (erf)  }
0x4b: {  	[tilespmem:v3+s11+$0x0] =	vst.idx.msk $0xffff, v8  }
0x4c: {  	v8 =	vld [tilespmem:$0x13948]  }
0x4d: {  	v60 =	vld [tilespmem:$0x139C8];
	_ =	sdelay $0x4  }
0x4e: {  	v8 =	vshll.u32 v8, $0x3;
	v9 =	vshll.u32 v60, $0x3  }
0x4f: {  	v9 =	vor.u32 $0x1, v9;
	_ =	sdelay $0x3  }
0x50: {  	v8 =	vld.idx.msk [tilespmem:v8+s2+$0x0], $0xffff  }
0x51: {  	v9 =	vld.idx.msk [tilespmem:v9+s2+$0x0], $0xffff;
	_ =	sdelay $0x4  }
0x52: {  	v8 =	vadd.f32 v9, v8;
	_ =	sdelay $0x1  }
0x53: {  	v9 =	vmul.f32 $2.000000030e-01, v8;
	_ =	sdelay $0x1  }
0x54: {  	v8 =	vmax.f32 v8, v9  }
0x55: {  	v8 =	vmul.f32 $1.442695020e+00, v8;
	_ =	sdelay $0x1  }
0x56: {  	(erf) = vpow2.f32 v8;
	_ =	sdelay $0x8  }
0x57: {  	v8 =	vpop (erf)  }
0x58: {  	[tilespmem:v4+s11+$0x0] =	vst.idx.msk $0xffff, v8  }
0x59: {  	v8 =	vld [tilespmem:$0x13958]  }
0x5a: {  	v61 =	vld [tilespmem:$0x139D8];
	_ =	sdelay $0x4  }
0x5b: {  	v8 =	vshll.u32 v8, $0x3;
	v9 =	vshll.u32 v61, $0x3  }
0x5c: {  	v9 =	vor.u32 $0x1, v9;
	_ =	sdelay $0x3  }
0x5d: {  	v8 =	vld.idx.msk [tilespmem:v8+s2+$0x0], $0xffff  }
0x5e: {  	v9 =	vld.idx.msk [tilespmem:v9+s2+$0x0], $0xffff;
	_ =	sdelay $0x4  }
0x5f: {  	v8 =	vadd.f32 v9, v8;
	_ =	sdelay $0x1  }
0x60: {  	v9 =	vmul.f32 $2.000000030e-01, v8;
	_ =	sdelay $0x1  }
0x61: {  	v8 =	vmax.f32 v8, v9  }
0x62: {  	v8 =	vmul.f32 $1.442695020e+00, v8;
	_ =	sdelay $0x1  }
0x63: {  	(erf) = vpow2.f32 v8;
	_ =	sdelay $0x8  }
0x64: {  	v8 =	vpop (erf)  }
0x65: {  	[tilespmem:v5+s11+$0x0] =	vst.idx.msk $0xffff, v8  }
0x66: {  	v8 =	vld [tilespmem:$0x13968]  }
0x67: {  	v62 =	vld [tilespmem:$0x139E8];
	_ =	sdelay $0x4  }
0x68: {  	v8 =	vshll.u32 v8, $0x3;
	v9 =	vshll.u32 v62, $0x3  }
0x69: {  	v9 =	vor.u32 $0x1, v9;
	_ =	sdelay $0x3  }
0x6a: {  	v8 =	vld.idx.msk [tilespmem:v8+s2+$0x0], $0xffff  }
0x6b: {  	v9 =	vld.idx.msk [tilespmem:v9+s2+$0x0], $0xffff;
	_ =	sdelay $0x4  }
0x6c: {  	v8 =	vadd.f32 v9, v8;
	_ =	sdelay $0x1  }
0x6d: {  	v9 =	vmul.f32 $2.000000030e-01, v8;
	_ =	sdelay $0x1  }
0x6e: {  	v8 =	vmax.f32 v8, v9  }
0x6f: {  	v8 =	vmul.f32 $1.442695020e+00, v8;
	_ =	sdelay $0x1  }
0x70: {  	(erf) = vpow2.f32 v8;
	_ =	sdelay $0x8  }
0x71: {  	v8 =	vpop (erf)  }
0x72: {  	[tilespmem:v6+s11+$0x0] =	vst.idx.msk $0xffff, v8  }
0x73: {  	v8 =	vld [tilespmem:$0x13978]  }
0x74: {  	v63 =	vld [tilespmem:$0x139F8];
	_ =	sdelay $0x4  }
0x75: {  	v8 =	vshll.u32 v8, $0x3;
	v9 =	vshll.u32 v63, $0x3  }
0x76: {  	v9 =	vor.u32 $0x1, v9;
	_ =	sdelay $0x3  }
0x77: {  	v8 =	vld.idx.msk [tilespmem:v8+s2+$0x0], $0xffff  }
0x78: {  	v9 =	vld.idx.msk [tilespmem:v9+s2+$0x0], $0xffff;
	_ =	sdelay $0x4  }
0x79: {  	v8 =	vadd.f32 v9, v8;
	_ =	sdelay $0x1  }
0x7a: {  	v9 =	vmul.f32 $2.000000030e-01, v8;
	_ =	sdelay $0x1  }
0x7b: {  	v8 =	vmax.f32 v8, v9  }
0x7c: {  	v8 =	vmul.f32 $1.442695020e+00, v8;
	_ =	sdelay $0x1  }
0x7d: {  	(erf) = vpow2.f32 v8;
	_ =	sdelay $0x8  }
0x7e: {  	p0 =	sne.s32 s13, $0x500;
	v8 =	vpop (erf)  }
.Ltmp0:
0x7f: {  	s31 =	sadd.s32 s13, s5;
	[tilespmem:v7+s11+$0x0] =	vst.idx.msk $0xffff, v8;
	(pc) =	sbr.rel @p0 .LBB2_2-.Ltmp0, $4  }
0x80: {  	[hbm4b:s31+s2] =	stream.linear.scatter [tilespmem:s11], [sflag:$0x1], $0x80, $0x38;
	[tilespmem:$0x13A08] =	vst v63  }
0x81: {  	_ =	swait.ge [sflag:s8], $0x80  }
0x82: {  	[sflag:s8] =	ssyncset.done $0x0  }
0x83: {  	s13 =	sadd.s32 $0x10, s13;
	[sflag:s8] =	ssyncadd.s32 $0xFFFFFF80  }
0x84: {  	s12 =	sadd.s32 $0x1, s12  }
0x85: {  	p0 =	sne.s32 s12, s4  }
.Ltmp1:
0x86: {  	_ = 	snop;
	(pc) =	sbr.rel @p0 .LBB2_1-.Ltmp1, $1  }
0x87: {  	_ =	sdelay $0x3  }
0x88: {  	_ =	sfence.sel $0x180000  }
0x89: {  	[bflag:$0x0] =	sbarrier.arrive $0xFFFF  }
0x8a: {  	p0 =	sne.s32 s0, $0x0;
	_ =	strace $0x9000004D  }
0x8b: {  	s0 =	sadd.s32 @!p0 $0x100000, s1;
	[bflag:$0x2] =	sbarrier.arrive $0xFFFF  }
0x8c: {  	[sflag:s0] =	ssyncadd.tile.s32 @!p0 $0x1;
	_ =	shalt  }
.Lfunc_end2:
_tile_overlayer_lowered:
.L_overlay_start_2:
0x8d: {  	(tag) =	ssettag $0x2  }
0x8e: {  	s0 =	rddreg [dreg:$0x0];
	s2 =	stileid.u32  }
0x8f: {  	s1 =	rddreg [dreg:$0x1];
	p0 =	sne.s32 s2, $0x0  }
0x90: {  	s3 =	rddreg [dreg:$0x2];
	[bflag:$0x3] =	sbarrier.arrive $0xFFFF;
	s2 =	simm.s32 @!p0 $0x1C01  }
0x91: {  	[timem:s3], [sflag:s2] =	dma.local @!p0 [hbm:s0], s1  }
0x92: {  	s0 =	simm.s32 @!p0 $0x1  }
0x93: {  	_ =	swait.ge @!p0 [sflag:s0], s1  }
0x94: {  	s1 =	ssub.s32 @!p0 $0x0, s1;
	[sflag:s0] =	ssyncset.done @!p0 $0x0  }
0x95: {  	[sflag:s0] =	ssyncadd.s32 @!p0 s1  }
0x96: {  	[bflag:$0x3] =	sbarrier.arrive $0xFFFF  }
0x97: {  	_ =	shalt  }

// kernel: kernel.18.cloned.1.call-start
scs
__scs_entry_jumppad:
0x0: {  	(pc) =	sbr.rel $0x88, $3  }
0x1: {  	(tag) =	ssettag $0x0;
	lr =	simm.s32 $0x1  }
0x2: {  	[smem:$0x3F96] =	sst lr;
	_ =	strace $0xD0000000  }
0x3: {  	_ = 	snop  }
0x4: {  	_ = 	snop  }
0x5: {  	_ = 	snop  }
0x6: {  	_ = 	snop  }
0x7: {  	_ = 	snop  }
__scs_overlays_trampoline_lowered:
0x8: {  	[smem:$0x3FA5] =	sst s0  }
0x9: {  	[smem:$0x3FA6] =	sst s1  }
0xa: {  	[smem:$0x3FA7] =	sst s2  }
0xb: {  	[smem:$0x3FA8] =	sst s3  }
0xc: {  	[smem:$0x3FA9] =	sst s4  }
0xd: {  	[smem:$0x3FAA] =	sst s5  }
0xe: {  	[smem:$0x3FAB] =	sst s6  }
0xf: {  	[smem:$0x3FAC] =	sst s7  }
0x10: {  	[smem:$0x3FAD] =	sst s8  }
0x11: {  	[smem:$0x3FAE] =	sst s9;
	s0 =	simm.s32 @!p0 $0x0  }
0x12: {  	s1 =	sld [smem:$0x3F94];
	s0 =	simm.s32 @p0 $0x1  }
0x13: {  	[smem:$0x3FAF] =	sst s0;
	s0 =	simm.s32 @!p1 $0x0  }
0x14: {  	s2 =	sld [smem:$0x3F93];
	s0 =	simm.s32 @p1 $0x1  }
0x15: {  	[smem:$0x3FB0] =	sst s0;
	s0 =	simm.s32 @!p2 $0x0  }
0x16: {  	s3 =	sld [smem:$0x3FDB];
	s0 =	simm.s32 @p2 $0x1  }
0x17: {  	s4 =	simm.s32 $0x1BF5;
	[smem:$0x3FB2] =	sst s0  }
0x18: {  	s0 =	sld [smem:$0x3F95];
	_ =	swait.ge [sflag:s4], $0x0  }
0x19: {  	s7 =	sld [smem:$0x3F96]  }
0x1a: {  	s8 =	sadd.s32 $0xFFFFE003, lr  }
0x1b: {  	s9 =	sadd.s32 $0xFFFFFEF7, lr;
	s5 =	simm.s32 $0xFFFFFFFF;
	p2 =	slt.u32 s8, $0xFFFFF086  }
0x1c: {  	p1 =	slt.u32 s9, $0xF7A;
	s5 =	simm.s32 @!p2 $0x0  }
0x1d: {  	s5 =	simm.s32 @p1 $0x1;
	p0 =	seq.s32 s7, s2  }
0x1e: {  	s7 =	smul.u32 @!p0 $0xF7A, s2;
	p2 =	seq.s32 @!p0 s5, $0x0  }
0x1f: {  	s9 =	smul.u32 $0xF7A, s1;
	s8 =	simm.s32 @!p0 $0x1BF5;
	p2 =	por !p2, p0  }
0x20: {  	[sflag:s8] =	ssyncset.s32 @!p0 $0xFFFFF086;
	s6 =	sadd.s32 @!p0 s3, s7;
	s7 =	simm.s32 @!p0 $0x108  }
0x21: {  	s3 =	sadd.s32 s3, s9;
	s6 =	sadd.s32 @!p0 $0x88, s6;
	s7 =	simm.s32 @p2 $0x1082  }
0x22: {  	[simem:s7], [sflag:s8] =	dma.local @!p0 [hbm:s6], $0xF7A  }
0x23: {  	s9 =	sor.u32 $0xD0000000, s2;
	s6 =	simm.s32 $0x108;
	_ =	swait.ge @!p0 [sflag:s8], $0x0  }
0x24: {  	s3 =	sadd.s32 $0x88, s3;
	s6 =	simm.s32 @!p1 $0x1082;
	[sflag:s4] =	ssyncset.s32 $0xFFFFF086  }
0x25: {  	[simem:s6], [sflag:s4] =	dma.local [hbm:s3], $0xF7A  }
0x26: {  	[smem:$0x3F96] =	sst s1;
	(tag) =	ssettag s2;
	_ =	strace s9  }
0x27: {  	s1 =	sld [smem:$0x3FA6]  }
0x28: {  	s2 =	sld [smem:$0x3FA7]  }
0x29: {  	s4 =	sld [smem:$0x3FA9]  }
0x2a: {  	p0 =	seq.s32 s5, $0x0;
	s5 =	sld [smem:$0x3FAA]  }
0x2b: {  	s6 =	sld [smem:$0x3FAB]  }
0x2c: {  	s7 =	sld [smem:$0x3FAC]  }
0x2d: {  	s3 =	simm.s32 $0x108;
	s8 =	sld [smem:$0x3FAD]  }
0x2e: {  	s3 =	simm.s32 @!p0 $0x1082;
	s9 =	sld [smem:$0x3FAE]  }
0x2f: {  	lr =	sadd.s32 s0, s3;
	s0 =	sld [smem:$0x3FA5]  }
0x30: {  	s3 =	sld [smem:$0x3FA8]  }
0x31: {  	[smem:$0x3FB1] =	sst s10  }
0x32: {  	s10 =	sld [smem:$0x3FAF];
	_ =	sdelay $0x3  }
0x33: {  	p0 =	seq.s32 s10, $0x1;
	s10 =	sld [smem:$0x3FB1];
	_ =	sdelay $0x3  }
0x34: {  	[smem:$0x3FB1] =	sst s10  }
0x35: {  	s10 =	sld [smem:$0x3FB0];
	_ =	sdelay $0x3  }
0x36: {  	p1 =	seq.s32 s10, $0x1;
	s10 =	sld [smem:$0x3FB1];
	_ =	sdelay $0x3  }
0x37: {  	[smem:$0x3FB1] =	sst s10  }
0x38: {  	s10 =	sld [smem:$0x3FB2]  }
0x39: {  	_ = 	snop;
	(pc) =	sbr.ind lr, $3  }
0x3a: {  	_ = 	snop  }
0x3b: {  	_ = 	snop  }
0x3c: {  	p2 =	seq.s32 s10, $0x1;
	s10 =	sld [smem:$0x3FB1]  }
0x3d: {  	_ =	shalt  }
0x3e: {  	_ =	shalt  }
0x3f: {  	_ =	shalt  }
0x40: {  	_ =	shalt  }
0x41: {  	_ =	shalt  }
0x42: {  	_ =	shalt  }
0x43: {  	_ =	shalt  }
0x44: {  	_ =	shalt  }
0x45: {  	_ =	shalt  }
0x46: {  	_ =	shalt  }
0x47: {  	_ =	shalt  }
0x48: {  	_ =	shalt  }
0x49: {  	_ =	shalt  }
0x4a: {  	_ =	shalt  }
0x4b: {  	_ =	shalt  }
0x4c: {  	_ =	shalt  }
0x4d: {  	_ =	shalt  }
0x4e: {  	_ =	shalt  }
0x4f: {  	_ =	shalt  }
0x50: {  	_ =	shalt  }
0x51: {  	_ =	shalt  }
0x52: {  	_ =	shalt  }
0x53: {  	_ =	shalt  }
0x54: {  	_ =	shalt  }
0x55: {  	_ =	shalt  }
0x56: {  	_ =	shalt  }
0x57: {  	_ =	shalt  }
0x58: {  	_ =	shalt  }
0x59: {  	_ =	shalt  }
0x5a: {  	_ =	shalt  }
0x5b: {  	_ =	shalt  }
0x5c: {  	_ =	shalt  }
0x5d: {  	_ =	shalt  }
0x5e: {  	_ =	shalt  }
0x5f: {  	_ =	shalt  }
0x60: {  	_ =	shalt  }
0x61: {  	_ =	shalt  }
0x62: {  	_ =	shalt  }
0x63: {  	_ =	shalt  }
0x64: {  	_ =	shalt  }
0x65: {  	_ =	shalt  }
0x66: {  	_ =	shalt  }
0x67: {  	_ =	shalt  }
0x68: {  	_ =	shalt  }
0x69: {  	_ =	shalt  }
0x6a: {  	_ =	shalt  }
0x6b: {  	_ =	shalt  }
0x6c: {  	_ =	shalt  }
0x6d: {  	_ =	shalt  }
0x6e: {  	_ =	shalt  }
0x6f: {  	_ =	shalt  }
0x70: {  	_ =	shalt  }
0x71: {  	_ =	shalt  }
0x72: {  	_ =	shalt  }
0x73: {  	_ =	shalt  }
0x74: {  	_ =	shalt  }
0x75: {  	_ =	shalt  }
0x76: {  	_ =	shalt  }
0x77: {  	_ =	shalt  }
0x78: {  	_ =	shalt  }
0x79: {  	_ =	shalt  }
0x7a: {  	_ =	shalt  }
0x7b: {  	_ =	shalt  }
0x7c: {  	_ =	shalt  }
0x7d: {  	_ =	shalt  }
0x7e: {  	_ =	shalt  }
0x7f: {  	_ =	shalt  }
0x80: {  	_ =	shalt  }
0x81: {  	_ =	shalt  }
0x82: {  	_ =	shalt  }
0x83: {  	_ =	shalt  }
0x84: {  	_ =	shalt  }
0x85: {  	_ =	shalt  }
0x86: {  	_ =	shalt  }
0x87: {  	_ =	shalt  }
.Lfunc_end0:
.L_simem_size_0:
called_computation.3_lowered:
.L_overlay_start_0:
0x88: {  	s2 =	sld [smem:$0x3FD9]  }
0x89: {  	s3 =	sld [smem:$0x3FFE];
	_ =	sdelay $0x1  }
0x8a: {  	s1 =	srdreg.scid  }
0x8b: {  	s0 =	sand.u32 $0x1, s1  }
0x8c: {  	s16 =	sshll.u32 s0, $0xA;
	s2 =	sadd.s32 s3, s2  }
0x8d: {  	s2 =	sadd.s32 s2, s16  }
0x8e: {  	[smem:$0x3FBD] =	sst s2  }
0x8f: {  	_ = 	snop  }
0x90: {  	(tm) =	ssettm $0x1  }
0x91: {  	s17 =	sld [smem:$0x3FFB];
	_ =	sdelay $0x3  }
0x92: {  	_ =	strace s17  }
0x93: {  	s2 =	sld [smem:$0x3FFC];
	_ =	sdelay $0x3  }
0x94: {  	_ =	strace s2  }
0x95: {  	s2 =	sld [smem:$0x3FFD];
	_ =	sdelay $0x3  }
0x96: {  	_ =	strace s2  }
0x97: {  	_ =	strace $0x8FFFFFFF  }
0x98: {  	s18 =	sld [smem:$0x3FDB];
	_ =	sdelay $0x1  }
0x99: {  	s19 =	simm.s32 $_scs_section_size  }
0x9a: {  	s4 =	simm.s32 $_size__tile_overlayer_lowered;
	s5 =	simm.s32 $_tile_overlayer_lowered  }
0x9b: {  	s22 =	simm.s32 $0x1BFF;
	s21 =	sshll.u32 s5, $0x1;
	s2 =	sadd.s32 s19, s18  }
0x9c: {  	s6 =	simm.s32 $0x0;
	s20 =	sshll.u32 s4, $0x1;
	s4 =	sadd.s32 s21, s2  }
0x9d: {  	[timem:s6], [sflag:s22] =	dma.local [hbm:s4], s20  }
0x9e: {  	_ =	swait.ge [sflag:s22], s20  }
0x9f: {  	s3 =	ssub.s32 $0x0, s20;
	[sflag:s22] =	ssyncset.done $0x0  }
0xa0: {  	[sflag:s22] =	ssyncadd.s32 s3;
	_ =	sdelay $0x1  }
0xa1: {  	s23 =	simm.s32 $0x1B8B  }
0xa2: {  	_ =	swait.ge [sflag:s23], $0x1  }
0xa3: {  	[sflag:s23] =	ssyncset.done $0x0  }
0xa4: {  	s25 =	simm.s32 $0x1B8E;
	s24 =	sld [smem:$0x3FFE];
	[sflag:s23] =	ssyncadd.s32 $0xFFFFFFFF  }
0xa5: {  	s26 =	simm.s32 $execute0_lowered;
	[smem:$0x3FD2] =	sst s25  }
0xa6: {  	s4 =	sshll.u32 s26, $0x1;
	_ =	strace $0x8000004F;
	[dreg:$0x1] =	wrdreg $0xFFFFFFFF  }
0xa7: {  	s28 =	simm.s32 $_size_execute0_lowered;
	s2 =	sadd.s32 s2, s4;
	[dreg:$0x0] =	wrdreg $0x0  }
0xa8: {  	s4 =	sshll.u32 s28, $0x1;
	[dreg:$0x2] =	wrdreg s2  }
0xa9: {  	[dreg:$0x3] =	wrdreg s4  }
0xaa: {  	[dreg:$0x4] =	wrdreg $0xC0  }
0xab: {  	_ =	task [dreg:s6], $0x5FFFF  }
0xac: {  	[dreg:$0x1] =	wrdreg $0xFFFFFFFF  }
0xad: {  	[dreg:$0x0] =	wrdreg $0x60  }
0xae: {  	[dreg:$0x2] =	wrdreg s24  }
0xaf: {  	[dreg:$0x3] =	wrdreg $0x0  }
0xb0: {  	[dreg:$0x4] =	wrdreg $0x9  }
0xb1: {  	_ =	task.clear_ibuf [dreg:s6], $0x5FFFF;
	_ =	strace $0x9000004F  }
0xb2: {  	s29 =	simm.s32 $0x9;
	_ =	strace $0x80000051  }
0xb3: {  	_ =	swait.ge [sflag:s29], $0x1  }
0xb4: {  	[sflag:s29] =	ssyncadd.s32 $0xFFFFFFFF  }
0xb5: {  	_ =	strace $0x90000051  }
0xb6: {  	_ =	sfence  }
0xb7: {  	s30 =	sld [smem:$0x0];
	_ =	sdelay $0x2  }
0xb8: {  	s31 =	sshll.u32 s1, $0xD;
	s1 =	sshrl.u32 s1, $0x2  }
0xb9: {  	s3 =	sand.u32 $0x4000, s31;
	s1 =	sadd.s32 s1, s30  }
0xba: {  	s0 =	sor.u32 s3, s0;
	s1 =	sshll.u32 s1, $0x11  }
0xbb: {  	s0 =	sor.u32 s1, s0  }
0xbc: {  	s0 =	sadd.s32 $0x8F2B, s0  }
0xbd: {  	[sflag:s0] =	ssyncadd.remote.s32 $0x1  }
0xbe: {  	_ =	sfence.sel $0xFFFF  }
0xbf: {  	[dreg:$0x0] =	wrdreg $0xFFFFFFFF;
	(pc) =	sbr.abs _section_cstart, $3  }
0xc0: {  	[dreg:$0x1] =	wrdreg $0xFFFFFFFF  }
0xc1: {  	_ =	task.clear_ibuf [dreg:s6], $0x2FFFF;
	_ =	strace $0x9FFFFFFF  }
0xc2: {  	(tm) =	ssettm $0x7FFFFFFF  }
0xc3: {  	_ =	shalt  }
tec
execute0_lowered:
.L_overlay_start_1:
0x0: {  	(tag) =	ssettag $0x1  }
0x1: {  	s0 =	rddreg [dreg:$0x0]  }
0x2: {  	s2 =	rddreg [dreg:$0x1];
	s3 =	simm.s32 $0x0;
	s1 =	srdreg.scid  }
0x3: {  	s13 =	stileid.u32;
	s18 =	simm.s32 $0x8680;
	s19 =	simm.s32 $0x2  }
0x4: {  	s20 =	simm.s32 $0x9F10;
	s21 =	simm.s32 $0x80;
	s22 =	simm.s32 $0xA010  }
0x5: {  	s23 =	simm.s32 $0x7680;
	s24 =	simm.s32 $0x9F90;
	s28 =	simm.s32 $0x1  }
0x6: {  	s29 =	simm.s32 $0x0;
	[smem:$0x7FF] =	sst s3;
	s8 =	smul.u32 $0x7680, s13  }
0x7: {  	s1 =	sand.u32 $0x1, s1;
	s4 =	sadd.s32 $0xEC00, s0;
	s11 =	smul.u32 $0x1DA00, s13  }
0x8: {  	s5 =	sadd.s32 $0x4A00, s0;
	s6 =	sadd.s32 $0x5CE00, s0;
	s7 =	smul.u32 $0x76800, s1  }
0x9: {  	_ =	strace $0x80000050;
	s10 =	ssub.s32 $0x2, s1;
	s1 =	smul.u32 $0x2710, s1  }
0xa: {  	s12 =	sshrl.u32 s10, $0x1;
	s25 =	sshrl.u32 s11, $0x2;
	s9 =	sadd.s32 s8, s7  }
0xb: {  	s7 =	sadd.s32 $0x52C00, s0;
	s10 =	ssub.s32 s10, s12;
	s8 =	sadd.s32 s8, s2  }
0xc: {  	v0 =	vlaneseq.u32;
	s11 =	sadd.s32 s25, s2;
	s25 =	simm.s32 $0x9E80;
	s9 =	sshrl.u32 s9, $0x3  }
.Ltmp0:
0xd: {  	v9 =	vmul.u32 $0x30, v0;
	s26 =	sadd.s32 $0x1800, s11;
	s30 =	sadd.s32 $0x3000, s11;
	(pc) =	sbr.rel .LBB2_1-.Ltmp0, $4  }
0xe: {  	v1 =	vimm.f32 $0.0e+00;
	s0 =	sadd.s32 s9, s0;
	s9 =	smul.u32 $0x5100, s13;
	[dreg:$0x3] =	wrdreg s26  }
0xf: {  	v2 =	vadd.s32 $0x20, v9;
	v3 =	vadd.s32 $0x320, v9;
	v4 =	vadd.s32 $0x620, v9;
	s12 =	sadd.s32 $0x4800, s11;
	s17 =	smax.u32 s10, $0x1;
	[dreg:$0x4] =	wrdreg s30  }
0x10: {  	v5 =	vadd.s32 $0x920, v9;
	v6 =	vadd.s32 $0xC20, v9;
	v7 =	vadd.s32 $0xF20, v9;
	s13 =	sadd.s32 $0x6000, s11;
	s26 =	simm.s32 $0x3;
	s31 =	sshrl.u32 s9, $0x3  }
0x11: {  	v8 =	vadd.s32 $0x1220, v9;
	v9 =	vadd.s32 $0x1520, v9;
	v0 =	vmov s1;
	s16 =	sadd.s32 $0x22600, s0;
	s14 =	sadd.s32 s6, s31;
	s15 =	sadd.s32 s7, s31  }
.LBB2_8:
0x12: {  	[spmem:s2] =	stream.indirect.scatter.add.f32 [tilespmem:s18], [sflag:$0x3], $0x30, s24, s21, $0xb8;
	[tilespmem:$0xA090] =	vst v63  }
0x13: {  	s0 =	stileid.u32;
	_ =	swait.ge [sflag:s26], $0x1800  }
0x14: {  	s1 =	sshrl.u32 s8, $0x3;
	s29 =	sadd.s32 $0x1, s29;
	[sflag:s26] =	ssyncset.done $0x0  }
0x15: {  	s0 =	sshll.u32 s0, $0x6;
	p0 =	sne.s32 s29, s17;
	[sflag:s26] =	ssyncadd.s32 $0xFFFFE800  }
.Ltmp1:
0x16: {  	s0 =	sor.u32 $0x1C02, s0;
	[bflag:$0x0] =	sbarrier.arrive $0xFFFF;
	(pc) =	sbr.rel @!p0 .LBB2_9-.Ltmp1, $4  }
0x17: {  	[hbm:s16], [sflag:s0] =	dma.local [spmem:s1], $0xED0  }
0x18: {  	_ =	swait.ge [sflag:s19], $0xED0  }
0x19: {  	[sflag:s19] =	ssyncset.done $0x0  }
0x1a: {  	[sflag:s19] =	ssyncadd.s32 $0xFFFFF130  }
.LBB2_1:
0x1b: {  	s0 =	simm.s32 $0xC0;
	s1 =	simm.s32 $0x0  }
.LBB2_2:
0x1c: {  	p0 =	sne.s32 s0, $0x5F40;
	[tilespmem:s1+$0x86A0] =	vst v1;
	s10 =	smov.u32 s0;
	s0 =	sadd.s32 $0xC0, s0  }
.Ltmp2:
0x1d: {  	[tilespmem:s1+$0x8680] =	vst v1;
	(pc) =	sbr.rel @p0 .LBB2_2-.Ltmp2, $2  }
0x1e: {  	[tilespmem:s1+$0x8690] =	vst v1;
	_ =	sdelay $0x2  }
0x1f: {  	s1 =	sshra.s32 s10, $0x2  }
0x20: {  	[tilespmem:s1+$0x86A0] =	vst v1  }
0x21: {  	[tilespmem:s1+$0x8680] =	vst v1  }
0x22: {  	[tilespmem:s1+$0x8690] =	vst v1  }
0x23: {  	[spmem:s8] =	stream.linear.scatter [tilespmem:s18], [sflag:$0x2], $0x1800, $0x38;
	[tilespmem:$0xA090] =	vst v63  }
0x24: {  	_ =	swait.ge [sflag:s19], $0x1800  }
0x25: {  	[sflag:s19] =	ssyncset.done $0x0  }
0x26: {  	s0 =	rddreg [dreg:$0x3];
	[sflag:s19] =	ssyncadd.s32 $0xFFFFE800  }
0x27: {  	[spmem:s0] =	stream.linear.scatter [tilespmem:s18], [sflag:$0x2], $0x1800, $0x38;
	[tilespmem:$0xA090] =	vst v63  }
0x28: {  	_ =	swait.ge [sflag:s19], $0x1800  }
0x29: {  	[sflag:s19] =	ssyncset.done $0x0  }
0x2a: {  	s31 =	rddreg [dreg:$0x4];
	[sflag:s19] =	ssyncadd.s32 $0xFFFFE800  }
0x2b: {  	[spmem:s31] =	stream.linear.scatter [tilespmem:s18], [sflag:$0x2], $0x1800, $0x38;
	[tilespmem:$0xA090] =	vst v63  }
0x2c: {  	_ =	swait.ge [sflag:s19], $0x1800  }
0x2d: {  	[sflag:s19] =	ssyncset.done $0x0  }
0x2e: {  	[sflag:s19] =	ssyncadd.s32 $0xFFFFE800  }
0x2f: {  	[spmem:s12] =	stream.linear.scatter [tilespmem:s18], [sflag:$0x2], $0x1800, $0x38;
	[tilespmem:$0xA090] =	vst v63  }
0x30: {  	_ =	swait.ge [sflag:s19], $0x1800  }
0x31: {  	[sflag:s19] =	ssyncset.done $0x0  }
0x32: {  	[sflag:s19] =	ssyncadd.s32 $0xFFFFE800  }
0x33: {  	[spmem:s13] =	stream.linear.scatter [tilespmem:s18], [sflag:$0x2], $0x1680, $0x38;
	[tilespmem:$0xA090] =	vst v63  }
0x34: {  	_ =	swait.ge [sflag:s19], $0x1680  }
0x35: {  	[sflag:s19] =	ssyncset.done $0x0  }
0x36: {  	[sflag:s19] =	ssyncadd.s32 $0xFFFFE980  }
0x37: {  	s30 =	simm.s32 $0x0;
	[bflag:$0x0] =	sbarrier.arrive $0xFFFF  }
0x38: {  	[tilespmem:s20], [sflag:$0x2] =	stream.linear.gather [hbm4b:s14+s30], $0x80, $0x38;
	[tilespmem:$0xA090] =	vst v63  }
0x39: {  	_ =	swait.ge [sflag:s19], $0x80  }
0x3a: {  	[sflag:s19] =	ssyncset.done $0x0  }
0x3b: {  	[sflag:s19] =	ssyncadd.s32 $0xFFFFFF80  }
0x3c: {  	v10 =	vld [tilespmem:$0x9F10]  }
0x3d: {  	v11 =	vld [tilespmem:$0x9F20]  }
0x3e: {  	v12 =	vld [tilespmem:$0x9F30]  }
0x3f: {  	v13 =	vld [tilespmem:$0x9F40]  }
0x40: {  	v14 =	vld [tilespmem:$0x9F50]  }
0x41: {  	v15 =	vld [tilespmem:$0x9F60];
	v10 =	vadd.s32 v0, v10  }
0x42: {  	[tilespmem:$0xA010] =	vst v10;
	v10 =	vadd.s32 v0, v11;
	v11 =	vld [tilespmem:$0x9F70]  }
0x43: {  	v63 =	vld [tilespmem:$0x9F80];
	[tilespmem:$0xA020] =	vst v10;
	v10 =	vadd.s32 v0, v12  }
0x44: {  	[tilespmem:$0xA030] =	vst v10;
	v10 =	vadd.s32 v0, v13  }
0x45: {  	[tilespmem:$0xA040] =	vst v10;
	v10 =	vadd.s32 v0, v14  }
0x46: {  	[tilespmem:$0xA050] =	vst v10;
	v10 =	vadd.s32 v0, v15  }
0x47: {  	[tilespmem:$0xA060] =	vst v10;
	v10 =	vadd.s32 v0, v11  }
0x48: {  	[tilespmem:$0xA070] =	vst v10;
	v10 =	vadd.s32 v0, v63  }
0x49: {  	[tilespmem:$0xA080] =	vst v10  }
0x4a: {  	[tilespmem:s23], [sflag:$0x1] =	stream.indirect.gather [hbm4b:s4+s21], $0x20, s22, s21, $0xb8;
	[tilespmem:$0xA090] =	vst v63  }
0x4b: {  	_ = 	snop  }
0x4c: {  	[tilespmem:s24], [sflag:$0x2] =	stream.linear.gather [hbm4b:s15+s30], $0x80, $0x38;
	[tilespmem:$0xA090] =	vst v63  }
0x4d: {  	_ =	swait.ge [sflag:s19], $0x80  }
0x4e: {  	[sflag:s19] =	ssyncset.done $0x0  }
0x4f: {  	[sflag:s19] =	ssyncadd.s32 $0xFFFFFF80  }
.LBB2_4:
0x50: {  	s0 =	sshll.u32 s30, $0x7  }
0x51: {  	s0 =	sadd.s32 s9, s0  }
0x52: {  	s31 =	sshrl.u32 s0, $0x3  }
0x53: {  	s0 =	sadd.s32 s5, s31  }
0x54: {  	[tilespmem:s25], [sflag:$0x3] =	stream.linear.gather [hbm4b:s0+s3], $0x80, $0x38;
	[tilespmem:$0xA090] =	vst v63  }
0x55: {  	_ =	swait.ge [sflag:s26], $0x80  }
0x56: {  	[sflag:s26] =	ssyncset.done $0x0  }
0x57: {  	[sflag:s26] =	ssyncadd.s32 $0xFFFFFF80  }
0x58: {  	v10 =	vld [tilespmem:$0x9E80];
	_ =	sdelay $0x4  }
0x59: {  	[tilespmem:v2+s18+$0x0] =	vst.idx.msk $0xffff, v10  }
0x5a: {  	v10 =	vld [tilespmem:$0x9E90];
	_ =	sdelay $0x4  }
0x5b: {  	[tilespmem:v3+s18+$0x0] =	vst.idx.msk $0xffff, v10  }
0x5c: {  	v10 =	vld [tilespmem:$0x9EA0];
	_ =	sdelay $0x4  }
0x5d: {  	[tilespmem:v4+s18+$0x0] =	vst.idx.msk $0xffff, v10  }
0x5e: {  	v10 =	vld [tilespmem:$0x9EB0];
	_ =	sdelay $0x4  }
0x5f: {  	[tilespmem:v5+s18+$0x0] =	vst.idx.msk $0xffff, v10  }
0x60: {  	v10 =	vld [tilespmem:$0x9EC0];
	_ =	sdelay $0x4  }
0x61: {  	[tilespmem:v6+s18+$0x0] =	vst.idx.msk $0xffff, v10  }
0x62: {  	v10 =	vld [tilespmem:$0x9ED0];
	_ =	sdelay $0x4  }
0x63: {  	[tilespmem:v7+s18+$0x0] =	vst.idx.msk $0xffff, v10  }
0x64: {  	v10 =	vld [tilespmem:$0x9EE0];
	_ =	sdelay $0x4  }
0x65: {  	[tilespmem:v8+s18+$0x0] =	vst.idx.msk $0xffff, v10  }
0x66: {  	v10 =	vld [tilespmem:$0x9EF0];
	_ =	sdelay $0x4  }
0x67: {  	[tilespmem:v9+s18+$0x0] =	vst.idx.msk $0xffff, v10  }
0x68: {  	_ =	swait.ge [sflag:s28], $0x1000  }
0x69: {  	[sflag:s28] =	ssyncset.done $0x0  }
0x6a: {  	s0 =	simm.s32 $0x9E82;
	[sflag:s28] =	ssyncadd.s32 $0xFFFFF000  }
0x6b: {  	s10 =	simm.s32 $0x76C0;
	v10 =	vld.msk [tilespmem:s0+$0xFFFFFFFE ss:$0x0], $0xffff  }
0x6c: {  	v11 =	vld [tilespmem:s10+$0xFFFFFFC0];
	_ =	sdelay $0x4  }
0x6d: {  	v11 =	vmul.f32 v10, v11  }
0x6e: {  	s1 =	simm.s32 $0x86E0  }
0x6f: {  	[tilespmem:s1+$0xFFFFFFA0] =	vst v11  }
0x70: {  	v11 =	vld [tilespmem:s10+$0xFFFFFFD0];
	_ =	sdelay $0x4  }
0x71: {  	v10 =	vmul.f32 v11, v10;
	_ =	sdelay $0x1  }
0x72: {  	[tilespmem:s1+$0xFFFFFFB0] =	vst v10  }
0x73: {  	v10 =	vld.msk [tilespmem:s0+$0xFFFFFFFF ss:$0x0], $0xffff  }
0x74: {  	v11 =	vld [tilespmem:s10+$0xFFFFFFE0];
	_ =	sdelay $0x4  }
0x75: {  	v11 =	vmul.f32 v10, v11;
	_ =	sdelay $0x1  }
0x76: {  	[tilespmem:s1+$0xFFFFFFD0] =	vst v11  }
0x77: {  	v11 =	vld [tilespmem:s10+$0xFFFFFFF0];
	_ =	sdelay $0x4  }
0x78: {  	v10 =	vmul.f32 v11, v10;
	_ =	sdelay $0x1  }
0x79: {  	[tilespmem:s1+$0xFFFFFFE0] =	vst v10  }
0x7a: {  	v10 =	vld.msk [tilespmem:s0+$0x0 ss:$0x0], $0xffff  }
0x7b: {  	v11 =	vld [tilespmem:s10+$0x0];
	_ =	sdelay $0x4  }
0x7c: {  	v11 =	vmul.f32 v10, v11;
	_ =	sdelay $0x1  }
0x7d: {  	[tilespmem:s1+$0x0] =	vst v11  }
0x7e: {  	v11 =	vld [tilespmem:s10+$0x10];
	_ =	sdelay $0x4  }
0x7f: {  	v10 =	vmul.f32 v11, v10;
	_ =	sdelay $0x1  }
0x80: {  	[tilespmem:s1+$0x10] =	vst v10  }
0x81: {  	v10 =	vld.msk [tilespmem:s0+$0x1 ss:$0x0], $0xffff  }
0x82: {  	v11 =	vld [tilespmem:s10+$0x20];
	_ =	sdelay $0x4  }
0x83: {  	v11 =	vmul.f32 v10, v11;
	_ =	sdelay $0x1  }
0x84: {  	[tilespmem:s1+$0x30] =	vst v11  }
0x85: {  	v11 =	vld [tilespmem:s10+$0x30];
	_ =	sdelay $0x4  }
0x86: {  	v10 =	vmul.f32 v11, v10  }
0x87: {  	s11 =	simm.s32 $0x7740;
	s10 =	simm.s32 $0x0  }
.LBB2_5:
0x88: {  	s10 =	sadd.s32 $0x4, s10;
	[tilespmem:s1+$0x40] =	vst v10;
	s0 =	sadd.s32 $0x4, s0;
	s1 =	sadd.s32 $0xC0, s1  }
0x89: {  	v10 =	vld.msk [tilespmem:s0+$0xFFFFFFFE ss:$0x0], $0xffff;
	p0 =	slt.u32 s10, $0x7C  }
0x8a: {  	v11 =	vld [tilespmem:s11+$0xFFFFFFC0];
	_ =	sdelay $0x4  }
0x8b: {  	v11 =	vmul.f32 v10, v11;
	_ =	sdelay $0x1  }
0x8c: {  	[tilespmem:s1+$0xFFFFFFA0] =	vst v11  }
0x8d: {  	v11 =	vld [tilespmem:s11+$0xFFFFFFD0];
	_ =	sdelay $0x4  }
0x8e: {  	v10 =	vmul.f32 v11, v10;
	_ =	sdelay $0x1  }
0x8f: {  	[tilespmem:s1+$0xFFFFFFB0] =	vst v10  }
0x90: {  	v10 =	vld.msk [tilespmem:s0+$0xFFFFFFFF ss:$0x0], $0xffff  }
0x91: {  	v11 =	vld [tilespmem:s11+$0xFFFFFFE0];
	_ =	sdelay $0x4  }
0x92: {  	v11 =	vmul.f32 v10, v11;
	_ =	sdelay $0x1  }
0x93: {  	[tilespmem:s1+$0xFFFFFFD0] =	vst v11  }
0x94: {  	v11 =	vld [tilespmem:s11+$0xFFFFFFF0];
	_ =	sdelay $0x4  }
0x95: {  	v10 =	vmul.f32 v11, v10;
	_ =	sdelay $0x1  }
0x96: {  	[tilespmem:s1+$0xFFFFFFE0] =	vst v10  }
0x97: {  	v10 =	vld.msk [tilespmem:s0+$0x0 ss:$0x0], $0xffff  }
0x98: {  	v11 =	vld [tilespmem:s11+$0x0];
	_ =	sdelay $0x4  }
0x99: {  	v11 =	vmul.f32 v10, v11;
	_ =	sdelay $0x1  }
0x9a: {  	[tilespmem:s1+$0x0] =	vst v11  }
0x9b: {  	v11 =	vld [tilespmem:s11+$0x10];
	_ =	sdelay $0x4  }
0x9c: {  	v10 =	vmul.f32 v11, v10;
	_ =	sdelay $0x1  }
0x9d: {  	[tilespmem:s1+$0x10] =	vst v10  }
0x9e: {  	v10 =	vld.msk [tilespmem:s0+$0x1 ss:$0x0], $0xffff  }
0x9f: {  	v11 =	vld [tilespmem:s11+$0x20];
	_ =	sdelay $0x4  }
0xa0: {  	v11 =	vmul.f32 v10, v11;
	_ =	sdelay $0x1  }
0xa1: {  	[tilespmem:s1+$0x30] =	vst v11  }
0xa2: {  	v11 =	vld [tilespmem:s11+$0x30];
	_ =	sdelay $0x1  }
.Ltmp3:
0xa3: {  	(pc) =	sbr.rel @p0 .LBB2_5-.Ltmp3, $3  }
0xa4: {  	_ =	sdelay $0x1  }
0xa5: {  	v10 =	vmul.f32 v11, v10  }
0xa6: {  	s11 =	sadd.s32 $0x80, s11  }
0xa7: {  	p0 =	seq.s32 s30, $0xA1  }
.Ltmp4:
0xa8: {  	_ = 	snop;
	(pc) =	sbr.rel @p0 .LBB2_8-.Ltmp4, $2  }
0xa9: {  	_ =	sdelay $0x2  }
0xaa: {  	[tilespmem:s1+$0x40] =	vst v10  }
0xab: {  	s0 =	sadd.s32 $0x10, s31  }
0xac: {  	s1 =	sadd.s32 s6, s0  }
0xad: {  	[tilespmem:s20], [sflag:$0x3] =	stream.linear.gather [hbm4b:s1+s3], $0x80, $0x38;
	[tilespmem:$0xA090] =	vst v63  }
0xae: {  	_ =	swait.ge [sflag:s26], $0x80  }
0xaf: {  	[sflag:s26] =	ssyncset.done $0x0  }
0xb0: {  	[sflag:s26] =	ssyncadd.s32 $0xFFFFFF80  }
0xb1: {  	v10 =	vld [tilespmem:$0x9F10]  }
0xb2: {  	v11 =	vld [tilespmem:$0x9F20]  }
0xb3: {  	v12 =	vld [tilespmem:$0x9F30]  }
0xb4: {  	v13 =	vld [tilespmem:$0x9F40]  }
0xb5: {  	v14 =	vld [tilespmem:$0x9F50]  }
0xb6: {  	v15 =	vld [tilespmem:$0x9F60];
	v10 =	vadd.s32 v0, v10  }
0xb7: {  	[tilespmem:$0xA010] =	vst v10;
	v10 =	vadd.s32 v0, v11;
	v11 =	vld [tilespmem:$0x9F70]  }
0xb8: {  	v63 =	vld [tilespmem:$0x9F80];
	[tilespmem:$0xA020] =	vst v10;
	v10 =	vadd.s32 v0, v12  }
0xb9: {  	[tilespmem:$0xA030] =	vst v10;
	v10 =	vadd.s32 v0, v13  }
0xba: {  	[tilespmem:$0xA040] =	vst v10;
	v10 =	vadd.s32 v0, v14  }
0xbb: {  	[tilespmem:$0xA050] =	vst v10;
	v10 =	vadd.s32 v0, v15  }
0xbc: {  	[tilespmem:$0xA060] =	vst v10;
	v10 =	vadd.s32 v0, v11  }
0xbd: {  	[tilespmem:$0xA070] =	vst v10;
	v10 =	vadd.s32 v0, v63  }
0xbe: {  	[tilespmem:$0xA080] =	vst v10  }
0xbf: {  	[tilespmem:s23], [sflag:$0x1] =	stream.indirect.gather [hbm4b:s4+s21], $0x20, s22, s21, $0xb8;
	[tilespmem:$0xA090] =	vst v63  }
0xc0: {  	_ = 	snop  }
0xc1: {  	[spmem:s2] =	stream.indirect.scatter.add.f32 [tilespmem:s18], [sflag:$0x3], $0x30, s24, s21, $0xb8;
	[tilespmem:$0xA090] =	vst v63  }
0xc2: {  	_ =	swait.ge [sflag:s26], $0x1800  }
0xc3: {  	[sflag:s26] =	ssyncset.done $0x0  }
.Ltmp5:
0xc4: {  	s0 =	sadd.s32 s7, s0;
	[sflag:s26] =	ssyncadd.s32 $0xFFFFE800;
	(pc) =	sbr.rel .LBB2_4-.Ltmp5, $4  }
0xc5: {  	[tilespmem:s24], [sflag:$0x2] =	stream.linear.gather [hbm4b:s0+s3], $0x80, $0x38;
	[tilespmem:$0xA090] =	vst v63  }
0xc6: {  	_ =	swait.ge [sflag:s19], $0x80  }
0xc7: {  	[sflag:s19] =	ssyncset.done $0x0  }
0xc8: {  	s30 =	sadd.s32 $0x1, s30;
	[sflag:s19] =	ssyncadd.s32 $0xFFFFFF80  }
.LBB2_9:
0xc9: {  	_ =	sfence.sel $0x180000  }
0xca: {  	[bflag:$0x0] =	sbarrier.arrive $0xFFFF  }
0xcb: {  	_ =	strace $0x90000050  }
0xcc: {  	s0 =	stileid.u32;
	[bflag:$0x2] =	sbarrier.arrive $0xFFFF  }
0xcd: {  	p0 =	sne.s32 s0, $0x0;
	s0 =	rddreg [dreg:$0x2]  }
0xce: {  	s0 =	sadd.s32 @!p0 $0x100000, s0  }
0xcf: {  	[sflag:s0] =	ssyncadd.tile.s32 @!p0 $0x1;
	_ =	shalt  }
.Lfunc_end2:
_tile_overlayer_lowered:
.L_overlay_start_2:
0xd0: {  	(tag) =	ssettag $0x2  }
0xd1: {  	s0 =	rddreg [dreg:$0x0];
	s2 =	stileid.u32  }
0xd2: {  	s1 =	rddreg [dreg:$0x1];
	p0 =	sne.s32 s2, $0x0  }
0xd3: {  	s3 =	rddreg [dreg:$0x2];
	[bflag:$0x3] =	sbarrier.arrive $0xFFFF;
	s2 =	simm.s32 @!p0 $0x1C02  }
0xd4: {  	[timem:s3], [sflag:s2] =	dma.local @!p0 [hbm:s0], s1  }
0xd5: {  	s0 =	simm.s32 @!p0 $0x2  }
0xd6: {  	_ =	swait.ge @!p0 [sflag:s0], s1  }
0xd7: {  	s1 =	ssub.s32 @!p0 $0x0, s1;
	[sflag:s0] =	ssyncset.done @!p0 $0x0  }
0xd8: {  	[sflag:s0] =	ssyncadd.s32 @!p0 s1  }
0xd9: {  	[bflag:$0x3] =	sbarrier.arrive $0xFFFF  }
0xda: {  	_ =	shalt  }

// kernel: kernel.9.cloned.1.call-start
scs
__scs_entry_jumppad:
0x0: {  	(pc) =	sbr.rel $0x88, $3  }
0x1: {  	(tag) =	ssettag $0x0;
	lr =	simm.s32 $0x1  }
0x2: {  	[smem:$0x3F96] =	sst lr;
	_ =	strace $0xD0000000  }
0x3: {  	_ = 	snop  }
0x4: {  	_ = 	snop  }
0x5: {  	_ = 	snop  }
0x6: {  	_ = 	snop  }
0x7: {  	_ = 	snop  }
__scs_overlays_trampoline_lowered:
0x8: {  	[smem:$0x3FA5] =	sst s0  }
0x9: {  	[smem:$0x3FA6] =	sst s1  }
0xa: {  	[smem:$0x3FA7] =	sst s2  }
0xb: {  	[smem:$0x3FA8] =	sst s3  }
0xc: {  	[smem:$0x3FA9] =	sst s4  }
0xd: {  	[smem:$0x3FAA] =	sst s5  }
0xe: {  	[smem:$0x3FAB] =	sst s6  }
0xf: {  	[smem:$0x3FAC] =	sst s7  }
0x10: {  	[smem:$0x3FAD] =	sst s8  }
0x11: {  	[smem:$0x3FAE] =	sst s9;
	s0 =	simm.s32 @!p0 $0x0  }
0x12: {  	s1 =	sld [smem:$0x3F94];
	s0 =	simm.s32 @p0 $0x1  }
0x13: {  	[smem:$0x3FAF] =	sst s0;
	s0 =	simm.s32 @!p1 $0x0  }
0x14: {  	s2 =	sld [smem:$0x3F93];
	s0 =	simm.s32 @p1 $0x1  }
0x15: {  	[smem:$0x3FB0] =	sst s0;
	s0 =	simm.s32 @!p2 $0x0  }
0x16: {  	s3 =	sld [smem:$0x3FDB];
	s0 =	simm.s32 @p2 $0x1  }
0x17: {  	s4 =	simm.s32 $0x1BF5;
	[smem:$0x3FB2] =	sst s0  }
0x18: {  	s0 =	sld [smem:$0x3F95];
	_ =	swait.ge [sflag:s4], $0x0  }
0x19: {  	s7 =	sld [smem:$0x3F96]  }
0x1a: {  	s8 =	sadd.s32 $0xFFFFE003, lr  }
0x1b: {  	s9 =	sadd.s32 $0xFFFFFEF7, lr;
	s5 =	simm.s32 $0xFFFFFFFF;
	p2 =	slt.u32 s8, $0xFFFFF086  }
0x1c: {  	p1 =	slt.u32 s9, $0xF7A;
	s5 =	simm.s32 @!p2 $0x0  }
0x1d: {  	s5 =	simm.s32 @p1 $0x1;
	p0 =	seq.s32 s7, s2  }
0x1e: {  	s7 =	smul.u32 @!p0 $0xF7A, s2;
	p2 =	seq.s32 @!p0 s5, $0x0  }
0x1f: {  	s9 =	smul.u32 $0xF7A, s1;
	s8 =	simm.s32 @!p0 $0x1BF5;
	p2 =	por !p2, p0  }
0x20: {  	[sflag:s8] =	ssyncset.s32 @!p0 $0xFFFFF086;
	s6 =	sadd.s32 @!p0 s3, s7;
	s7 =	simm.s32 @!p0 $0x108  }
0x21: {  	s3 =	sadd.s32 s3, s9;
	s6 =	sadd.s32 @!p0 $0x88, s6;
	s7 =	simm.s32 @p2 $0x1082  }
0x22: {  	[simem:s7], [sflag:s8] =	dma.local @!p0 [hbm:s6], $0xF7A  }
0x23: {  	s9 =	sor.u32 $0xD0000000, s2;
	s6 =	simm.s32 $0x108;
	_ =	swait.ge @!p0 [sflag:s8], $0x0  }
0x24: {  	s3 =	sadd.s32 $0x88, s3;
	s6 =	simm.s32 @!p1 $0x1082;
	[sflag:s4] =	ssyncset.s32 $0xFFFFF086  }
0x25: {  	[simem:s6], [sflag:s4] =	dma.local [hbm:s3], $0xF7A  }
0x26: {  	[smem:$0x3F96] =	sst s1;
	(tag) =	ssettag s2;
	_ =	strace s9  }
0x27: {  	s1 =	sld [smem:$0x3FA6]  }
0x28: {  	s2 =	sld [smem:$0x3FA7]  }
0x29: {  	s4 =	sld [smem:$0x3FA9]  }
0x2a: {  	p0 =	seq.s32 s5, $0x0;
	s5 =	sld [smem:$0x3FAA]  }
0x2b: {  	s6 =	sld [smem:$0x3FAB]  }
0x2c: {  	s7 =	sld [smem:$0x3FAC]  }
0x2d: {  	s3 =	simm.s32 $0x108;
	s8 =	sld [smem:$0x3FAD]  }
0x2e: {  	s3 =	simm.s32 @!p0 $0x1082;
	s9 =	sld [smem:$0x3FAE]  }
0x2f: {  	lr =	sadd.s32 s0, s3;
	s0 =	sld [smem:$0x3FA5]  }
0x30: {  	s3 =	sld [smem:$0x3FA8]  }
0x31: {  	[smem:$0x3FB1] =	sst s10  }
0x32: {  	s10 =	sld [smem:$0x3FAF];
	_ =	sdelay $0x3  }
0x33: {  	p0 =	seq.s32 s10, $0x1;
	s10 =	sld [smem:$0x3FB1];
	_ =	sdelay $0x3  }
0x34: {  	[smem:$0x3FB1] =	sst s10  }
0x35: {  	s10 =	sld [smem:$0x3FB0];
	_ =	sdelay $0x3  }
0x36: {  	p1 =	seq.s32 s10, $0x1;
	s10 =	sld [smem:$0x3FB1];
	_ =	sdelay $0x3  }
0x37: {  	[smem:$0x3FB1] =	sst s10  }
0x38: {  	s10 =	sld [smem:$0x3FB2]  }
0x39: {  	_ = 	snop;
	(pc) =	sbr.ind lr, $3  }
0x3a: {  	_ = 	snop  }
0x3b: {  	_ = 	snop  }
0x3c: {  	p2 =	seq.s32 s10, $0x1;
	s10 =	sld [smem:$0x3FB1]  }
0x3d: {  	_ =	shalt  }
0x3e: {  	_ =	shalt  }
0x3f: {  	_ =	shalt  }
0x40: {  	_ =	shalt  }
0x41: {  	_ =	shalt  }
0x42: {  	_ =	shalt  }
0x43: {  	_ =	shalt  }
0x44: {  	_ =	shalt  }
0x45: {  	_ =	shalt  }
0x46: {  	_ =	shalt  }
0x47: {  	_ =	shalt  }
0x48: {  	_ =	shalt  }
0x49: {  	_ =	shalt  }
0x4a: {  	_ =	shalt  }
0x4b: {  	_ =	shalt  }
0x4c: {  	_ =	shalt  }
0x4d: {  	_ =	shalt  }
0x4e: {  	_ =	shalt  }
0x4f: {  	_ =	shalt  }
0x50: {  	_ =	shalt  }
0x51: {  	_ =	shalt  }
0x52: {  	_ =	shalt  }
0x53: {  	_ =	shalt  }
0x54: {  	_ =	shalt  }
0x55: {  	_ =	shalt  }
0x56: {  	_ =	shalt  }
0x57: {  	_ =	shalt  }
0x58: {  	_ =	shalt  }
0x59: {  	_ =	shalt  }
0x5a: {  	_ =	shalt  }
0x5b: {  	_ =	shalt  }
0x5c: {  	_ =	shalt  }
0x5d: {  	_ =	shalt  }
0x5e: {  	_ =	shalt  }
0x5f: {  	_ =	shalt  }
0x60: {  	_ =	shalt  }
0x61: {  	_ =	shalt  }
0x62: {  	_ =	shalt  }
0x63: {  	_ =	shalt  }
0x64: {  	_ =	shalt  }
0x65: {  	_ =	shalt  }
0x66: {  	_ =	shalt  }
0x67: {  	_ =	shalt  }
0x68: {  	_ =	shalt  }
0x69: {  	_ =	shalt  }
0x6a: {  	_ =	shalt  }
0x6b: {  	_ =	shalt  }
0x6c: {  	_ =	shalt  }
0x6d: {  	_ =	shalt  }
0x6e: {  	_ =	shalt  }
0x6f: {  	_ =	shalt  }
0x70: {  	_ =	shalt  }
0x71: {  	_ =	shalt  }
0x72: {  	_ =	shalt  }
0x73: {  	_ =	shalt  }
0x74: {  	_ =	shalt  }
0x75: {  	_ =	shalt  }
0x76: {  	_ =	shalt  }
0x77: {  	_ =	shalt  }
0x78: {  	_ =	shalt  }
0x79: {  	_ =	shalt  }
0x7a: {  	_ =	shalt  }
0x7b: {  	_ =	shalt  }
0x7c: {  	_ =	shalt  }
0x7d: {  	_ =	shalt  }
0x7e: {  	_ =	shalt  }
0x7f: {  	_ =	shalt  }
0x80: {  	_ =	shalt  }
0x81: {  	_ =	shalt  }
0x82: {  	_ =	shalt  }
0x83: {  	_ =	shalt  }
0x84: {  	_ =	shalt  }
0x85: {  	_ =	shalt  }
0x86: {  	_ =	shalt  }
0x87: {  	_ =	shalt  }
.Lfunc_end0:
.L_simem_size_0:
called_computation_lowered:
.L_overlay_start_0:
0x88: {  	s2 =	sld [smem:$0x3FD9]  }
0x89: {  	s3 =	sld [smem:$0x3FFE];
	_ =	sdelay $0x1  }
0x8a: {  	s1 =	srdreg.scid  }
0x8b: {  	s0 =	sand.u32 $0x1, s1  }
0x8c: {  	s16 =	sshll.u32 s0, $0xA;
	s2 =	sadd.s32 s3, s2  }
0x8d: {  	s2 =	sadd.s32 s2, s16  }
0x8e: {  	[smem:$0x3FBD] =	sst s2  }
0x8f: {  	_ = 	snop  }
0x90: {  	(tm) =	ssettm $0x1  }
0x91: {  	s17 =	sld [smem:$0x3FFB];
	_ =	sdelay $0x3  }
0x92: {  	_ =	strace s17  }
0x93: {  	s2 =	sld [smem:$0x3FFC];
	_ =	sdelay $0x3  }
0x94: {  	_ =	strace s2  }
0x95: {  	s2 =	sld [smem:$0x3FFD];
	_ =	sdelay $0x3  }
0x96: {  	_ =	strace s2  }
0x97: {  	_ =	strace $0x8FFFFFFF  }
0x98: {  	s18 =	sld [smem:$0x3FDB];
	_ =	sdelay $0x1  }
0x99: {  	s19 =	simm.s32 $_scs_section_size  }
0x9a: {  	s4 =	simm.s32 $_size__tile_overlayer_lowered;
	s5 =	simm.s32 $_tile_overlayer_lowered  }
0x9b: {  	s22 =	simm.s32 $0x1BFF;
	s21 =	sshll.u32 s5, $0x1;
	s2 =	sadd.s32 s19, s18  }
0x9c: {  	s6 =	simm.s32 $0x0;
	s20 =	sshll.u32 s4, $0x1;
	s4 =	sadd.s32 s21, s2  }
0x9d: {  	[timem:s6], [sflag:s22] =	dma.local [hbm:s4], s20  }
0x9e: {  	_ =	swait.ge [sflag:s22], s20  }
0x9f: {  	s3 =	ssub.s32 $0x0, s20;
	[sflag:s22] =	ssyncset.done $0x0  }
0xa0: {  	[sflag:s22] =	ssyncadd.s32 s3;
	_ =	sdelay $0x1  }
0xa1: {  	s23 =	simm.s32 $0x1B8B  }
0xa2: {  	_ =	swait.ge [sflag:s23], $0x1  }
0xa3: {  	[sflag:s23] =	ssyncset.done $0x0  }
0xa4: {  	s25 =	simm.s32 $0x1B8E;
	s24 =	sld [smem:$0x3FFE];
	[sflag:s23] =	ssyncadd.s32 $0xFFFFFFFF  }
0xa5: {  	s26 =	simm.s32 $execute0_lowered;
	[smem:$0x3FD2] =	sst s25  }
0xa6: {  	s4 =	sshll.u32 s26, $0x1;
	_ =	strace $0x80000046;
	[dreg:$0x1] =	wrdreg $0xFFFFFFFF  }
0xa7: {  	s28 =	simm.s32 $_size_execute0_lowered;
	s2 =	sadd.s32 s2, s4;
	[dreg:$0x0] =	wrdreg $0x0  }
0xa8: {  	s4 =	sshll.u32 s28, $0x1;
	[dreg:$0x2] =	wrdreg s2  }
0xa9: {  	[dreg:$0x3] =	wrdreg s4  }
0xaa: {  	[dreg:$0x4] =	wrdreg $0xC0  }
0xab: {  	_ =	task [dreg:s6], $0x5FFFF  }
0xac: {  	[dreg:$0x1] =	wrdreg $0xFFFFFFFF  }
0xad: {  	[dreg:$0x0] =	wrdreg $0x60  }
0xae: {  	[dreg:$0x2] =	wrdreg s24  }
0xaf: {  	[dreg:$0x3] =	wrdreg $0x9  }
0xb0: {  	_ =	task.clear_ibuf [dreg:s6], $0x4FFFF;
	_ =	strace $0x90000046  }
0xb1: {  	s29 =	simm.s32 $0x9;
	_ =	strace $0x80000048  }
0xb2: {  	_ =	swait.ge [sflag:s29], $0x1  }
0xb3: {  	[sflag:s29] =	ssyncadd.s32 $0xFFFFFFFF  }
0xb4: {  	_ =	strace $0x90000048  }
0xb5: {  	_ =	sfence  }
0xb6: {  	s30 =	sld [smem:$0x0];
	_ =	sdelay $0x2  }
0xb7: {  	s31 =	sshll.u32 s1, $0xD;
	s1 =	sshrl.u32 s1, $0x2  }
0xb8: {  	s3 =	sand.u32 $0x4000, s31;
	s1 =	sadd.s32 s1, s30  }
0xb9: {  	s0 =	sor.u32 s3, s0;
	s1 =	sshll.u32 s1, $0x11  }
0xba: {  	s0 =	sor.u32 s1, s0  }
0xbb: {  	s0 =	sadd.s32 $0x8F2B, s0  }
0xbc: {  	[sflag:s0] =	ssyncadd.remote.s32 $0x1  }
0xbd: {  	_ =	sfence.sel $0xFFFF  }
0xbe: {  	[dreg:$0x0] =	wrdreg $0xFFFFFFFF;
	(pc) =	sbr.abs _section_cstart, $3  }
0xbf: {  	[dreg:$0x1] =	wrdreg $0xFFFFFFFF  }
0xc0: {  	_ =	task.clear_ibuf [dreg:s6], $0x2FFFF;
	_ =	strace $0x9FFFFFFF  }
0xc1: {  	(tm) =	ssettm $0x7FFFFFFF  }
tec
execute0_lowered:
.L_overlay_start_1:
0x0: {  	(tag) =	ssettag $0x1  }
0x1: {  	s0 =	srdreg.scid  }
0x2: {  	s4 =	rddreg [dreg:$0x0];
	s1 =	stileid.u32  }
0x3: {  	s2 =	simm.s32 $0x0;
	v0 =	vlaneseq.u32;
	s13 =	simm.s32 $0x13B08;
	s14 =	simm.s32 $0x13888  }
0x4: {  	s15 =	simm.s32 $0x13908;
	s16 =	simm.s32 $0x13988;
	s17 =	simm.s32 $0x13A08;
	v1 =	vor.u32 $0x80, v0  }
0x5: {  	s3 =	sand.u32 $0x1, s0;
	s0 =	rddreg [dreg:$0x1];
	s6 =	smul.u32 $0x2880, s1;
	v2 =	vor.u32 $0x100, v0;
	v3 =	vor.u32 $0x180, v0;
	v4 =	vor.u32 $0x10, v0  }
0x6: {  	s18 =	simm.s32 $0x0;
	[smem:$0x7FF] =	sst s2;
	v5 =	vor.u32 $0x90, v0;
	v6 =	vor.u32 $0x110, v0;
	v7 =	vor.u32 $0x190, v0;
	s5 =	smul.u32 $0x28800, s3  }
0x7: {  	s10 =	sadd.s32 $0x67000, s4;
	v8 =	vor.u32 $0x20, v0;
	v9 =	vor.u32 $0xA0, v0;
	v10 =	vor.u32 $0x120, v0;
	_ =	strace $0x80000047;
	s28 =	ssub.s32 $0x2, s3  }
0x8: {  	v11 =	vor.u32 $0x1A0, v0;
	v12 =	vor.u32 $0x30, v0;
	v13 =	vor.u32 $0xB0, v0;
	s3 =	sadd.s32 $0x50400, s4;
	s7 =	sshrl.u32 s28, $0x1;
	s8 =	sadd.s32 s6, s5  }
0x9: {  	v14 =	vor.u32 $0x130, v0;
	v15 =	vor.u32 $0x1B0, v0;
	v16 =	vor.u32 $0x40, v0;
	s29 =	ssub.s32 s28, s7;
	s6 =	sshrl.u32 s8, $0x3;
	s30 =	sadd.s32 $0x51000, s8  }
0xa: {  	v17 =	vor.u32 $0xC0, v0;
	v18 =	vor.u32 $0x140, v0;
	v19 =	vor.u32 $0x1C0, v0;
	s11 =	sadd.s32 $0xA2000, s8;
	s12 =	sadd.s32 $0xF3000, s8;
	s9 =	sadd.s32 s6, s4  }
0xb: {  	v20 =	vor.u32 $0x50, v0;
	v21 =	vor.u32 $0xD0, v0;
	v22 =	vor.u32 $0x150, v0;
	s4 =	smax.u32 s29, $0x1;
	s5 =	sadd.s32 s6, s10;
	s11 =	sshrl.u32 s11, $0x3  }
0xc: {  	v23 =	vor.u32 $0x1D0, v0;
	v24 =	vor.u32 $0x60, v0;
	v25 =	vor.u32 $0xE0, v0;
	s6 =	sadd.s32 $0x52C00, s9;
	s7 =	sadd.s32 $0x5CE00, s9;
	s9 =	sshrl.u32 s30, $0x3  }
0xd: {  	v26 =	vor.u32 $0x160, v0;
	v27 =	vor.u32 $0x1E0, v0;
	v28 =	vor.u32 $0x70, v0;
	s31 =	sshrl.u32 s12, $0x3;
	s12 =	simm.s32 $0x13A88;
	s8 =	sadd.s32 s9, s10  }
0xe: {  	v29 =	vor.u32 $0xF0, v0;
	v30 =	vor.u32 $0x170, v0;
	v31 =	vor.u32 $0x1F0, v0;
	s9 =	sadd.s32 s11, s10;
	s10 =	sadd.s32 s31, s10;
	s11 =	simm.s32 $0x1  }
.LBB2_1:
0xf: {  	[tilespmem:s2], [sflag:$0x1] =	stream.linear.gather [hbm4b:s3+s2], $0x13888, $0x38;
	[tilespmem:$0x13B88] =	vst v63  }
0x10: {  	_ =	swait.ge [sflag:s11], $0x13888  }
0x11: {  	[sflag:s11] =	ssyncset.done $0x0  }
0x12: {  	s19 =	simm.s32 $0x0;
	[sflag:s11] =	ssyncadd.s32 $0xFFFEC778  }
.LBB2_2:
0x13: {  	s20 =	sadd.s32 s19, s7  }
0x14: {  	[tilespmem:s12], [sflag:$0x1] =	stream.linear.gather [hbm4b:s20+s2], $0x80, $0x38;
	[tilespmem:$0x13B88] =	vst v63  }
0x15: {  	_ =	swait.ge [sflag:s11], $0x80  }
0x16: {  	[sflag:s11] =	ssyncset.done $0x0  }
0x17: {  	s26 =	sadd.s32 s19, s6;
	[sflag:s11] =	ssyncadd.s32 $0xFFFFFF80  }
0x18: {  	[tilespmem:s13], [sflag:$0x1] =	stream.linear.gather [hbm4b:s26+s2], $0x80, $0x38;
	[tilespmem:$0x13B88] =	vst v63  }
0x19: {  	_ =	swait.ge [sflag:s11], $0x80  }
0x1a: {  	[sflag:s11] =	ssyncset.done $0x0  }
0x1b: {  	[sflag:s11] =	ssyncadd.s32 $0xFFFFFF80  }
0x1c: {  	v32 =	vld [tilespmem:$0x13A88]  }
0x1d: {  	v33 =	vld [tilespmem:$0x13B08];
	_ =	sdelay $0x4  }
0x1e: {  	v32 =	vshll.u32 v32, $0x3;
	v33 =	vshll.u32 v33, $0x3  }
0x1f: {  	v34 =	vor.u32 $0x4, v33;
	_ =	sdelay $0x3  }
0x20: {  	v35 =	vld.idx.msk [tilespmem:v32+s2+$0x0], $0xffff  }
0x21: {  	v34 =	vld.idx.msk [tilespmem:v34+s2+$0x0], $0xffff;
	_ =	sdelay $0x4  }
0x22: {  	v34 =	vadd.f32 v34, v35;
	_ =	sdelay $0x1  }
0x23: {  	v35 =	vmul.f32 $2.000000030e-01, v34;
	_ =	sdelay $0x1  }
0x24: {  	v34 =	vmax.f32 v34, v35  }
0x25: {  	v34 =	vmul.f32 $1.442695020e+00, v34;
	_ =	sdelay $0x1  }
0x26: {  	(erf) = vpow2.f32 v34;
	_ =	sdelay $0x5  }
0x27: {  	v50 =	vor.u32 $0x1, v32  }
0x28: {  	v51 =	vor.u32 $0x5, v33;
	_ =	sdelay $0x1  }
0x29: {  	v36 =	vpop (erf)  }
0x2a: {  	[tilespmem:v0+s14+$0x0] =	vst.idx.msk $0xffff, v36  }
0x2b: {  	v34 =	vld.idx.msk [tilespmem:v50+s2+$0x0], $0xffff  }
0x2c: {  	v35 =	vld.idx.msk [tilespmem:v51+s2+$0x0], $0xffff;
	_ =	sdelay $0x4  }
0x2d: {  	v34 =	vadd.f32 v35, v34;
	_ =	sdelay $0x1  }
0x2e: {  	v35 =	vmul.f32 $2.000000030e-01, v34;
	_ =	sdelay $0x1  }
0x2f: {  	v34 =	vmax.f32 v34, v35  }
0x30: {  	v34 =	vmul.f32 $1.442695020e+00, v34;
	_ =	sdelay $0x1  }
0x31: {  	(erf) = vpow2.f32 v34;
	_ =	sdelay $0x5  }
0x32: {  	v52 =	vor.u32 $0x2, v32  }
0x33: {  	v53 =	vor.u32 $0x6, v33;
	_ =	sdelay $0x1  }
0x34: {  	v54 =	vpop (erf)  }
0x35: {  	[tilespmem:v1+s14+$0x0] =	vst.idx.msk $0xffff, v54  }
0x36: {  	v34 =	vld.idx.msk [tilespmem:v52+s2+$0x0], $0xffff  }
0x37: {  	v35 =	vld.idx.msk [tilespmem:v53+s2+$0x0], $0xffff;
	_ =	sdelay $0x4  }
0x38: {  	v34 =	vadd.f32 v35, v34;
	_ =	sdelay $0x1  }
0x39: {  	v35 =	vmul.f32 $2.000000030e-01, v34;
	_ =	sdelay $0x1  }
0x3a: {  	v34 =	vmax.f32 v34, v35  }
0x3b: {  	v34 =	vmul.f32 $1.442695020e+00, v34;
	_ =	sdelay $0x1  }
0x3c: {  	(erf) = vpow2.f32 v34;
	_ =	sdelay $0x5  }
0x3d: {  	v32 =	vor.u32 $0x3, v32  }
0x3e: {  	v33 =	vor.u32 $0x7, v33;
	_ =	sdelay $0x1  }
0x3f: {  	v34 =	vpop (erf)  }
0x40: {  	[tilespmem:v2+s14+$0x0] =	vst.idx.msk $0xffff, v34  }
0x41: {  	v32 =	vld.idx.msk [tilespmem:v32+s2+$0x0], $0xffff  }
0x42: {  	v33 =	vld.idx.msk [tilespmem:v33+s2+$0x0], $0xffff;
	_ =	sdelay $0x4  }
0x43: {  	v32 =	vadd.f32 v33, v32;
	_ =	sdelay $0x1  }
0x44: {  	v33 =	vmul.f32 $2.000000030e-01, v32;
	_ =	sdelay $0x1  }
0x45: {  	v32 =	vmax.f32 v32, v33  }
0x46: {  	v32 =	vmul.f32 $1.442695020e+00, v32;
	_ =	sdelay $0x1  }
0x47: {  	(erf) = vpow2.f32 v32;
	_ =	sdelay $0x8  }
0x48: {  	v32 =	vpop (erf)  }
0x49: {  	[tilespmem:v3+s14+$0x0] =	vst.idx.msk $0xffff, v32  }
0x4a: {  	v32 =	vld [tilespmem:$0x13A98]  }
0x4b: {  	v55 =	vld [tilespmem:$0x13B18];
	_ =	sdelay $0x4  }
0x4c: {  	v32 =	vshll.u32 v32, $0x3;
	v33 =	vshll.u32 v55, $0x3  }
0x4d: {  	v56 =	vor.u32 $0x4, v33;
	_ =	sdelay $0x3  }
0x4e: {  	v57 =	vld.idx.msk [tilespmem:v32+s2+$0x0], $0xffff  }
0x4f: {  	v34 =	vld.idx.msk [tilespmem:v56+s2+$0x0], $0xffff;
	_ =	sdelay $0x4  }
0x50: {  	v34 =	vadd.f32 v34, v57;
	_ =	sdelay $0x1  }
0x51: {  	v35 =	vmul.f32 $2.000000030e-01, v34;
	_ =	sdelay $0x1  }
0x52: {  	v34 =	vmax.f32 v34, v35  }
0x53: {  	v34 =	vmul.f32 $1.442695020e+00, v34;
	_ =	sdelay $0x1  }
0x54: {  	(erf) = vpow2.f32 v34;
	_ =	sdelay $0x5  }
0x55: {  	v58 =	vor.u32 $0x1, v32  }
0x56: {  	v59 =	vor.u32 $0x5, v33;
	_ =	sdelay $0x1  }
0x57: {  	v60 =	vpop (erf)  }
0x58: {  	[tilespmem:v4+s14+$0x0] =	vst.idx.msk $0xffff, v60  }
0x59: {  	v34 =	vld.idx.msk [tilespmem:v58+s2+$0x0], $0xffff  }
0x5a: {  	v35 =	vld.idx.msk [tilespmem:v59+s2+$0x0], $0xffff;
	_ =	sdelay $0x4  }
0x5b: {  	v34 =	vadd.f32 v35, v34;
	_ =	sdelay $0x1  }
0x5c: {  	v35 =	vmul.f32 $2.000000030e-01, v34;
	_ =	sdelay $0x1  }
0x5d: {  	v34 =	vmax.f32 v34, v35  }
0x5e: {  	v34 =	vmul.f32 $1.442695020e+00, v34;
	_ =	sdelay $0x1  }
0x5f: {  	(erf) = vpow2.f32 v34;
	_ =	sdelay $0x5  }
0x60: {  	v61 =	vor.u32 $0x2, v32  }
0x61: {  	v62 =	vor.u32 $0x6, v33;
	_ =	sdelay $0x1  }
0x62: {  	v63 =	vpop (erf)  }
0x63: {  	[tilespmem:v5+s14+$0x0] =	vst.idx.msk $0xffff, v63  }
0x64: {  	v34 =	vld.idx.msk [tilespmem:v61+s2+$0x0], $0xffff  }
0x65: {  	v35 =	vld.idx.msk [tilespmem:v62+s2+$0x0], $0xffff;
	_ =	sdelay $0x4  }
0x66: {  	v34 =	vadd.f32 v35, v34;
	_ =	sdelay $0x1  }
0x67: {  	v35 =	vmul.f32 $2.000000030e-01, v34;
	_ =	sdelay $0x1  }
0x68: {  	v34 =	vmax.f32 v34, v35  }
0x69: {  	v34 =	vmul.f32 $1.442695020e+00, v34;
	_ =	sdelay $0x1  }
0x6a: {  	(erf) = vpow2.f32 v34;
	_ =	sdelay $0x5  }
0x6b: {  	v32 =	vor.u32 $0x3, v32  }
0x6c: {  	v33 =	vor.u32 $0x7, v33;
	_ =	sdelay $0x1  }
0x6d: {  	v34 =	vpop (erf)  }
0x6e: {  	[tilespmem:v6+s14+$0x0] =	vst.idx.msk $0xffff, v34  }
0x6f: {  	v32 =	vld.idx.msk [tilespmem:v32+s2+$0x0], $0xffff  }
0x70: {  	v33 =	vld.idx.msk [tilespmem:v33+s2+$0x0], $0xffff;
	_ =	sdelay $0x4  }
0x71: {  	v32 =	vadd.f32 v33, v32;
	_ =	sdelay $0x1  }
0x72: {  	v33 =	vmul.f32 $2.000000030e-01, v32;
	_ =	sdelay $0x1  }
0x73: {  	v32 =	vmax.f32 v32, v33  }
0x74: {  	v32 =	vmul.f32 $1.442695020e+00, v32;
	_ =	sdelay $0x1  }
0x75: {  	(erf) = vpow2.f32 v32;
	_ =	sdelay $0x8  }
0x76: {  	v32 =	vpop (erf)  }
0x77: {  	[tilespmem:v7+s14+$0x0] =	vst.idx.msk $0xffff, v32  }
0x78: {  	v32 =	vld [tilespmem:$0x13AA8]  }
0x79: {  	v37 =	vld [tilespmem:$0x13B28];
	_ =	sdelay $0x4  }
0x7a: {  	v32 =	vshll.u32 v32, $0x3;
	v33 =	vshll.u32 v37, $0x3  }
0x7b: {  	v38 =	vor.u32 $0x4, v33;
	_ =	sdelay $0x3  }
0x7c: {  	v39 =	vld.idx.msk [tilespmem:v32+s2+$0x0], $0xffff  }
0x7d: {  	v34 =	vld.idx.msk [tilespmem:v38+s2+$0x0], $0xffff;
	_ =	sdelay $0x4  }
0x7e: {  	v34 =	vadd.f32 v34, v39;
	_ =	sdelay $0x1  }
0x7f: {  	v35 =	vmul.f32 $2.000000030e-01, v34;
	_ =	sdelay $0x1  }
0x80: {  	v34 =	vmax.f32 v34, v35  }
0x81: {  	v34 =	vmul.f32 $1.442695020e+00, v34;
	_ =	sdelay $0x1  }
0x82: {  	(erf) = vpow2.f32 v34;
	_ =	sdelay $0x5  }
0x83: {  	v40 =	vor.u32 $0x1, v32  }
0x84: {  	v41 =	vor.u32 $0x5, v33;
	_ =	sdelay $0x1  }
0x85: {  	v42 =	vpop (erf)  }
0x86: {  	[tilespmem:v8+s14+$0x0] =	vst.idx.msk $0xffff, v42  }
0x87: {  	v34 =	vld.idx.msk [tilespmem:v40+s2+$0x0], $0xffff  }
0x88: {  	v35 =	vld.idx.msk [tilespmem:v41+s2+$0x0], $0xffff;
	_ =	sdelay $0x4  }
0x89: {  	v34 =	vadd.f32 v35, v34;
	_ =	sdelay $0x1  }
0x8a: {  	v35 =	vmul.f32 $2.000000030e-01, v34;
	_ =	sdelay $0x1  }
0x8b: {  	v34 =	vmax.f32 v34, v35  }
0x8c: {  	v34 =	vmul.f32 $1.442695020e+00, v34;
	_ =	sdelay $0x1  }
0x8d: {  	(erf) = vpow2.f32 v34;
	_ =	sdelay $0x5  }
0x8e: {  	v43 =	vor.u32 $0x2, v32  }
0x8f: {  	v44 =	vor.u32 $0x6, v33;
	_ =	sdelay $0x1  }
0x90: {  	v45 =	vpop (erf)  }
0x91: {  	[tilespmem:v9+s14+$0x0] =	vst.idx.msk $0xffff, v45  }
0x92: {  	v34 =	vld.idx.msk [tilespmem:v43+s2+$0x0], $0xffff  }
0x93: {  	v35 =	vld.idx.msk [tilespmem:v44+s2+$0x0], $0xffff;
	_ =	sdelay $0x4  }
0x94: {  	v34 =	vadd.f32 v35, v34;
	_ =	sdelay $0x1  }
0x95: {  	v35 =	vmul.f32 $2.000000030e-01, v34;
	_ =	sdelay $0x1  }
0x96: {  	v34 =	vmax.f32 v34, v35  }
0x97: {  	v34 =	vmul.f32 $1.442695020e+00, v34;
	_ =	sdelay $0x1  }
0x98: {  	(erf) = vpow2.f32 v34;
	_ =	sdelay $0x5  }
0x99: {  	v32 =	vor.u32 $0x3, v32  }
0x9a: {  	v33 =	vor.u32 $0x7, v33;
	_ =	sdelay $0x1  }
0x9b: {  	v34 =	vpop (erf)  }
0x9c: {  	[tilespmem:v10+s14+$0x0] =	vst.idx.msk $0xffff, v34  }
0x9d: {  	v32 =	vld.idx.msk [tilespmem:v32+s2+$0x0], $0xffff  }
0x9e: {  	v33 =	vld.idx.msk [tilespmem:v33+s2+$0x0], $0xffff;
	_ =	sdelay $0x4  }
0x9f: {  	v32 =	vadd.f32 v33, v32;
	_ =	sdelay $0x1  }
0xa0: {  	v33 =	vmul.f32 $2.000000030e-01, v32;
	_ =	sdelay $0x1  }
0xa1: {  	v32 =	vmax.f32 v32, v33  }
0xa2: {  	v32 =	vmul.f32 $1.442695020e+00, v32;
	_ =	sdelay $0x1  }
0xa3: {  	(erf) = vpow2.f32 v32;
	_ =	sdelay $0x8  }
0xa4: {  	v32 =	vpop (erf)  }
0xa5: {  	[tilespmem:v11+s14+$0x0] =	vst.idx.msk $0xffff, v32  }
0xa6: {  	v32 =	vld [tilespmem:$0x13AB8]  }
0xa7: {  	v46 =	vld [tilespmem:$0x13B38];
	_ =	sdelay $0x4  }
0xa8: {  	v32 =	vshll.u32 v32, $0x3;
	v33 =	vshll.u32 v46, $0x3  }
0xa9: {  	v47 =	vor.u32 $0x4, v33;
	_ =	sdelay $0x3  }
0xaa: {  	v48 =	vld.idx.msk [tilespmem:v32+s2+$0x0], $0xffff  }
0xab: {  	v34 =	vld.idx.msk [tilespmem:v47+s2+$0x0], $0xffff;
	_ =	sdelay $0x4  }
0xac: {  	v34 =	vadd.f32 v34, v48;
	_ =	sdelay $0x1  }
0xad: {  	v35 =	vmul.f32 $2.000000030e-01, v34;
	_ =	sdelay $0x1  }
0xae: {  	v34 =	vmax.f32 v34, v35  }
0xaf: {  	v34 =	vmul.f32 $1.442695020e+00, v34;
	_ =	sdelay $0x1  }
0xb0: {  	(erf) = vpow2.f32 v34;
	_ =	sdelay $0x5  }
0xb1: {  	v49 =	vor.u32 $0x1, v32  }
0xb2: {  	v50 =	vor.u32 $0x5, v33;
	_ =	sdelay $0x1  }
0xb3: {  	v51 =	vpop (erf)  }
0xb4: {  	[tilespmem:v12+s14+$0x0] =	vst.idx.msk $0xffff, v51  }
0xb5: {  	v34 =	vld.idx.msk [tilespmem:v49+s2+$0x0], $0xffff  }
0xb6: {  	v35 =	vld.idx.msk [tilespmem:v50+s2+$0x0], $0xffff;
	_ =	sdelay $0x4  }
0xb7: {  	v34 =	vadd.f32 v35, v34;
	_ =	sdelay $0x1  }
0xb8: {  	v35 =	vmul.f32 $2.000000030e-01, v34;
	_ =	sdelay $0x1  }
0xb9: {  	v34 =	vmax.f32 v34, v35  }
0xba: {  	v34 =	vmul.f32 $1.442695020e+00, v34;
	_ =	sdelay $0x1  }
0xbb: {  	(erf) = vpow2.f32 v34;
	_ =	sdelay $0x5  }
0xbc: {  	v52 =	vor.u32 $0x2, v32  }
0xbd: {  	v53 =	vor.u32 $0x6, v33;
	_ =	sdelay $0x1  }
0xbe: {  	v54 =	vpop (erf)  }
0xbf: {  	[tilespmem:v13+s14+$0x0] =	vst.idx.msk $0xffff, v54  }
0xc0: {  	v34 =	vld.idx.msk [tilespmem:v52+s2+$0x0], $0xffff  }
0xc1: {  	v35 =	vld.idx.msk [tilespmem:v53+s2+$0x0], $0xffff;
	_ =	sdelay $0x4  }
0xc2: {  	v34 =	vadd.f32 v35, v34;
	_ =	sdelay $0x1  }
0xc3: {  	v35 =	vmul.f32 $2.000000030e-01, v34;
	_ =	sdelay $0x1  }
0xc4: {  	v34 =	vmax.f32 v34, v35  }
0xc5: {  	v34 =	vmul.f32 $1.442695020e+00, v34;
	_ =	sdelay $0x1  }
0xc6: {  	(erf) = vpow2.f32 v34;
	_ =	sdelay $0x5  }
0xc7: {  	v32 =	vor.u32 $0x3, v32  }
0xc8: {  	v33 =	vor.u32 $0x7, v33;
	_ =	sdelay $0x1  }
0xc9: {  	v34 =	vpop (erf)  }
0xca: {  	[tilespmem:v14+s14+$0x0] =	vst.idx.msk $0xffff, v34  }
0xcb: {  	v32 =	vld.idx.msk [tilespmem:v32+s2+$0x0], $0xffff  }
0xcc: {  	v33 =	vld.idx.msk [tilespmem:v33+s2+$0x0], $0xffff;
	_ =	sdelay $0x4  }
0xcd: {  	v32 =	vadd.f32 v33, v32;
	_ =	sdelay $0x1  }
0xce: {  	v33 =	vmul.f32 $2.000000030e-01, v32;
	_ =	sdelay $0x1  }
0xcf: {  	v32 =	vmax.f32 v32, v33  }
0xd0: {  	v32 =	vmul.f32 $1.442695020e+00, v32;
	_ =	sdelay $0x1  }
0xd1: {  	(erf) = vpow2.f32 v32;
	_ =	sdelay $0x8  }
0xd2: {  	v32 =	vpop (erf)  }
0xd3: {  	[tilespmem:v15+s14+$0x0] =	vst.idx.msk $0xffff, v32  }
0xd4: {  	v32 =	vld [tilespmem:$0x13AC8]  }
0xd5: {  	v55 =	vld [tilespmem:$0x13B48];
	_ =	sdelay $0x4  }
0xd6: {  	v32 =	vshll.u32 v32, $0x3;
	v33 =	vshll.u32 v55, $0x3  }
0xd7: {  	v56 =	vor.u32 $0x4, v33;
	_ =	sdelay $0x3  }
0xd8: {  	v57 =	vld.idx.msk [tilespmem:v32+s2+$0x0], $0xffff  }
0xd9: {  	v34 =	vld.idx.msk [tilespmem:v56+s2+$0x0], $0xffff;
	_ =	sdelay $0x4  }
0xda: {  	v34 =	vadd.f32 v34, v57;
	_ =	sdelay $0x1  }
0xdb: {  	v35 =	vmul.f32 $2.000000030e-01, v34;
	_ =	sdelay $0x1  }
0xdc: {  	v34 =	vmax.f32 v34, v35  }
0xdd: {  	v34 =	vmul.f32 $1.442695020e+00, v34;
	_ =	sdelay $0x1  }
0xde: {  	(erf) = vpow2.f32 v34;
	_ =	sdelay $0x5  }
0xdf: {  	v58 =	vor.u32 $0x1, v32  }
0xe0: {  	v59 =	vor.u32 $0x5, v33;
	_ =	sdelay $0x1  }
0xe1: {  	v60 =	vpop (erf)  }
0xe2: {  	[tilespmem:v16+s14+$0x0] =	vst.idx.msk $0xffff, v60  }
0xe3: {  	v34 =	vld.idx.msk [tilespmem:v58+s2+$0x0], $0xffff  }
0xe4: {  	v35 =	vld.idx.msk [tilespmem:v59+s2+$0x0], $0xffff;
	_ =	sdelay $0x4  }
0xe5: {  	v34 =	vadd.f32 v35, v34;
	_ =	sdelay $0x1  }
0xe6: {  	v35 =	vmul.f32 $2.000000030e-01, v34;
	_ =	sdelay $0x1  }
0xe7: {  	v34 =	vmax.f32 v34, v35  }
0xe8: {  	v34 =	vmul.f32 $1.442695020e+00, v34;
	_ =	sdelay $0x1  }
0xe9: {  	(erf) = vpow2.f32 v34;
	_ =	sdelay $0x5  }
0xea: {  	v61 =	vor.u32 $0x2, v32  }
0xeb: {  	v62 =	vor.u32 $0x6, v33;
	_ =	sdelay $0x1  }
0xec: {  	v63 =	vpop (erf)  }
0xed: {  	[tilespmem:v17+s14+$0x0] =	vst.idx.msk $0xffff, v63  }
0xee: {  	v34 =	vld.idx.msk [tilespmem:v61+s2+$0x0], $0xffff  }
0xef: {  	v35 =	vld.idx.msk [tilespmem:v62+s2+$0x0], $0xffff;
	_ =	sdelay $0x4  }
0xf0: {  	v34 =	vadd.f32 v35, v34;
	_ =	sdelay $0x1  }
0xf1: {  	v35 =	vmul.f32 $2.000000030e-01, v34;
	_ =	sdelay $0x1  }
0xf2: {  	v34 =	vmax.f32 v34, v35  }
0xf3: {  	v34 =	vmul.f32 $1.442695020e+00, v34;
	_ =	sdelay $0x1  }
0xf4: {  	(erf) = vpow2.f32 v34;
	_ =	sdelay $0x5  }
0xf5: {  	v32 =	vor.u32 $0x3, v32  }
0xf6: {  	v33 =	vor.u32 $0x7, v33;
	_ =	sdelay $0x1  }
0xf7: {  	v34 =	vpop (erf)  }
0xf8: {  	[tilespmem:v18+s14+$0x0] =	vst.idx.msk $0xffff, v34  }
0xf9: {  	v32 =	vld.idx.msk [tilespmem:v32+s2+$0x0], $0xffff  }
0xfa: {  	v33 =	vld.idx.msk [tilespmem:v33+s2+$0x0], $0xffff;
	_ =	sdelay $0x4  }
0xfb: {  	v32 =	vadd.f32 v33, v32;
	_ =	sdelay $0x1  }
0xfc: {  	v33 =	vmul.f32 $2.000000030e-01, v32;
	_ =	sdelay $0x1  }
0xfd: {  	v32 =	vmax.f32 v32, v33  }
0xfe: {  	v32 =	vmul.f32 $1.442695020e+00, v32;
	_ =	sdelay $0x1  }
0xff: {  	(erf) = vpow2.f32 v32;
	_ =	sdelay $0x8  }
0x100: {  	v32 =	vpop (erf)  }
0x101: {  	[tilespmem:v19+s14+$0x0] =	vst.idx.msk $0xffff, v32  }
0x102: {  	v32 =	vld [tilespmem:$0x13AD8]  }
0x103: {  	v37 =	vld [tilespmem:$0x13B58];
	_ =	sdelay $0x4  }
0x104: {  	v32 =	vshll.u32 v32, $0x3;
	v33 =	vshll.u32 v37, $0x3  }
0x105: {  	v38 =	vor.u32 $0x4, v33;
	_ =	sdelay $0x3  }
0x106: {  	v39 =	vld.idx.msk [tilespmem:v32+s2+$0x0], $0xffff  }
0x107: {  	v34 =	vld.idx.msk [tilespmem:v38+s2+$0x0], $0xffff;
	_ =	sdelay $0x4  }
0x108: {  	v34 =	vadd.f32 v34, v39;
	_ =	sdelay $0x1  }
0x109: {  	v35 =	vmul.f32 $2.000000030e-01, v34;
	_ =	sdelay $0x1  }
0x10a: {  	v34 =	vmax.f32 v34, v35  }
0x10b: {  	v34 =	vmul.f32 $1.442695020e+00, v34;
	_ =	sdelay $0x1  }
0x10c: {  	(erf) = vpow2.f32 v34;
	_ =	sdelay $0x5  }
0x10d: {  	v40 =	vor.u32 $0x1, v32  }
0x10e: {  	v41 =	vor.u32 $0x5, v33;
	_ =	sdelay $0x1  }
0x10f: {  	v42 =	vpop (erf)  }
0x110: {  	[tilespmem:v20+s14+$0x0] =	vst.idx.msk $0xffff, v42  }
0x111: {  	v34 =	vld.idx.msk [tilespmem:v40+s2+$0x0], $0xffff  }
0x112: {  	v35 =	vld.idx.msk [tilespmem:v41+s2+$0x0], $0xffff;
	_ =	sdelay $0x4  }
0x113: {  	v34 =	vadd.f32 v35, v34;
	_ =	sdelay $0x1  }
0x114: {  	v35 =	vmul.f32 $2.000000030e-01, v34;
	_ =	sdelay $0x1  }
0x115: {  	v34 =	vmax.f32 v34, v35  }
0x116: {  	v34 =	vmul.f32 $1.442695020e+00, v34;
	_ =	sdelay $0x1  }
0x117: {  	(erf) = vpow2.f32 v34;
	_ =	sdelay $0x5  }
0x118: {  	v43 =	vor.u32 $0x2, v32  }
0x119: {  	v44 =	vor.u32 $0x6, v33;
	_ =	sdelay $0x1  }
0x11a: {  	v45 =	vpop (erf)  }
0x11b: {  	[tilespmem:v21+s14+$0x0] =	vst.idx.msk $0xffff, v45  }
0x11c: {  	v34 =	vld.idx.msk [tilespmem:v43+s2+$0x0], $0xffff  }
0x11d: {  	v35 =	vld.idx.msk [tilespmem:v44+s2+$0x0], $0xffff;
	_ =	sdelay $0x4  }
0x11e: {  	v34 =	vadd.f32 v35, v34;
	_ =	sdelay $0x1  }
0x11f: {  	v35 =	vmul.f32 $2.000000030e-01, v34;
	_ =	sdelay $0x1  }
0x120: {  	v34 =	vmax.f32 v34, v35  }
0x121: {  	v34 =	vmul.f32 $1.442695020e+00, v34;
	_ =	sdelay $0x1  }
0x122: {  	(erf) = vpow2.f32 v34;
	_ =	sdelay $0x5  }
0x123: {  	v32 =	vor.u32 $0x3, v32  }
0x124: {  	v33 =	vor.u32 $0x7, v33;
	_ =	sdelay $0x1  }
0x125: {  	v34 =	vpop (erf)  }
0x126: {  	[tilespmem:v22+s14+$0x0] =	vst.idx.msk $0xffff, v34  }
0x127: {  	v32 =	vld.idx.msk [tilespmem:v32+s2+$0x0], $0xffff  }
0x128: {  	v33 =	vld.idx.msk [tilespmem:v33+s2+$0x0], $0xffff;
	_ =	sdelay $0x4  }
0x129: {  	v32 =	vadd.f32 v33, v32;
	_ =	sdelay $0x1  }
0x12a: {  	v33 =	vmul.f32 $2.000000030e-01, v32;
	_ =	sdelay $0x1  }
0x12b: {  	v32 =	vmax.f32 v32, v33  }
0x12c: {  	v32 =	vmul.f32 $1.442695020e+00, v32;
	_ =	sdelay $0x1  }
0x12d: {  	(erf) = vpow2.f32 v32;
	_ =	sdelay $0x8  }
0x12e: {  	v32 =	vpop (erf)  }
0x12f: {  	[tilespmem:v23+s14+$0x0] =	vst.idx.msk $0xffff, v32  }
0x130: {  	v32 =	vld [tilespmem:$0x13AE8]  }
0x131: {  	v46 =	vld [tilespmem:$0x13B68];
	_ =	sdelay $0x4  }
0x132: {  	v32 =	vshll.u32 v32, $0x3;
	v33 =	vshll.u32 v46, $0x3  }
0x133: {  	v47 =	vor.u32 $0x4, v33;
	_ =	sdelay $0x3  }
0x134: {  	v48 =	vld.idx.msk [tilespmem:v32+s2+$0x0], $0xffff  }
0x135: {  	v34 =	vld.idx.msk [tilespmem:v47+s2+$0x0], $0xffff;
	_ =	sdelay $0x4  }
0x136: {  	v34 =	vadd.f32 v34, v48;
	_ =	sdelay $0x1  }
0x137: {  	v35 =	vmul.f32 $2.000000030e-01, v34;
	_ =	sdelay $0x1  }
0x138: {  	v34 =	vmax.f32 v34, v35  }
0x139: {  	v34 =	vmul.f32 $1.442695020e+00, v34;
	_ =	sdelay $0x1  }
0x13a: {  	(erf) = vpow2.f32 v34;
	_ =	sdelay $0x5  }
0x13b: {  	v49 =	vor.u32 $0x1, v32  }
0x13c: {  	v50 =	vor.u32 $0x5, v33;
	_ =	sdelay $0x1  }
0x13d: {  	v51 =	vpop (erf)  }
0x13e: {  	[tilespmem:v24+s14+$0x0] =	vst.idx.msk $0xffff, v51  }
0x13f: {  	v34 =	vld.idx.msk [tilespmem:v49+s2+$0x0], $0xffff  }
0x140: {  	v35 =	vld.idx.msk [tilespmem:v50+s2+$0x0], $0xffff;
	_ =	sdelay $0x4  }
0x141: {  	v34 =	vadd.f32 v35, v34;
	_ =	sdelay $0x1  }
0x142: {  	v35 =	vmul.f32 $2.000000030e-01, v34;
	_ =	sdelay $0x1  }
0x143: {  	v34 =	vmax.f32 v34, v35  }
0x144: {  	v34 =	vmul.f32 $1.442695020e+00, v34;
	_ =	sdelay $0x1  }
0x145: {  	(erf) = vpow2.f32 v34;
	_ =	sdelay $0x5  }
0x146: {  	v52 =	vor.u32 $0x2, v32  }
0x147: {  	v53 =	vor.u32 $0x6, v33;
	_ =	sdelay $0x1  }
0x148: {  	v54 =	vpop (erf)  }
0x149: {  	[tilespmem:v25+s14+$0x0] =	vst.idx.msk $0xffff, v54  }
0x14a: {  	v34 =	vld.idx.msk [tilespmem:v52+s2+$0x0], $0xffff  }
0x14b: {  	v35 =	vld.idx.msk [tilespmem:v53+s2+$0x0], $0xffff;
	_ =	sdelay $0x4  }
0x14c: {  	v34 =	vadd.f32 v35, v34;
	_ =	sdelay $0x1  }
0x14d: {  	v35 =	vmul.f32 $2.000000030e-01, v34;
	_ =	sdelay $0x1  }
0x14e: {  	v34 =	vmax.f32 v34, v35  }
0x14f: {  	v34 =	vmul.f32 $1.442695020e+00, v34;
	_ =	sdelay $0x1  }
0x150: {  	(erf) = vpow2.f32 v34;
	_ =	sdelay $0x5  }
0x151: {  	v32 =	vor.u32 $0x3, v32  }
0x152: {  	v33 =	vor.u32 $0x7, v33;
	_ =	sdelay $0x1  }
0x153: {  	v34 =	vpop (erf)  }
0x154: {  	[tilespmem:v26+s14+$0x0] =	vst.idx.msk $0xffff, v34  }
0x155: {  	v32 =	vld.idx.msk [tilespmem:v32+s2+$0x0], $0xffff  }
0x156: {  	v33 =	vld.idx.msk [tilespmem:v33+s2+$0x0], $0xffff;
	_ =	sdelay $0x4  }
0x157: {  	v32 =	vadd.f32 v33, v32;
	_ =	sdelay $0x1  }
0x158: {  	v33 =	vmul.f32 $2.000000030e-01, v32;
	_ =	sdelay $0x1  }
0x159: {  	v32 =	vmax.f32 v32, v33  }
0x15a: {  	v32 =	vmul.f32 $1.442695020e+00, v32;
	_ =	sdelay $0x1  }
0x15b: {  	(erf) = vpow2.f32 v32;
	_ =	sdelay $0x8  }
0x15c: {  	v32 =	vpop (erf)  }
0x15d: {  	[tilespmem:v27+s14+$0x0] =	vst.idx.msk $0xffff, v32  }
0x15e: {  	v32 =	vld [tilespmem:$0x13AF8]  }
0x15f: {  	v55 =	vld [tilespmem:$0x13B78];
	_ =	sdelay $0x4  }
0x160: {  	v32 =	vshll.u32 v32, $0x3;
	v33 =	vshll.u32 v55, $0x3  }
0x161: {  	v56 =	vor.u32 $0x4, v33;
	_ =	sdelay $0x3  }
0x162: {  	v57 =	vld.idx.msk [tilespmem:v32+s2+$0x0], $0xffff  }
0x163: {  	v34 =	vld.idx.msk [tilespmem:v56+s2+$0x0], $0xffff;
	_ =	sdelay $0x4  }
0x164: {  	v34 =	vadd.f32 v34, v57;
	_ =	sdelay $0x1  }
0x165: {  	v35 =	vmul.f32 $2.000000030e-01, v34;
	_ =	sdelay $0x1  }
0x166: {  	v34 =	vmax.f32 v34, v35  }
0x167: {  	v34 =	vmul.f32 $1.442695020e+00, v34;
	_ =	sdelay $0x1  }
0x168: {  	(erf) = vpow2.f32 v34;
	_ =	sdelay $0x5  }
0x169: {  	v58 =	vor.u32 $0x1, v32  }
0x16a: {  	v59 =	vor.u32 $0x5, v33;
	_ =	sdelay $0x1  }
0x16b: {  	v60 =	vpop (erf)  }
0x16c: {  	[tilespmem:v28+s14+$0x0] =	vst.idx.msk $0xffff, v60  }
0x16d: {  	v34 =	vld.idx.msk [tilespmem:v58+s2+$0x0], $0xffff  }
0x16e: {  	v35 =	vld.idx.msk [tilespmem:v59+s2+$0x0], $0xffff;
	_ =	sdelay $0x4  }
0x16f: {  	v34 =	vadd.f32 v35, v34;
	_ =	sdelay $0x1  }
0x170: {  	v35 =	vmul.f32 $2.000000030e-01, v34;
	_ =	sdelay $0x1  }
0x171: {  	v34 =	vmax.f32 v34, v35  }
0x172: {  	v34 =	vmul.f32 $1.442695020e+00, v34;
	_ =	sdelay $0x1  }
0x173: {  	(erf) = vpow2.f32 v34;
	_ =	sdelay $0x5  }
0x174: {  	v61 =	vor.u32 $0x2, v32  }
0x175: {  	v62 =	vor.u32 $0x6, v33;
	_ =	sdelay $0x1  }
0x176: {  	v63 =	vpop (erf)  }
0x177: {  	[tilespmem:v29+s14+$0x0] =	vst.idx.msk $0xffff, v63  }
0x178: {  	v34 =	vld.idx.msk [tilespmem:v61+s2+$0x0], $0xffff  }
0x179: {  	v35 =	vld.idx.msk [tilespmem:v62+s2+$0x0], $0xffff;
	_ =	sdelay $0x4  }
0x17a: {  	v34 =	vadd.f32 v35, v34;
	_ =	sdelay $0x1  }
0x17b: {  	v35 =	vmul.f32 $2.000000030e-01, v34;
	_ =	sdelay $0x1  }
0x17c: {  	v34 =	vmax.f32 v34, v35  }
0x17d: {  	v34 =	vmul.f32 $1.442695020e+00, v34;
	_ =	sdelay $0x1  }
0x17e: {  	(erf) = vpow2.f32 v34;
	_ =	sdelay $0x5  }
0x17f: {  	v32 =	vor.u32 $0x3, v32  }
0x180: {  	v33 =	vor.u32 $0x7, v33;
	_ =	sdelay $0x1  }
0x181: {  	v34 =	vpop (erf)  }
0x182: {  	[tilespmem:v30+s14+$0x0] =	vst.idx.msk $0xffff, v34  }
0x183: {  	v32 =	vld.idx.msk [tilespmem:v32+s2+$0x0], $0xffff  }
0x184: {  	v33 =	vld.idx.msk [tilespmem:v33+s2+$0x0], $0xffff;
	_ =	sdelay $0x4  }
0x185: {  	v32 =	vadd.f32 v33, v32;
	_ =	sdelay $0x1  }
0x186: {  	v33 =	vmul.f32 $2.000000030e-01, v32;
	_ =	sdelay $0x1  }
0x187: {  	v32 =	vmax.f32 v32, v33  }
0x188: {  	v32 =	vmul.f32 $1.442695020e+00, v32;
	_ =	sdelay $0x1  }
0x189: {  	(erf) = vpow2.f32 v32;
	_ =	sdelay $0x8  }
0x18a: {  	v32 =	vpop (erf)  }
0x18b: {  	s28 =	sadd.s32 s19, s5;
	[tilespmem:v31+s14+$0x0] =	vst.idx.msk $0xffff, v32  }
0x18c: {  	[hbm4b:s28+s2] =	stream.linear.scatter [tilespmem:s14], [sflag:$0x1], $0x80, $0x38;
	[tilespmem:$0x13B88] =	vst v63  }
0x18d: {  	_ =	swait.ge [sflag:s11], $0x80  }
0x18e: {  	[sflag:s11] =	ssyncset.done $0x0  }
0x18f: {  	s29 =	sadd.s32 s19, s8;
	[sflag:s11] =	ssyncadd.s32 $0xFFFFFF80  }
0x190: {  	[hbm4b:s29+s2] =	stream.linear.scatter [tilespmem:s15], [sflag:$0x1], $0x80, $0x38;
	[tilespmem:$0x13B88] =	vst v63  }
0x191: {  	_ =	swait.ge [sflag:s11], $0x80  }
0x192: {  	[sflag:s11] =	ssyncset.done $0x0  }
0x193: {  	s30 =	sadd.s32 s19, s9;
	[sflag:s11] =	ssyncadd.s32 $0xFFFFFF80  }
0x194: {  	[hbm4b:s30+s2] =	stream.linear.scatter [tilespmem:s16], [sflag:$0x1], $0x80, $0x38;
	[tilespmem:$0x13B88] =	vst v63  }
0x195: {  	_ =	swait.ge [sflag:s11], $0x80  }
0x196: {  	p0 =	sne.s32 s19, $0x500;
	[sflag:s11] =	ssyncset.done $0x0  }
.Ltmp0:
0x197: {  	s31 =	sadd.s32 s19, s10;
	[sflag:s11] =	ssyncadd.s32 $0xFFFFFF80;
	(pc) =	sbr.rel @p0 .LBB2_2-.Ltmp0, $4  }
0x198: {  	[hbm4b:s31+s2] =	stream.linear.scatter [tilespmem:s17], [sflag:$0x1], $0x80, $0x38;
	[tilespmem:$0x13B88] =	vst v63  }
0x199: {  	_ =	swait.ge [sflag:s11], $0x80  }
0x19a: {  	[sflag:s11] =	ssyncset.done $0x0  }
0x19b: {  	s19 =	sadd.s32 $0x10, s19;
	[sflag:s11] =	ssyncadd.s32 $0xFFFFFF80  }
0x19c: {  	s18 =	sadd.s32 $0x1, s18  }
0x19d: {  	p0 =	sne.s32 s18, s4  }
.Ltmp1:
0x19e: {  	_ = 	snop;
	(pc) =	sbr.rel @p0 .LBB2_1-.Ltmp1, $1  }
0x19f: {  	_ =	sdelay $0x3  }
0x1a0: {  	_ =	sfence.sel $0x180000  }
0x1a1: {  	[bflag:$0x0] =	sbarrier.arrive $0xFFFF  }
0x1a2: {  	p0 =	sne.s32 s1, $0x0;
	_ =	strace $0x90000047  }
0x1a3: {  	s0 =	sadd.s32 @!p0 $0x100000, s0;
	[bflag:$0x2] =	sbarrier.arrive $0xFFFF  }
0x1a4: {  	[sflag:s0] =	ssyncadd.tile.s32 @!p0 $0x1;
	_ =	shalt  }
.Lfunc_end2:
_tile_overlayer_lowered:
.L_overlay_start_2:
0x1a5: {  	(tag) =	ssettag $0x2  }
0x1a6: {  	s0 =	rddreg [dreg:$0x0];
	s2 =	stileid.u32  }
0x1a7: {  	s1 =	rddreg [dreg:$0x1];
	p0 =	sne.s32 s2, $0x0  }
0x1a8: {  	s3 =	rddreg [dreg:$0x2];
	[bflag:$0x3] =	sbarrier.arrive $0xFFFF;
	s2 =	simm.s32 @!p0 $0x1C01  }
0x1a9: {  	[timem:s3], [sflag:s2] =	dma.local @!p0 [hbm:s0], s1  }
0x1aa: {  	s0 =	simm.s32 @!p0 $0x1  }
0x1ab: {  	_ =	swait.ge @!p0 [sflag:s0], s1  }
0x1ac: {  	s1 =	ssub.s32 @!p0 $0x0, s1;
	[sflag:s0] =	ssyncset.done @!p0 $0x0  }
0x1ad: {  	[sflag:s0] =	ssyncadd.s32 @!p0 s1  }
0x1ae: {  	[bflag:$0x3] =	sbarrier.arrive $0xFFFF  }
0x1af: {  	_ =	shalt  }

</sc_bundles>
